<compile_context>
chip_gen: v7x
topology: tpu7x:2x2x1
jax: 0.10.2.dev20260603
libtpu: 0.0.44.dev20260713+nightly
codegen_flags: <defaults>
</compile_context>

<pallas_src>
import functools

import jax
import jax.numpy as jnp
from jax import lax
from jax.experimental import pallas as pl
from jax.experimental.pallas import tpu as pltpu
from jax.experimental.pallas import tpu_sc as plsc

N_NODES = 10000
N_EDGES = 320000
D_FEAT = 128

NC = 2
NS = 16
LANES = 16
NW = NC * NS
CHUNK = 128
GROUPS = CHUNK // LANES
QUAD = 2
SB = 16
NSUPER = 5
EPW = NSUPER * SB * CHUNK
E_PAD = NW * EPW
RPT = 624
RTAIL = N_NODES - NS * RPT


def _scale_chunk(gbuf, val_v, c):

    def group_body(g, carry):
        v16 = val_v[c, pl.ds(g * LANES, LANES)]
        for i in range(LANES):
            s = v16.at[jnp.full((LANES,), i, jnp.int32)].get(
                mode="promise_in_bounds")
            e = g * LANES + i
            for f in range(D_FEAT // LANES):
                sl = pl.ds(f * LANES, LANES)
                gbuf[e, sl] = gbuf[e, sl] * s
        return carry

    lax.fori_loop(0, GROUPS, group_body, 0)


def _sc_body(x_hbm, row_hbm, col_hbm, val_hbm, out_hbm,
             row_v, col_v, val_v, gb0, gb1, acc_sh,
             gsem0, gsem1, ssem0, ssem1):
    gbufs = (gb0, gb1)
    gsems = (gsem0, gsem1)
    ssems = (ssem0, ssem1)
    cid = lax.axis_index("c")
    sid = lax.axis_index("s")
    wid = sid * NC + cid

    def zfill(r, carry):
        for f in range(D_FEAT // LANES):
            gb0[r, pl.ds(f * LANES, LANES)] = jnp.zeros((LANES,), jnp.float32)
        return carry

    lax.fori_loop(0, CHUNK, zfill, 0)
    ZROWS = 78
    for z in range(8):
        pltpu.sync_copy(gb0.at[pl.ds(0, ZROWS)],
                        acc_sh.at[pl.ds(sid * RPT + z * ZROWS, ZROWS)])

    @pl.when(sid == 0)
    def _():
        pltpu.sync_copy(gb0.at[pl.ds(0, RTAIL)],
                        acc_sh.at[pl.ds(NS * RPT, RTAIL)])

    plsc.subcore_barrier()

    def super_body(s_i, carry0):
        pltpu.sync_copy(row_hbm.at[wid, s_i], row_v)
        pltpu.sync_copy(col_hbm.at[wid, s_i], col_v)
        pltpu.sync_copy(val_hbm.at[wid, s_i], val_v)

        def quad_body(p, carry):
            gathers = []
            for b in range(QUAD):
                c = p * QUAD + b
                h = CHUNK // 2
                gathers.append((
                    pltpu.async_copy(x_hbm.at[col_v.at[c, pl.ds(0, h)]],
                                     gbufs[b].at[pl.ds(0, h)], gsems[b]),
                    pltpu.async_copy(x_hbm.at[col_v.at[c, pl.ds(h, h)]],
                                     gbufs[b].at[pl.ds(h, h)], gsems[b])))
            scatters = []
            for b in range(QUAD):
                c = p * QUAD + b
                gathers[b][0].wait()
                gathers[b][1].wait()
                _scale_chunk(gbufs[b], val_v, c)
                scatters.append(pltpu.async_copy(
                    gbufs[b], acc_sh.at[row_v.at[c]], ssems[b], add=True))
            for b in range(QUAD):
                scatters[b].wait()
            return carry

        lax.fori_loop(0, SB // QUAD, quad_body, 0)
        return carry0

    lax.fori_loop(0, NSUPER, super_body, 0)
    plsc.subcore_barrier()

    pltpu.sync_copy(acc_sh.at[pl.ds(sid * RPT, RPT)],
                    out_hbm.at[cid, pl.ds(sid * RPT, RPT)])

    @pl.when(sid == 0)
    def _():
        pltpu.sync_copy(acc_sh.at[pl.ds(NS * RPT, RTAIL)],
                        out_hbm.at[cid, pl.ds(NS * RPT, RTAIL)])


def _combine_body(p_ref, o_ref):
    o_ref[...] = p_ref[0] + p_ref[1]


@jax.jit
def kernel(x, adj_indices, adj_values):
    idx = adj_indices.astype(jnp.int32)
    pad = E_PAD - N_EDGES
    spread = (jnp.arange(pad, dtype=jnp.int32) * 13) % N_NODES
    row = jnp.concatenate([idx[0], spread])
    col = jnp.concatenate([idx[1], spread])
    val = jnp.concatenate([adj_values, jnp.zeros((pad,), jnp.float32)])
    row4 = row.reshape(NW, NSUPER, SB, CHUNK)
    col4 = col.reshape(NW, NSUPER, SB, CHUNK)
    val4 = val.reshape(NW, NSUPER, SB, CHUNK)

    mesh = plsc.VectorSubcoreMesh(core_axis_name="c", subcore_axis_name="s",
                                  num_cores=NC, num_subcores=NS)
    partials = pl.kernel(
        _sc_body,
        out_type=jax.ShapeDtypeStruct((NC, N_NODES, D_FEAT), jnp.float32),
        mesh=mesh,
        scratch_types=[
            pltpu.VMEM((SB, CHUNK), jnp.int32),
            pltpu.VMEM((SB, CHUNK), jnp.int32),
            pltpu.VMEM((SB, CHUNK), jnp.float32),
            pltpu.VMEM((CHUNK, D_FEAT), jnp.float32),
            pltpu.VMEM((CHUNK, D_FEAT), jnp.float32),
            pltpu.VMEM_SHARED((N_NODES, D_FEAT), jnp.float32),
            pltpu.SemaphoreType.DMA,
            pltpu.SemaphoreType.DMA,
            pltpu.SemaphoreType.DMA,
            pltpu.SemaphoreType.DMA,
        ],
    )(x, row4, col4, val4)

    blk = 2000
    return pl.pallas_call(
        _combine_body,
        out_shape=jax.ShapeDtypeStruct((N_NODES, D_FEAT), jnp.float32),
        grid=(N_NODES // blk,),
        in_specs=[pl.BlockSpec((NC, blk, D_FEAT), lambda i: (0, i, 0))],
        out_specs=pl.BlockSpec((blk, D_FEAT), lambda i: (i, 0)),
    )(partials)

# --- scband reference (transcript-rebuilt; emitter-appended) ---
"""Pipeline reference for scband-sgc-58591943852446 (READ-ONLY COPY).

The authoritative reference and input builder live on the scoring server;
editing this copy changes nothing except your own understanding.
"""

import jax, jax.numpy as jnp
import numpy as np

N_NODES = 10000
N_EDGES = 320000
D_FEAT = 128

def setup_inputs(seed: int = 0) -> dict:
    key = jax.random.key(seed)
    k1, k2, k3 = jax.random.split(key, 3)
    x = jax.random.normal(k1, (N_NODES, D_FEAT), dtype=jnp.float32)
    adj_indices = jax.random.randint(k2, (2, N_EDGES), 0, N_NODES, dtype=jnp.int64)
    adj_values = jax.random.uniform(k3, (N_EDGES,), dtype=jnp.float32)
    return {"x": x, "adj_indices": adj_indices, "adj_values": adj_values}

def reference(x, adj_indices, adj_values):
    # torch.spmm(adj_k, x) where adj_k is sparse [N, N] in COO form.
    # out[row] += adj_values * x[col]  (scatter-add over destination rows)
    row = adj_indices[0]
    col = adj_indices[1]
    gathered = jnp.take(x, col, axis=0) * adj_values[:, None]
    out = jnp.zeros((x.shape[0], x.shape[1]), dtype=x.dtype).at[row].add(gathered)
    # nn.Dropout with p=0.0 (and eval-mode semantics) is the identity.
    return out

if __name__ == "__main__":
    import jax
    _d = setup_inputs()
    print(jax.jit(kernel)(*tuple(_d.values())))

</pallas_src>

<mosaic_0001>
#map = affine_map<(d0, d1) -> (0, 0)>
#map1 = affine_map<(d0, d1) -> (0, 0, 0, 0)>
#map2 = affine_map<(d0, d1) -> (0, 0, 0)>
module attributes {stable_mosaic.version = 14 : i64} {
  func.func @_sc_body(%arg0: i32, %arg1: i32, %arg2: memref<10000x128xf32, #tpu.memory_space<hbm>>, %arg3: memref<32x5x16x128xi32, #tpu.memory_space<hbm>>, %arg4: memref<32x5x16x128xi32, #tpu.memory_space<hbm>>, %arg5: memref<32x5x16x128xf32, #tpu.memory_space<hbm>>, %arg6: memref<2x10000x128xf32, #tpu.memory_space<hbm>>, %arg7: memref<16x128xi32, #tpu.memory_space<vmem>>, %arg8: memref<16x128xi32, #tpu.memory_space<vmem>>, %arg9: memref<16x128xf32, #tpu.memory_space<vmem>>, %arg10: memref<128x128xf32, #tpu.memory_space<vmem>>, %arg11: memref<128x128xf32, #tpu.memory_space<vmem>>, %arg12: memref<10000x128xf32, #tpu.memory_space<vmem_shared>>, %arg13: memref<!tpu.dma_semaphore, #tpu.memory_space<semaphore_mem>>, %arg14: memref<!tpu.dma_semaphore, #tpu.memory_space<semaphore_mem>>, %arg15: memref<!tpu.dma_semaphore, #tpu.memory_space<semaphore_mem>>, %arg16: memref<!tpu.dma_semaphore, #tpu.memory_space<semaphore_mem>>) attributes {dimension_semantics = [#tpu.dimension_semantics<core_parallel>, #tpu.dimension_semantics<subcore_parallel>], iteration_bounds = array<i64: 2, 16>, scalar_prefetch = 0 : i64, scratch_operands = 10 : i64, tpu.core_type = #tpu.core_type<sc_vector_subcore>, window_params = [{transform_indices = #map}, {transform_indices = #map1}, {transform_indices = #map1}, {transform_indices = #map1}, {transform_indices = #map2}]} {
    %mul3A = arith.constant 2 : i32
    %mul3A_0 = arith.muli %arg1, %mul3A : i32
    %add3A = arith.addi %mul3A_0, %arg0 : i32
    %scan3A = arith.constant 0 : i32
    %scan3A_1 = arith.constant 0 : i32
    %scan3A_2 = arith.constant 128 : i32
    %scan3A_3 = arith.addi %scan3A_1, %scan3A_2 : i32
    %scan3A_4 = arith.constant 1 : i32
    scf.for %scan3A_56 = %scan3A_1 to %scan3A_3 step %scan3A_4  : i32 {
      %broadcast_in_dim3A = arith.constant 0.000000e+00 : f32
      %broadcast_in_dim3A_57 = vector.broadcast %broadcast_in_dim3A : f32 to vector<16xf32>
      %swap3A = arith.index_cast %scan3A_56 : i32 to index
      %swap3A_58 = arith.constant 0 : index
      %swap3A_59 = tpu.vector_load %arg10[%swap3A, %swap3A_58] {strides = array<i32>} : memref<128x128xf32, #tpu.memory_space<vmem>>, vector<1x16xf32>,
      %swap3A_60 = vector.shape_cast %swap3A_59 : vector<1x16xf32> to vector<16xf32>
      %swap3A_61 = vector.shape_cast %broadcast_in_dim3A_57 : vector<16xf32> to vector<1x16xf32>
      tpu.vector_store %arg10[%swap3A, %swap3A_58], %swap3A_61 {strides = array<i32>} : memref<128x128xf32, #tpu.memory_space<vmem>>, vector<1x16xf32>,
      %broadcast_in_dim3A_62 = arith.constant 0.000000e+00 : f32
      %broadcast_in_dim3A_63 = vector.broadcast %broadcast_in_dim3A_62 : f32 to vector<16xf32>
      %swap3A_64 = arith.index_cast %scan3A_56 : i32 to index
      %swap3A_65 = arith.constant 16 : index
      %swap3A_66 = tpu.vector_load %arg10[%swap3A_64, %swap3A_65] {strides = array<i32>} : memref<128x128xf32, #tpu.memory_space<vmem>>, vector<1x16xf32>,
      %swap3A_67 = vector.shape_cast %swap3A_66 : vector<1x16xf32> to vector<16xf32>
      %swap3A_68 = vector.shape_cast %broadcast_in_dim3A_63 : vector<16xf32> to vector<1x16xf32>
      tpu.vector_store %arg10[%swap3A_64, %swap3A_65], %swap3A_68 {strides = array<i32>} : memref<128x128xf32, #tpu.memory_space<vmem>>, vector<1x16xf32>,
      %broadcast_in_dim3A_69 = arith.constant 0.000000e+00 : f32
      %broadcast_in_dim3A_70 = vector.broadcast %broadcast_in_dim3A_69 : f32 to vector<16xf32>
      %swap3A_71 = arith.index_cast %scan3A_56 : i32 to index
      %swap3A_72 = arith.constant 32 : index
      %swap3A_73 = tpu.vector_load %arg10[%swap3A_71, %swap3A_72] {strides = array<i32>} : memref<128x128xf32, #tpu.memory_space<vmem>>, vector<1x16xf32>,
      %swap3A_74 = vector.shape_cast %swap3A_73 : vector<1x16xf32> to vector<16xf32>
      %swap3A_75 = vector.shape_cast %broadcast_in_dim3A_70 : vector<16xf32> to vector<1x16xf32>
      tpu.vector_store %arg10[%swap3A_71, %swap3A_72], %swap3A_75 {strides = array<i32>} : memref<128x128xf32, #tpu.memory_space<vmem>>, vector<1x16xf32>,
      %broadcast_in_dim3A_76 = arith.constant 0.000000e+00 : f32
      %broadcast_in_dim3A_77 = vector.broadcast %broadcast_in_dim3A_76 : f32 to vector<16xf32>
      %swap3A_78 = arith.index_cast %scan3A_56 : i32 to index
      %swap3A_79 = arith.constant 48 : index
      %swap3A_80 = tpu.vector_load %arg10[%swap3A_78, %swap3A_79] {strides = array<i32>} : memref<128x128xf32, #tpu.memory_space<vmem>>, vector<1x16xf32>,
      %swap3A_81 = vector.shape_cast %swap3A_80 : vector<1x16xf32> to vector<16xf32>
      %swap3A_82 = vector.shape_cast %broadcast_in_dim3A_77 : vector<16xf32> to vector<1x16xf32>
      tpu.vector_store %arg10[%swap3A_78, %swap3A_79], %swap3A_82 {strides = array<i32>} : memref<128x128xf32, #tpu.memory_space<vmem>>, vector<1x16xf32>,
      %broadcast_in_dim3A_83 = arith.constant 0.000000e+00 : f32
      %broadcast_in_dim3A_84 = vector.broadcast %broadcast_in_dim3A_83 : f32 to vector<16xf32>
      %swap3A_85 = arith.index_cast %scan3A_56 : i32 to index
      %swap3A_86 = arith.constant 64 : index
      %swap3A_87 = tpu.vector_load %arg10[%swap3A_85, %swap3A_86] {strides = array<i32>} : memref<128x128xf32, #tpu.memory_space<vmem>>, vector<1x16xf32>,
      %swap3A_88 = vector.shape_cast %swap3A_87 : vector<1x16xf32> to vector<16xf32>
      %swap3A_89 = vector.shape_cast %broadcast_in_dim3A_84 : vector<16xf32> to vector<1x16xf32>
      tpu.vector_store %arg10[%swap3A_85, %swap3A_86], %swap3A_89 {strides = array<i32>} : memref<128x128xf32, #tpu.memory_space<vmem>>, vector<1x16xf32>,
      %broadcast_in_dim3A_90 = arith.constant 0.000000e+00 : f32
      %broadcast_in_dim3A_91 = vector.broadcast %broadcast_in_dim3A_90 : f32 to vector<16xf32>
      %swap3A_92 = arith.index_cast %scan3A_56 : i32 to index
      %swap3A_93 = arith.constant 80 : index
      %swap3A_94 = tpu.vector_load %arg10[%swap3A_92, %swap3A_93] {strides = array<i32>} : memref<128x128xf32, #tpu.memory_space<vmem>>, vector<1x16xf32>,
      %swap3A_95 = vector.shape_cast %swap3A_94 : vector<1x16xf32> to vector<16xf32>
      %swap3A_96 = vector.shape_cast %broadcast_in_dim3A_91 : vector<16xf32> to vector<1x16xf32>
      tpu.vector_store %arg10[%swap3A_92, %swap3A_93], %swap3A_96 {strides = array<i32>} : memref<128x128xf32, #tpu.memory_space<vmem>>, vector<1x16xf32>,
      %broadcast_in_dim3A_97 = arith.constant 0.000000e+00 : f32
      %broadcast_in_dim3A_98 = vector.broadcast %broadcast_in_dim3A_97 : f32 to vector<16xf32>
      %swap3A_99 = arith.index_cast %scan3A_56 : i32 to index
      %swap3A_100 = arith.constant 96 : index
      %swap3A_101 = tpu.vector_load %arg10[%swap3A_99, %swap3A_100] {strides = array<i32>} : memref<128x128xf32, #tpu.memory_space<vmem>>, vector<1x16xf32>,
      %swap3A_102 = vector.shape_cast %swap3A_101 : vector<1x16xf32> to vector<16xf32>
      %swap3A_103 = vector.shape_cast %broadcast_in_dim3A_98 : vector<16xf32> to vector<1x16xf32>
      tpu.vector_store %arg10[%swap3A_99, %swap3A_100], %swap3A_103 {strides = array<i32>} : memref<128x128xf32, #tpu.memory_space<vmem>>, vector<1x16xf32>,
      %broadcast_in_dim3A_104 = arith.constant 0.000000e+00 : f32
      %broadcast_in_dim3A_105 = vector.broadcast %broadcast_in_dim3A_104 : f32 to vector<16xf32>
      %swap3A_106 = arith.index_cast %scan3A_56 : i32 to index
      %swap3A_107 = arith.constant 112 : index
      %swap3A_108 = tpu.vector_load %arg10[%swap3A_106, %swap3A_107] {strides = array<i32>} : memref<128x128xf32, #tpu.memory_space<vmem>>, vector<1x16xf32>,
      %swap3A_109 = vector.shape_cast %swap3A_108 : vector<1x16xf32> to vector<16xf32>
      %swap3A_110 = vector.shape_cast %broadcast_in_dim3A_105 : vector<16xf32> to vector<1x16xf32>
      tpu.vector_store %arg10[%swap3A_106, %swap3A_107], %swap3A_110 {strides = array<i32>} : memref<128x128xf32, #tpu.memory_space<vmem>>, vector<1x16xf32>,
    }
    %scan3A_5 = arith.constant 128 : i32
    %mul3A_6 = arith.constant 624 : i32
    %mul3A_7 = arith.muli %arg1, %mul3A_6 : i32
    %add3A_8 = arith.constant 0 : i32
    %add3A_9 = arith.addi %mul3A_7, %add3A_8 : i32
    "tpu.region"() ({
      %run_scoped3A = tpu.sem_alloc : memref<!tpu.dma_semaphore, #tpu.memory_space<semaphore_mem>>
      %dma_start3A = arith.constant 0 : i32
      %dma_start3A_56 = arith.constant 0 : i32
      %dma_start3A_57 = tpu.memref_slice %arg10[%dma_start3A, %dma_start3A_56] : memref<128x128xf32, #tpu.memory_space<vmem>> -> memref<78x128xf32, #tpu.memory_space<vmem>>
      %dma_start3A_58 = arith.constant 0 : i32
      %dma_start3A_59 = tpu.memref_slice %arg12[%add3A_9, %dma_start3A_58] : memref<10000x128xf32, #tpu.memory_space<vmem_shared>> -> memref<78x128xf32, #tpu.memory_space<vmem_shared>>
      %dma_start3A_60 = arith.constant 0 : i32
      %dma_start3A_61 = tpu.memref_slice %arg12[%add3A_9, %dma_start3A_60] : memref<10000x128xf32, #tpu.memory_space<vmem_shared>> -> memref<78x128xf32, #tpu.memory_space<vmem_shared>>
      %dma_start3A_62 = arith.constant 0 : i32
      %dma_start3A_63 = arith.constant 0 : i32
      %dma_start3A_64 = tpu.memref_slice %arg10[%dma_start3A_62, %dma_start3A_63] : memref<128x128xf32, #tpu.memory_space<vmem>> -> memref<78x128xf32, #tpu.memory_space<vmem>>
      tpu.enqueue_dma source(%dma_start3A_64 : memref<78x128xf32, #tpu.memory_space<vmem>>) target(%dma_start3A_61 : memref<78x128xf32, #tpu.memory_space<vmem_shared>>) target_semaphore(%run_scoped3A : memref<!tpu.dma_semaphore, #tpu.memory_space<semaphore_mem>>)
      %dma_wait3A = arith.constant 0 : i32
      %dma_wait3A_65 = arith.constant 0 : i32
      %dma_wait3A_66 = tpu.memref_slice %arg10[%dma_wait3A, %dma_wait3A_65] : memref<128x128xf32, #tpu.memory_space<vmem>> -> memref<78x128xf32, #tpu.memory_space<vmem>>
      %dma_wait3A_67 = arith.constant 0 : i32
      %dma_wait3A_68 = tpu.memref_slice %arg12[%add3A_9, %dma_wait3A_67] : memref<10000x128xf32, #tpu.memory_space<vmem_shared>> -> memref<78x128xf32, #tpu.memory_space<vmem_shared>>
      %dma_wait3A_69 = arith.constant 0 : i32
      %dma_wait3A_70 = tpu.memref_slice %arg12[%add3A_9, %dma_wait3A_69] : memref<10000x128xf32, #tpu.memory_space<vmem_shared>> -> memref<78x128xf32, #tpu.memory_space<vmem_shared>>
      %dma_wait3A_71 = arith.constant 0 : i32
      %dma_wait3A_72 = arith.constant 0 : i32
      %dma_wait3A_73 = tpu.memref_slice %arg10[%dma_wait3A_71, %dma_wait3A_72] : memref<128x128xf32, #tpu.memory_space<vmem>> -> memref<78x128xf32, #tpu.memory_space<vmem>>
      tpu.wait_dma2 semaphore(%run_scoped3A : memref<!tpu.dma_semaphore, #tpu.memory_space<semaphore_mem>>) src(%dma_wait3A_73 : memref<78x128xf32, #tpu.memory_space<vmem>>) dst(%dma_wait3A_70 : memref<78x128xf32, #tpu.memory_space<vmem_shared>>)
      tpu.yield
    }) : () -> ()
    %mul3A_10 = arith.constant 624 : i32
    %mul3A_11 = arith.muli %arg1, %mul3A_10 : i32
    %add3A_12 = arith.constant 78 : i32
    %add3A_13 = arith.addi %mul3A_11, %add3A_12 : i32
    "tpu.region"() ({
      %run_scoped3A = tpu.sem_alloc : memref<!tpu.dma_semaphore, #tpu.memory_space<semaphore_mem>>
      %dma_start3A = arith.constant 0 : i32
      %dma_start3A_56 = arith.constant 0 : i32
      %dma_start3A_57 = tpu.memref_slice %arg10[%dma_start3A, %dma_start3A_56] : memref<128x128xf32, #tpu.memory_space<vmem>> -> memref<78x128xf32, #tpu.memory_space<vmem>>
      %dma_start3A_58 = arith.constant 0 : i32
      %dma_start3A_59 = tpu.memref_slice %arg12[%add3A_13, %dma_start3A_58] : memref<10000x128xf32, #tpu.memory_space<vmem_shared>> -> memref<78x128xf32, #tpu.memory_space<vmem_shared>>
      %dma_start3A_60 = arith.constant 0 : i32
      %dma_start3A_61 = tpu.memref_slice %arg12[%add3A_13, %dma_start3A_60] : memref<10000x128xf32, #tpu.memory_space<vmem_shared>> -> memref<78x128xf32, #tpu.memory_space<vmem_shared>>
      %dma_start3A_62 = arith.constant 0 : i32
      %dma_start3A_63 = arith.constant 0 : i32
      %dma_start3A_64 = tpu.memref_slice %arg10[%dma_start3A_62, %dma_start3A_63] : memref<128x128xf32, #tpu.memory_space<vmem>> -> memref<78x128xf32, #tpu.memory_space<vmem>>
      tpu.enqueue_dma source(%dma_start3A_64 : memref<78x128xf32, #tpu.memory_space<vmem>>) target(%dma_start3A_61 : memref<78x128xf32, #tpu.memory_space<vmem_shared>>) target_semaphore(%run_scoped3A : memref<!tpu.dma_semaphore, #tpu.memory_space<semaphore_mem>>)
      %dma_wait3A = arith.constant 0 : i32
      %dma_wait3A_65 = arith.constant 0 : i32
      %dma_wait3A_66 = tpu.memref_slice %arg10[%dma_wait3A, %dma_wait3A_65] : memref<128x128xf32, #tpu.memory_space<vmem>> -> memref<78x128xf32, #tpu.memory_space<vmem>>
      %dma_wait3A_67 = arith.constant 0 : i32
      %dma_wait3A_68 = tpu.memref_slice %arg12[%add3A_13, %dma_wait3A_67] : memref<10000x128xf32, #tpu.memory_space<vmem_shared>> -> memref<78x128xf32, #tpu.memory_space<vmem_shared>>
      %dma_wait3A_69 = arith.constant 0 : i32
      %dma_wait3A_70 = tpu.memref_slice %arg12[%add3A_13, %dma_wait3A_69] : memref<10000x128xf32, #tpu.memory_space<vmem_shared>> -> memref<78x128xf32, #tpu.memory_space<vmem_shared>>
      %dma_wait3A_71 = arith.constant 0 : i32
      %dma_wait3A_72 = arith.constant 0 : i32
      %dma_wait3A_73 = tpu.memref_slice %arg10[%dma_wait3A_71, %dma_wait3A_72] : memref<128x128xf32, #tpu.memory_space<vmem>> -> memref<78x128xf32, #tpu.memory_space<vmem>>
      tpu.wait_dma2 semaphore(%run_scoped3A : memref<!tpu.dma_semaphore, #tpu.memory_space<semaphore_mem>>) src(%dma_wait3A_73 : memref<78x128xf32, #tpu.memory_space<vmem>>) dst(%dma_wait3A_70 : memref<78x128xf32, #tpu.memory_space<vmem_shared>>)
      tpu.yield
    }) : () -> ()
    %mul3A_14 = arith.constant 624 : i32
    %mul3A_15 = arith.muli %arg1, %mul3A_14 : i32
    %add3A_16 = arith.constant 156 : i32
    %add3A_17 = arith.addi %mul3A_15, %add3A_16 : i32
    "tpu.region"() ({
      %run_scoped3A = tpu.sem_alloc : memref<!tpu.dma_semaphore, #tpu.memory_space<semaphore_mem>>
      %dma_start3A = arith.constant 0 : i32
      %dma_start3A_56 = arith.constant 0 : i32
      %dma_start3A_57 = tpu.memref_slice %arg10[%dma_start3A, %dma_start3A_56] : memref<128x128xf32, #tpu.memory_space<vmem>> -> memref<78x128xf32, #tpu.memory_space<vmem>>
      %dma_start3A_58 = arith.constant 0 : i32
      %dma_start3A_59 = tpu.memref_slice %arg12[%add3A_17, %dma_start3A_58] : memref<10000x128xf32, #tpu.memory_space<vmem_shared>> -> memref<78x128xf32, #tpu.memory_space<vmem_shared>>
      %dma_start3A_60 = arith.constant 0 : i32
      %dma_start3A_61 = tpu.memref_slice %arg12[%add3A_17, %dma_start3A_60] : memref<10000x128xf32, #tpu.memory_space<vmem_shared>> -> memref<78x128xf32, #tpu.memory_space<vmem_shared>>
      %dma_start3A_62 = arith.constant 0 : i32
      %dma_start3A_63 = arith.constant 0 : i32
      %dma_start3A_64 = tpu.memref_slice %arg10[%dma_start3A_62, %dma_start3A_63] : memref<128x128xf32, #tpu.memory_space<vmem>> -> memref<78x128xf32, #tpu.memory_space<vmem>>
      tpu.enqueue_dma source(%dma_start3A_64 : memref<78x128xf32, #tpu.memory_space<vmem>>) target(%dma_start3A_61 : memref<78x128xf32, #tpu.memory_space<vmem_shared>>) target_semaphore(%run_scoped3A : memref<!tpu.dma_semaphore, #tpu.memory_space<semaphore_mem>>)
      %dma_wait3A = arith.constant 0 : i32
      %dma_wait3A_65 = arith.constant 0 : i32
      %dma_wait3A_66 = tpu.memref_slice %arg10[%dma_wait3A, %dma_wait3A_65] : memref<128x128xf32, #tpu.memory_space<vmem>> -> memref<78x128xf32, #tpu.memory_space<vmem>>
      %dma_wait3A_67 = arith.constant 0 : i32
      %dma_wait3A_68 = tpu.memref_slice %arg12[%add3A_17, %dma_wait3A_67] : memref<10000x128xf32, #tpu.memory_space<vmem_shared>> -> memref<78x128xf32, #tpu.memory_space<vmem_shared>>
      %dma_wait3A_69 = arith.constant 0 : i32
      %dma_wait3A_70 = tpu.memref_slice %arg12[%add3A_17, %dma_wait3A_69] : memref<10000x128xf32, #tpu.memory_space<vmem_shared>> -> memref<78x128xf32, #tpu.memory_space<vmem_shared>>
      %dma_wait3A_71 = arith.constant 0 : i32
      %dma_wait3A_72 = arith.constant 0 : i32
      %dma_wait3A_73 = tpu.memref_slice %arg10[%dma_wait3A_71, %dma_wait3A_72] : memref<128x128xf32, #tpu.memory_space<vmem>> -> memref<78x128xf32, #tpu.memory_space<vmem>>
      tpu.wait_dma2 semaphore(%run_scoped3A : memref<!tpu.dma_semaphore, #tpu.memory_space<semaphore_mem>>) src(%dma_wait3A_73 : memref<78x128xf32, #tpu.memory_space<vmem>>) dst(%dma_wait3A_70 : memref<78x128xf32, #tpu.memory_space<vmem_shared>>)
      tpu.yield
    }) : () -> ()
    %mul3A_18 = arith.constant 624 : i32
    %mul3A_19 = arith.muli %arg1, %mul3A_18 : i32
    %add3A_20 = arith.constant 234 : i32
    %add3A_21 = arith.addi %mul3A_19, %add3A_20 : i32
    "tpu.region"() ({
      %run_scoped3A = tpu.sem_alloc : memref<!tpu.dma_semaphore, #tpu.memory_space<semaphore_mem>>
      %dma_start3A = arith.constant 0 : i32
      %dma_start3A_56 = arith.constant 0 : i32
      %dma_start3A_57 = tpu.memref_slice %arg10[%dma_start3A, %dma_start3A_56] : memref<128x128xf32, #tpu.memory_space<vmem>> -> memref<78x128xf32, #tpu.memory_space<vmem>>
      %dma_start3A_58 = arith.constant 0 : i32
      %dma_start3A_59 = tpu.memref_slice %arg12[%add3A_21, %dma_start3A_58] : memref<10000x128xf32, #tpu.memory_space<vmem_shared>> -> memref<78x128xf32, #tpu.memory_space<vmem_shared>>
      %dma_start3A_60 = arith.constant 0 : i32
      %dma_start3A_61 = tpu.memref_slice %arg12[%add3A_21, %dma_start3A_60] : memref<10000x128xf32, #tpu.memory_space<vmem_shared>> -> memref<78x128xf32, #tpu.memory_space<vmem_shared>>
      %dma_start3A_62 = arith.constant 0 : i32
      %dma_start3A_63 = arith.constant 0 : i32
      %dma_start3A_64 = tpu.memref_slice %arg10[%dma_start3A_62, %dma_start3A_63] : memref<128x128xf32, #tpu.memory_space<vmem>> -> memref<78x128xf32, #tpu.memory_space<vmem>>
      tpu.enqueue_dma source(%dma_start3A_64 : memref<78x128xf32, #tpu.memory_space<vmem>>) target(%dma_start3A_61 : memref<78x128xf32, #tpu.memory_space<vmem_shared>>) target_semaphore(%run_scoped3A : memref<!tpu.dma_semaphore, #tpu.memory_space<semaphore_mem>>)
      %dma_wait3A = arith.constant 0 : i32
      %dma_wait3A_65 = arith.constant 0 : i32
      %dma_wait3A_66 = tpu.memref_slice %arg10[%dma_wait3A, %dma_wait3A_65] : memref<128x128xf32, #tpu.memory_space<vmem>> -> memref<78x128xf32, #tpu.memory_space<vmem>>
      %dma_wait3A_67 = arith.constant 0 : i32
      %dma_wait3A_68 = tpu.memref_slice %arg12[%add3A_21, %dma_wait3A_67] : memref<10000x128xf32, #tpu.memory_space<vmem_shared>> -> memref<78x128xf32, #tpu.memory_space<vmem_shared>>
      %dma_wait3A_69 = arith.constant 0 : i32
      %dma_wait3A_70 = tpu.memref_slice %arg12[%add3A_21, %dma_wait3A_69] : memref<10000x128xf32, #tpu.memory_space<vmem_shared>> -> memref<78x128xf32, #tpu.memory_space<vmem_shared>>
      %dma_wait3A_71 = arith.constant 0 : i32
      %dma_wait3A_72 = arith.constant 0 : i32
      %dma_wait3A_73 = tpu.memref_slice %arg10[%dma_wait3A_71, %dma_wait3A_72] : memref<128x128xf32, #tpu.memory_space<vmem>> -> memref<78x128xf32, #tpu.memory_space<vmem>>
      tpu.wait_dma2 semaphore(%run_scoped3A : memref<!tpu.dma_semaphore, #tpu.memory_space<semaphore_mem>>) src(%dma_wait3A_73 : memref<78x128xf32, #tpu.memory_space<vmem>>) dst(%dma_wait3A_70 : memref<78x128xf32, #tpu.memory_space<vmem_shared>>)
      tpu.yield
    }) : () -> ()
    %mul3A_22 = arith.constant 624 : i32
    %mul3A_23 = arith.muli %arg1, %mul3A_22 : i32
    %add3A_24 = arith.constant 312 : i32
    %add3A_25 = arith.addi %mul3A_23, %add3A_24 : i32
    "tpu.region"() ({
      %run_scoped3A = tpu.sem_alloc : memref<!tpu.dma_semaphore, #tpu.memory_space<semaphore_mem>>
      %dma_start3A = arith.constant 0 : i32
      %dma_start3A_56 = arith.constant 0 : i32
      %dma_start3A_57 = tpu.memref_slice %arg10[%dma_start3A, %dma_start3A_56] : memref<128x128xf32, #tpu.memory_space<vmem>> -> memref<78x128xf32, #tpu.memory_space<vmem>>
      %dma_start3A_58 = arith.constant 0 : i32
      %dma_start3A_59 = tpu.memref_slice %arg12[%add3A_25, %dma_start3A_58] : memref<10000x128xf32, #tpu.memory_space<vmem_shared>> -> memref<78x128xf32, #tpu.memory_space<vmem_shared>>
      %dma_start3A_60 = arith.constant 0 : i32
      %dma_start3A_61 = tpu.memref_slice %arg12[%add3A_25, %dma_start3A_60] : memref<10000x128xf32, #tpu.memory_space<vmem_shared>> -> memref<78x128xf32, #tpu.memory_space<vmem_shared>>
      %dma_start3A_62 = arith.constant 0 : i32
      %dma_start3A_63 = arith.constant 0 : i32
      %dma_start3A_64 = tpu.memref_slice %arg10[%dma_start3A_62, %dma_start3A_63] : memref<128x128xf32, #tpu.memory_space<vmem>> -> memref<78x128xf32, #tpu.memory_space<vmem>>
      tpu.enqueue_dma source(%dma_start3A_64 : memref<78x128xf32, #tpu.memory_space<vmem>>) target(%dma_start3A_61 : memref<78x128xf32, #tpu.memory_space<vmem_shared>>) target_semaphore(%run_scoped3A : memref<!tpu.dma_semaphore, #tpu.memory_space<semaphore_mem>>)
      %dma_wait3A = arith.constant 0 : i32
      %dma_wait3A_65 = arith.constant 0 : i32
      %dma_wait3A_66 = tpu.memref_slice %arg10[%dma_wait3A, %dma_wait3A_65] : memref<128x128xf32, #tpu.memory_space<vmem>> -> memref<78x128xf32, #tpu.memory_space<vmem>>
      %dma_wait3A_67 = arith.constant 0 : i32
      %dma_wait3A_68 = tpu.memref_slice %arg12[%add3A_25, %dma_wait3A_67] : memref<10000x128xf32, #tpu.memory_space<vmem_shared>> -> memref<78x128xf32, #tpu.memory_space<vmem_shared>>
      %dma_wait3A_69 = arith.constant 0 : i32
      %dma_wait3A_70 = tpu.memref_slice %arg12[%add3A_25, %dma_wait3A_69] : memref<10000x128xf32, #tpu.memory_space<vmem_shared>> -> memref<78x128xf32, #tpu.memory_space<vmem_shared>>
      %dma_wait3A_71 = arith.constant 0 : i32
      %dma_wait3A_72 = arith.constant 0 : i32
      %dma_wait3A_73 = tpu.memref_slice %arg10[%dma_wait3A_71, %dma_wait3A_72] : memref<128x128xf32, #tpu.memory_space<vmem>> -> memref<78x128xf32, #tpu.memory_space<vmem>>
      tpu.wait_dma2 semaphore(%run_scoped3A : memref<!tpu.dma_semaphore, #tpu.memory_space<semaphore_mem>>) src(%dma_wait3A_73 : memref<78x128xf32, #tpu.memory_space<vmem>>) dst(%dma_wait3A_70 : memref<78x128xf32, #tpu.memory_space<vmem_shared>>)
      tpu.yield
    }) : () -> ()
    %mul3A_26 = arith.constant 624 : i32
    %mul3A_27 = arith.muli %arg1, %mul3A_26 : i32
    %add3A_28 = arith.constant 390 : i32
    %add3A_29 = arith.addi %mul3A_27, %add3A_28 : i32
    "tpu.region"() ({
      %run_scoped3A = tpu.sem_alloc : memref<!tpu.dma_semaphore, #tpu.memory_space<semaphore_mem>>
      %dma_start3A = arith.constant 0 : i32
      %dma_start3A_56 = arith.constant 0 : i32
      %dma_start3A_57 = tpu.memref_slice %arg10[%dma_start3A, %dma_start3A_56] : memref<128x128xf32, #tpu.memory_space<vmem>> -> memref<78x128xf32, #tpu.memory_space<vmem>>
      %dma_start3A_58 = arith.constant 0 : i32
      %dma_start3A_59 = tpu.memref_slice %arg12[%add3A_29, %dma_start3A_58] : memref<10000x128xf32, #tpu.memory_space<vmem_shared>> -> memref<78x128xf32, #tpu.memory_space<vmem_shared>>
      %dma_start3A_60 = arith.constant 0 : i32
      %dma_start3A_61 = tpu.memref_slice %arg12[%add3A_29, %dma_start3A_60] : memref<10000x128xf32, #tpu.memory_space<vmem_shared>> -> memref<78x128xf32, #tpu.memory_space<vmem_shared>>
      %dma_start3A_62 = arith.constant 0 : i32
      %dma_start3A_63 = arith.constant 0 : i32
      %dma_start3A_64 = tpu.memref_slice %arg10[%dma_start3A_62, %dma_start3A_63] : memref<128x128xf32, #tpu.memory_space<vmem>> -> memref<78x128xf32, #tpu.memory_space<vmem>>
      tpu.enqueue_dma source(%dma_start3A_64 : memref<78x128xf32, #tpu.memory_space<vmem>>) target(%dma_start3A_61 : memref<78x128xf32, #tpu.memory_space<vmem_shared>>) target_semaphore(%run_scoped3A : memref<!tpu.dma_semaphore, #tpu.memory_space<semaphore_mem>>)
      %dma_wait3A = arith.constant 0 : i32
      %dma_wait3A_65 = arith.constant 0 : i32
      %dma_wait3A_66 = tpu.memref_slice %arg10[%dma_wait3A, %dma_wait3A_65] : memref<128x128xf32, #tpu.memory_space<vmem>> -> memref<78x128xf32, #tpu.memory_space<vmem>>
      %dma_wait3A_67 = arith.constant 0 : i32
      %dma_wait3A_68 = tpu.memref_slice %arg12[%add3A_29, %dma_wait3A_67] : memref<10000x128xf32, #tpu.memory_space<vmem_shared>> -> memref<78x128xf32, #tpu.memory_space<vmem_shared>>
      %dma_wait3A_69 = arith.constant 0 : i32
      %dma_wait3A_70 = tpu.memref_slice %arg12[%add3A_29, %dma_wait3A_69] : memref<10000x128xf32, #tpu.memory_space<vmem_shared>> -> memref<78x128xf32, #tpu.memory_space<vmem_shared>>
      %dma_wait3A_71 = arith.constant 0 : i32
      %dma_wait3A_72 = arith.constant 0 : i32
      %dma_wait3A_73 = tpu.memref_slice %arg10[%dma_wait3A_71, %dma_wait3A_72] : memref<128x128xf32, #tpu.memory_space<vmem>> -> memref<78x128xf32, #tpu.memory_space<vmem>>
      tpu.wait_dma2 semaphore(%run_scoped3A : memref<!tpu.dma_semaphore, #tpu.memory_space<semaphore_mem>>) src(%dma_wait3A_73 : memref<78x128xf32, #tpu.memory_space<vmem>>) dst(%dma_wait3A_70 : memref<78x128xf32, #tpu.memory_space<vmem_shared>>)
      tpu.yield
    }) : () -> ()
    %mul3A_30 = arith.constant 624 : i32
    %mul3A_31 = arith.muli %arg1, %mul3A_30 : i32
    %add3A_32 = arith.constant 468 : i32
    %add3A_33 = arith.addi %mul3A_31, %add3A_32 : i32
    "tpu.region"() ({
      %run_scoped3A = tpu.sem_alloc : memref<!tpu.dma_semaphore, #tpu.memory_space<semaphore_mem>>
      %dma_start3A = arith.constant 0 : i32
      %dma_start3A_56 = arith.constant 0 : i32
      %dma_start3A_57 = tpu.memref_slice %arg10[%dma_start3A, %dma_start3A_56] : memref<128x128xf32, #tpu.memory_space<vmem>> -> memref<78x128xf32, #tpu.memory_space<vmem>>
      %dma_start3A_58 = arith.constant 0 : i32
      %dma_start3A_59 = tpu.memref_slice %arg12[%add3A_33, %dma_start3A_58] : memref<10000x128xf32, #tpu.memory_space<vmem_shared>> -> memref<78x128xf32, #tpu.memory_space<vmem_shared>>
      %dma_start3A_60 = arith.constant 0 : i32
      %dma_start3A_61 = tpu.memref_slice %arg12[%add3A_33, %dma_start3A_60] : memref<10000x128xf32, #tpu.memory_space<vmem_shared>> -> memref<78x128xf32, #tpu.memory_space<vmem_shared>>
      %dma_start3A_62 = arith.constant 0 : i32
      %dma_start3A_63 = arith.constant 0 : i32
      %dma_start3A_64 = tpu.memref_slice %arg10[%dma_start3A_62, %dma_start3A_63] : memref<128x128xf32, #tpu.memory_space<vmem>> -> memref<78x128xf32, #tpu.memory_space<vmem>>
      tpu.enqueue_dma source(%dma_start3A_64 : memref<78x128xf32, #tpu.memory_space<vmem>>) target(%dma_start3A_61 : memref<78x128xf32, #tpu.memory_space<vmem_shared>>) target_semaphore(%run_scoped3A : memref<!tpu.dma_semaphore, #tpu.memory_space<semaphore_mem>>)
      %dma_wait3A = arith.constant 0 : i32
      %dma_wait3A_65 = arith.constant 0 : i32
      %dma_wait3A_66 = tpu.memref_slice %arg10[%dma_wait3A, %dma_wait3A_65] : memref<128x128xf32, #tpu.memory_space<vmem>> -> memref<78x128xf32, #tpu.memory_space<vmem>>
      %dma_wait3A_67 = arith.constant 0 : i32
      %dma_wait3A_68 = tpu.memref_slice %arg12[%add3A_33, %dma_wait3A_67] : memref<10000x128xf32, #tpu.memory_space<vmem_shared>> -> memref<78x128xf32, #tpu.memory_space<vmem_shared>>
      %dma_wait3A_69 = arith.constant 0 : i32
      %dma_wait3A_70 = tpu.memref_slice %arg12[%add3A_33, %dma_wait3A_69] : memref<10000x128xf32, #tpu.memory_space<vmem_shared>> -> memref<78x128xf32, #tpu.memory_space<vmem_shared>>
      %dma_wait3A_71 = arith.constant 0 : i32
      %dma_wait3A_72 = arith.constant 0 : i32
      %dma_wait3A_73 = tpu.memref_slice %arg10[%dma_wait3A_71, %dma_wait3A_72] : memref<128x128xf32, #tpu.memory_space<vmem>> -> memref<78x128xf32, #tpu.memory_space<vmem>>
      tpu.wait_dma2 semaphore(%run_scoped3A : memref<!tpu.dma_semaphore, #tpu.memory_space<semaphore_mem>>) src(%dma_wait3A_73 : memref<78x128xf32, #tpu.memory_space<vmem>>) dst(%dma_wait3A_70 : memref<78x128xf32, #tpu.memory_space<vmem_shared>>)
      tpu.yield
    }) : () -> ()
    %mul3A_34 = arith.constant 624 : i32
    %mul3A_35 = arith.muli %arg1, %mul3A_34 : i32
    %add3A_36 = arith.constant 546 : i32
    %add3A_37 = arith.addi %mul3A_35, %add3A_36 : i32
    "tpu.region"() ({
      %run_scoped3A = tpu.sem_alloc : memref<!tpu.dma_semaphore, #tpu.memory_space<semaphore_mem>>
      %dma_start3A = arith.constant 0 : i32
      %dma_start3A_56 = arith.constant 0 : i32
      %dma_start3A_57 = tpu.memref_slice %arg10[%dma_start3A, %dma_start3A_56] : memref<128x128xf32, #tpu.memory_space<vmem>> -> memref<78x128xf32, #tpu.memory_space<vmem>>
      %dma_start3A_58 = arith.constant 0 : i32
      %dma_start3A_59 = tpu.memref_slice %arg12[%add3A_37, %dma_start3A_58] : memref<10000x128xf32, #tpu.memory_space<vmem_shared>> -> memref<78x128xf32, #tpu.memory_space<vmem_shared>>
      %dma_start3A_60 = arith.constant 0 : i32
      %dma_start3A_61 = tpu.memref_slice %arg12[%add3A_37, %dma_start3A_60] : memref<10000x128xf32, #tpu.memory_space<vmem_shared>> -> memref<78x128xf32, #tpu.memory_space<vmem_shared>>
      %dma_start3A_62 = arith.constant 0 : i32
      %dma_start3A_63 = arith.constant 0 : i32
      %dma_start3A_64 = tpu.memref_slice %arg10[%dma_start3A_62, %dma_start3A_63] : memref<128x128xf32, #tpu.memory_space<vmem>> -> memref<78x128xf32, #tpu.memory_space<vmem>>
      tpu.enqueue_dma source(%dma_start3A_64 : memref<78x128xf32, #tpu.memory_space<vmem>>) target(%dma_start3A_61 : memref<78x128xf32, #tpu.memory_space<vmem_shared>>) target_semaphore(%run_scoped3A : memref<!tpu.dma_semaphore, #tpu.memory_space<semaphore_mem>>)
      %dma_wait3A = arith.constant 0 : i32
      %dma_wait3A_65 = arith.constant 0 : i32
      %dma_wait3A_66 = tpu.memref_slice %arg10[%dma_wait3A, %dma_wait3A_65] : memref<128x128xf32, #tpu.memory_space<vmem>> -> memref<78x128xf32, #tpu.memory_space<vmem>>
      %dma_wait3A_67 = arith.constant 0 : i32
      %dma_wait3A_68 = tpu.memref_slice %arg12[%add3A_37, %dma_wait3A_67] : memref<10000x128xf32, #tpu.memory_space<vmem_shared>> -> memref<78x128xf32, #tpu.memory_space<vmem_shared>>
      %dma_wait3A_69 = arith.constant 0 : i32
      %dma_wait3A_70 = tpu.memref_slice %arg12[%add3A_37, %dma_wait3A_69] : memref<10000x128xf32, #tpu.memory_space<vmem_shared>> -> memref<78x128xf32, #tpu.memory_space<vmem_shared>>
      %dma_wait3A_71 = arith.constant 0 : i32
      %dma_wait3A_72 = arith.constant 0 : i32
      %dma_wait3A_73 = tpu.memref_slice %arg10[%dma_wait3A_71, %dma_wait3A_72] : memref<128x128xf32, #tpu.memory_space<vmem>> -> memref<78x128xf32, #tpu.memory_space<vmem>>
      tpu.wait_dma2 semaphore(%run_scoped3A : memref<!tpu.dma_semaphore, #tpu.memory_space<semaphore_mem>>) src(%dma_wait3A_73 : memref<78x128xf32, #tpu.memory_space<vmem>>) dst(%dma_wait3A_70 : memref<78x128xf32, #tpu.memory_space<vmem_shared>>)
      tpu.yield
    }) : () -> ()
    %eq3A = arith.constant 0 : i32
    %eq3A_38 = arith.cmpi eq, %arg1, %eq3A : i32
    %convert_element_type3A = arith.extui %eq3A_38 : i1 to i32
    %cond3A = arith.constant 0 : i32
    %cond3A_39 = arith.cmpi ne, %convert_element_type3A, %cond3A : i32
    scf.if %cond3A_39 {
      "tpu.region"() ({
        %run_scoped3A = tpu.sem_alloc : memref<!tpu.dma_semaphore, #tpu.memory_space<semaphore_mem>>
        %dma_start3A = arith.constant 0 : i32
        %dma_start3A_56 = arith.constant 0 : i32
        %dma_start3A_57 = tpu.memref_slice %arg10[%dma_start3A, %dma_start3A_56] : memref<128x128xf32, #tpu.memory_space<vmem>> -> memref<16x128xf32, #tpu.memory_space<vmem>>
        %dma_start3A_58 = arith.constant 9984 : i32
        %dma_start3A_59 = arith.constant 0 : i32
        %dma_start3A_60 = tpu.memref_slice %arg12[%dma_start3A_58, %dma_start3A_59] : memref<10000x128xf32, #tpu.memory_space<vmem_shared>> -> memref<16x128xf32, #tpu.memory_space<vmem_shared>>
        %dma_start3A_61 = arith.constant 9984 : i32
        %dma_start3A_62 = arith.constant 0 : i32
        %dma_start3A_63 = tpu.memref_slice %arg12[%dma_start3A_61, %dma_start3A_62] : memref<10000x128xf32, #tpu.memory_space<vmem_shared>> -> memref<16x128xf32, #tpu.memory_space<vmem_shared>>
        %dma_start3A_64 = arith.constant 0 : i32
        %dma_start3A_65 = arith.constant 0 : i32
        %dma_start3A_66 = tpu.memref_slice %arg10[%dma_start3A_64, %dma_start3A_65] : memref<128x128xf32, #tpu.memory_space<vmem>> -> memref<16x128xf32, #tpu.memory_space<vmem>>
        tpu.enqueue_dma source(%dma_start3A_66 : memref<16x128xf32, #tpu.memory_space<vmem>>) target(%dma_start3A_63 : memref<16x128xf32, #tpu.memory_space<vmem_shared>>) target_semaphore(%run_scoped3A : memref<!tpu.dma_semaphore, #tpu.memory_space<semaphore_mem>>)
        %dma_wait3A = arith.constant 0 : i32
        %dma_wait3A_67 = arith.constant 0 : i32
        %dma_wait3A_68 = tpu.memref_slice %arg10[%dma_wait3A, %dma_wait3A_67] : memref<128x128xf32, #tpu.memory_space<vmem>> -> memref<16x128xf32, #tpu.memory_space<vmem>>
        %dma_wait3A_69 = arith.constant 9984 : i32
        %dma_wait3A_70 = arith.constant 0 : i32
        %dma_wait3A_71 = tpu.memref_slice %arg12[%dma_wait3A_69, %dma_wait3A_70] : memref<10000x128xf32, #tpu.memory_space<vmem_shared>> -> memref<16x128xf32, #tpu.memory_space<vmem_shared>>
        %dma_wait3A_72 = arith.constant 9984 : i32
        %dma_wait3A_73 = arith.constant 0 : i32
        %dma_wait3A_74 = tpu.memref_slice %arg12[%dma_wait3A_72, %dma_wait3A_73] : memref<10000x128xf32, #tpu.memory_space<vmem_shared>> -> memref<16x128xf32, #tpu.memory_space<vmem_shared>>
        %dma_wait3A_75 = arith.constant 0 : i32
        %dma_wait3A_76 = arith.constant 0 : i32
        %dma_wait3A_77 = tpu.memref_slice %arg10[%dma_wait3A_75, %dma_wait3A_76] : memref<128x128xf32, #tpu.memory_space<vmem>> -> memref<16x128xf32, #tpu.memory_space<vmem>>
        tpu.wait_dma2 semaphore(%run_scoped3A : memref<!tpu.dma_semaphore, #tpu.memory_space<semaphore_mem>>) src(%dma_wait3A_77 : memref<16x128xf32, #tpu.memory_space<vmem>>) dst(%dma_wait3A_74 : memref<16x128xf32, #tpu.memory_space<vmem_shared>>)
        tpu.yield
      }) : () -> ()
    } else {
    }
    %barrier3A = arith.constant 0 : index
    tpu.barrier barrier_id(%barrier3A)
    %scan3A_40 = arith.constant 0 : i32
    %scan3A_41 = arith.constant 0 : i32
    %scan3A_42 = arith.constant 5 : i32
    %scan3A_43 = arith.addi %scan3A_41, %scan3A_42 : i32
    %scan3A_44 = arith.constant 1 : i32
    scf.for %scan3A_56 = %scan3A_41 to %scan3A_43 step %scan3A_44  : i32 {
      "tpu.region"() ({
        %run_scoped3A = tpu.sem_alloc : memref<!tpu.dma_semaphore, #tpu.memory_space<semaphore_mem>>
        %dma_start3A = arith.constant 0 : i32
        %dma_start3A_63 = arith.constant 0 : i32
        %dma_start3A_64 = tpu.memref_slice %arg3[%add3A, %scan3A_56, %dma_start3A, %dma_start3A_63] : memref<32x5x16x128xi32, #tpu.memory_space<hbm>> -> memref<1x1x16x128xi32, #tpu.memory_space<hbm>>
        %dma_start3A_65 = tpu.memref_squeeze %dma_start3A_64 : memref<1x1x16x128xi32, #tpu.memory_space<hbm>> -> memref<16x128xi32, #tpu.memory_space<hbm>>
        %dma_start3A_66 = arith.constant 0 : i32
        %dma_start3A_67 = arith.constant 0 : i32
        %dma_start3A_68 = tpu.memref_slice %arg3[%add3A, %scan3A_56, %dma_start3A_66, %dma_start3A_67] : memref<32x5x16x128xi32, #tpu.memory_space<hbm>> -> memref<1x1x16x128xi32, #tpu.memory_space<hbm>>
        %dma_start3A_69 = tpu.memref_squeeze %dma_start3A_68 : memref<1x1x16x128xi32, #tpu.memory_space<hbm>> -> memref<16x128xi32, #tpu.memory_space<hbm>>
        tpu.enqueue_dma source(%dma_start3A_69 : memref<16x128xi32, #tpu.memory_space<hbm>>) target(%arg7 : memref<16x128xi32, #tpu.memory_space<vmem>>) target_semaphore(%run_scoped3A : memref<!tpu.dma_semaphore, #tpu.memory_space<semaphore_mem>>)
        %dma_wait3A = arith.constant 0 : i32
        %dma_wait3A_70 = arith.constant 0 : i32
        %dma_wait3A_71 = tpu.memref_slice %arg3[%add3A, %scan3A_56, %dma_wait3A, %dma_wait3A_70] : memref<32x5x16x128xi32, #tpu.memory_space<hbm>> -> memref<1x1x16x128xi32, #tpu.memory_space<hbm>>
        %dma_wait3A_72 = tpu.memref_squeeze %dma_wait3A_71 : memref<1x1x16x128xi32, #tpu.memory_space<hbm>> -> memref<16x128xi32, #tpu.memory_space<hbm>>
        %dma_wait3A_73 = arith.constant 0 : i32
        %dma_wait3A_74 = arith.constant 0 : i32
        %dma_wait3A_75 = tpu.memref_slice %arg3[%add3A, %scan3A_56, %dma_wait3A_73, %dma_wait3A_74] : memref<32x5x16x128xi32, #tpu.memory_space<hbm>> -> memref<1x1x16x128xi32, #tpu.memory_space<hbm>>
        %dma_wait3A_76 = tpu.memref_squeeze %dma_wait3A_75 : memref<1x1x16x128xi32, #tpu.memory_space<hbm>> -> memref<16x128xi32, #tpu.memory_space<hbm>>
        tpu.wait_dma2 semaphore(%run_scoped3A : memref<!tpu.dma_semaphore, #tpu.memory_space<semaphore_mem>>) src(%dma_wait3A_76 : memref<16x128xi32, #tpu.memory_space<hbm>>) dst(%arg7 : memref<16x128xi32, #tpu.memory_space<vmem>>)
        tpu.yield
      }) : () -> ()
      "tpu.region"() ({
        %run_scoped3A = tpu.sem_alloc : memref<!tpu.dma_semaphore, #tpu.memory_space<semaphore_mem>>
        %dma_start3A = arith.constant 0 : i32
        %dma_start3A_63 = arith.constant 0 : i32
        %dma_start3A_64 = tpu.memref_slice %arg4[%add3A, %scan3A_56, %dma_start3A, %dma_start3A_63] : memref<32x5x16x128xi32, #tpu.memory_space<hbm>> -> memref<1x1x16x128xi32, #tpu.memory_space<hbm>>
        %dma_start3A_65 = tpu.memref_squeeze %dma_start3A_64 : memref<1x1x16x128xi32, #tpu.memory_space<hbm>> -> memref<16x128xi32, #tpu.memory_space<hbm>>
        %dma_start3A_66 = arith.constant 0 : i32
        %dma_start3A_67 = arith.constant 0 : i32
        %dma_start3A_68 = tpu.memref_slice %arg4[%add3A, %scan3A_56, %dma_start3A_66, %dma_start3A_67] : memref<32x5x16x128xi32, #tpu.memory_space<hbm>> -> memref<1x1x16x128xi32, #tpu.memory_space<hbm>>
        %dma_start3A_69 = tpu.memref_squeeze %dma_start3A_68 : memref<1x1x16x128xi32, #tpu.memory_space<hbm>> -> memref<16x128xi32, #tpu.memory_space<hbm>>
        tpu.enqueue_dma source(%dma_start3A_69 : memref<16x128xi32, #tpu.memory_space<hbm>>) target(%arg8 : memref<16x128xi32, #tpu.memory_space<vmem>>) target_semaphore(%run_scoped3A : memref<!tpu.dma_semaphore, #tpu.memory_space<semaphore_mem>>)
        %dma_wait3A = arith.constant 0 : i32
        %dma_wait3A_70 = arith.constant 0 : i32
        %dma_wait3A_71 = tpu.memref_slice %arg4[%add3A, %scan3A_56, %dma_wait3A, %dma_wait3A_70] : memref<32x5x16x128xi32, #tpu.memory_space<hbm>> -> memref<1x1x16x128xi32, #tpu.memory_space<hbm>>
        %dma_wait3A_72 = tpu.memref_squeeze %dma_wait3A_71 : memref<1x1x16x128xi32, #tpu.memory_space<hbm>> -> memref<16x128xi32, #tpu.memory_space<hbm>>
        %dma_wait3A_73 = arith.constant 0 : i32
        %dma_wait3A_74 = arith.constant 0 : i32
        %dma_wait3A_75 = tpu.memref_slice %arg4[%add3A, %scan3A_56, %dma_wait3A_73, %dma_wait3A_74] : memref<32x5x16x128xi32, #tpu.memory_space<hbm>> -> memref<1x1x16x128xi32, #tpu.memory_space<hbm>>
        %dma_wait3A_76 = tpu.memref_squeeze %dma_wait3A_75 : memref<1x1x16x128xi32, #tpu.memory_space<hbm>> -> memref<16x128xi32, #tpu.memory_space<hbm>>
        tpu.wait_dma2 semaphore(%run_scoped3A : memref<!tpu.dma_semaphore, #tpu.memory_space<semaphore_mem>>) src(%dma_wait3A_76 : memref<16x128xi32, #tpu.memory_space<hbm>>) dst(%arg8 : memref<16x128xi32, #tpu.memory_space<vmem>>)
        tpu.yield
      }) : () -> ()
      "tpu.region"() ({
        %run_scoped3A = tpu.sem_alloc : memref<!tpu.dma_semaphore, #tpu.memory_space<semaphore_mem>>
        %dma_start3A = arith.constant 0 : i32
        %dma_start3A_63 = arith.constant 0 : i32
        %dma_start3A_64 = tpu.memref_slice %arg5[%add3A, %scan3A_56, %dma_start3A, %dma_start3A_63] : memref<32x5x16x128xf32, #tpu.memory_space<hbm>> -> memref<1x1x16x128xf32, #tpu.memory_space<hbm>>
        %dma_start3A_65 = tpu.memref_squeeze %dma_start3A_64 : memref<1x1x16x128xf32, #tpu.memory_space<hbm>> -> memref<16x128xf32, #tpu.memory_space<hbm>>
        %dma_start3A_66 = arith.constant 0 : i32
        %dma_start3A_67 = arith.constant 0 : i32
        %dma_start3A_68 = tpu.memref_slice %arg5[%add3A, %scan3A_56, %dma_start3A_66, %dma_start3A_67] : memref<32x5x16x128xf32, #tpu.memory_space<hbm>> -> memref<1x1x16x128xf32, #tpu.memory_space<hbm>>
        %dma_start3A_69 = tpu.memref_squeeze %dma_start3A_68 : memref<1x1x16x128xf32, #tpu.memory_space<hbm>> -> memref<16x128xf32, #tpu.memory_space<hbm>>
        tpu.enqueue_dma source(%dma_start3A_69 : memref<16x128xf32, #tpu.memory_space<hbm>>) target(%arg9 : memref<16x128xf32, #tpu.memory_space<vmem>>) target_semaphore(%run_scoped3A : memref<!tpu.dma_semaphore, #tpu.memory_space<semaphore_mem>>)
        %dma_wait3A = arith.constant 0 : i32
        %dma_wait3A_70 = arith.constant 0 : i32
        %dma_wait3A_71 = tpu.memref_slice %arg5[%add3A, %scan3A_56, %dma_wait3A, %dma_wait3A_70] : memref<32x5x16x128xf32, #tpu.memory_space<hbm>> -> memref<1x1x16x128xf32, #tpu.memory_space<hbm>>
        %dma_wait3A_72 = tpu.memref_squeeze %dma_wait3A_71 : memref<1x1x16x128xf32, #tpu.memory_space<hbm>> -> memref<16x128xf32, #tpu.memory_space<hbm>>
        %dma_wait3A_73 = arith.constant 0 : i32
        %dma_wait3A_74 = arith.constant 0 : i32
        %dma_wait3A_75 = tpu.memref_slice %arg5[%add3A, %scan3A_56, %dma_wait3A_73, %dma_wait3A_74] : memref<32x5x16x128xf32, #tpu.memory_space<hbm>> -> memref<1x1x16x128xf32, #tpu.memory_space<hbm>>
        %dma_wait3A_76 = tpu.memref_squeeze %dma_wait3A_75 : memref<1x1x16x128xf32, #tpu.memory_space<hbm>> -> memref<16x128xf32, #tpu.memory_space<hbm>>
        tpu.wait_dma2 semaphore(%run_scoped3A : memref<!tpu.dma_semaphore, #tpu.memory_space<semaphore_mem>>) src(%dma_wait3A_76 : memref<16x128xf32, #tpu.memory_space<hbm>>) dst(%arg9 : memref<16x128xf32, #tpu.memory_space<vmem>>)
        tpu.yield
      }) : () -> ()
      %scan3A_57 = arith.constant 0 : i32
      %scan3A_58 = arith.constant 0 : i32
      %scan3A_59 = arith.constant 8 : i32
      %scan3A_60 = arith.addi %scan3A_58, %scan3A_59 : i32
      %scan3A_61 = arith.constant 1 : i32
      scf.for %scan3A_63 = %scan3A_58 to %scan3A_60 step %scan3A_61  : i32 {
        %mul3A_64 = arith.constant 2 : i32
        %mul3A_65 = arith.muli %scan3A_63, %mul3A_64 : i32
        %add3A_66 = arith.constant 0 : i32
        %add3A_67 = arith.addi %mul3A_65, %add3A_66 : i32
        %dma_start3A = arith.constant 0 : i32
        %dma_start3A_68 = arith.constant 0 : i32
        %dma_start3A_69 = tpu.memref_slice %arg10[%dma_start3A, %dma_start3A_68] : memref<128x128xf32, #tpu.memory_space<vmem>> -> memref<64x128xf32, #tpu.memory_space<vmem>>
        %dma_start3A_70 = arith.constant 0 : i32
        %dma_start3A_71 = tpu.memref_slice %arg8[%add3A_67, %dma_start3A_70] : memref<16x128xi32, #tpu.memory_space<vmem>> -> memref<1x64xi32, #tpu.memory_space<vmem>>
        %dma_start3A_72 = tpu.memref_squeeze %dma_start3A_71 : memref<1x64xi32, #tpu.memory_space<vmem>> -> memref<64xi32, #tpu.memory_space<vmem>>
        %dma_start3A_73 = arith.constant 0 : i32
        %dma_start3A_74 = arith.constant 0 : i32
        %dma_start3A_75 = tpu.memref_slice %arg2[%dma_start3A_73, %dma_start3A_74] : memref<10000x128xf32, #tpu.memory_space<hbm>> -> memref<10000x128xf32, #tpu.memory_space<hbm>>
        tpu.enqueue_indirect_dma source(%dma_start3A_75 : memref<10000x128xf32, #tpu.memory_space<hbm>>) target(%dma_start3A_69 : memref<64x128xf32, #tpu.memory_space<vmem>>) offsets(%dma_start3A_72 : memref<64xi32, #tpu.memory_space<vmem>>) semaphore(%arg13 : memref<!tpu.dma_semaphore, #tpu.memory_space<semaphore_mem>>)
        %dma_start3A_76 = arith.constant 64 : i32
        %dma_start3A_77 = arith.constant 0 : i32
        %dma_start3A_78 = tpu.memref_slice %arg10[%dma_start3A_76, %dma_start3A_77] : memref<128x128xf32, #tpu.memory_space<vmem>> -> memref<64x128xf32, #tpu.memory_space<vmem>>
        %dma_start3A_79 = arith.constant 64 : i32
        %dma_start3A_80 = tpu.memref_slice %arg8[%add3A_67, %dma_start3A_79] : memref<16x128xi32, #tpu.memory_space<vmem>> -> memref<1x64xi32, #tpu.memory_space<vmem>>
        %dma_start3A_81 = tpu.memref_squeeze %dma_start3A_80 : memref<1x64xi32, #tpu.memory_space<vmem>> -> memref<64xi32, #tpu.memory_space<vmem>>
        %dma_start3A_82 = arith.constant 0 : i32
        %dma_start3A_83 = arith.constant 0 : i32
        %dma_start3A_84 = tpu.memref_slice %arg2[%dma_start3A_82, %dma_start3A_83] : memref<10000x128xf32, #tpu.memory_space<hbm>> -> memref<10000x128xf32, #tpu.memory_space<hbm>>
        tpu.enqueue_indirect_dma source(%dma_start3A_84 : memref<10000x128xf32, #tpu.memory_space<hbm>>) target(%dma_start3A_78 : memref<64x128xf32, #tpu.memory_space<vmem>>) offsets(%dma_start3A_81 : memref<64xi32, #tpu.memory_space<vmem>>) semaphore(%arg13 : memref<!tpu.dma_semaphore, #tpu.memory_space<semaphore_mem>>)
        %mul3A_85 = arith.constant 2 : i32
        %mul3A_86 = arith.muli %scan3A_63, %mul3A_85 : i32
        %add3A_87 = arith.constant 1 : i32
        %add3A_88 = arith.addi %mul3A_86, %add3A_87 : i32
        %dma_start3A_89 = arith.constant 0 : i32
        %dma_start3A_90 = arith.constant 0 : i32
        %dma_start3A_91 = tpu.memref_slice %arg11[%dma_start3A_89, %dma_start3A_90] : memref<128x128xf32, #tpu.memory_space<vmem>> -> memref<64x128xf32, #tpu.memory_space<vmem>>
        %dma_start3A_92 = arith.constant 0 : i32
        %dma_start3A_93 = tpu.memref_slice %arg8[%add3A_88, %dma_start3A_92] : memref<16x128xi32, #tpu.memory_space<vmem>> -> memref<1x64xi32, #tpu.memory_space<vmem>>
        %dma_start3A_94 = tpu.memref_squeeze %dma_start3A_93 : memref<1x64xi32, #tpu.memory_space<vmem>> -> memref<64xi32, #tpu.memory_space<vmem>>
        %dma_start3A_95 = arith.constant 0 : i32
        %dma_start3A_96 = arith.constant 0 : i32
        %dma_start3A_97 = tpu.memref_slice %arg2[%dma_start3A_95, %dma_start3A_96] : memref<10000x128xf32, #tpu.memory_space<hbm>> -> memref<10000x128xf32, #tpu.memory_space<hbm>>
        tpu.enqueue_indirect_dma source(%dma_start3A_97 : memref<10000x128xf32, #tpu.memory_space<hbm>>) target(%dma_start3A_91 : memref<64x128xf32, #tpu.memory_space<vmem>>) offsets(%dma_start3A_94 : memref<64xi32, #tpu.memory_space<vmem>>) semaphore(%arg14 : memref<!tpu.dma_semaphore, #tpu.memory_space<semaphore_mem>>)
        %dma_start3A_98 = arith.constant 64 : i32
        %dma_start3A_99 = arith.constant 0 : i32
        %dma_start3A_100 = tpu.memref_slice %arg11[%dma_start3A_98, %dma_start3A_99] : memref<128x128xf32, #tpu.memory_space<vmem>> -> memref<64x128xf32, #tpu.memory_space<vmem>>
        %dma_start3A_101 = arith.constant 64 : i32
        %dma_start3A_102 = tpu.memref_slice %arg8[%add3A_88, %dma_start3A_101] : memref<16x128xi32, #tpu.memory_space<vmem>> -> memref<1x64xi32, #tpu.memory_space<vmem>>
        %dma_start3A_103 = tpu.memref_squeeze %dma_start3A_102 : memref<1x64xi32, #tpu.memory_space<vmem>> -> memref<64xi32, #tpu.memory_space<vmem>>
        %dma_start3A_104 = arith.constant 0 : i32
        %dma_start3A_105 = arith.constant 0 : i32
        %dma_start3A_106 = tpu.memref_slice %arg2[%dma_start3A_104, %dma_start3A_105] : memref<10000x128xf32, #tpu.memory_space<hbm>> -> memref<10000x128xf32, #tpu.memory_space<hbm>>
        tpu.enqueue_indirect_dma source(%dma_start3A_106 : memref<10000x128xf32, #tpu.memory_space<hbm>>) target(%dma_start3A_100 : memref<64x128xf32, #tpu.memory_space<vmem>>) offsets(%dma_start3A_103 : memref<64xi32, #tpu.memory_space<vmem>>) semaphore(%arg14 : memref<!tpu.dma_semaphore, #tpu.memory_space<semaphore_mem>>)
        %mul3A_107 = arith.constant 2 : i32
        %mul3A_108 = arith.muli %scan3A_63, %mul3A_107 : i32
        %add3A_109 = arith.constant 0 : i32
        %add3A_110 = arith.addi %mul3A_108, %add3A_109 : i32
        %dma_wait3A = arith.constant 0 : i32
        %dma_wait3A_111 = arith.constant 0 : i32
        %dma_wait3A_112 = tpu.memref_slice %arg10[%dma_wait3A, %dma_wait3A_111] : memref<128x128xf32, #tpu.memory_space<vmem>> -> memref<64x128xf32, #tpu.memory_space<vmem>>
        %dma_wait3A_113 = arith.constant 0 : i32
        %dma_wait3A_114 = tpu.memref_slice %arg8[%add3A_67, %dma_wait3A_113] : memref<16x128xi32, #tpu.memory_space<vmem>> -> memref<1x64xi32, #tpu.memory_space<vmem>>
        %dma_wait3A_115 = tpu.memref_squeeze %dma_wait3A_114 : memref<1x64xi32, #tpu.memory_space<vmem>> -> memref<64xi32, #tpu.memory_space<vmem>>
        %dma_wait3A_116 = arith.constant 0 : i32
        %dma_wait3A_117 = arith.constant 0 : i32
        %dma_wait3A_118 = tpu.memref_slice %arg2[%dma_wait3A_116, %dma_wait3A_117] : memref<10000x128xf32, #tpu.memory_space<hbm>> -> memref<10000x128xf32, #tpu.memory_space<hbm>>
        tpu.wait_indirect_dma semaphore(%arg13 : memref<!tpu.dma_semaphore, #tpu.memory_space<semaphore_mem>>) src(%dma_wait3A_118 : memref<10000x128xf32, #tpu.memory_space<hbm>>) dst(%dma_wait3A_112 : memref<64x128xf32, #tpu.memory_space<vmem>>)
        %dma_wait3A_119 = arith.constant 64 : i32
        %dma_wait3A_120 = arith.constant 0 : i32
        %dma_wait3A_121 = tpu.memref_slice %arg10[%dma_wait3A_119, %dma_wait3A_120] : memref<128x128xf32, #tpu.memory_space<vmem>> -> memref<64x128xf32, #tpu.memory_space<vmem>>
        %dma_wait3A_122 = arith.constant 64 : i32
        %dma_wait3A_123 = tpu.memref_slice %arg8[%add3A_67, %dma_wait3A_122] : memref<16x128xi32, #tpu.memory_space<vmem>> -> memref<1x64xi32, #tpu.memory_space<vmem>>
        %dma_wait3A_124 = tpu.memref_squeeze %dma_wait3A_123 : memref<1x64xi32, #tpu.memory_space<vmem>> -> memref<64xi32, #tpu.memory_space<vmem>>
        %dma_wait3A_125 = arith.constant 0 : i32
        %dma_wait3A_126 = arith.constant 0 : i32
        %dma_wait3A_127 = tpu.memref_slice %arg2[%dma_wait3A_125, %dma_wait3A_126] : memref<10000x128xf32, #tpu.memory_space<hbm>> -> memref<10000x128xf32, #tpu.memory_space<hbm>>
        tpu.wait_indirect_dma semaphore(%arg13 : memref<!tpu.dma_semaphore, #tpu.memory_space<semaphore_mem>>) src(%dma_wait3A_127 : memref<10000x128xf32, #tpu.memory_space<hbm>>) dst(%dma_wait3A_121 : memref<64x128xf32, #tpu.memory_space<vmem>>)
        %scan3A_128 = arith.constant 0 : i32
        %scan3A_129 = arith.constant 0 : i32
        %scan3A_130 = arith.constant 8 : i32
        %scan3A_131 = arith.addi %scan3A_129, %scan3A_130 : i32
        %scan3A_132 = arith.constant 1 : i32
        scf.for %scan3A_186 = %scan3A_129 to %scan3A_131 step %scan3A_132  : i32 {
          %mul3A_187 = arith.constant 16 : i32
          %mul3A_188 = arith.muli %scan3A_186, %mul3A_187 : i32
          %get3A = arith.index_cast %add3A_110 : i32 to index
          %get3A_189 = arith.index_cast %mul3A_188 : i32 to index
          %get3A_190 = tpu.vector_load %arg9[%get3A, %get3A_189] {strides = array<i32>} : memref<16x128xf32, #tpu.memory_space<vmem>>, vector<1x16xf32>,
          %get3A_191 = vector.shape_cast %get3A_190 : vector<1x16xf32> to vector<16xf32>
          %broadcast_in_dim3A = arith.constant 0 : i32
          %broadcast_in_dim3A_192 = vector.broadcast %broadcast_in_dim3A : i32 to vector<16xi32>
          %lt3A = arith.constant 0 : i32
          %lt3A_193 = vector.broadcast %lt3A : i32 to vector<16xi32>
          %lt3A_194 = arith.cmpi slt, %broadcast_in_dim3A_192, %lt3A_193 : vector<16xi32>
          %add3A_195 = arith.constant 16 : i32
          %add3A_196 = vector.broadcast %add3A_195 : i32 to vector<16xi32>
          %add3A_197 = arith.addi %broadcast_in_dim3A_192, %add3A_196 : vector<16xi32>
          %select_n3A = arith.select %lt3A_194, %add3A_197, %broadcast_in_dim3A_192 : vector<16xi1>, vector<16xi32>
          %broadcast_in_dim3A_198 = vector.shape_cast %select_n3A : vector<16xi32> to vector<16x1xi32>
          %gather3A = vector.shape_cast %broadcast_in_dim3A_198 : vector<16x1xi32> to vector<16xi32>
          %gather3A_199 = tpu.dynamic_gather %get3A_191[%gather3A] in [0] : vector<16xf32>, vector<16xi32> -> vector<16xf32>
          %mul3A_200 = arith.constant 16 : i32
          %mul3A_201 = arith.muli %scan3A_186, %mul3A_200 : i32
          %add3A_202 = arith.constant 0 : i32
          %add3A_203 = arith.addi %mul3A_201, %add3A_202 : i32
          %get3A_204 = arith.index_cast %add3A_203 : i32 to index
          %get3A_205 = arith.constant 0 : index
          %get3A_206 = tpu.vector_load %arg10[%get3A_204, %get3A_205] {strides = array<i32>} : memref<128x128xf32, #tpu.memory_space<vmem>>, vector<1x16xf32>,
          %get3A_207 = vector.shape_cast %get3A_206 : vector<1x16xf32> to vector<16xf32>
          %mul3A_208 = arith.mulf %get3A_207, %gather3A_199 : vector<16xf32>
          %swap3A = arith.index_cast %add3A_203 : i32 to index
          %swap3A_209 = arith.constant 0 : index
          %swap3A_210 = tpu.vector_load %arg10[%swap3A, %swap3A_209] {strides = array<i32>} : memref<128x128xf32, #tpu.memory_space<vmem>>, vector<1x16xf32>,
          %swap3A_211 = vector.shape_cast %swap3A_210 : vector<1x16xf32> to vector<16xf32>
          %swap3A_212 = vector.shape_cast %mul3A_208 : vector<16xf32> to vector<1x16xf32>
          tpu.vector_store %arg10[%swap3A, %swap3A_209], %swap3A_212 {strides = array<i32>} : memref<128x128xf32, #tpu.memory_space<vmem>>, vector<1x16xf32>,
          %get3A_213 = arith.index_cast %add3A_203 : i32 to index
          %get3A_214 = arith.constant 16 : index
          %get3A_215 = tpu.vector_load %arg10[%get3A_213, %get3A_214] {strides = array<i32>} : memref<128x128xf32, #tpu.memory_space<vmem>>, vector<1x16xf32>,
          %get3A_216 = vector.shape_cast %get3A_215 : vector<1x16xf32> to vector<16xf32>
          %mul3A_217 = arith.mulf %get3A_216, %gather3A_199 : vector<16xf32>
          %swap3A_218 = arith.index_cast %add3A_203 : i32 to index
          %swap3A_219 = arith.constant 16 : index
          %swap3A_220 = tpu.vector_load %arg10[%swap3A_218, %swap3A_219] {strides = array<i32>} : memref<128x128xf32, #tpu.memory_space<vmem>>, vector<1x16xf32>,
          %swap3A_221 = vector.shape_cast %swap3A_220 : vector<1x16xf32> to vector<16xf32>
          %swap3A_222 = vector.shape_cast %mul3A_217 : vector<16xf32> to vector<1x16xf32>
          tpu.vector_store %arg10[%swap3A_218, %swap3A_219], %swap3A_222 {strides = array<i32>} : memref<128x128xf32, #tpu.memory_space<vmem>>, vector<1x16xf32>,
          %get3A_223 = arith.index_cast %add3A_203 : i32 to index
          %get3A_224 = arith.constant 32 : index
          %get3A_225 = tpu.vector_load %arg10[%get3A_223, %get3A_224] {strides = array<i32>} : memref<128x128xf32, #tpu.memory_space<vmem>>, vector<1x16xf32>,
          %get3A_226 = vector.shape_cast %get3A_225 : vector<1x16xf32> to vector<16xf32>
          %mul3A_227 = arith.mulf %get3A_226, %gather3A_199 : vector<16xf32>
          %swap3A_228 = arith.index_cast %add3A_203 : i32 to index
          %swap3A_229 = arith.constant 32 : index
          %swap3A_230 = tpu.vector_load %arg10[%swap3A_228, %swap3A_229] {strides = array<i32>} : memref<128x128xf32, #tpu.memory_space<vmem>>, vector<1x16xf32>,
          %swap3A_231 = vector.shape_cast %swap3A_230 : vector<1x16xf32> to vector<16xf32>
          %swap3A_232 = vector.shape_cast %mul3A_227 : vector<16xf32> to vector<1x16xf32>
          tpu.vector_store %arg10[%swap3A_228, %swap3A_229], %swap3A_232 {strides = array<i32>} : memref<128x128xf32, #tpu.memory_space<vmem>>, vector<1x16xf32>,
          %get3A_233 = arith.index_cast %add3A_203 : i32 to index
          %get3A_234 = arith.constant 48 : index
          %get3A_235 = tpu.vector_load %arg10[%get3A_233, %get3A_234] {strides = array<i32>} : memref<128x128xf32, #tpu.memory_space<vmem>>, vector<1x16xf32>,
          %get3A_236 = vector.shape_cast %get3A_235 : vector<1x16xf32> to vector<16xf32>
          %mul3A_237 = arith.mulf %get3A_236, %gather3A_199 : vector<16xf32>
          %swap3A_238 = arith.index_cast %add3A_203 : i32 to index
          %swap3A_239 = arith.constant 48 : index
          %swap3A_240 = tpu.vector_load %arg10[%swap3A_238, %swap3A_239] {strides = array<i32>} : memref<128x128xf32, #tpu.memory_space<vmem>>, vector<1x16xf32>,
          %swap3A_241 = vector.shape_cast %swap3A_240 : vector<1x16xf32> to vector<16xf32>
          %swap3A_242 = vector.shape_cast %mul3A_237 : vector<16xf32> to vector<1x16xf32>
          tpu.vector_store %arg10[%swap3A_238, %swap3A_239], %swap3A_242 {strides = array<i32>} : memref<128x128xf32, #tpu.memory_space<vmem>>, vector<1x16xf32>,
          %get3A_243 = arith.index_cast %add3A_203 : i32 to index
          %get3A_244 = arith.constant 64 : index
          %get3A_245 = tpu.vector_load %arg10[%get3A_243, %get3A_244] {strides = array<i32>} : memref<128x128xf32, #tpu.memory_space<vmem>>, vector<1x16xf32>,
          %get3A_246 = vector.shape_cast %get3A_245 : vector<1x16xf32> to vector<16xf32>
          %mul3A_247 = arith.mulf %get3A_246, %gather3A_199 : vector<16xf32>
          %swap3A_248 = arith.index_cast %add3A_203 : i32 to index
          %swap3A_249 = arith.constant 64 : index
          %swap3A_250 = tpu.vector_load %arg10[%swap3A_248, %swap3A_249] {strides = array<i32>} : memref<128x128xf32, #tpu.memory_space<vmem>>, vector<1x16xf32>,
          %swap3A_251 = vector.shape_cast %swap3A_250 : vector<1x16xf32> to vector<16xf32>
          %swap3A_252 = vector.shape_cast %mul3A_247 : vector<16xf32> to vector<1x16xf32>
          tpu.vector_store %arg10[%swap3A_248, %swap3A_249], %swap3A_252 {strides = array<i32>} : memref<128x128xf32, #tpu.memory_space<vmem>>, vector<1x16xf32>,
          %get3A_253 = arith.index_cast %add3A_203 : i32 to index
          %get3A_254 = arith.constant 80 : index
          %get3A_255 = tpu.vector_load %arg10[%get3A_253, %get3A_254] {strides = array<i32>} : memref<128x128xf32, #tpu.memory_space<vmem>>, vector<1x16xf32>,
          %get3A_256 = vector.shape_cast %get3A_255 : vector<1x16xf32> to vector<16xf32>
          %mul3A_257 = arith.mulf %get3A_256, %gather3A_199 : vector<16xf32>
          %swap3A_258 = arith.index_cast %add3A_203 : i32 to index
          %swap3A_259 = arith.constant 80 : index
          %swap3A_260 = tpu.vector_load %arg10[%swap3A_258, %swap3A_259] {strides = array<i32>} : memref<128x128xf32, #tpu.memory_space<vmem>>, vector<1x16xf32>,
          %swap3A_261 = vector.shape_cast %swap3A_260 : vector<1x16xf32> to vector<16xf32>
          %swap3A_262 = vector.shape_cast %mul3A_257 : vector<16xf32> to vector<1x16xf32>
          tpu.vector_store %arg10[%swap3A_258, %swap3A_259], %swap3A_262 {strides = array<i32>} : memref<128x128xf32, #tpu.memory_space<vmem>>, vector<1x16xf32>,
          %get3A_263 = arith.index_cast %add3A_203 : i32 to index
          %get3A_264 = arith.constant 96 : index
          %get3A_265 = tpu.vector_load %arg10[%get3A_263, %get3A_264] {strides = array<i32>} : memref<128x128xf32, #tpu.memory_space<vmem>>, vector<1x16xf32>,
          %get3A_266 = vector.shape_cast %get3A_265 : vector<1x16xf32> to vector<16xf32>
          %mul3A_267 = arith.mulf %get3A_266, %gather3A_199 : vector<16xf32>
          %swap3A_268 = arith.index_cast %add3A_203 : i32 to index
          %swap3A_269 = arith.constant 96 : index
          %swap3A_270 = tpu.vector_load %arg10[%swap3A_268, %swap3A_269] {strides = array<i32>} : memref<128x128xf32, #tpu.memory_space<vmem>>, vector<1x16xf32>,
          %swap3A_271 = vector.shape_cast %swap3A_270 : vector<1x16xf32> to vector<16xf32>
          %swap3A_272 = vector.shape_cast %mul3A_267 : vector<16xf32> to vector<1x16xf32>
          tpu.vector_store %arg10[%swap3A_268, %swap3A_269], %swap3A_272 {strides = array<i32>} : memref<128x128xf32, #tpu.memory_space<vmem>>, vector<1x16xf32>,
          %get3A_273 = arith.index_cast %add3A_203 : i32 to index
          %get3A_274 = arith.constant 112 : index
          %get3A_275 = tpu.vector_load %arg10[%get3A_273, %get3A_274] {strides = array<i32>} : memref<128x128xf32, #tpu.memory_space<vmem>>, vector<1x16xf32>,
          %get3A_276 = vector.shape_cast %get3A_275 : vector<1x16xf32> to vector<16xf32>
          %mul3A_277 = arith.mulf %get3A_276, %gather3A_199 : vector<16xf32>
          %swap3A_278 = arith.index_cast %add3A_203 : i32 to index
          %swap3A_279 = arith.constant 112 : index
          %swap3A_280 = tpu.vector_load %arg10[%swap3A_278, %swap3A_279] {strides = array<i32>} : memref<128x128xf32, #tpu.memory_space<vmem>>, vector<1x16xf32>,
          %swap3A_281 = vector.shape_cast %swap3A_280 : vector<1x16xf32> to vector<16xf32>
          %swap3A_282 = vector.shape_cast %mul3A_277 : vector<16xf32> to vector<1x16xf32>
          tpu.vector_store %arg10[%swap3A_278, %swap3A_279], %swap3A_282 {strides = array<i32>} : memref<128x128xf32, #tpu.memory_space<vmem>>, vector<1x16xf32>,
          %broadcast_in_dim3A_283 = arith.constant 1 : i32
          %broadcast_in_dim3A_284 = vector.broadcast %broadcast_in_dim3A_283 : i32 to vector<16xi32>
          %lt3A_285 = arith.constant 0 : i32
          %lt3A_286 = vector.broadcast %lt3A_285 : i32 to vector<16xi32>
          %lt3A_287 = arith.cmpi slt, %broadcast_in_dim3A_284, %lt3A_286 : vector<16xi32>
          %add3A_288 = arith.constant 16 : i32
          %add3A_289 = vector.broadcast %add3A_288 : i32 to vector<16xi32>
          %add3A_290 = arith.addi %broadcast_in_dim3A_284, %add3A_289 : vector<16xi32>
          %select_n3A_291 = arith.select %lt3A_287, %add3A_290, %broadcast_in_dim3A_284 : vector<16xi1>, vector<16xi32>
          %broadcast_in_dim3A_292 = vector.shape_cast %select_n3A_291 : vector<16xi32> to vector<16x1xi32>
          %gather3A_293 = vector.shape_cast %broadcast_in_dim3A_292 : vector<16x1xi32> to vector<16xi32>
          %gather3A_294 = tpu.dynamic_gather %get3A_191[%gather3A_293] in [0] : vector<16xf32>, vector<16xi32> -> vector<16xf32>
          %mul3A_295 = arith.constant 16 : i32
          %mul3A_296 = arith.muli %scan3A_186, %mul3A_295 : i32
          %add3A_297 = arith.constant 1 : i32
          %add3A_298 = arith.addi %mul3A_296, %add3A_297 : i32
          %get3A_299 = arith.index_cast %add3A_298 : i32 to index
          %get3A_300 = arith.constant 0 : index
          %get3A_301 = tpu.vector_load %arg10[%get3A_299, %get3A_300] {strides = array<i32>} : memref<128x128xf32, #tpu.memory_space<vmem>>, vector<1x16xf32>,
          %get3A_302 = vector.shape_cast %get3A_301 : vector<1x16xf32> to vector<16xf32>
          %mul3A_303 = arith.mulf %get3A_302, %gather3A_294 : vector<16xf32>
          %swap3A_304 = arith.index_cast %add3A_298 : i32 to index
          %swap3A_305 = arith.constant 0 : index
          %swap3A_306 = tpu.vector_load %arg10[%swap3A_304, %swap3A_305] {strides = array<i32>} : memref<128x128xf32, #tpu.memory_space<vmem>>, vector<1x16xf32>,
          %swap3A_307 = vector.shape_cast %swap3A_306 : vector<1x16xf32> to vector<16xf32>
          %swap3A_308 = vector.shape_cast %mul3A_303 : vector<16xf32> to vector<1x16xf32>
          tpu.vector_store %arg10[%swap3A_304, %swap3A_305], %swap3A_308 {strides = array<i32>} : memref<128x128xf32, #tpu.memory_space<vmem>>, vector<1x16xf32>,
          %get3A_309 = arith.index_cast %add3A_298 : i32 to index
          %get3A_310 = arith.constant 16 : index
          %get3A_311 = tpu.vector_load %arg10[%get3A_309, %get3A_310] {strides = array<i32>} : memref<128x128xf32, #tpu.memory_space<vmem>>, vector<1x16xf32>,
          %get3A_312 = vector.shape_cast %get3A_311 : vector<1x16xf32> to vector<16xf32>
          %mul3A_313 = arith.mulf %get3A_312, %gather3A_294 : vector<16xf32>
          %swap3A_314 = arith.index_cast %add3A_298 : i32 to index
          %swap3A_315 = arith.constant 16 : index
          %swap3A_316 = tpu.vector_load %arg10[%swap3A_314, %swap3A_315] {strides = array<i32>} : memref<128x128xf32, #tpu.memory_space<vmem>>, vector<1x16xf32>,
          %swap3A_317 = vector.shape_cast %swap3A_316 : vector<1x16xf32> to vector<16xf32>
          %swap3A_318 = vector.shape_cast %mul3A_313 : vector<16xf32> to vector<1x16xf32>
          tpu.vector_store %arg10[%swap3A_314, %swap3A_315], %swap3A_318 {strides = array<i32>} : memref<128x128xf32, #tpu.memory_space<vmem>>, vector<1x16xf32>,
          %get3A_319 = arith.index_cast %add3A_298 : i32 to index
          %get3A_320 = arith.constant 32 : index
          %get3A_321 = tpu.vector_load %arg10[%get3A_319, %get3A_320] {strides = array<i32>} : memref<128x128xf32, #tpu.memory_space<vmem>>, vector<1x16xf32>,
          %get3A_322 = vector.shape_cast %get3A_321 : vector<1x16xf32> to vector<16xf32>
          %mul3A_323 = arith.mulf %get3A_322, %gather3A_294 : vector<16xf32>
          %swap3A_324 = arith.index_cast %add3A_298 : i32 to index
          %swap3A_325 = arith.constant 32 : index
          %swap3A_326 = tpu.vector_load %arg10[%swap3A_324, %swap3A_325] {strides = array<i32>} : memref<128x128xf32, #tpu.memory_space<vmem>>, vector<1x16xf32>,
          %swap3A_327 = vector.shape_cast %swap3A_326 : vector<1x16xf32> to vector<16xf32>
          %swap3A_328 = vector.shape_cast %mul3A_323 : vector<16xf32> to vector<1x16xf32>
          tpu.vector_store %arg10[%swap3A_324, %swap3A_325], %swap3A_328 {strides = array<i32>} : memref<128x128xf32, #tpu.memory_space<vmem>>, vector<1x16xf32>,
          %get3A_329 = arith.index_cast %add3A_298 : i32 to index
          %get3A_330 = arith.constant 48 : index
          %get3A_331 = tpu.vector_load %arg10[%get3A_329, %get3A_330] {strides = array<i32>} : memref<128x128xf32, #tpu.memory_space<vmem>>, vector<1x16xf32>,
          %get3A_332 = vector.shape_cast %get3A_331 : vector<1x16xf32> to vector<16xf32>
          %mul3A_333 = arith.mulf %get3A_332, %gather3A_294 : vector<16xf32>
          %swap3A_334 = arith.index_cast %add3A_298 : i32 to index
          %swap3A_335 = arith.constant 48 : index
          %swap3A_336 = tpu.vector_load %arg10[%swap3A_334, %swap3A_335] {strides = array<i32>} : memref<128x128xf32, #tpu.memory_space<vmem>>, vector<1x16xf32>,
          %swap3A_337 = vector.shape_cast %swap3A_336 : vector<1x16xf32> to vector<16xf32>
          %swap3A_338 = vector.shape_cast %mul3A_333 : vector<16xf32> to vector<1x16xf32>
          tpu.vector_store %arg10[%swap3A_334, %swap3A_335], %swap3A_338 {strides = array<i32>} : memref<128x128xf32, #tpu.memory_space<vmem>>, vector<1x16xf32>,
          %get3A_339 = arith.index_cast %add3A_298 : i32 to index
          %get3A_340 = arith.constant 64 : index
          %get3A_341 = tpu.vector_load %arg10[%get3A_339, %get3A_340] {strides = array<i32>} : memref<128x128xf32, #tpu.memory_space<vmem>>, vector<1x16xf32>,
          %get3A_342 = vector.shape_cast %get3A_341 : vector<1x16xf32> to vector<16xf32>
          %mul3A_343 = arith.mulf %get3A_342, %gather3A_294 : vector<16xf32>
          %swap3A_344 = arith.index_cast %add3A_298 : i32 to index
          %swap3A_345 = arith.constant 64 : index
          %swap3A_346 = tpu.vector_load %arg10[%swap3A_344, %swap3A_345] {strides = array<i32>} : memref<128x128xf32, #tpu.memory_space<vmem>>, vector<1x16xf32>,
          %swap3A_347 = vector.shape_cast %swap3A_346 : vector<1x16xf32> to vector<16xf32>
          %swap3A_348 = vector.shape_cast %mul3A_343 : vector<16xf32> to vector<1x16xf32>
          tpu.vector_store %arg10[%swap3A_344, %swap3A_345], %swap3A_348 {strides = array<i32>} : memref<128x128xf32, #tpu.memory_space<vmem>>, vector<1x16xf32>,
          %get3A_349 = arith.index_cast %add3A_298 : i32 to index
          %get3A_350 = arith.constant 80 : index
          %get3A_351 = tpu.vector_load %arg10[%get3A_349, %get3A_350] {strides = array<i32>} : memref<128x128xf32, #tpu.memory_space<vmem>>, vector<1x16xf32>,
          %get3A_352 = vector.shape_cast %get3A_351 : vector<1x16xf32> to vector<16xf32>
          %mul3A_353 = arith.mulf %get3A_352, %gather3A_294 : vector<16xf32>
          %swap3A_354 = arith.index_cast %add3A_298 : i32 to index
          %swap3A_355 = arith.constant 80 : index
          %swap3A_356 = tpu.vector_load %arg10[%swap3A_354, %swap3A_355] {strides = array<i32>} : memref<128x128xf32, #tpu.memory_space<vmem>>, vector<1x16xf32>,
          %swap3A_357 = vector.shape_cast %swap3A_356 : vector<1x16xf32> to vector<16xf32>
          %swap3A_358 = vector.shape_cast %mul3A_353 : vector<16xf32> to vector<1x16xf32>
          tpu.vector_store %arg10[%swap3A_354, %swap3A_355], %swap3A_358 {strides = array<i32>} : memref<128x128xf32, #tpu.memory_space<vmem>>, vector<1x16xf32>,
          %get3A_359 = arith.index_cast %add3A_298 : i32 to index
          %get3A_360 = arith.constant 96 : index
          %get3A_361 = tpu.vector_load %arg10[%get3A_359, %get3A_360] {strides = array<i32>} : memref<128x128xf32, #tpu.memory_space<vmem>>, vector<1x16xf32>,
          %get3A_362 = vector.shape_cast %get3A_361 : vector<1x16xf32> to vector<16xf32>
          %mul3A_363 = arith.mulf %get3A_362, %gather3A_294 : vector<16xf32>
          %swap3A_364 = arith.index_cast %add3A_298 : i32 to index
          %swap3A_365 = arith.constant 96 : index
          %swap3A_366 = tpu.vector_load %arg10[%swap3A_364, %swap3A_365] {strides = array<i32>} : memref<128x128xf32, #tpu.memory_space<vmem>>, vector<1x16xf32>,
          %swap3A_367 = vector.shape_cast %swap3A_366 : vector<1x16xf32> to vector<16xf32>
          %swap3A_368 = vector.shape_cast %mul3A_363 : vector<16xf32> to vector<1x16xf32>
          tpu.vector_store %arg10[%swap3A_364, %swap3A_365], %swap3A_368 {strides = array<i32>} : memref<128x128xf32, #tpu.memory_space<vmem>>, vector<1x16xf32>,
          %get3A_369 = arith.index_cast %add3A_298 : i32 to index
          %get3A_370 = arith.constant 112 : index
          %get3A_371 = tpu.vector_load %arg10[%get3A_369, %get3A_370] {strides = array<i32>} : memref<128x128xf32, #tpu.memory_space<vmem>>, vector<1x16xf32>,
          %get3A_372 = vector.shape_cast %get3A_371 : vector<1x16xf32> to vector<16xf32>
          %mul3A_373 = arith.mulf %get3A_372, %gather3A_294 : vector<16xf32>
          %swap3A_374 = arith.index_cast %add3A_298 : i32 to index
          %swap3A_375 = arith.constant 112 : index
          %swap3A_376 = tpu.vector_load %arg10[%swap3A_374, %swap3A_375] {strides = array<i32>} : memref<128x128xf32, #tpu.memory_space<vmem>>, vector<1x16xf32>,
          %swap3A_377 = vector.shape_cast %swap3A_376 : vector<1x16xf32> to vector<16xf32>
          %swap3A_378 = vector.shape_cast %mul3A_373 : vector<16xf32> to vector<1x16xf32>
          tpu.vector_store %arg10[%swap3A_374, %swap3A_375], %swap3A_378 {strides = array<i32>} : memref<128x128xf32, #tpu.memory_space<vmem>>, vector<1x16xf32>,
          %broadcast_in_dim3A_379 = arith.constant 2 : i32
          %broadcast_in_dim3A_380 = vector.broadcast %broadcast_in_dim3A_379 : i32 to vector<16xi32>
          %lt3A_381 = arith.constant 0 : i32
          %lt3A_382 = vector.broadcast %lt3A_381 : i32 to vector<16xi32>
          %lt3A_383 = arith.cmpi slt, %broadcast_in_dim3A_380, %lt3A_382 : vector<16xi32>
          %add3A_384 = arith.constant 16 : i32
          %add3A_385 = vector.broadcast %add3A_384 : i32 to vector<16xi32>
          %add3A_386 = arith.addi %broadcast_in_dim3A_380, %add3A_385 : vector<16xi32>
          %select_n3A_387 = arith.select %lt3A_383, %add3A_386, %broadcast_in_dim3A_380 : vector<16xi1>, vector<16xi32>
          %broadcast_in_dim3A_388 = vector.shape_cast %select_n3A_387 : vector<16xi32> to vector<16x1xi32>
          %gather3A_389 = vector.shape_cast %broadcast_in_dim3A_388 : vector<16x1xi32> to vector<16xi32>
          %gather3A_390 = tpu.dynamic_gather %get3A_191[%gather3A_389] in [0] : vector<16xf32>, vector<16xi32> -> vector<16xf32>
          %mul3A_391 = arith.constant 16 : i32
          %mul3A_392 = arith.muli %scan3A_186, %mul3A_391 : i32
          %add3A_393 = arith.constant 2 : i32
          %add3A_394 = arith.addi %mul3A_392, %add3A_393 : i32
          %get3A_395 = arith.index_cast %add3A_394 : i32 to index
          %get3A_396 = arith.constant 0 : index
          %get3A_397 = tpu.vector_load %arg10[%get3A_395, %get3A_396] {strides = array<i32>} : memref<128x128xf32, #tpu.memory_space<vmem>>, vector<1x16xf32>,
          %get3A_398 = vector.shape_cast %get3A_397 : vector<1x16xf32> to vector<16xf32>
          %mul3A_399 = arith.mulf %get3A_398, %gather3A_390 : vector<16xf32>
          %swap3A_400 = arith.index_cast %add3A_394 : i32 to index
          %swap3A_401 = arith.constant 0 : index
          %swap3A_402 = tpu.vector_load %arg10[%swap3A_400, %swap3A_401] {strides = array<i32>} : memref<128x128xf32, #tpu.memory_space<vmem>>, vector<1x16xf32>,
          %swap3A_403 = vector.shape_cast %swap3A_402 : vector<1x16xf32> to vector<16xf32>
          %swap3A_404 = vector.shape_cast %mul3A_399 : vector<16xf32> to vector<1x16xf32>
          tpu.vector_store %arg10[%swap3A_400, %swap3A_401], %swap3A_404 {strides = array<i32>} : memref<128x128xf32, #tpu.memory_space<vmem>>, vector<1x16xf32>,
          %get3A_405 = arith.index_cast %add3A_394 : i32 to index
          %get3A_406 = arith.constant 16 : index
          %get3A_407 = tpu.vector_load %arg10[%get3A_405, %get3A_406] {strides = array<i32>} : memref<128x128xf32, #tpu.memory_space<vmem>>, vector<1x16xf32>,
          %get3A_408 = vector.shape_cast %get3A_407 : vector<1x16xf32> to vector<16xf32>
          %mul3A_409 = arith.mulf %get3A_408, %gather3A_390 : vector<16xf32>
          %swap3A_410 = arith.index_cast %add3A_394 : i32 to index
          %swap3A_411 = arith.constant 16 : index
          %swap3A_412 = tpu.vector_load %arg10[%swap3A_410, %swap3A_411] {strides = array<i32>} : memref<128x128xf32, #tpu.memory_space<vmem>>, vector<1x16xf32>,
          %swap3A_413 = vector.shape_cast %swap3A_412 : vector<1x16xf32> to vector<16xf32>
          %swap3A_414 = vector.shape_cast %mul3A_409 : vector<16xf32> to vector<1x16xf32>
          tpu.vector_store %arg10[%swap3A_410, %swap3A_411], %swap3A_414 {strides = array<i32>} : memref<128x128xf32, #tpu.memory_space<vmem>>, vector<1x16xf32>,
          %get3A_415 = arith.index_cast %add3A_394 : i32 to index
          %get3A_416 = arith.constant 32 : index
          %get3A_417 = tpu.vector_load %arg10[%get3A_415, %get3A_416] {strides = array<i32>} : memref<128x128xf32, #tpu.memory_space<vmem>>, vector<1x16xf32>,
          %get3A_418 = vector.shape_cast %get3A_417 : vector<1x16xf32> to vector<16xf32>
          %mul3A_419 = arith.mulf %get3A_418, %gather3A_390 : vector<16xf32>
          %swap3A_420 = arith.index_cast %add3A_394 : i32 to index
          %swap3A_421 = arith.constant 32 : index
          %swap3A_422 = tpu.vector_load %arg10[%swap3A_420, %swap3A_421] {strides = array<i32>} : memref<128x128xf32, #tpu.memory_space<vmem>>, vector<1x16xf32>,
          %swap3A_423 = vector.shape_cast %swap3A_422 : vector<1x16xf32> to vector<16xf32>
          %swap3A_424 = vector.shape_cast %mul3A_419 : vector<16xf32> to vector<1x16xf32>
          tpu.vector_store %arg10[%swap3A_420, %swap3A_421], %swap3A_424 {strides = array<i32>} : memref<128x128xf32, #tpu.memory_space<vmem>>, vector<1x16xf32>,
          %get3A_425 = arith.index_cast %add3A_394 : i32 to index
          %get3A_426 = arith.constant 48 : index
          %get3A_427 = tpu.vector_load %arg10[%get3A_425, %get3A_426] {strides = array<i32>} : memref<128x128xf32, #tpu.memory_space<vmem>>, vector<1x16xf32>,
          %get3A_428 = vector.shape_cast %get3A_427 : vector<1x16xf32> to vector<16xf32>
          %mul3A_429 = arith.mulf %get3A_428, %gather3A_390 : vector<16xf32>
          %swap3A_430 = arith.index_cast %add3A_394 : i32 to index
          %swap3A_431 = arith.constant 48 : index
          %swap3A_432 = tpu.vector_load %arg10[%swap3A_430, %swap3A_431] {strides = array<i32>} : memref<128x128xf32, #tpu.memory_space<vmem>>, vector<1x16xf32>,
          %swap3A_433 = vector.shape_cast %swap3A_432 : vector<1x16xf32> to vector<16xf32>
          %swap3A_434 = vector.shape_cast %mul3A_429 : vector<16xf32> to vector<1x16xf32>
          tpu.vector_store %arg10[%swap3A_430, %swap3A_431], %swap3A_434 {strides = array<i32>} : memref<128x128xf32, #tpu.memory_space<vmem>>, vector<1x16xf32>,
          %get3A_435 = arith.index_cast %add3A_394 : i32 to index
          %get3A_436 = arith.constant 64 : index
          %get3A_437 = tpu.vector_load %arg10[%get3A_435, %get3A_436] {strides = array<i32>} : memref<128x128xf32, #tpu.memory_space<vmem>>, vector<1x16xf32>,
          %get3A_438 = vector.shape_cast %get3A_437 : vector<1x16xf32> to vector<16xf32>
          %mul3A_439 = arith.mulf %get3A_438, %gather3A_390 : vector<16xf32>
          %swap3A_440 = arith.index_cast %add3A_394 : i32 to index
          %swap3A_441 = arith.constant 64 : index
          %swap3A_442 = tpu.vector_load %arg10[%swap3A_440, %swap3A_441] {strides = array<i32>} : memref<128x128xf32, #tpu.memory_space<vmem>>, vector<1x16xf32>,
          %swap3A_443 = vector.shape_cast %swap3A_442 : vector<1x16xf32> to vector<16xf32>
          %swap3A_444 = vector.shape_cast %mul3A_439 : vector<16xf32> to vector<1x16xf32>
          tpu.vector_store %arg10[%swap3A_440, %swap3A_441], %swap3A_444 {strides = array<i32>} : memref<128x128xf32, #tpu.memory_space<vmem>>, vector<1x16xf32>,
          %get3A_445 = arith.index_cast %add3A_394 : i32 to index
          %get3A_446 = arith.constant 80 : index
          %get3A_447 = tpu.vector_load %arg10[%get3A_445, %get3A_446] {strides = array<i32>} : memref<128x128xf32, #tpu.memory_space<vmem>>, vector<1x16xf32>,
          %get3A_448 = vector.shape_cast %get3A_447 : vector<1x16xf32> to vector<16xf32>
          %mul3A_449 = arith.mulf %get3A_448, %gather3A_390 : vector<16xf32>
          %swap3A_450 = arith.index_cast %add3A_394 : i32 to index
          %swap3A_451 = arith.constant 80 : index
          %swap3A_452 = tpu.vector_load %arg10[%swap3A_450, %swap3A_451] {strides = array<i32>} : memref<128x128xf32, #tpu.memory_space<vmem>>, vector<1x16xf32>,
          %swap3A_453 = vector.shape_cast %swap3A_452 : vector<1x16xf32> to vector<16xf32>
          %swap3A_454 = vector.shape_cast %mul3A_449 : vector<16xf32> to vector<1x16xf32>
          tpu.vector_store %arg10[%swap3A_450, %swap3A_451], %swap3A_454 {strides = array<i32>} : memref<128x128xf32, #tpu.memory_space<vmem>>, vector<1x16xf32>,
          %get3A_455 = arith.index_cast %add3A_394 : i32 to index
          %get3A_456 = arith.constant 96 : index
          %get3A_457 = tpu.vector_load %arg10[%get3A_455, %get3A_456] {strides = array<i32>} : memref<128x128xf32, #tpu.memory_space<vmem>>, vector<1x16xf32>,
          %get3A_458 = vector.shape_cast %get3A_457 : vector<1x16xf32> to vector<16xf32>
          %mul3A_459 = arith.mulf %get3A_458, %gather3A_390 : vector<16xf32>
          %swap3A_460 = arith.index_cast %add3A_394 : i32 to index
          %swap3A_461 = arith.constant 96 : index
          %swap3A_462 = tpu.vector_load %arg10[%swap3A_460, %swap3A_461] {strides = array<i32>} : memref<128x128xf32, #tpu.memory_space<vmem>>, vector<1x16xf32>,
          %swap3A_463 = vector.shape_cast %swap3A_462 : vector<1x16xf32> to vector<16xf32>
          %swap3A_464 = vector.shape_cast %mul3A_459 : vector<16xf32> to vector<1x16xf32>
          tpu.vector_store %arg10[%swap3A_460, %swap3A_461], %swap3A_464 {strides = array<i32>} : memref<128x128xf32, #tpu.memory_space<vmem>>, vector<1x16xf32>,
          %get3A_465 = arith.index_cast %add3A_394 : i32 to index
          %get3A_466 = arith.constant 112 : index
          %get3A_467 = tpu.vector_load %arg10[%get3A_465, %get3A_466] {strides = array<i32>} : memref<128x128xf32, #tpu.memory_space<vmem>>, vector<1x16xf32>,
          %get3A_468 = vector.shape_cast %get3A_467 : vector<1x16xf32> to vector<16xf32>
          %mul3A_469 = arith.mulf %get3A_468, %gather3A_390 : vector<16xf32>
          %swap3A_470 = arith.index_cast %add3A_394 : i32 to index
          %swap3A_471 = arith.constant 112 : index
          %swap3A_472 = tpu.vector_load %arg10[%swap3A_470, %swap3A_471] {strides = array<i32>} : memref<128x128xf32, #tpu.memory_space<vmem>>, vector<1x16xf32>,
          %swap3A_473 = vector.shape_cast %swap3A_472 : vector<1x16xf32> to vector<16xf32>
          %swap3A_474 = vector.shape_cast %mul3A_469 : vector<16xf32> to vector<1x16xf32>
          tpu.vector_store %arg10[%swap3A_470, %swap3A_471], %swap3A_474 {strides = array<i32>} : memref<128x128xf32, #tpu.memory_space<vmem>>, vector<1x16xf32>,
          %broadcast_in_dim3A_475 = arith.constant 3 : i32
          %broadcast_in_dim3A_476 = vector.broadcast %broadcast_in_dim3A_475 : i32 to vector<16xi32>
          %lt3A_477 = arith.constant 0 : i32
          %lt3A_478 = vector.broadcast %lt3A_477 : i32 to vector<16xi32>
          %lt3A_479 = arith.cmpi slt, %broadcast_in_dim3A_476, %lt3A_478 : vector<16xi32>
          %add3A_480 = arith.constant 16 : i32
          %add3A_481 = vector.broadcast %add3A_480 : i32 to vector<16xi32>
          %add3A_482 = arith.addi %broadcast_in_dim3A_476, %add3A_481 : vector<16xi32>
          %select_n3A_483 = arith.select %lt3A_479, %add3A_482, %broadcast_in_dim3A_476 : vector<16xi1>, vector<16xi32>
          %broadcast_in_dim3A_484 = vector.shape_cast %select_n3A_483 : vector<16xi32> to vector<16x1xi32>
          %gather3A_485 = vector.shape_cast %broadcast_in_dim3A_484 : vector<16x1xi32> to vector<16xi32>
          %gather3A_486 = tpu.dynamic_gather %get3A_191[%gather3A_485] in [0] : vector<16xf32>, vector<16xi32> -> vector<16xf32>
          %mul3A_487 = arith.constant 16 : i32
          %mul3A_488 = arith.muli %scan3A_186, %mul3A_487 : i32
          %add3A_489 = arith.constant 3 : i32
          %add3A_490 = arith.addi %mul3A_488, %add3A_489 : i32
          %get3A_491 = arith.index_cast %add3A_490 : i32 to index
          %get3A_492 = arith.constant 0 : index
          %get3A_493 = tpu.vector_load %arg10[%get3A_491, %get3A_492] {strides = array<i32>} : memref<128x128xf32, #tpu.memory_space<vmem>>, vector<1x16xf32>,
          %get3A_494 = vector.shape_cast %get3A_493 : vector<1x16xf32> to vector<16xf32>
          %mul3A_495 = arith.mulf %get3A_494, %gather3A_486 : vector<16xf32>
          %swap3A_496 = arith.index_cast %add3A_490 : i32 to index
          %swap3A_497 = arith.constant 0 : index
          %swap3A_498 = tpu.vector_load %arg10[%swap3A_496, %swap3A_497] {strides = array<i32>} : memref<128x128xf32, #tpu.memory_space<vmem>>, vector<1x16xf32>,
          %swap3A_499 = vector.shape_cast %swap3A_498 : vector<1x16xf32> to vector<16xf32>
          %swap3A_500 = vector.shape_cast %mul3A_495 : vector<16xf32> to vector<1x16xf32>
          tpu.vector_store %arg10[%swap3A_496, %swap3A_497], %swap3A_500 {strides = array<i32>} : memref<128x128xf32, #tpu.memory_space<vmem>>, vector<1x16xf32>,
          %get3A_501 = arith.index_cast %add3A_490 : i32 to index
          %get3A_502 = arith.constant 16 : index
          %get3A_503 = tpu.vector_load %arg10[%get3A_501, %get3A_502] {strides = array<i32>} : memref<128x128xf32, #tpu.memory_space<vmem>>, vector<1x16xf32>,
          %get3A_504 = vector.shape_cast %get3A_503 : vector<1x16xf32> to vector<16xf32>
          %mul3A_505 = arith.mulf %get3A_504, %gather3A_486 : vector<16xf32>
          %swap3A_506 = arith.index_cast %add3A_490 : i32 to index
          %swap3A_507 = arith.constant 16 : index
          %swap3A_508 = tpu.vector_load %arg10[%swap3A_506, %swap3A_507] {strides = array<i32>} : memref<128x128xf32, #tpu.memory_space<vmem>>, vector<1x16xf32>,
          %swap3A_509 = vector.shape_cast %swap3A_508 : vector<1x16xf32> to vector<16xf32>
          %swap3A_510 = vector.shape_cast %mul3A_505 : vector<16xf32> to vector<1x16xf32>
          tpu.vector_store %arg10[%swap3A_506, %swap3A_507], %swap3A_510 {strides = array<i32>} : memref<128x128xf32, #tpu.memory_space<vmem>>, vector<1x16xf32>,
          %get3A_511 = arith.index_cast %add3A_490 : i32 to index
          %get3A_512 = arith.constant 32 : index
          %get3A_513 = tpu.vector_load %arg10[%get3A_511, %get3A_512] {strides = array<i32>} : memref<128x128xf32, #tpu.memory_space<vmem>>, vector<1x16xf32>,
          %get3A_514 = vector.shape_cast %get3A_513 : vector<1x16xf32> to vector<16xf32>
          %mul3A_515 = arith.mulf %get3A_514, %gather3A_486 : vector<16xf32>
          %swap3A_516 = arith.index_cast %add3A_490 : i32 to index
          %swap3A_517 = arith.constant 32 : index
          %swap3A_518 = tpu.vector_load %arg10[%swap3A_516, %swap3A_517] {strides = array<i32>} : memref<128x128xf32, #tpu.memory_space<vmem>>, vector<1x16xf32>,
          %swap3A_519 = vector.shape_cast %swap3A_518 : vector<1x16xf32> to vector<16xf32>
          %swap3A_520 = vector.shape_cast %mul3A_515 : vector<16xf32> to vector<1x16xf32>
          tpu.vector_store %arg10[%swap3A_516, %swap3A_517], %swap3A_520 {strides = array<i32>} : memref<128x128xf32, #tpu.memory_space<vmem>>, vector<1x16xf32>,
          %get3A_521 = arith.index_cast %add3A_490 : i32 to index
          %get3A_522 = arith.constant 48 : index
          %get3A_523 = tpu.vector_load %arg10[%get3A_521, %get3A_522] {strides = array<i32>} : memref<128x128xf32, #tpu.memory_space<vmem>>, vector<1x16xf32>,
          %get3A_524 = vector.shape_cast %get3A_523 : vector<1x16xf32> to vector<16xf32>
          %mul3A_525 = arith.mulf %get3A_524, %gather3A_486 : vector<16xf32>
          %swap3A_526 = arith.index_cast %add3A_490 : i32 to index
          %swap3A_527 = arith.constant 48 : index
          %swap3A_528 = tpu.vector_load %arg10[%swap3A_526, %swap3A_527] {strides = array<i32>} : memref<128x128xf32, #tpu.memory_space<vmem>>, vector<1x16xf32>,
          %swap3A_529 = vector.shape_cast %swap3A_528 : vector<1x16xf32> to vector<16xf32>
          %swap3A_530 = vector.shape_cast %mul3A_525 : vector<16xf32> to vector<1x16xf32>
          tpu.vector_store %arg10[%swap3A_526, %swap3A_527], %swap3A_530 {strides = array<i32>} : memref<128x128xf32, #tpu.memory_space<vmem>>, vector<1x16xf32>,
          %get3A_531 = arith.index_cast %add3A_490 : i32 to index
          %get3A_532 = arith.constant 64 : index
          %get3A_533 = tpu.vector_load %arg10[%get3A_531, %get3A_532] {strides = array<i32>} : memref<128x128xf32, #tpu.memory_space<vmem>>, vector<1x16xf32>,
          %get3A_534 = vector.shape_cast %get3A_533 : vector<1x16xf32> to vector<16xf32>
          %mul3A_535 = arith.mulf %get3A_534, %gather3A_486 : vector<16xf32>
          %swap3A_536 = arith.index_cast %add3A_490 : i32 to index
          %swap3A_537 = arith.constant 64 : index
          %swap3A_538 = tpu.vector_load %arg10[%swap3A_536, %swap3A_537] {strides = array<i32>} : memref<128x128xf32, #tpu.memory_space<vmem>>, vector<1x16xf32>,
          %swap3A_539 = vector.shape_cast %swap3A_538 : vector<1x16xf32> to vector<16xf32>
          %swap3A_540 = vector.shape_cast %mul3A_535 : vector<16xf32> to vector<1x16xf32>
          tpu.vector_store %arg10[%swap3A_536, %swap3A_537], %swap3A_540 {strides = array<i32>} : memref<128x128xf32, #tpu.memory_space<vmem>>, vector<1x16xf32>,
          %get3A_541 = arith.index_cast %add3A_490 : i32 to index
          %get3A_542 = arith.constant 80 : index
          %get3A_543 = tpu.vector_load %arg10[%get3A_541, %get3A_542] {strides = array<i32>} : memref<128x128xf32, #tpu.memory_space<vmem>>, vector<1x16xf32>,
          %get3A_544 = vector.shape_cast %get3A_543 : vector<1x16xf32> to vector<16xf32>
          %mul3A_545 = arith.mulf %get3A_544, %gather3A_486 : vector<16xf32>
          %swap3A_546 = arith.index_cast %add3A_490 : i32 to index
          %swap3A_547 = arith.constant 80 : index
          %swap3A_548 = tpu.vector_load %arg10[%swap3A_546, %swap3A_547] {strides = array<i32>} : memref<128x128xf32, #tpu.memory_space<vmem>>, vector<1x16xf32>,
          %swap3A_549 = vector.shape_cast %swap3A_548 : vector<1x16xf32> to vector<16xf32>
          %swap3A_550 = vector.shape_cast %mul3A_545 : vector<16xf32> to vector<1x16xf32>
          tpu.vector_store %arg10[%swap3A_546, %swap3A_547], %swap3A_550 {strides = array<i32>} : memref<128x128xf32, #tpu.memory_space<vmem>>, vector<1x16xf32>,
          %get3A_551 = arith.index_cast %add3A_490 : i32 to index
          %get3A_552 = arith.constant 96 : index
          %get3A_553 = tpu.vector_load %arg10[%get3A_551, %get3A_552] {strides = array<i32>} : memref<128x128xf32, #tpu.memory_space<vmem>>, vector<1x16xf32>,
          %get3A_554 = vector.shape_cast %get3A_553 : vector<1x16xf32> to vector<16xf32>
          %mul3A_555 = arith.mulf %get3A_554, %gather3A_486 : vector<16xf32>
          %swap3A_556 = arith.index_cast %add3A_490 : i32 to index
          %swap3A_557 = arith.constant 96 : index
          %swap3A_558 = tpu.vector_load %arg10[%swap3A_556, %swap3A_557] {strides = array<i32>} : memref<128x128xf32, #tpu.memory_space<vmem>>, vector<1x16xf32>,
          %swap3A_559 = vector.shape_cast %swap3A_558 : vector<1x16xf32> to vector<16xf32>
          %swap3A_560 = vector.shape_cast %mul3A_555 : vector<16xf32> to vector<1x16xf32>
          tpu.vector_store %arg10[%swap3A_556, %swap3A_557], %swap3A_560 {strides = array<i32>} : memref<128x128xf32, #tpu.memory_space<vmem>>, vector<1x16xf32>,
          %get3A_561 = arith.index_cast %add3A_490 : i32 to index
          %get3A_562 = arith.constant 112 : index
          %get3A_563 = tpu.vector_load %arg10[%get3A_561, %get3A_562] {strides = array<i32>} : memref<128x128xf32, #tpu.memory_space<vmem>>, vector<1x16xf32>,
          %get3A_564 = vector.shape_cast %get3A_563 : vector<1x16xf32> to vector<16xf32>
          %mul3A_565 = arith.mulf %get3A_564, %gather3A_486 : vector<16xf32>
          %swap3A_566 = arith.index_cast %add3A_490 : i32 to index
          %swap3A_567 = arith.constant 112 : index
          %swap3A_568 = tpu.vector_load %arg10[%swap3A_566, %swap3A_567] {strides = array<i32>} : memref<128x128xf32, #tpu.memory_space<vmem>>, vector<1x16xf32>,
          %swap3A_569 = vector.shape_cast %swap3A_568 : vector<1x16xf32> to vector<16xf32>
          %swap3A_570 = vector.shape_cast %mul3A_565 : vector<16xf32> to vector<1x16xf32>
          tpu.vector_store %arg10[%swap3A_566, %swap3A_567], %swap3A_570 {strides = array<i32>} : memref<128x128xf32, #tpu.memory_space<vmem>>, vector<1x16xf32>,
          %broadcast_in_dim3A_571 = arith.constant 4 : i32
          %broadcast_in_dim3A_572 = vector.broadcast %broadcast_in_dim3A_571 : i32 to vector<16xi32>
          %lt3A_573 = arith.constant 0 : i32
          %lt3A_574 = vector.broadcast %lt3A_573 : i32 to vector<16xi32>
          %lt3A_575 = arith.cmpi slt, %broadcast_in_dim3A_572, %lt3A_574 : vector<16xi32>
          %add3A_576 = arith.constant 16 : i32
          %add3A_577 = vector.broadcast %add3A_576 : i32 to vector<16xi32>
          %add3A_578 = arith.addi %broadcast_in_dim3A_572, %add3A_577 : vector<16xi32>
          %select_n3A_579 = arith.select %lt3A_575, %add3A_578, %broadcast_in_dim3A_572 : vector<16xi1>, vector<16xi32>
          %broadcast_in_dim3A_580 = vector.shape_cast %select_n3A_579 : vector<16xi32> to vector<16x1xi32>
          %gather3A_581 = vector.shape_cast %broadcast_in_dim3A_580 : vector<16x1xi32> to vector<16xi32>
          %gather3A_582 = tpu.dynamic_gather %get3A_191[%gather3A_581] in [0] : vector<16xf32>, vector<16xi32> -> vector<16xf32>
          %mul3A_583 = arith.constant 16 : i32
          %mul3A_584 = arith.muli %scan3A_186, %mul3A_583 : i32
          %add3A_585 = arith.constant 4 : i32
          %add3A_586 = arith.addi %mul3A_584, %add3A_585 : i32
          %get3A_587 = arith.index_cast %add3A_586 : i32 to index
          %get3A_588 = arith.constant 0 : index
          %get3A_589 = tpu.vector_load %arg10[%get3A_587, %get3A_588] {strides = array<i32>} : memref<128x128xf32, #tpu.memory_space<vmem>>, vector<1x16xf32>,
          %get3A_590 = vector.shape_cast %get3A_589 : vector<1x16xf32> to vector<16xf32>
          %mul3A_591 = arith.mulf %get3A_590, %gather3A_582 : vector<16xf32>
          %swap3A_592 = arith.index_cast %add3A_586 : i32 to index
          %swap3A_593 = arith.constant 0 : index
          %swap3A_594 = tpu.vector_load %arg10[%swap3A_592, %swap3A_593] {strides = array<i32>} : memref<128x128xf32, #tpu.memory_space<vmem>>, vector<1x16xf32>,
          %swap3A_595 = vector.shape_cast %swap3A_594 : vector<1x16xf32> to vector<16xf32>
          %swap3A_596 = vector.shape_cast %mul3A_591 : vector<16xf32> to vector<1x16xf32>
          tpu.vector_store %arg10[%swap3A_592, %swap3A_593], %swap3A_596 {strides = array<i32>} : memref<128x128xf32, #tpu.memory_space<vmem>>, vector<1x16xf32>,
          %get3A_597 = arith.index_cast %add3A_586 : i32 to index
          %get3A_598 = arith.constant 16 : index
          %get3A_599 = tpu.vector_load %arg10[%get3A_597, %get3A_598] {strides = array<i32>} : memref<128x128xf32, #tpu.memory_space<vmem>>, vector<1x16xf32>,
          %get3A_600 = vector.shape_cast %get3A_599 : vector<1x16xf32> to vector<16xf32>
          %mul3A_601 = arith.mulf %get3A_600, %gather3A_582 : vector<16xf32>
          %swap3A_602 = arith.index_cast %add3A_586 : i32 to index
          %swap3A_603 = arith.constant 16 : index
          %swap3A_604 = tpu.vector_load %arg10[%swap3A_602, %swap3A_603] {strides = array<i32>} : memref<128x128xf32, #tpu.memory_space<vmem>>, vector<1x16xf32>,
          %swap3A_605 = vector.shape_cast %swap3A_604 : vector<1x16xf32> to vector<16xf32>
          %swap3A_606 = vector.shape_cast %mul3A_601 : vector<16xf32> to vector<1x16xf32>
          tpu.vector_store %arg10[%swap3A_602, %swap3A_603], %swap3A_606 {strides = array<i32>} : memref<128x128xf32, #tpu.memory_space<vmem>>, vector<1x16xf32>,
          %get3A_607 = arith.index_cast %add3A_586 : i32 to index
          %get3A_608 = arith.constant 32 : index
          %get3A_609 = tpu.vector_load %arg10[%get3A_607, %get3A_608] {strides = array<i32>} : memref<128x128xf32, #tpu.memory_space<vmem>>, vector<1x16xf32>,
          %get3A_610 = vector.shape_cast %get3A_609 : vector<1x16xf32> to vector<16xf32>
          %mul3A_611 = arith.mulf %get3A_610, %gather3A_582 : vector<16xf32>
          %swap3A_612 = arith.index_cast %add3A_586 : i32 to index
          %swap3A_613 = arith.constant 32 : index
          %swap3A_614 = tpu.vector_load %arg10[%swap3A_612, %swap3A_613] {strides = array<i32>} : memref<128x128xf32, #tpu.memory_space<vmem>>, vector<1x16xf32>,
          %swap3A_615 = vector.shape_cast %swap3A_614 : vector<1x16xf32> to vector<16xf32>
          %swap3A_616 = vector.shape_cast %mul3A_611 : vector<16xf32> to vector<1x16xf32>
          tpu.vector_store %arg10[%swap3A_612, %swap3A_613], %swap3A_616 {strides = array<i32>} : memref<128x128xf32, #tpu.memory_space<vmem>>, vector<1x16xf32>,
          %get3A_617 = arith.index_cast %add3A_586 : i32 to index
          %get3A_618 = arith.constant 48 : index
          %get3A_619 = tpu.vector_load %arg10[%get3A_617, %get3A_618] {strides = array<i32>} : memref<128x128xf32, #tpu.memory_space<vmem>>, vector<1x16xf32>,
          %get3A_620 = vector.shape_cast %get3A_619 : vector<1x16xf32> to vector<16xf32>
          %mul3A_621 = arith.mulf %get3A_620, %gather3A_582 : vector<16xf32>
          %swap3A_622 = arith.index_cast %add3A_586 : i32 to index
          %swap3A_623 = arith.constant 48 : index
          %swap3A_624 = tpu.vector_load %arg10[%swap3A_622, %swap3A_623] {strides = array<i32>} : memref<128x128xf32, #tpu.memory_space<vmem>>, vector<1x16xf32>,
          %swap3A_625 = vector.shape_cast %swap3A_624 : vector<1x16xf32> to vector<16xf32>
          %swap3A_626 = vector.shape_cast %mul3A_621 : vector<16xf32> to vector<1x16xf32>
          tpu.vector_store %arg10[%swap3A_622, %swap3A_623], %swap3A_626 {strides = array<i32>} : memref<128x128xf32, #tpu.memory_space<vmem>>, vector<1x16xf32>,
          %get3A_627 = arith.index_cast %add3A_586 : i32 to index
          %get3A_628 = arith.constant 64 : index
          %get3A_629 = tpu.vector_load %arg10[%get3A_627, %get3A_628] {strides = array<i32>} : memref<128x128xf32, #tpu.memory_space<vmem>>, vector<1x16xf32>,
          %get3A_630 = vector.shape_cast %get3A_629 : vector<1x16xf32> to vector<16xf32>
          %mul3A_631 = arith.mulf %get3A_630, %gather3A_582 : vector<16xf32>
          %swap3A_632 = arith.index_cast %add3A_586 : i32 to index
          %swap3A_633 = arith.constant 64 : index
          %swap3A_634 = tpu.vector_load %arg10[%swap3A_632, %swap3A_633] {strides = array<i32>} : memref<128x128xf32, #tpu.memory_space<vmem>>, vector<1x16xf32>,
          %swap3A_635 = vector.shape_cast %swap3A_634 : vector<1x16xf32> to vector<16xf32>
          %swap3A_636 = vector.shape_cast %mul3A_631 : vector<16xf32> to vector<1x16xf32>
          tpu.vector_store %arg10[%swap3A_632, %swap3A_633], %swap3A_636 {strides = array<i32>} : memref<128x128xf32, #tpu.memory_space<vmem>>, vector<1x16xf32>,
          %get3A_637 = arith.index_cast %add3A_586 : i32 to index
          %get3A_638 = arith.constant 80 : index
          %get3A_639 = tpu.vector_load %arg10[%get3A_637, %get3A_638] {strides = array<i32>} : memref<128x128xf32, #tpu.memory_space<vmem>>, vector<1x16xf32>,
          %get3A_640 = vector.shape_cast %get3A_639 : vector<1x16xf32> to vector<16xf32>
          %mul3A_641 = arith.mulf %get3A_640, %gather3A_582 : vector<16xf32>
          %swap3A_642 = arith.index_cast %add3A_586 : i32 to index
          %swap3A_643 = arith.constant 80 : index
          %swap3A_644 = tpu.vector_load %arg10[%swap3A_642, %swap3A_643] {strides = array<i32>} : memref<128x128xf32, #tpu.memory_space<vmem>>, vector<1x16xf32>,
          %swap3A_645 = vector.shape_cast %swap3A_644 : vector<1x16xf32> to vector<16xf32>
          %swap3A_646 = vector.shape_cast %mul3A_641 : vector<16xf32> to vector<1x16xf32>
          tpu.vector_store %arg10[%swap3A_642, %swap3A_643], %swap3A_646 {strides = array<i32>} : memref<128x128xf32, #tpu.memory_space<vmem>>, vector<1x16xf32>,
          %get3A_647 = arith.index_cast %add3A_586 : i32 to index
          %get3A_648 = arith.constant 96 : index
          %get3A_649 = tpu.vector_load %arg10[%get3A_647, %get3A_648] {strides = array<i32>} : memref<128x128xf32, #tpu.memory_space<vmem>>, vector<1x16xf32>,
          %get3A_650 = vector.shape_cast %get3A_649 : vector<1x16xf32> to vector<16xf32>
          %mul3A_651 = arith.mulf %get3A_650, %gather3A_582 : vector<16xf32>
          %swap3A_652 = arith.index_cast %add3A_586 : i32 to index
          %swap3A_653 = arith.constant 96 : index
          %swap3A_654 = tpu.vector_load %arg10[%swap3A_652, %swap3A_653] {strides = array<i32>} : memref<128x128xf32, #tpu.memory_space<vmem>>, vector<1x16xf32>,
          %swap3A_655 = vector.shape_cast %swap3A_654 : vector<1x16xf32> to vector<16xf32>
          %swap3A_656 = vector.shape_cast %mul3A_651 : vector<16xf32> to vector<1x16xf32>
          tpu.vector_store %arg10[%swap3A_652, %swap3A_653], %swap3A_656 {strides = array<i32>} : memref<128x128xf32, #tpu.memory_space<vmem>>, vector<1x16xf32>,
          %get3A_657 = arith.index_cast %add3A_586 : i32 to index
          %get3A_658 = arith.constant 112 : index
          %get3A_659 = tpu.vector_load %arg10[%get3A_657, %get3A_658] {strides = array<i32>} : memref<128x128xf32, #tpu.memory_space<vmem>>, vector<1x16xf32>,
          %get3A_660 = vector.shape_cast %get3A_659 : vector<1x16xf32> to vector<16xf32>
          %mul3A_661 = arith.mulf %get3A_660, %gather3A_582 : vector<16xf32>
          %swap3A_662 = arith.index_cast %add3A_586 : i32 to index
          %swap3A_663 = arith.constant 112 : index
          %swap3A_664 = tpu.vector_load %arg10[%swap3A_662, %swap3A_663] {strides = array<i32>} : memref<128x128xf32, #tpu.memory_space<vmem>>, vector<1x16xf32>,
          %swap3A_665 = vector.shape_cast %swap3A_664 : vector<1x16xf32> to vector<16xf32>
          %swap3A_666 = vector.shape_cast %mul3A_661 : vector<16xf32> to vector<1x16xf32>
          tpu.vector_store %arg10[%swap3A_662, %swap3A_663], %swap3A_666 {strides = array<i32>} : memref<128x128xf32, #tpu.memory_space<vmem>>, vector<1x16xf32>,
          %broadcast_in_dim3A_667 = arith.constant 5 : i32
          %broadcast_in_dim3A_668 = vector.broadcast %broadcast_in_dim3A_667 : i32 to vector<16xi32>
          %lt3A_669 = arith.constant 0 : i32
          %lt3A_670 = vector.broadcast %lt3A_669 : i32 to vector<16xi32>
          %lt3A_671 = arith.cmpi slt, %broadcast_in_dim3A_668, %lt3A_670 : vector<16xi32>
          %add3A_672 = arith.constant 16 : i32
          %add3A_673 = vector.broadcast %add3A_672 : i32 to vector<16xi32>
          %add3A_674 = arith.addi %broadcast_in_dim3A_668, %add3A_673 : vector<16xi32>
          %select_n3A_675 = arith.select %lt3A_671, %add3A_674, %broadcast_in_dim3A_668 : vector<16xi1>, vector<16xi32>
          %broadcast_in_dim3A_676 = vector.shape_cast %select_n3A_675 : vector<16xi32> to vector<16x1xi32>
          %gather3A_677 = vector.shape_cast %broadcast_in_dim3A_676 : vector<16x1xi32> to vector<16xi32>
          %gather3A_678 = tpu.dynamic_gather %get3A_191[%gather3A_677] in [0] : vector<16xf32>, vector<16xi32> -> vector<16xf32>
          %mul3A_679 = arith.constant 16 : i32
          %mul3A_680 = arith.muli %scan3A_186, %mul3A_679 : i32
          %add3A_681 = arith.constant 5 : i32
          %add3A_682 = arith.addi %mul3A_680, %add3A_681 : i32
          %get3A_683 = arith.index_cast %add3A_682 : i32 to index
          %get3A_684 = arith.constant 0 : index
          %get3A_685 = tpu.vector_load %arg10[%get3A_683, %get3A_684] {strides = array<i32>} : memref<128x128xf32, #tpu.memory_space<vmem>>, vector<1x16xf32>,
          %get3A_686 = vector.shape_cast %get3A_685 : vector<1x16xf32> to vector<16xf32>
          %mul3A_687 = arith.mulf %get3A_686, %gather3A_678 : vector<16xf32>
          %swap3A_688 = arith.index_cast %add3A_682 : i32 to index
          %swap3A_689 = arith.constant 0 : index
          %swap3A_690 = tpu.vector_load %arg10[%swap3A_688, %swap3A_689] {strides = array<i32>} : memref<128x128xf32, #tpu.memory_space<vmem>>, vector<1x16xf32>,
          %swap3A_691 = vector.shape_cast %swap3A_690 : vector<1x16xf32> to vector<16xf32>
          %swap3A_692 = vector.shape_cast %mul3A_687 : vector<16xf32> to vector<1x16xf32>
          tpu.vector_store %arg10[%swap3A_688, %swap3A_689], %swap3A_692 {strides = array<i32>} : memref<128x128xf32, #tpu.memory_space<vmem>>, vector<1x16xf32>,
          %get3A_693 = arith.index_cast %add3A_682 : i32 to index
          %get3A_694 = arith.constant 16 : index
          %get3A_695 = tpu.vector_load %arg10[%get3A_693, %get3A_694] {strides = array<i32>} : memref<128x128xf32, #tpu.memory_space<vmem>>, vector<1x16xf32>,
          %get3A_696 = vector.shape_cast %get3A_695 : vector<1x16xf32> to vector<16xf32>
          %mul3A_697 = arith.mulf %get3A_696, %gather3A_678 : vector<16xf32>
          %swap3A_698 = arith.index_cast %add3A_682 : i32 to index
          %swap3A_699 = arith.constant 16 : index
          %swap3A_700 = tpu.vector_load %arg10[%swap3A_698, %swap3A_699] {strides = array<i32>} : memref<128x128xf32, #tpu.memory_space<vmem>>, vector<1x16xf32>,
          %swap3A_701 = vector.shape_cast %swap3A_700 : vector<1x16xf32> to vector<16xf32>
          %swap3A_702 = vector.shape_cast %mul3A_697 : vector<16xf32> to vector<1x16xf32>
          tpu.vector_store %arg10[%swap3A_698, %swap3A_699], %swap3A_702 {strides = array<i32>} : memref<128x128xf32, #tpu.memory_space<vmem>>, vector<1x16xf32>,
          %get3A_703 = arith.index_cast %add3A_682 : i32 to index
          %get3A_704 = arith.constant 32 : index
          %get3A_705 = tpu.vector_load %arg10[%get3A_703, %get3A_704] {strides = array<i32>} : memref<128x128xf32, #tpu.memory_space<vmem>>, vector<1x16xf32>,
          %get3A_706 = vector.shape_cast %get3A_705 : vector<1x16xf32> to vector<16xf32>
          %mul3A_707 = arith.mulf %get3A_706, %gather3A_678 : vector<16xf32>
          %swap3A_708 = arith.index_cast %add3A_682 : i32 to index
          %swap3A_709 = arith.constant 32 : index
          %swap3A_710 = tpu.vector_load %arg10[%swap3A_708, %swap3A_709] {strides = array<i32>} : memref<128x128xf32, #tpu.memory_space<vmem>>, vector<1x16xf32>,
          %swap3A_711 = vector.shape_cast %swap3A_710 : vector<1x16xf32> to vector<16xf32>
          %swap3A_712 = vector.shape_cast %mul3A_707 : vector<16xf32> to vector<1x16xf32>
          tpu.vector_store %arg10[%swap3A_708, %swap3A_709], %swap3A_712 {strides = array<i32>} : memref<128x128xf32, #tpu.memory_space<vmem>>, vector<1x16xf32>,
          %get3A_713 = arith.index_cast %add3A_682 : i32 to index
          %get3A_714 = arith.constant 48 : index
          %get3A_715 = tpu.vector_load %arg10[%get3A_713, %get3A_714] {strides = array<i32>} : memref<128x128xf32, #tpu.memory_space<vmem>>, vector<1x16xf32>,
          %get3A_716 = vector.shape_cast %get3A_715 : vector<1x16xf32> to vector<16xf32>
          %mul3A_717 = arith.mulf %get3A_716, %gather3A_678 : vector<16xf32>
          %swap3A_718 = arith.index_cast %add3A_682 : i32 to index
          %swap3A_719 = arith.constant 48 : index
          %swap3A_720 = tpu.vector_load %arg10[%swap3A_718, %swap3A_719] {strides = array<i32>} : memref<128x128xf32, #tpu.memory_space<vmem>>, vector<1x16xf32>,
          %swap3A_721 = vector.shape_cast %swap3A_720 : vector<1x16xf32> to vector<16xf32>
          %swap3A_722 = vector.shape_cast %mul3A_717 : vector<16xf32> to vector<1x16xf32>
          tpu.vector_store %arg10[%swap3A_718, %swap3A_719], %swap3A_722 {strides = array<i32>} : memref<128x128xf32, #tpu.memory_space<vmem>>, vector<1x16xf32>,
          %get3A_723 = arith.index_cast %add3A_682 : i32 to index
          %get3A_724 = arith.constant 64 : index
          %get3A_725 = tpu.vector_load %arg10[%get3A_723, %get3A_724] {strides = array<i32>} : memref<128x128xf32, #tpu.memory_space<vmem>>, vector<1x16xf32>,
          %get3A_726 = vector.shape_cast %get3A_725 : vector<1x16xf32> to vector<16xf32>
          %mul3A_727 = arith.mulf %get3A_726, %gather3A_678 : vector<16xf32>
          %swap3A_728 = arith.index_cast %add3A_682 : i32 to index
          %swap3A_729 = arith.constant 64 : index
          %swap3A_730 = tpu.vector_load %arg10[%swap3A_728, %swap3A_729] {strides = array<i32>} : memref<128x128xf32, #tpu.memory_space<vmem>>, vector<1x16xf32>,
          %swap3A_731 = vector.shape_cast %swap3A_730 : vector<1x16xf32> to vector<16xf32>
          %swap3A_732 = vector.shape_cast %mul3A_727 : vector<16xf32> to vector<1x16xf32>
          tpu.vector_store %arg10[%swap3A_728, %swap3A_729], %swap3A_732 {strides = array<i32>} : memref<128x128xf32, #tpu.memory_space<vmem>>, vector<1x16xf32>,
          %get3A_733 = arith.index_cast %add3A_682 : i32 to index
          %get3A_734 = arith.constant 80 : index
          %get3A_735 = tpu.vector_load %arg10[%get3A_733, %get3A_734] {strides = array<i32>} : memref<128x128xf32, #tpu.memory_space<vmem>>, vector<1x16xf32>,
          %get3A_736 = vector.shape_cast %get3A_735 : vector<1x16xf32> to vector<16xf32>
          %mul3A_737 = arith.mulf %get3A_736, %gather3A_678 : vector<16xf32>
          %swap3A_738 = arith.index_cast %add3A_682 : i32 to index
          %swap3A_739 = arith.constant 80 : index
          %swap3A_740 = tpu.vector_load %arg10[%swap3A_738, %swap3A_739] {strides = array<i32>} : memref<128x128xf32, #tpu.memory_space<vmem>>, vector<1x16xf32>,
          %swap3A_741 = vector.shape_cast %swap3A_740 : vector<1x16xf32> to vector<16xf32>
          %swap3A_742 = vector.shape_cast %mul3A_737 : vector<16xf32> to vector<1x16xf32>
          tpu.vector_store %arg10[%swap3A_738, %swap3A_739], %swap3A_742 {strides = array<i32>} : memref<128x128xf32, #tpu.memory_space<vmem>>, vector<1x16xf32>,
          %get3A_743 = arith.index_cast %add3A_682 : i32 to index
          %get3A_744 = arith.constant 96 : index
          %get3A_745 = tpu.vector_load %arg10[%get3A_743, %get3A_744] {strides = array<i32>} : memref<128x128xf32, #tpu.memory_space<vmem>>, vector<1x16xf32>,
          %get3A_746 = vector.shape_cast %get3A_745 : vector<1x16xf32> to vector<16xf32>
          %mul3A_747 = arith.mulf %get3A_746, %gather3A_678 : vector<16xf32>
          %swap3A_748 = arith.index_cast %add3A_682 : i32 to index
          %swap3A_749 = arith.constant 96 : index
          %swap3A_750 = tpu.vector_load %arg10[%swap3A_748, %swap3A_749] {strides = array<i32>} : memref<128x128xf32, #tpu.memory_space<vmem>>, vector<1x16xf32>,
          %swap3A_751 = vector.shape_cast %swap3A_750 : vector<1x16xf32> to vector<16xf32>
          %swap3A_752 = vector.shape_cast %mul3A_747 : vector<16xf32> to vector<1x16xf32>
          tpu.vector_store %arg10[%swap3A_748, %swap3A_749], %swap3A_752 {strides = array<i32>} : memref<128x128xf32, #tpu.memory_space<vmem>>, vector<1x16xf32>,
          %get3A_753 = arith.index_cast %add3A_682 : i32 to index
          %get3A_754 = arith.constant 112 : index
          %get3A_755 = tpu.vector_load %arg10[%get3A_753, %get3A_754] {strides = array<i32>} : memref<128x128xf32, #tpu.memory_space<vmem>>, vector<1x16xf32>,
          %get3A_756 = vector.shape_cast %get3A_755 : vector<1x16xf32> to vector<16xf32>
          %mul3A_757 = arith.mulf %get3A_756, %gather3A_678 : vector<16xf32>
          %swap3A_758 = arith.index_cast %add3A_682 : i32 to index
          %swap3A_759 = arith.constant 112 : index
          %swap3A_760 = tpu.vector_load %arg10[%swap3A_758, %swap3A_759] {strides = array<i32>} : memref<128x128xf32, #tpu.memory_space<vmem>>, vector<1x16xf32>,
          %swap3A_761 = vector.shape_cast %swap3A_760 : vector<1x16xf32> to vector<16xf32>
          %swap3A_762 = vector.shape_cast %mul3A_757 : vector<16xf32> to vector<1x16xf32>
          tpu.vector_store %arg10[%swap3A_758, %swap3A_759], %swap3A_762 {strides = array<i32>} : memref<128x128xf32, #tpu.memory_space<vmem>>, vector<1x16xf32>,
          %broadcast_in_dim3A_763 = arith.constant 6 : i32
          %broadcast_in_dim3A_764 = vector.broadcast %broadcast_in_dim3A_763 : i32 to vector<16xi32>
          %lt3A_765 = arith.constant 0 : i32
          %lt3A_766 = vector.broadcast %lt3A_765 : i32 to vector<16xi32>
          %lt3A_767 = arith.cmpi slt, %broadcast_in_dim3A_764, %lt3A_766 : vector<16xi32>
          %add3A_768 = arith.constant 16 : i32
          %add3A_769 = vector.broadcast %add3A_768 : i32 to vector<16xi32>
          %add3A_770 = arith.addi %broadcast_in_dim3A_764, %add3A_769 : vector<16xi32>
          %select_n3A_771 = arith.select %lt3A_767, %add3A_770, %broadcast_in_dim3A_764 : vector<16xi1>, vector<16xi32>
          %broadcast_in_dim3A_772 = vector.shape_cast %select_n3A_771 : vector<16xi32> to vector<16x1xi32>
          %gather3A_773 = vector.shape_cast %broadcast_in_dim3A_772 : vector<16x1xi32> to vector<16xi32>
          %gather3A_774 = tpu.dynamic_gather %get3A_191[%gather3A_773] in [0] : vector<16xf32>, vector<16xi32> -> vector<16xf32>
          %mul3A_775 = arith.constant 16 : i32
          %mul3A_776 = arith.muli %scan3A_186, %mul3A_775 : i32
          %add3A_777 = arith.constant 6 : i32
          %add3A_778 = arith.addi %mul3A_776, %add3A_777 : i32
          %get3A_779 = arith.index_cast %add3A_778 : i32 to index
          %get3A_780 = arith.constant 0 : index
          %get3A_781 = tpu.vector_load %arg10[%get3A_779, %get3A_780] {strides = array<i32>} : memref<128x128xf32, #tpu.memory_space<vmem>>, vector<1x16xf32>,
          %get3A_782 = vector.shape_cast %get3A_781 : vector<1x16xf32> to vector<16xf32>
          %mul3A_783 = arith.mulf %get3A_782, %gather3A_774 : vector<16xf32>
          %swap3A_784 = arith.index_cast %add3A_778 : i32 to index
          %swap3A_785 = arith.constant 0 : index
          %swap3A_786 = tpu.vector_load %arg10[%swap3A_784, %swap3A_785] {strides = array<i32>} : memref<128x128xf32, #tpu.memory_space<vmem>>, vector<1x16xf32>,
          %swap3A_787 = vector.shape_cast %swap3A_786 : vector<1x16xf32> to vector<16xf32>
          %swap3A_788 = vector.shape_cast %mul3A_783 : vector<16xf32> to vector<1x16xf32>
          tpu.vector_store %arg10[%swap3A_784, %swap3A_785], %swap3A_788 {strides = array<i32>} : memref<128x128xf32, #tpu.memory_space<vmem>>, vector<1x16xf32>,
          %get3A_789 = arith.index_cast %add3A_778 : i32 to index
          %get3A_790 = arith.constant 16 : index
          %get3A_791 = tpu.vector_load %arg10[%get3A_789, %get3A_790] {strides = array<i32>} : memref<128x128xf32, #tpu.memory_space<vmem>>, vector<1x16xf32>,
          %get3A_792 = vector.shape_cast %get3A_791 : vector<1x16xf32> to vector<16xf32>
          %mul3A_793 = arith.mulf %get3A_792, %gather3A_774 : vector<16xf32>
          %swap3A_794 = arith.index_cast %add3A_778 : i32 to index
          %swap3A_795 = arith.constant 16 : index
          %swap3A_796 = tpu.vector_load %arg10[%swap3A_794, %swap3A_795] {strides = array<i32>} : memref<128x128xf32, #tpu.memory_space<vmem>>, vector<1x16xf32>,
          %swap3A_797 = vector.shape_cast %swap3A_796 : vector<1x16xf32> to vector<16xf32>
          %swap3A_798 = vector.shape_cast %mul3A_793 : vector<16xf32> to vector<1x16xf32>
          tpu.vector_store %arg10[%swap3A_794, %swap3A_795], %swap3A_798 {strides = array<i32>} : memref<128x128xf32, #tpu.memory_space<vmem>>, vector<1x16xf32>,
          %get3A_799 = arith.index_cast %add3A_778 : i32 to index
          %get3A_800 = arith.constant 32 : index
          %get3A_801 = tpu.vector_load %arg10[%get3A_799, %get3A_800] {strides = array<i32>} : memref<128x128xf32, #tpu.memory_space<vmem>>, vector<1x16xf32>,
          %get3A_802 = vector.shape_cast %get3A_801 : vector<1x16xf32> to vector<16xf32>
          %mul3A_803 = arith.mulf %get3A_802, %gather3A_774 : vector<16xf32>
          %swap3A_804 = arith.index_cast %add3A_778 : i32 to index
          %swap3A_805 = arith.constant 32 : index
          %swap3A_806 = tpu.vector_load %arg10[%swap3A_804, %swap3A_805] {strides = array<i32>} : memref<128x128xf32, #tpu.memory_space<vmem>>, vector<1x16xf32>,
          %swap3A_807 = vector.shape_cast %swap3A_806 : vector<1x16xf32> to vector<16xf32>
          %swap3A_808 = vector.shape_cast %mul3A_803 : vector<16xf32> to vector<1x16xf32>
          tpu.vector_store %arg10[%swap3A_804, %swap3A_805], %swap3A_808 {strides = array<i32>} : memref<128x128xf32, #tpu.memory_space<vmem>>, vector<1x16xf32>,
          %get3A_809 = arith.index_cast %add3A_778 : i32 to index
          %get3A_810 = arith.constant 48 : index
          %get3A_811 = tpu.vector_load %arg10[%get3A_809, %get3A_810] {strides = array<i32>} : memref<128x128xf32, #tpu.memory_space<vmem>>, vector<1x16xf32>,
          %get3A_812 = vector.shape_cast %get3A_811 : vector<1x16xf32> to vector<16xf32>
          %mul3A_813 = arith.mulf %get3A_812, %gather3A_774 : vector<16xf32>
          %swap3A_814 = arith.index_cast %add3A_778 : i32 to index
          %swap3A_815 = arith.constant 48 : index
          %swap3A_816 = tpu.vector_load %arg10[%swap3A_814, %swap3A_815] {strides = array<i32>} : memref<128x128xf32, #tpu.memory_space<vmem>>, vector<1x16xf32>,
          %swap3A_817 = vector.shape_cast %swap3A_816 : vector<1x16xf32> to vector<16xf32>
          %swap3A_818 = vector.shape_cast %mul3A_813 : vector<16xf32> to vector<1x16xf32>
          tpu.vector_store %arg10[%swap3A_814, %swap3A_815], %swap3A_818 {strides = array<i32>} : memref<128x128xf32, #tpu.memory_space<vmem>>, vector<1x16xf32>,
          %get3A_819 = arith.index_cast %add3A_778 : i32 to index
          %get3A_820 = arith.constant 64 : index
          %get3A_821 = tpu.vector_load %arg10[%get3A_819, %get3A_820] {strides = array<i32>} : memref<128x128xf32, #tpu.memory_space<vmem>>, vector<1x16xf32>,
          %get3A_822 = vector.shape_cast %get3A_821 : vector<1x16xf32> to vector<16xf32>
          %mul3A_823 = arith.mulf %get3A_822, %gather3A_774 : vector<16xf32>
          %swap3A_824 = arith.index_cast %add3A_778 : i32 to index
          %swap3A_825 = arith.constant 64 : index
          %swap3A_826 = tpu.vector_load %arg10[%swap3A_824, %swap3A_825] {strides = array<i32>} : memref<128x128xf32, #tpu.memory_space<vmem>>, vector<1x16xf32>,
          %swap3A_827 = vector.shape_cast %swap3A_826 : vector<1x16xf32> to vector<16xf32>
          %swap3A_828 = vector.shape_cast %mul3A_823 : vector<16xf32> to vector<1x16xf32>
          tpu.vector_store %arg10[%swap3A_824, %swap3A_825], %swap3A_828 {strides = array<i32>} : memref<128x128xf32, #tpu.memory_space<vmem>>, vector<1x16xf32>,
          %get3A_829 = arith.index_cast %add3A_778 : i32 to index
          %get3A_830 = arith.constant 80 : index
          %get3A_831 = tpu.vector_load %arg10[%get3A_829, %get3A_830] {strides = array<i32>} : memref<128x128xf32, #tpu.memory_space<vmem>>, vector<1x16xf32>,
          %get3A_832 = vector.shape_cast %get3A_831 : vector<1x16xf32> to vector<16xf32>
          %mul3A_833 = arith.mulf %get3A_832, %gather3A_774 : vector<16xf32>
          %swap3A_834 = arith.index_cast %add3A_778 : i32 to index
          %swap3A_835 = arith.constant 80 : index
          %swap3A_836 = tpu.vector_load %arg10[%swap3A_834, %swap3A_835] {strides = array<i32>} : memref<128x128xf32, #tpu.memory_space<vmem>>, vector<1x16xf32>,
          %swap3A_837 = vector.shape_cast %swap3A_836 : vector<1x16xf32> to vector<16xf32>
          %swap3A_838 = vector.shape_cast %mul3A_833 : vector<16xf32> to vector<1x16xf32>
          tpu.vector_store %arg10[%swap3A_834, %swap3A_835], %swap3A_838 {strides = array<i32>} : memref<128x128xf32, #tpu.memory_space<vmem>>, vector<1x16xf32>,
          %get3A_839 = arith.index_cast %add3A_778 : i32 to index
          %get3A_840 = arith.constant 96 : index
          %get3A_841 = tpu.vector_load %arg10[%get3A_839, %get3A_840] {strides = array<i32>} : memref<128x128xf32, #tpu.memory_space<vmem>>, vector<1x16xf32>,
          %get3A_842 = vector.shape_cast %get3A_841 : vector<1x16xf32> to vector<16xf32>
          %mul3A_843 = arith.mulf %get3A_842, %gather3A_774 : vector<16xf32>
          %swap3A_844 = arith.index_cast %add3A_778 : i32 to index
          %swap3A_845 = arith.constant 96 : index
          %swap3A_846 = tpu.vector_load %arg10[%swap3A_844, %swap3A_845] {strides = array<i32>} : memref<128x128xf32, #tpu.memory_space<vmem>>, vector<1x16xf32>,
          %swap3A_847 = vector.shape_cast %swap3A_846 : vector<1x16xf32> to vector<16xf32>
          %swap3A_848 = vector.shape_cast %mul3A_843 : vector<16xf32> to vector<1x16xf32>
          tpu.vector_store %arg10[%swap3A_844, %swap3A_845], %swap3A_848 {strides = array<i32>} : memref<128x128xf32, #tpu.memory_space<vmem>>, vector<1x16xf32>,
          %get3A_849 = arith.index_cast %add3A_778 : i32 to index
          %get3A_850 = arith.constant 112 : index
          %get3A_851 = tpu.vector_load %arg10[%get3A_849, %get3A_850] {strides = array<i32>} : memref<128x128xf32, #tpu.memory_space<vmem>>, vector<1x16xf32>,
          %get3A_852 = vector.shape_cast %get3A_851 : vector<1x16xf32> to vector<16xf32>
          %mul3A_853 = arith.mulf %get3A_852, %gather3A_774 : vector<16xf32>
          %swap3A_854 = arith.index_cast %add3A_778 : i32 to index
          %swap3A_855 = arith.constant 112 : index
          %swap3A_856 = tpu.vector_load %arg10[%swap3A_854, %swap3A_855] {strides = array<i32>} : memref<128x128xf32, #tpu.memory_space<vmem>>, vector<1x16xf32>,
          %swap3A_857 = vector.shape_cast %swap3A_856 : vector<1x16xf32> to vector<16xf32>
          %swap3A_858 = vector.shape_cast %mul3A_853 : vector<16xf32> to vector<1x16xf32>
          tpu.vector_store %arg10[%swap3A_854, %swap3A_855], %swap3A_858 {strides = array<i32>} : memref<128x128xf32, #tpu.memory_space<vmem>>, vector<1x16xf32>,
          %broadcast_in_dim3A_859 = arith.constant 7 : i32
          %broadcast_in_dim3A_860 = vector.broadcast %broadcast_in_dim3A_859 : i32 to vector<16xi32>
          %lt3A_861 = arith.constant 0 : i32
          %lt3A_862 = vector.broadcast %lt3A_861 : i32 to vector<16xi32>
          %lt3A_863 = arith.cmpi slt, %broadcast_in_dim3A_860, %lt3A_862 : vector<16xi32>
          %add3A_864 = arith.constant 16 : i32
          %add3A_865 = vector.broadcast %add3A_864 : i32 to vector<16xi32>
          %add3A_866 = arith.addi %broadcast_in_dim3A_860, %add3A_865 : vector<16xi32>
          %select_n3A_867 = arith.select %lt3A_863, %add3A_866, %broadcast_in_dim3A_860 : vector<16xi1>, vector<16xi32>
          %broadcast_in_dim3A_868 = vector.shape_cast %select_n3A_867 : vector<16xi32> to vector<16x1xi32>
          %gather3A_869 = vector.shape_cast %broadcast_in_dim3A_868 : vector<16x1xi32> to vector<16xi32>
          %gather3A_870 = tpu.dynamic_gather %get3A_191[%gather3A_869] in [0] : vector<16xf32>, vector<16xi32> -> vector<16xf32>
          %mul3A_871 = arith.constant 16 : i32
          %mul3A_872 = arith.muli %scan3A_186, %mul3A_871 : i32
          %add3A_873 = arith.constant 7 : i32
          %add3A_874 = arith.addi %mul3A_872, %add3A_873 : i32
          %get3A_875 = arith.index_cast %add3A_874 : i32 to index
          %get3A_876 = arith.constant 0 : index
          %get3A_877 = tpu.vector_load %arg10[%get3A_875, %get3A_876] {strides = array<i32>} : memref<128x128xf32, #tpu.memory_space<vmem>>, vector<1x16xf32>,
          %get3A_878 = vector.shape_cast %get3A_877 : vector<1x16xf32> to vector<16xf32>
          %mul3A_879 = arith.mulf %get3A_878, %gather3A_870 : vector<16xf32>
          %swap3A_880 = arith.index_cast %add3A_874 : i32 to index
          %swap3A_881 = arith.constant 0 : index
          %swap3A_882 = tpu.vector_load %arg10[%swap3A_880, %swap3A_881] {strides = array<i32>} : memref<128x128xf32, #tpu.memory_space<vmem>>, vector<1x16xf32>,
          %swap3A_883 = vector.shape_cast %swap3A_882 : vector<1x16xf32> to vector<16xf32>
          %swap3A_884 = vector.shape_cast %mul3A_879 : vector<16xf32> to vector<1x16xf32>
          tpu.vector_store %arg10[%swap3A_880, %swap3A_881], %swap3A_884 {strides = array<i32>} : memref<128x128xf32, #tpu.memory_space<vmem>>, vector<1x16xf32>,
          %get3A_885 = arith.index_cast %add3A_874 : i32 to index
          %get3A_886 = arith.constant 16 : index
          %get3A_887 = tpu.vector_load %arg10[%get3A_885, %get3A_886] {strides = array<i32>} : memref<128x128xf32, #tpu.memory_space<vmem>>, vector<1x16xf32>,
          %get3A_888 = vector.shape_cast %get3A_887 : vector<1x16xf32> to vector<16xf32>
          %mul3A_889 = arith.mulf %get3A_888, %gather3A_870 : vector<16xf32>
          %swap3A_890 = arith.index_cast %add3A_874 : i32 to index
          %swap3A_891 = arith.constant 16 : index
          %swap3A_892 = tpu.vector_load %arg10[%swap3A_890, %swap3A_891] {strides = array<i32>} : memref<128x128xf32, #tpu.memory_space<vmem>>, vector<1x16xf32>,
          %swap3A_893 = vector.shape_cast %swap3A_892 : vector<1x16xf32> to vector<16xf32>
          %swap3A_894 = vector.shape_cast %mul3A_889 : vector<16xf32> to vector<1x16xf32>
          tpu.vector_store %arg10[%swap3A_890, %swap3A_891], %swap3A_894 {strides = array<i32>} : memref<128x128xf32, #tpu.memory_space<vmem>>, vector<1x16xf32>,
          %get3A_895 = arith.index_cast %add3A_874 : i32 to index
          %get3A_896 = arith.constant 32 : index
          %get3A_897 = tpu.vector_load %arg10[%get3A_895, %get3A_896] {strides = array<i32>} : memref<128x128xf32, #tpu.memory_space<vmem>>, vector<1x16xf32>,
          %get3A_898 = vector.shape_cast %get3A_897 : vector<1x16xf32> to vector<16xf32>
          %mul3A_899 = arith.mulf %get3A_898, %gather3A_870 : vector<16xf32>
          %swap3A_900 = arith.index_cast %add3A_874 : i32 to index
          %swap3A_901 = arith.constant 32 : index
          %swap3A_902 = tpu.vector_load %arg10[%swap3A_900, %swap3A_901] {strides = array<i32>} : memref<128x128xf32, #tpu.memory_space<vmem>>, vector<1x16xf32>,
          %swap3A_903 = vector.shape_cast %swap3A_902 : vector<1x16xf32> to vector<16xf32>
          %swap3A_904 = vector.shape_cast %mul3A_899 : vector<16xf32> to vector<1x16xf32>
          tpu.vector_store %arg10[%swap3A_900, %swap3A_901], %swap3A_904 {strides = array<i32>} : memref<128x128xf32, #tpu.memory_space<vmem>>, vector<1x16xf32>,
          %get3A_905 = arith.index_cast %add3A_874 : i32 to index
          %get3A_906 = arith.constant 48 : index
          %get3A_907 = tpu.vector_load %arg10[%get3A_905, %get3A_906] {strides = array<i32>} : memref<128x128xf32, #tpu.memory_space<vmem>>, vector<1x16xf32>,
          %get3A_908 = vector.shape_cast %get3A_907 : vector<1x16xf32> to vector<16xf32>
          %mul3A_909 = arith.mulf %get3A_908, %gather3A_870 : vector<16xf32>
          %swap3A_910 = arith.index_cast %add3A_874 : i32 to index
          %swap3A_911 = arith.constant 48 : index
          %swap3A_912 = tpu.vector_load %arg10[%swap3A_910, %swap3A_911] {strides = array<i32>} : memref<128x128xf32, #tpu.memory_space<vmem>>, vector<1x16xf32>,
          %swap3A_913 = vector.shape_cast %swap3A_912 : vector<1x16xf32> to vector<16xf32>
          %swap3A_914 = vector.shape_cast %mul3A_909 : vector<16xf32> to vector<1x16xf32>
          tpu.vector_store %arg10[%swap3A_910, %swap3A_911], %swap3A_914 {strides = array<i32>} : memref<128x128xf32, #tpu.memory_space<vmem>>, vector<1x16xf32>,
          %get3A_915 = arith.index_cast %add3A_874 : i32 to index
          %get3A_916 = arith.constant 64 : index
          %get3A_917 = tpu.vector_load %arg10[%get3A_915, %get3A_916] {strides = array<i32>} : memref<128x128xf32, #tpu.memory_space<vmem>>, vector<1x16xf32>,
          %get3A_918 = vector.shape_cast %get3A_917 : vector<1x16xf32> to vector<16xf32>
          %mul3A_919 = arith.mulf %get3A_918, %gather3A_870 : vector<16xf32>
          %swap3A_920 = arith.index_cast %add3A_874 : i32 to index
          %swap3A_921 = arith.constant 64 : index
          %swap3A_922 = tpu.vector_load %arg10[%swap3A_920, %swap3A_921] {strides = array<i32>} : memref<128x128xf32, #tpu.memory_space<vmem>>, vector<1x16xf32>,
          %swap3A_923 = vector.shape_cast %swap3A_922 : vector<1x16xf32> to vector<16xf32>
          %swap3A_924 = vector.shape_cast %mul3A_919 : vector<16xf32> to vector<1x16xf32>
          tpu.vector_store %arg10[%swap3A_920, %swap3A_921], %swap3A_924 {strides = array<i32>} : memref<128x128xf32, #tpu.memory_space<vmem>>, vector<1x16xf32>,
          %get3A_925 = arith.index_cast %add3A_874 : i32 to index
          %get3A_926 = arith.constant 80 : index
          %get3A_927 = tpu.vector_load %arg10[%get3A_925, %get3A_926] {strides = array<i32>} : memref<128x128xf32, #tpu.memory_space<vmem>>, vector<1x16xf32>,
          %get3A_928 = vector.shape_cast %get3A_927 : vector<1x16xf32> to vector<16xf32>
          %mul3A_929 = arith.mulf %get3A_928, %gather3A_870 : vector<16xf32>
          %swap3A_930 = arith.index_cast %add3A_874 : i32 to index
          %swap3A_931 = arith.constant 80 : index
          %swap3A_932 = tpu.vector_load %arg10[%swap3A_930, %swap3A_931] {strides = array<i32>} : memref<128x128xf32, #tpu.memory_space<vmem>>, vector<1x16xf32>,
          %swap3A_933 = vector.shape_cast %swap3A_932 : vector<1x16xf32> to vector<16xf32>
          %swap3A_934 = vector.shape_cast %mul3A_929 : vector<16xf32> to vector<1x16xf32>
          tpu.vector_store %arg10[%swap3A_930, %swap3A_931], %swap3A_934 {strides = array<i32>} : memref<128x128xf32, #tpu.memory_space<vmem>>, vector<1x16xf32>,
          %get3A_935 = arith.index_cast %add3A_874 : i32 to index
          %get3A_936 = arith.constant 96 : index
          %get3A_937 = tpu.vector_load %arg10[%get3A_935, %get3A_936] {strides = array<i32>} : memref<128x128xf32, #tpu.memory_space<vmem>>, vector<1x16xf32>,
          %get3A_938 = vector.shape_cast %get3A_937 : vector<1x16xf32> to vector<16xf32>
          %mul3A_939 = arith.mulf %get3A_938, %gather3A_870 : vector<16xf32>
          %swap3A_940 = arith.index_cast %add3A_874 : i32 to index
          %swap3A_941 = arith.constant 96 : index
          %swap3A_942 = tpu.vector_load %arg10[%swap3A_940, %swap3A_941] {strides = array<i32>} : memref<128x128xf32, #tpu.memory_space<vmem>>, vector<1x16xf32>,
          %swap3A_943 = vector.shape_cast %swap3A_942 : vector<1x16xf32> to vector<16xf32>
          %swap3A_944 = vector.shape_cast %mul3A_939 : vector<16xf32> to vector<1x16xf32>
          tpu.vector_store %arg10[%swap3A_940, %swap3A_941], %swap3A_944 {strides = array<i32>} : memref<128x128xf32, #tpu.memory_space<vmem>>, vector<1x16xf32>,
          %get3A_945 = arith.index_cast %add3A_874 : i32 to index
          %get3A_946 = arith.constant 112 : index
          %get3A_947 = tpu.vector_load %arg10[%get3A_945, %get3A_946] {strides = array<i32>} : memref<128x128xf32, #tpu.memory_space<vmem>>, vector<1x16xf32>,
          %get3A_948 = vector.shape_cast %get3A_947 : vector<1x16xf32> to vector<16xf32>
          %mul3A_949 = arith.mulf %get3A_948, %gather3A_870 : vector<16xf32>
          %swap3A_950 = arith.index_cast %add3A_874 : i32 to index
          %swap3A_951 = arith.constant 112 : index
          %swap3A_952 = tpu.vector_load %arg10[%swap3A_950, %swap3A_951] {strides = array<i32>} : memref<128x128xf32, #tpu.memory_space<vmem>>, vector<1x16xf32>,
          %swap3A_953 = vector.shape_cast %swap3A_952 : vector<1x16xf32> to vector<16xf32>
          %swap3A_954 = vector.shape_cast %mul3A_949 : vector<16xf32> to vector<1x16xf32>
          tpu.vector_store %arg10[%swap3A_950, %swap3A_951], %swap3A_954 {strides = array<i32>} : memref<128x128xf32, #tpu.memory_space<vmem>>, vector<1x16xf32>,
          %broadcast_in_dim3A_955 = arith.constant 8 : i32
          %broadcast_in_dim3A_956 = vector.broadcast %broadcast_in_dim3A_955 : i32 to vector<16xi32>
          %lt3A_957 = arith.constant 0 : i32
          %lt3A_958 = vector.broadcast %lt3A_957 : i32 to vector<16xi32>
          %lt3A_959 = arith.cmpi slt, %broadcast_in_dim3A_956, %lt3A_958 : vector<16xi32>
          %add3A_960 = arith.constant 16 : i32
          %add3A_961 = vector.broadcast %add3A_960 : i32 to vector<16xi32>
          %add3A_962 = arith.addi %broadcast_in_dim3A_956, %add3A_961 : vector<16xi32>
          %select_n3A_963 = arith.select %lt3A_959, %add3A_962, %broadcast_in_dim3A_956 : vector<16xi1>, vector<16xi32>
          %broadcast_in_dim3A_964 = vector.shape_cast %select_n3A_963 : vector<16xi32> to vector<16x1xi32>
          %gather3A_965 = vector.shape_cast %broadcast_in_dim3A_964 : vector<16x1xi32> to vector<16xi32>
          %gather3A_966 = tpu.dynamic_gather %get3A_191[%gather3A_965] in [0] : vector<16xf32>, vector<16xi32> -> vector<16xf32>
          %mul3A_967 = arith.constant 16 : i32
          %mul3A_968 = arith.muli %scan3A_186, %mul3A_967 : i32
          %add3A_969 = arith.constant 8 : i32
          %add3A_970 = arith.addi %mul3A_968, %add3A_969 : i32
          %get3A_971 = arith.index_cast %add3A_970 : i32 to index
          %get3A_972 = arith.constant 0 : index
          %get3A_973 = tpu.vector_load %arg10[%get3A_971, %get3A_972] {strides = array<i32>} : memref<128x128xf32, #tpu.memory_space<vmem>>, vector<1x16xf32>,
          %get3A_974 = vector.shape_cast %get3A_973 : vector<1x16xf32> to vector<16xf32>
          %mul3A_975 = arith.mulf %get3A_974, %gather3A_966 : vector<16xf32>
          %swap3A_976 = arith.index_cast %add3A_970 : i32 to index
          %swap3A_977 = arith.constant 0 : index
          %swap3A_978 = tpu.vector_load %arg10[%swap3A_976, %swap3A_977] {strides = array<i32>} : memref<128x128xf32, #tpu.memory_space<vmem>>, vector<1x16xf32>,
          %swap3A_979 = vector.shape_cast %swap3A_978 : vector<1x16xf32> to vector<16xf32>
          %swap3A_980 = vector.shape_cast %mul3A_975 : vector<16xf32> to vector<1x16xf32>
          tpu.vector_store %arg10[%swap3A_976, %swap3A_977], %swap3A_980 {strides = array<i32>} : memref<128x128xf32, #tpu.memory_space<vmem>>, vector<1x16xf32>,
          %get3A_981 = arith.index_cast %add3A_970 : i32 to index
          %get3A_982 = arith.constant 16 : index
          %get3A_983 = tpu.vector_load %arg10[%get3A_981, %get3A_982] {strides = array<i32>} : memref<128x128xf32, #tpu.memory_space<vmem>>, vector<1x16xf32>,
          %get3A_984 = vector.shape_cast %get3A_983 : vector<1x16xf32> to vector<16xf32>
          %mul3A_985 = arith.mulf %get3A_984, %gather3A_966 : vector<16xf32>
          %swap3A_986 = arith.index_cast %add3A_970 : i32 to index
          %swap3A_987 = arith.constant 16 : index
          %swap3A_988 = tpu.vector_load %arg10[%swap3A_986, %swap3A_987] {strides = array<i32>} : memref<128x128xf32, #tpu.memory_space<vmem>>, vector<1x16xf32>,
          %swap3A_989 = vector.shape_cast %swap3A_988 : vector<1x16xf32> to vector<16xf32>
          %swap3A_990 = vector.shape_cast %mul3A_985 : vector<16xf32> to vector<1x16xf32>
          tpu.vector_store %arg10[%swap3A_986, %swap3A_987], %swap3A_990 {strides = array<i32>} : memref<128x128xf32, #tpu.memory_space<vmem>>, vector<1x16xf32>,
          %get3A_991 = arith.index_cast %add3A_970 : i32 to index
          %get3A_992 = arith.constant 32 : index
          %get3A_993 = tpu.vector_load %arg10[%get3A_991, %get3A_992] {strides = array<i32>} : memref<128x128xf32, #tpu.memory_space<vmem>>, vector<1x16xf32>,
          %get3A_994 = vector.shape_cast %get3A_993 : vector<1x16xf32> to vector<16xf32>
          %mul3A_995 = arith.mulf %get3A_994, %gather3A_966 : vector<16xf32>
          %swap3A_996 = arith.index_cast %add3A_970 : i32 to index
          %swap3A_997 = arith.constant 32 : index
          %swap3A_998 = tpu.vector_load %arg10[%swap3A_996, %swap3A_997] {strides = array<i32>} : memref<128x128xf32, #tpu.memory_space<vmem>>, vector<1x16xf32>,
          %swap3A_999 = vector.shape_cast %swap3A_998 : vector<1x16xf32> to vector<16xf32>
          %swap3A_1000 = vector.shape_cast %mul3A_995 : vector<16xf32> to vector<1x16xf32>
          tpu.vector_store %arg10[%swap3A_996, %swap3A_997], %swap3A_1000 {strides = array<i32>} : memref<128x128xf32, #tpu.memory_space<vmem>>, vector<1x16xf32>,
          %get3A_1001 = arith.index_cast %add3A_970 : i32 to index
          %get3A_1002 = arith.constant 48 : index
          %get3A_1003 = tpu.vector_load %arg10[%get3A_1001, %get3A_1002] {strides = array<i32>} : memref<128x128xf32, #tpu.memory_space<vmem>>, vector<1x16xf32>,
          %get3A_1004 = vector.shape_cast %get3A_1003 : vector<1x16xf32> to vector<16xf32>
          %mul3A_1005 = arith.mulf %get3A_1004, %gather3A_966 : vector<16xf32>
          %swap3A_1006 = arith.index_cast %add3A_970 : i32 to index
          %swap3A_1007 = arith.constant 48 : index
          %swap3A_1008 = tpu.vector_load %arg10[%swap3A_1006, %swap3A_1007] {strides = array<i32>} : memref<128x128xf32, #tpu.memory_space<vmem>>, vector<1x16xf32>,
          %swap3A_1009 = vector.shape_cast %swap3A_1008 : vector<1x16xf32> to vector<16xf32>
          %swap3A_1010 = vector.shape_cast %mul3A_1005 : vector<16xf32> to vector<1x16xf32>
          tpu.vector_store %arg10[%swap3A_1006, %swap3A_1007], %swap3A_1010 {strides = array<i32>} : memref<128x128xf32, #tpu.memory_space<vmem>>, vector<1x16xf32>,
          %get3A_1011 = arith.index_cast %add3A_970 : i32 to index
          %get3A_1012 = arith.constant 64 : index
          %get3A_1013 = tpu.vector_load %arg10[%get3A_1011, %get3A_1012] {strides = array<i32>} : memref<128x128xf32, #tpu.memory_space<vmem>>, vector<1x16xf32>,
          %get3A_1014 = vector.shape_cast %get3A_1013 : vector<1x16xf32> to vector<16xf32>
          %mul3A_1015 = arith.mulf %get3A_1014, %gather3A_966 : vector<16xf32>
          %swap3A_1016 = arith.index_cast %add3A_970 : i32 to index
          %swap3A_1017 = arith.constant 64 : index
          %swap3A_1018 = tpu.vector_load %arg10[%swap3A_1016, %swap3A_1017] {strides = array<i32>} : memref<128x128xf32, #tpu.memory_space<vmem>>, vector<1x16xf32>,
          %swap3A_1019 = vector.shape_cast %swap3A_1018 : vector<1x16xf32> to vector<16xf32>
          %swap3A_1020 = vector.shape_cast %mul3A_1015 : vector<16xf32> to vector<1x16xf32>
          tpu.vector_store %arg10[%swap3A_1016, %swap3A_1017], %swap3A_1020 {strides = array<i32>} : memref<128x128xf32, #tpu.memory_space<vmem>>, vector<1x16xf32>,
          %get3A_1021 = arith.index_cast %add3A_970 : i32 to index
          %get3A_1022 = arith.constant 80 : index
          %get3A_1023 = tpu.vector_load %arg10[%get3A_1021, %get3A_1022] {strides = array<i32>} : memref<128x128xf32, #tpu.memory_space<vmem>>, vector<1x16xf32>,
          %get3A_1024 = vector.shape_cast %get3A_1023 : vector<1x16xf32> to vector<16xf32>
          %mul3A_1025 = arith.mulf %get3A_1024, %gather3A_966 : vector<16xf32>
          %swap3A_1026 = arith.index_cast %add3A_970 : i32 to index
          %swap3A_1027 = arith.constant 80 : index
          %swap3A_1028 = tpu.vector_load %arg10[%swap3A_1026, %swap3A_1027] {strides = array<i32>} : memref<128x128xf32, #tpu.memory_space<vmem>>, vector<1x16xf32>,
          %swap3A_1029 = vector.shape_cast %swap3A_1028 : vector<1x16xf32> to vector<16xf32>
          %swap3A_1030 = vector.shape_cast %mul3A_1025 : vector<16xf32> to vector<1x16xf32>
          tpu.vector_store %arg10[%swap3A_1026, %swap3A_1027], %swap3A_1030 {strides = array<i32>} : memref<128x128xf32, #tpu.memory_space<vmem>>, vector<1x16xf32>,
          %get3A_1031 = arith.index_cast %add3A_970 : i32 to index
          %get3A_1032 = arith.constant 96 : index
          %get3A_1033 = tpu.vector_load %arg10[%get3A_1031, %get3A_1032] {strides = array<i32>} : memref<128x128xf32, #tpu.memory_space<vmem>>, vector<1x16xf32>,
          %get3A_1034 = vector.shape_cast %get3A_1033 : vector<1x16xf32> to vector<16xf32>
          %mul3A_1035 = arith.mulf %get3A_1034, %gather3A_966 : vector<16xf32>
          %swap3A_1036 = arith.index_cast %add3A_970 : i32 to index
          %swap3A_1037 = arith.constant 96 : index
          %swap3A_1038 = tpu.vector_load %arg10[%swap3A_1036, %swap3A_1037] {strides = array<i32>} : memref<128x128xf32, #tpu.memory_space<vmem>>, vector<1x16xf32>,
          %swap3A_1039 = vector.shape_cast %swap3A_1038 : vector<1x16xf32> to vector<16xf32>
          %swap3A_1040 = vector.shape_cast %mul3A_1035 : vector<16xf32> to vector<1x16xf32>
          tpu.vector_store %arg10[%swap3A_1036, %swap3A_1037], %swap3A_1040 {strides = array<i32>} : memref<128x128xf32, #tpu.memory_space<vmem>>, vector<1x16xf32>,
          %get3A_1041 = arith.index_cast %add3A_970 : i32 to index
          %get3A_1042 = arith.constant 112 : index
          %get3A_1043 = tpu.vector_load %arg10[%get3A_1041, %get3A_1042] {strides = array<i32>} : memref<128x128xf32, #tpu.memory_space<vmem>>, vector<1x16xf32>,
          %get3A_1044 = vector.shape_cast %get3A_1043 : vector<1x16xf32> to vector<16xf32>
          %mul3A_1045 = arith.mulf %get3A_1044, %gather3A_966 : vector<16xf32>
          %swap3A_1046 = arith.index_cast %add3A_970 : i32 to index
          %swap3A_1047 = arith.constant 112 : index
          %swap3A_1048 = tpu.vector_load %arg10[%swap3A_1046, %swap3A_1047] {strides = array<i32>} : memref<128x128xf32, #tpu.memory_space<vmem>>, vector<1x16xf32>,
          %swap3A_1049 = vector.shape_cast %swap3A_1048 : vector<1x16xf32> to vector<16xf32>
          %swap3A_1050 = vector.shape_cast %mul3A_1045 : vector<16xf32> to vector<1x16xf32>
          tpu.vector_store %arg10[%swap3A_1046, %swap3A_1047], %swap3A_1050 {strides = array<i32>} : memref<128x128xf32, #tpu.memory_space<vmem>>, vector<1x16xf32>,
          %broadcast_in_dim3A_1051 = arith.constant 9 : i32
          %broadcast_in_dim3A_1052 = vector.broadcast %broadcast_in_dim3A_1051 : i32 to vector<16xi32>
          %lt3A_1053 = arith.constant 0 : i32
          %lt3A_1054 = vector.broadcast %lt3A_1053 : i32 to vector<16xi32>
          %lt3A_1055 = arith.cmpi slt, %broadcast_in_dim3A_1052, %lt3A_1054 : vector<16xi32>
          %add3A_1056 = arith.constant 16 : i32
          %add3A_1057 = vector.broadcast %add3A_1056 : i32 to vector<16xi32>
          %add3A_1058 = arith.addi %broadcast_in_dim3A_1052, %add3A_1057 : vector<16xi32>
          %select_n3A_1059 = arith.select %lt3A_1055, %add3A_1058, %broadcast_in_dim3A_1052 : vector<16xi1>, vector<16xi32>
          %broadcast_in_dim3A_1060 = vector.shape_cast %select_n3A_1059 : vector<16xi32> to vector<16x1xi32>
          %gather3A_1061 = vector.shape_cast %broadcast_in_dim3A_1060 : vector<16x1xi32> to vector<16xi32>
          %gather3A_1062 = tpu.dynamic_gather %get3A_191[%gather3A_1061] in [0] : vector<16xf32>, vector<16xi32> -> vector<16xf32>
          %mul3A_1063 = arith.constant 16 : i32
          %mul3A_1064 = arith.muli %scan3A_186, %mul3A_1063 : i32
          %add3A_1065 = arith.constant 9 : i32
          %add3A_1066 = arith.addi %mul3A_1064, %add3A_1065 : i32
          %get3A_1067 = arith.index_cast %add3A_1066 : i32 to index
          %get3A_1068 = arith.constant 0 : index
          %get3A_1069 = tpu.vector_load %arg10[%get3A_1067, %get3A_1068] {strides = array<i32>} : memref<128x128xf32, #tpu.memory_space<vmem>>, vector<1x16xf32>,
          %get3A_1070 = vector.shape_cast %get3A_1069 : vector<1x16xf32> to vector<16xf32>
          %mul3A_1071 = arith.mulf %get3A_1070, %gather3A_1062 : vector<16xf32>
          %swap3A_1072 = arith.index_cast %add3A_1066 : i32 to index
          %swap3A_1073 = arith.constant 0 : index
          %swap3A_1074 = tpu.vector_load %arg10[%swap3A_1072, %swap3A_1073] {strides = array<i32>} : memref<128x128xf32, #tpu.memory_space<vmem>>, vector<1x16xf32>,
          %swap3A_1075 = vector.shape_cast %swap3A_1074 : vector<1x16xf32> to vector<16xf32>
          %swap3A_1076 = vector.shape_cast %mul3A_1071 : vector<16xf32> to vector<1x16xf32>
          tpu.vector_store %arg10[%swap3A_1072, %swap3A_1073], %swap3A_1076 {strides = array<i32>} : memref<128x128xf32, #tpu.memory_space<vmem>>, vector<1x16xf32>,
          %get3A_1077 = arith.index_cast %add3A_1066 : i32 to index
          %get3A_1078 = arith.constant 16 : index
          %get3A_1079 = tpu.vector_load %arg10[%get3A_1077, %get3A_1078] {strides = array<i32>} : memref<128x128xf32, #tpu.memory_space<vmem>>, vector<1x16xf32>,
          %get3A_1080 = vector.shape_cast %get3A_1079 : vector<1x16xf32> to vector<16xf32>
          %mul3A_1081 = arith.mulf %get3A_1080, %gather3A_1062 : vector<16xf32>
          %swap3A_1082 = arith.index_cast %add3A_1066 : i32 to index
          %swap3A_1083 = arith.constant 16 : index
          %swap3A_1084 = tpu.vector_load %arg10[%swap3A_1082, %swap3A_1083] {strides = array<i32>} : memref<128x128xf32, #tpu.memory_space<vmem>>, vector<1x16xf32>,
          %swap3A_1085 = vector.shape_cast %swap3A_1084 : vector<1x16xf32> to vector<16xf32>
          %swap3A_1086 = vector.shape_cast %mul3A_1081 : vector<16xf32> to vector<1x16xf32>
          tpu.vector_store %arg10[%swap3A_1082, %swap3A_1083], %swap3A_1086 {strides = array<i32>} : memref<128x128xf32, #tpu.memory_space<vmem>>, vector<1x16xf32>,
          %get3A_1087 = arith.index_cast %add3A_1066 : i32 to index
          %get3A_1088 = arith.constant 32 : index
          %get3A_1089 = tpu.vector_load %arg10[%get3A_1087, %get3A_1088] {strides = array<i32>} : memref<128x128xf32, #tpu.memory_space<vmem>>, vector<1x16xf32>,
          %get3A_1090 = vector.shape_cast %get3A_1089 : vector<1x16xf32> to vector<16xf32>
          %mul3A_1091 = arith.mulf %get3A_1090, %gather3A_1062 : vector<16xf32>
          %swap3A_1092 = arith.index_cast %add3A_1066 : i32 to index
          %swap3A_1093 = arith.constant 32 : index
          %swap3A_1094 = tpu.vector_load %arg10[%swap3A_1092, %swap3A_1093] {strides = array<i32>} : memref<128x128xf32, #tpu.memory_space<vmem>>, vector<1x16xf32>,
          %swap3A_1095 = vector.shape_cast %swap3A_1094 : vector<1x16xf32> to vector<16xf32>
          %swap3A_1096 = vector.shape_cast %mul3A_1091 : vector<16xf32> to vector<1x16xf32>
          tpu.vector_store %arg10[%swap3A_1092, %swap3A_1093], %swap3A_1096 {strides = array<i32>} : memref<128x128xf32, #tpu.memory_space<vmem>>, vector<1x16xf32>,
          %get3A_1097 = arith.index_cast %add3A_1066 : i32 to index
          %get3A_1098 = arith.constant 48 : index
          %get3A_1099 = tpu.vector_load %arg10[%get3A_1097, %get3A_1098] {strides = array<i32>} : memref<128x128xf32, #tpu.memory_space<vmem>>, vector<1x16xf32>,
          %get3A_1100 = vector.shape_cast %get3A_1099 : vector<1x16xf32> to vector<16xf32>
          %mul3A_1101 = arith.mulf %get3A_1100, %gather3A_1062 : vector<16xf32>
          %swap3A_1102 = arith.index_cast %add3A_1066 : i32 to index
          %swap3A_1103 = arith.constant 48 : index
          %swap3A_1104 = tpu.vector_load %arg10[%swap3A_1102, %swap3A_1103] {strides = array<i32>} : memref<128x128xf32, #tpu.memory_space<vmem>>, vector<1x16xf32>,
          %swap3A_1105 = vector.shape_cast %swap3A_1104 : vector<1x16xf32> to vector<16xf32>
          %swap3A_1106 = vector.shape_cast %mul3A_1101 : vector<16xf32> to vector<1x16xf32>
          tpu.vector_store %arg10[%swap3A_1102, %swap3A_1103], %swap3A_1106 {strides = array<i32>} : memref<128x128xf32, #tpu.memory_space<vmem>>, vector<1x16xf32>,
          %get3A_1107 = arith.index_cast %add3A_1066 : i32 to index
          %get3A_1108 = arith.constant 64 : index
          %get3A_1109 = tpu.vector_load %arg10[%get3A_1107, %get3A_1108] {strides = array<i32>} : memref<128x128xf32, #tpu.memory_space<vmem>>, vector<1x16xf32>,
          %get3A_1110 = vector.shape_cast %get3A_1109 : vector<1x16xf32> to vector<16xf32>
          %mul3A_1111 = arith.mulf %get3A_1110, %gather3A_1062 : vector<16xf32>
          %swap3A_1112 = arith.index_cast %add3A_1066 : i32 to index
          %swap3A_1113 = arith.constant 64 : index
          %swap3A_1114 = tpu.vector_load %arg10[%swap3A_1112, %swap3A_1113] {strides = array<i32>} : memref<128x128xf32, #tpu.memory_space<vmem>>, vector<1x16xf32>,
          %swap3A_1115 = vector.shape_cast %swap3A_1114 : vector<1x16xf32> to vector<16xf32>
          %swap3A_1116 = vector.shape_cast %mul3A_1111 : vector<16xf32> to vector<1x16xf32>
          tpu.vector_store %arg10[%swap3A_1112, %swap3A_1113], %swap3A_1116 {strides = array<i32>} : memref<128x128xf32, #tpu.memory_space<vmem>>, vector<1x16xf32>,
          %get3A_1117 = arith.index_cast %add3A_1066 : i32 to index
          %get3A_1118 = arith.constant 80 : index
          %get3A_1119 = tpu.vector_load %arg10[%get3A_1117, %get3A_1118] {strides = array<i32>} : memref<128x128xf32, #tpu.memory_space<vmem>>, vector<1x16xf32>,
          %get3A_1120 = vector.shape_cast %get3A_1119 : vector<1x16xf32> to vector<16xf32>
          %mul3A_1121 = arith.mulf %get3A_1120, %gather3A_1062 : vector<16xf32>
          %swap3A_1122 = arith.index_cast %add3A_1066 : i32 to index
          %swap3A_1123 = arith.constant 80 : index
          %swap3A_1124 = tpu.vector_load %arg10[%swap3A_1122, %swap3A_1123] {strides = array<i32>} : memref<128x128xf32, #tpu.memory_space<vmem>>, vector<1x16xf32>,
          %swap3A_1125 = vector.shape_cast %swap3A_1124 : vector<1x16xf32> to vector<16xf32>
          %swap3A_1126 = vector.shape_cast %mul3A_1121 : vector<16xf32> to vector<1x16xf32>
          tpu.vector_store %arg10[%swap3A_1122, %swap3A_1123], %swap3A_1126 {strides = array<i32>} : memref<128x128xf32, #tpu.memory_space<vmem>>, vector<1x16xf32>,
          %get3A_1127 = arith.index_cast %add3A_1066 : i32 to index
          %get3A_1128 = arith.constant 96 : index
          %get3A_1129 = tpu.vector_load %arg10[%get3A_1127, %get3A_1128] {strides = array<i32>} : memref<128x128xf32, #tpu.memory_space<vmem>>, vector<1x16xf32>,
          %get3A_1130 = vector.shape_cast %get3A_1129 : vector<1x16xf32> to vector<16xf32>
          %mul3A_1131 = arith.mulf %get3A_1130, %gather3A_1062 : vector<16xf32>
          %swap3A_1132 = arith.index_cast %add3A_1066 : i32 to index
          %swap3A_1133 = arith.constant 96 : index
          %swap3A_1134 = tpu.vector_load %arg10[%swap3A_1132, %swap3A_1133] {strides = array<i32>} : memref<128x128xf32, #tpu.memory_space<vmem>>, vector<1x16xf32>,
          %swap3A_1135 = vector.shape_cast %swap3A_1134 : vector<1x16xf32> to vector<16xf32>
          %swap3A_1136 = vector.shape_cast %mul3A_1131 : vector<16xf32> to vector<1x16xf32>
          tpu.vector_store %arg10[%swap3A_1132, %swap3A_1133], %swap3A_1136 {strides = array<i32>} : memref<128x128xf32, #tpu.memory_space<vmem>>, vector<1x16xf32>,
          %get3A_1137 = arith.index_cast %add3A_1066 : i32 to index
          %get3A_1138 = arith.constant 112 : index
          %get3A_1139 = tpu.vector_load %arg10[%get3A_1137, %get3A_1138] {strides = array<i32>} : memref<128x128xf32, #tpu.memory_space<vmem>>, vector<1x16xf32>,
          %get3A_1140 = vector.shape_cast %get3A_1139 : vector<1x16xf32> to vector<16xf32>
          %mul3A_1141 = arith.mulf %get3A_1140, %gather3A_1062 : vector<16xf32>
          %swap3A_1142 = arith.index_cast %add3A_1066 : i32 to index
          %swap3A_1143 = arith.constant 112 : index
          %swap3A_1144 = tpu.vector_load %arg10[%swap3A_1142, %swap3A_1143] {strides = array<i32>} : memref<128x128xf32, #tpu.memory_space<vmem>>, vector<1x16xf32>,
          %swap3A_1145 = vector.shape_cast %swap3A_1144 : vector<1x16xf32> to vector<16xf32>
          %swap3A_1146 = vector.shape_cast %mul3A_1141 : vector<16xf32> to vector<1x16xf32>
          tpu.vector_store %arg10[%swap3A_1142, %swap3A_1143], %swap3A_1146 {strides = array<i32>} : memref<128x128xf32, #tpu.memory_space<vmem>>, vector<1x16xf32>,
          %broadcast_in_dim3A_1147 = arith.constant 10 : i32
          %broadcast_in_dim3A_1148 = vector.broadcast %broadcast_in_dim3A_1147 : i32 to vector<16xi32>
          %lt3A_1149 = arith.constant 0 : i32
          %lt3A_1150 = vector.broadcast %lt3A_1149 : i32 to vector<16xi32>
          %lt3A_1151 = arith.cmpi slt, %broadcast_in_dim3A_1148, %lt3A_1150 : vector<16xi32>
          %add3A_1152 = arith.constant 16 : i32
          %add3A_1153 = vector.broadcast %add3A_1152 : i32 to vector<16xi32>
          %add3A_1154 = arith.addi %broadcast_in_dim3A_1148, %add3A_1153 : vector<16xi32>
          %select_n3A_1155 = arith.select %lt3A_1151, %add3A_1154, %broadcast_in_dim3A_1148 : vector<16xi1>, vector<16xi32>
          %broadcast_in_dim3A_1156 = vector.shape_cast %select_n3A_1155 : vector<16xi32> to vector<16x1xi32>
          %gather3A_1157 = vector.shape_cast %broadcast_in_dim3A_1156 : vector<16x1xi32> to vector<16xi32>
          %gather3A_1158 = tpu.dynamic_gather %get3A_191[%gather3A_1157] in [0] : vector<16xf32>, vector<16xi32> -> vector<16xf32>
          %mul3A_1159 = arith.constant 16 : i32
          %mul3A_1160 = arith.muli %scan3A_186, %mul3A_1159 : i32
          %add3A_1161 = arith.constant 10 : i32
          %add3A_1162 = arith.addi %mul3A_1160, %add3A_1161 : i32
          %get3A_1163 = arith.index_cast %add3A_1162 : i32 to index
          %get3A_1164 = arith.constant 0 : index
          %get3A_1165 = tpu.vector_load %arg10[%get3A_1163, %get3A_1164] {strides = array<i32>} : memref<128x128xf32, #tpu.memory_space<vmem>>, vector<1x16xf32>,
          %get3A_1166 = vector.shape_cast %get3A_1165 : vector<1x16xf32> to vector<16xf32>
          %mul3A_1167 = arith.mulf %get3A_1166, %gather3A_1158 : vector<16xf32>
          %swap3A_1168 = arith.index_cast %add3A_1162 : i32 to index
          %swap3A_1169 = arith.constant 0 : index
          %swap3A_1170 = tpu.vector_load %arg10[%swap3A_1168, %swap3A_1169] {strides = array<i32>} : memref<128x128xf32, #tpu.memory_space<vmem>>, vector<1x16xf32>,
          %swap3A_1171 = vector.shape_cast %swap3A_1170 : vector<1x16xf32> to vector<16xf32>
          %swap3A_1172 = vector.shape_cast %mul3A_1167 : vector<16xf32> to vector<1x16xf32>
          tpu.vector_store %arg10[%swap3A_1168, %swap3A_1169], %swap3A_1172 {strides = array<i32>} : memref<128x128xf32, #tpu.memory_space<vmem>>, vector<1x16xf32>,
          %get3A_1173 = arith.index_cast %add3A_1162 : i32 to index
          %get3A_1174 = arith.constant 16 : index
          %get3A_1175 = tpu.vector_load %arg10[%get3A_1173, %get3A_1174] {strides = array<i32>} : memref<128x128xf32, #tpu.memory_space<vmem>>, vector<1x16xf32>,
          %get3A_1176 = vector.shape_cast %get3A_1175 : vector<1x16xf32> to vector<16xf32>
          %mul3A_1177 = arith.mulf %get3A_1176, %gather3A_1158 : vector<16xf32>
          %swap3A_1178 = arith.index_cast %add3A_1162 : i32 to index
          %swap3A_1179 = arith.constant 16 : index
          %swap3A_1180 = tpu.vector_load %arg10[%swap3A_1178, %swap3A_1179] {strides = array<i32>} : memref<128x128xf32, #tpu.memory_space<vmem>>, vector<1x16xf32>,
          %swap3A_1181 = vector.shape_cast %swap3A_1180 : vector<1x16xf32> to vector<16xf32>
          %swap3A_1182 = vector.shape_cast %mul3A_1177 : vector<16xf32> to vector<1x16xf32>
          tpu.vector_store %arg10[%swap3A_1178, %swap3A_1179], %swap3A_1182 {strides = array<i32>} : memref<128x128xf32, #tpu.memory_space<vmem>>, vector<1x16xf32>,
          %get3A_1183 = arith.index_cast %add3A_1162 : i32 to index
          %get3A_1184 = arith.constant 32 : index
          %get3A_1185 = tpu.vector_load %arg10[%get3A_1183, %get3A_1184] {strides = array<i32>} : memref<128x128xf32, #tpu.memory_space<vmem>>, vector<1x16xf32>,
          %get3A_1186 = vector.shape_cast %get3A_1185 : vector<1x16xf32> to vector<16xf32>
          %mul3A_1187 = arith.mulf %get3A_1186, %gather3A_1158 : vector<16xf32>
          %swap3A_1188 = arith.index_cast %add3A_1162 : i32 to index
          %swap3A_1189 = arith.constant 32 : index
          %swap3A_1190 = tpu.vector_load %arg10[%swap3A_1188, %swap3A_1189] {strides = array<i32>} : memref<128x128xf32, #tpu.memory_space<vmem>>, vector<1x16xf32>,
          %swap3A_1191 = vector.shape_cast %swap3A_1190 : vector<1x16xf32> to vector<16xf32>
          %swap3A_1192 = vector.shape_cast %mul3A_1187 : vector<16xf32> to vector<1x16xf32>
          tpu.vector_store %arg10[%swap3A_1188, %swap3A_1189], %swap3A_1192 {strides = array<i32>} : memref<128x128xf32, #tpu.memory_space<vmem>>, vector<1x16xf32>,
          %get3A_1193 = arith.index_cast %add3A_1162 : i32 to index
          %get3A_1194 = arith.constant 48 : index
          %get3A_1195 = tpu.vector_load %arg10[%get3A_1193, %get3A_1194] {strides = array<i32>} : memref<128x128xf32, #tpu.memory_space<vmem>>, vector<1x16xf32>,
          %get3A_1196 = vector.shape_cast %get3A_1195 : vector<1x16xf32> to vector<16xf32>
          %mul3A_1197 = arith.mulf %get3A_1196, %gather3A_1158 : vector<16xf32>
          %swap3A_1198 = arith.index_cast %add3A_1162 : i32 to index
          %swap3A_1199 = arith.constant 48 : index
          %swap3A_1200 = tpu.vector_load %arg10[%swap3A_1198, %swap3A_1199] {strides = array<i32>} : memref<128x128xf32, #tpu.memory_space<vmem>>, vector<1x16xf32>,
          %swap3A_1201 = vector.shape_cast %swap3A_1200 : vector<1x16xf32> to vector<16xf32>
          %swap3A_1202 = vector.shape_cast %mul3A_1197 : vector<16xf32> to vector<1x16xf32>
          tpu.vector_store %arg10[%swap3A_1198, %swap3A_1199], %swap3A_1202 {strides = array<i32>} : memref<128x128xf32, #tpu.memory_space<vmem>>, vector<1x16xf32>,
          %get3A_1203 = arith.index_cast %add3A_1162 : i32 to index
          %get3A_1204 = arith.constant 64 : index
          %get3A_1205 = tpu.vector_load %arg10[%get3A_1203, %get3A_1204] {strides = array<i32>} : memref<128x128xf32, #tpu.memory_space<vmem>>, vector<1x16xf32>,
          %get3A_1206 = vector.shape_cast %get3A_1205 : vector<1x16xf32> to vector<16xf32>
          %mul3A_1207 = arith.mulf %get3A_1206, %gather3A_1158 : vector<16xf32>
          %swap3A_1208 = arith.index_cast %add3A_1162 : i32 to index
          %swap3A_1209 = arith.constant 64 : index
          %swap3A_1210 = tpu.vector_load %arg10[%swap3A_1208, %swap3A_1209] {strides = array<i32>} : memref<128x128xf32, #tpu.memory_space<vmem>>, vector<1x16xf32>,
          %swap3A_1211 = vector.shape_cast %swap3A_1210 : vector<1x16xf32> to vector<16xf32>
          %swap3A_1212 = vector.shape_cast %mul3A_1207 : vector<16xf32> to vector<1x16xf32>
          tpu.vector_store %arg10[%swap3A_1208, %swap3A_1209], %swap3A_1212 {strides = array<i32>} : memref<128x128xf32, #tpu.memory_space<vmem>>, vector<1x16xf32>,
          %get3A_1213 = arith.index_cast %add3A_1162 : i32 to index
          %get3A_1214 = arith.constant 80 : index
          %get3A_1215 = tpu.vector_load %arg10[%get3A_1213, %get3A_1214] {strides = array<i32>} : memref<128x128xf32, #tpu.memory_space<vmem>>, vector<1x16xf32>,
          %get3A_1216 = vector.shape_cast %get3A_1215 : vector<1x16xf32> to vector<16xf32>
          %mul3A_1217 = arith.mulf %get3A_1216, %gather3A_1158 : vector<16xf32>
          %swap3A_1218 = arith.index_cast %add3A_1162 : i32 to index
          %swap3A_1219 = arith.constant 80 : index
          %swap3A_1220 = tpu.vector_load %arg10[%swap3A_1218, %swap3A_1219] {strides = array<i32>} : memref<128x128xf32, #tpu.memory_space<vmem>>, vector<1x16xf32>,
          %swap3A_1221 = vector.shape_cast %swap3A_1220 : vector<1x16xf32> to vector<16xf32>
          %swap3A_1222 = vector.shape_cast %mul3A_1217 : vector<16xf32> to vector<1x16xf32>
          tpu.vector_store %arg10[%swap3A_1218, %swap3A_1219], %swap3A_1222 {strides = array<i32>} : memref<128x128xf32, #tpu.memory_space<vmem>>, vector<1x16xf32>,
          %get3A_1223 = arith.index_cast %add3A_1162 : i32 to index
          %get3A_1224 = arith.constant 96 : index
          %get3A_1225 = tpu.vector_load %arg10[%get3A_1223, %get3A_1224] {strides = array<i32>} : memref<128x128xf32, #tpu.memory_space<vmem>>, vector<1x16xf32>,
          %get3A_1226 = vector.shape_cast %get3A_1225 : vector<1x16xf32> to vector<16xf32>
          %mul3A_1227 = arith.mulf %get3A_1226, %gather3A_1158 : vector<16xf32>
          %swap3A_1228 = arith.index_cast %add3A_1162 : i32 to index
          %swap3A_1229 = arith.constant 96 : index
          %swap3A_1230 = tpu.vector_load %arg10[%swap3A_1228, %swap3A_1229] {strides = array<i32>} : memref<128x128xf32, #tpu.memory_space<vmem>>, vector<1x16xf32>,
          %swap3A_1231 = vector.shape_cast %swap3A_1230 : vector<1x16xf32> to vector<16xf32>
          %swap3A_1232 = vector.shape_cast %mul3A_1227 : vector<16xf32> to vector<1x16xf32>
          tpu.vector_store %arg10[%swap3A_1228, %swap3A_1229], %swap3A_1232 {strides = array<i32>} : memref<128x128xf32, #tpu.memory_space<vmem>>, vector<1x16xf32>,
          %get3A_1233 = arith.index_cast %add3A_1162 : i32 to index
          %get3A_1234 = arith.constant 112 : index
          %get3A_1235 = tpu.vector_load %arg10[%get3A_1233, %get3A_1234] {strides = array<i32>} : memref<128x128xf32, #tpu.memory_space<vmem>>, vector<1x16xf32>,
          %get3A_1236 = vector.shape_cast %get3A_1235 : vector<1x16xf32> to vector<16xf32>
          %mul3A_1237 = arith.mulf %get3A_1236, %gather3A_1158 : vector<16xf32>
          %swap3A_1238 = arith.index_cast %add3A_1162 : i32 to index
          %swap3A_1239 = arith.constant 112 : index
          %swap3A_1240 = tpu.vector_load %arg10[%swap3A_1238, %swap3A_1239] {strides = array<i32>} : memref<128x128xf32, #tpu.memory_space<vmem>>, vector<1x16xf32>,
          %swap3A_1241 = vector.shape_cast %swap3A_1240 : vector<1x16xf32> to vector<16xf32>
          %swap3A_1242 = vector.shape_cast %mul3A_1237 : vector<16xf32> to vector<1x16xf32>
          tpu.vector_store %arg10[%swap3A_1238, %swap3A_1239], %swap3A_1242 {strides = array<i32>} : memref<128x128xf32, #tpu.memory_space<vmem>>, vector<1x16xf32>,
          %broadcast_in_dim3A_1243 = arith.constant 11 : i32
          %broadcast_in_dim3A_1244 = vector.broadcast %broadcast_in_dim3A_1243 : i32 to vector<16xi32>
          %lt3A_1245 = arith.constant 0 : i32
          %lt3A_1246 = vector.broadcast %lt3A_1245 : i32 to vector<16xi32>
          %lt3A_1247 = arith.cmpi slt, %broadcast_in_dim3A_1244, %lt3A_1246 : vector<16xi32>
          %add3A_1248 = arith.constant 16 : i32
          %add3A_1249 = vector.broadcast %add3A_1248 : i32 to vector<16xi32>
          %add3A_1250 = arith.addi %broadcast_in_dim3A_1244, %add3A_1249 : vector<16xi32>
          %select_n3A_1251 = arith.select %lt3A_1247, %add3A_1250, %broadcast_in_dim3A_1244 : vector<16xi1>, vector<16xi32>
          %broadcast_in_dim3A_1252 = vector.shape_cast %select_n3A_1251 : vector<16xi32> to vector<16x1xi32>
          %gather3A_1253 = vector.shape_cast %broadcast_in_dim3A_1252 : vector<16x1xi32> to vector<16xi32>
          %gather3A_1254 = tpu.dynamic_gather %get3A_191[%gather3A_1253] in [0] : vector<16xf32>, vector<16xi32> -> vector<16xf32>
          %mul3A_1255 = arith.constant 16 : i32
          %mul3A_1256 = arith.muli %scan3A_186, %mul3A_1255 : i32
          %add3A_1257 = arith.constant 11 : i32
          %add3A_1258 = arith.addi %mul3A_1256, %add3A_1257 : i32
          %get3A_1259 = arith.index_cast %add3A_1258 : i32 to index
          %get3A_1260 = arith.constant 0 : index
          %get3A_1261 = tpu.vector_load %arg10[%get3A_1259, %get3A_1260] {strides = array<i32>} : memref<128x128xf32, #tpu.memory_space<vmem>>, vector<1x16xf32>,
          %get3A_1262 = vector.shape_cast %get3A_1261 : vector<1x16xf32> to vector<16xf32>
          %mul3A_1263 = arith.mulf %get3A_1262, %gather3A_1254 : vector<16xf32>
          %swap3A_1264 = arith.index_cast %add3A_1258 : i32 to index
          %swap3A_1265 = arith.constant 0 : index
          %swap3A_1266 = tpu.vector_load %arg10[%swap3A_1264, %swap3A_1265] {strides = array<i32>} : memref<128x128xf32, #tpu.memory_space<vmem>>, vector<1x16xf32>,
          %swap3A_1267 = vector.shape_cast %swap3A_1266 : vector<1x16xf32> to vector<16xf32>
          %swap3A_1268 = vector.shape_cast %mul3A_1263 : vector<16xf32> to vector<1x16xf32>
          tpu.vector_store %arg10[%swap3A_1264, %swap3A_1265], %swap3A_1268 {strides = array<i32>} : memref<128x128xf32, #tpu.memory_space<vmem>>, vector<1x16xf32>,
          %get3A_1269 = arith.index_cast %add3A_1258 : i32 to index
          %get3A_1270 = arith.constant 16 : index
          %get3A_1271 = tpu.vector_load %arg10[%get3A_1269, %get3A_1270] {strides = array<i32>} : memref<128x128xf32, #tpu.memory_space<vmem>>, vector<1x16xf32>,
          %get3A_1272 = vector.shape_cast %get3A_1271 : vector<1x16xf32> to vector<16xf32>
          %mul3A_1273 = arith.mulf %get3A_1272, %gather3A_1254 : vector<16xf32>
          %swap3A_1274 = arith.index_cast %add3A_1258 : i32 to index
          %swap3A_1275 = arith.constant 16 : index
          %swap3A_1276 = tpu.vector_load %arg10[%swap3A_1274, %swap3A_1275] {strides = array<i32>} : memref<128x128xf32, #tpu.memory_space<vmem>>, vector<1x16xf32>,
          %swap3A_1277 = vector.shape_cast %swap3A_1276 : vector<1x16xf32> to vector<16xf32>
          %swap3A_1278 = vector.shape_cast %mul3A_1273 : vector<16xf32> to vector<1x16xf32>
          tpu.vector_store %arg10[%swap3A_1274, %swap3A_1275], %swap3A_1278 {strides = array<i32>} : memref<128x128xf32, #tpu.memory_space<vmem>>, vector<1x16xf32>,
          %get3A_1279 = arith.index_cast %add3A_1258 : i32 to index
          %get3A_1280 = arith.constant 32 : index
          %get3A_1281 = tpu.vector_load %arg10[%get3A_1279, %get3A_1280] {strides = array<i32>} : memref<128x128xf32, #tpu.memory_space<vmem>>, vector<1x16xf32>,
          %get3A_1282 = vector.shape_cast %get3A_1281 : vector<1x16xf32> to vector<16xf32>
          %mul3A_1283 = arith.mulf %get3A_1282, %gather3A_1254 : vector<16xf32>
          %swap3A_1284 = arith.index_cast %add3A_1258 : i32 to index
          %swap3A_1285 = arith.constant 32 : index
          %swap3A_1286 = tpu.vector_load %arg10[%swap3A_1284, %swap3A_1285] {strides = array<i32>} : memref<128x128xf32, #tpu.memory_space<vmem>>, vector<1x16xf32>,
          %swap3A_1287 = vector.shape_cast %swap3A_1286 : vector<1x16xf32> to vector<16xf32>
          %swap3A_1288 = vector.shape_cast %mul3A_1283 : vector<16xf32> to vector<1x16xf32>
          tpu.vector_store %arg10[%swap3A_1284, %swap3A_1285], %swap3A_1288 {strides = array<i32>} : memref<128x128xf32, #tpu.memory_space<vmem>>, vector<1x16xf32>,
          %get3A_1289 = arith.index_cast %add3A_1258 : i32 to index
          %get3A_1290 = arith.constant 48 : index
          %get3A_1291 = tpu.vector_load %arg10[%get3A_1289, %get3A_1290] {strides = array<i32>} : memref<128x128xf32, #tpu.memory_space<vmem>>, vector<1x16xf32>,
          %get3A_1292 = vector.shape_cast %get3A_1291 : vector<1x16xf32> to vector<16xf32>
          %mul3A_1293 = arith.mulf %get3A_1292, %gather3A_1254 : vector<16xf32>
          %swap3A_1294 = arith.index_cast %add3A_1258 : i32 to index
          %swap3A_1295 = arith.constant 48 : index
          %swap3A_1296 = tpu.vector_load %arg10[%swap3A_1294, %swap3A_1295] {strides = array<i32>} : memref<128x128xf32, #tpu.memory_space<vmem>>, vector<1x16xf32>,
          %swap3A_1297 = vector.shape_cast %swap3A_1296 : vector<1x16xf32> to vector<16xf32>
          %swap3A_1298 = vector.shape_cast %mul3A_1293 : vector<16xf32> to vector<1x16xf32>
          tpu.vector_store %arg10[%swap3A_1294, %swap3A_1295], %swap3A_1298 {strides = array<i32>} : memref<128x128xf32, #tpu.memory_space<vmem>>, vector<1x16xf32>,
          %get3A_1299 = arith.index_cast %add3A_1258 : i32 to index
          %get3A_1300 = arith.constant 64 : index
          %get3A_1301 = tpu.vector_load %arg10[%get3A_1299, %get3A_1300] {strides = array<i32>} : memref<128x128xf32, #tpu.memory_space<vmem>>, vector<1x16xf32>,
          %get3A_1302 = vector.shape_cast %get3A_1301 : vector<1x16xf32> to vector<16xf32>
          %mul3A_1303 = arith.mulf %get3A_1302, %gather3A_1254 : vector<16xf32>
          %swap3A_1304 = arith.index_cast %add3A_1258 : i32 to index
          %swap3A_1305 = arith.constant 64 : index
          %swap3A_1306 = tpu.vector_load %arg10[%swap3A_1304, %swap3A_1305] {strides = array<i32>} : memref<128x128xf32, #tpu.memory_space<vmem>>, vector<1x16xf32>,
          %swap3A_1307 = vector.shape_cast %swap3A_1306 : vector<1x16xf32> to vector<16xf32>
          %swap3A_1308 = vector.shape_cast %mul3A_1303 : vector<16xf32> to vector<1x16xf32>
          tpu.vector_store %arg10[%swap3A_1304, %swap3A_1305], %swap3A_1308 {strides = array<i32>} : memref<128x128xf32, #tpu.memory_space<vmem>>, vector<1x16xf32>,
          %get3A_1309 = arith.index_cast %add3A_1258 : i32 to index
          %get3A_1310 = arith.constant 80 : index
          %get3A_1311 = tpu.vector_load %arg10[%get3A_1309, %get3A_1310] {strides = array<i32>} : memref<128x128xf32, #tpu.memory_space<vmem>>, vector<1x16xf32>,
          %get3A_1312 = vector.shape_cast %get3A_1311 : vector<1x16xf32> to vector<16xf32>
          %mul3A_1313 = arith.mulf %get3A_1312, %gather3A_1254 : vector<16xf32>
          %swap3A_1314 = arith.index_cast %add3A_1258 : i32 to index
          %swap3A_1315 = arith.constant 80 : index
          %swap3A_1316 = tpu.vector_load %arg10[%swap3A_1314, %swap3A_1315] {strides = array<i32>} : memref<128x128xf32, #tpu.memory_space<vmem>>, vector<1x16xf32>,
          %swap3A_1317 = vector.shape_cast %swap3A_1316 : vector<1x16xf32> to vector<16xf32>
          %swap3A_1318 = vector.shape_cast %mul3A_1313 : vector<16xf32> to vector<1x16xf32>
          tpu.vector_store %arg10[%swap3A_1314, %swap3A_1315], %swap3A_1318 {strides = array<i32>} : memref<128x128xf32, #tpu.memory_space<vmem>>, vector<1x16xf32>,
          %get3A_1319 = arith.index_cast %add3A_1258 : i32 to index
          %get3A_1320 = arith.constant 96 : index
          %get3A_1321 = tpu.vector_load %arg10[%get3A_1319, %get3A_1320] {strides = array<i32>} : memref<128x128xf32, #tpu.memory_space<vmem>>, vector<1x16xf32>,
          %get3A_1322 = vector.shape_cast %get3A_1321 : vector<1x16xf32> to vector<16xf32>
          %mul3A_1323 = arith.mulf %get3A_1322, %gather3A_1254 : vector<16xf32>
          %swap3A_1324 = arith.index_cast %add3A_1258 : i32 to index
          %swap3A_1325 = arith.constant 96 : index
          %swap3A_1326 = tpu.vector_load %arg10[%swap3A_1324, %swap3A_1325] {strides = array<i32>} : memref<128x128xf32, #tpu.memory_space<vmem>>, vector<1x16xf32>,
          %swap3A_1327 = vector.shape_cast %swap3A_1326 : vector<1x16xf32> to vector<16xf32>
          %swap3A_1328 = vector.shape_cast %mul3A_1323 : vector<16xf32> to vector<1x16xf32>
          tpu.vector_store %arg10[%swap3A_1324, %swap3A_1325], %swap3A_1328 {strides = array<i32>} : memref<128x128xf32, #tpu.memory_space<vmem>>, vector<1x16xf32>,
          %get3A_1329 = arith.index_cast %add3A_1258 : i32 to index
          %get3A_1330 = arith.constant 112 : index
          %get3A_1331 = tpu.vector_load %arg10[%get3A_1329, %get3A_1330] {strides = array<i32>} : memref<128x128xf32, #tpu.memory_space<vmem>>, vector<1x16xf32>,
          %get3A_1332 = vector.shape_cast %get3A_1331 : vector<1x16xf32> to vector<16xf32>
          %mul3A_1333 = arith.mulf %get3A_1332, %gather3A_1254 : vector<16xf32>
          %swap3A_1334 = arith.index_cast %add3A_1258 : i32 to index
          %swap3A_1335 = arith.constant 112 : index
          %swap3A_1336 = tpu.vector_load %arg10[%swap3A_1334, %swap3A_1335] {strides = array<i32>} : memref<128x128xf32, #tpu.memory_space<vmem>>, vector<1x16xf32>,
          %swap3A_1337 = vector.shape_cast %swap3A_1336 : vector<1x16xf32> to vector<16xf32>
          %swap3A_1338 = vector.shape_cast %mul3A_1333 : vector<16xf32> to vector<1x16xf32>
          tpu.vector_store %arg10[%swap3A_1334, %swap3A_1335], %swap3A_1338 {strides = array<i32>} : memref<128x128xf32, #tpu.memory_space<vmem>>, vector<1x16xf32>,
          %broadcast_in_dim3A_1339 = arith.constant 12 : i32
          %broadcast_in_dim3A_1340 = vector.broadcast %broadcast_in_dim3A_1339 : i32 to vector<16xi32>
          %lt3A_1341 = arith.constant 0 : i32
          %lt3A_1342 = vector.broadcast %lt3A_1341 : i32 to vector<16xi32>
          %lt3A_1343 = arith.cmpi slt, %broadcast_in_dim3A_1340, %lt3A_1342 : vector<16xi32>
          %add3A_1344 = arith.constant 16 : i32
          %add3A_1345 = vector.broadcast %add3A_1344 : i32 to vector<16xi32>
          %add3A_1346 = arith.addi %broadcast_in_dim3A_1340, %add3A_1345 : vector<16xi32>
          %select_n3A_1347 = arith.select %lt3A_1343, %add3A_1346, %broadcast_in_dim3A_1340 : vector<16xi1>, vector<16xi32>
          %broadcast_in_dim3A_1348 = vector.shape_cast %select_n3A_1347 : vector<16xi32> to vector<16x1xi32>
          %gather3A_1349 = vector.shape_cast %broadcast_in_dim3A_1348 : vector<16x1xi32> to vector<16xi32>
          %gather3A_1350 = tpu.dynamic_gather %get3A_191[%gather3A_1349] in [0] : vector<16xf32>, vector<16xi32> -> vector<16xf32>
          %mul3A_1351 = arith.constant 16 : i32
          %mul3A_1352 = arith.muli %scan3A_186, %mul3A_1351 : i32
          %add3A_1353 = arith.constant 12 : i32
          %add3A_1354 = arith.addi %mul3A_1352, %add3A_1353 : i32
          %get3A_1355 = arith.index_cast %add3A_1354 : i32 to index
          %get3A_1356 = arith.constant 0 : index
          %get3A_1357 = tpu.vector_load %arg10[%get3A_1355, %get3A_1356] {strides = array<i32>} : memref<128x128xf32, #tpu.memory_space<vmem>>, vector<1x16xf32>,
          %get3A_1358 = vector.shape_cast %get3A_1357 : vector<1x16xf32> to vector<16xf32>
          %mul3A_1359 = arith.mulf %get3A_1358, %gather3A_1350 : vector<16xf32>
          %swap3A_1360 = arith.index_cast %add3A_1354 : i32 to index
          %swap3A_1361 = arith.constant 0 : index
          %swap3A_1362 = tpu.vector_load %arg10[%swap3A_1360, %swap3A_1361] {strides = array<i32>} : memref<128x128xf32, #tpu.memory_space<vmem>>, vector<1x16xf32>,
          %swap3A_1363 = vector.shape_cast %swap3A_1362 : vector<1x16xf32> to vector<16xf32>
          %swap3A_1364 = vector.shape_cast %mul3A_1359 : vector<16xf32> to vector<1x16xf32>
          tpu.vector_store %arg10[%swap3A_1360, %swap3A_1361], %swap3A_1364 {strides = array<i32>} : memref<128x128xf32, #tpu.memory_space<vmem>>, vector<1x16xf32>,
          %get3A_1365 = arith.index_cast %add3A_1354 : i32 to index
          %get3A_1366 = arith.constant 16 : index
          %get3A_1367 = tpu.vector_load %arg10[%get3A_1365, %get3A_1366] {strides = array<i32>} : memref<128x128xf32, #tpu.memory_space<vmem>>, vector<1x16xf32>,
          %get3A_1368 = vector.shape_cast %get3A_1367 : vector<1x16xf32> to vector<16xf32>
          %mul3A_1369 = arith.mulf %get3A_1368, %gather3A_1350 : vector<16xf32>
          %swap3A_1370 = arith.index_cast %add3A_1354 : i32 to index
          %swap3A_1371 = arith.constant 16 : index
          %swap3A_1372 = tpu.vector_load %arg10[%swap3A_1370, %swap3A_1371] {strides = array<i32>} : memref<128x128xf32, #tpu.memory_space<vmem>>, vector<1x16xf32>,
          %swap3A_1373 = vector.shape_cast %swap3A_1372 : vector<1x16xf32> to vector<16xf32>
          %swap3A_1374 = vector.shape_cast %mul3A_1369 : vector<16xf32> to vector<1x16xf32>
          tpu.vector_store %arg10[%swap3A_1370, %swap3A_1371], %swap3A_1374 {strides = array<i32>} : memref<128x128xf32, #tpu.memory_space<vmem>>, vector<1x16xf32>,
          %get3A_1375 = arith.index_cast %add3A_1354 : i32 to index
          %get3A_1376 = arith.constant 32 : index
          %get3A_1377 = tpu.vector_load %arg10[%get3A_1375, %get3A_1376] {strides = array<i32>} : memref<128x128xf32, #tpu.memory_space<vmem>>, vector<1x16xf32>,
          %get3A_1378 = vector.shape_cast %get3A_1377 : vector<1x16xf32> to vector<16xf32>
          %mul3A_1379 = arith.mulf %get3A_1378, %gather3A_1350 : vector<16xf32>
          %swap3A_1380 = arith.index_cast %add3A_1354 : i32 to index
          %swap3A_1381 = arith.constant 32 : index
          %swap3A_1382 = tpu.vector_load %arg10[%swap3A_1380, %swap3A_1381] {strides = array<i32>} : memref<128x128xf32, #tpu.memory_space<vmem>>, vector<1x16xf32>,
          %swap3A_1383 = vector.shape_cast %swap3A_1382 : vector<1x16xf32> to vector<16xf32>
          %swap3A_1384 = vector.shape_cast %mul3A_1379 : vector<16xf32> to vector<1x16xf32>
          tpu.vector_store %arg10[%swap3A_1380, %swap3A_1381], %swap3A_1384 {strides = array<i32>} : memref<128x128xf32, #tpu.memory_space<vmem>>, vector<1x16xf32>,
          %get3A_1385 = arith.index_cast %add3A_1354 : i32 to index
          %get3A_1386 = arith.constant 48 : index
          %get3A_1387 = tpu.vector_load %arg10[%get3A_1385, %get3A_1386] {strides = array<i32>} : memref<128x128xf32, #tpu.memory_space<vmem>>, vector<1x16xf32>,
          %get3A_1388 = vector.shape_cast %get3A_1387 : vector<1x16xf32> to vector<16xf32>
          %mul3A_1389 = arith.mulf %get3A_1388, %gather3A_1350 : vector<16xf32>
          %swap3A_1390 = arith.index_cast %add3A_1354 : i32 to index
          %swap3A_1391 = arith.constant 48 : index
          %swap3A_1392 = tpu.vector_load %arg10[%swap3A_1390, %swap3A_1391] {strides = array<i32>} : memref<128x128xf32, #tpu.memory_space<vmem>>, vector<1x16xf32>,
          %swap3A_1393 = vector.shape_cast %swap3A_1392 : vector<1x16xf32> to vector<16xf32>
          %swap3A_1394 = vector.shape_cast %mul3A_1389 : vector<16xf32> to vector<1x16xf32>
          tpu.vector_store %arg10[%swap3A_1390, %swap3A_1391], %swap3A_1394 {strides = array<i32>} : memref<128x128xf32, #tpu.memory_space<vmem>>, vector<1x16xf32>,
          %get3A_1395 = arith.index_cast %add3A_1354 : i32 to index
          %get3A_1396 = arith.constant 64 : index
          %get3A_1397 = tpu.vector_load %arg10[%get3A_1395, %get3A_1396] {strides = array<i32>} : memref<128x128xf32, #tpu.memory_space<vmem>>, vector<1x16xf32>,
          %get3A_1398 = vector.shape_cast %get3A_1397 : vector<1x16xf32> to vector<16xf32>
          %mul3A_1399 = arith.mulf %get3A_1398, %gather3A_1350 : vector<16xf32>
          %swap3A_1400 = arith.index_cast %add3A_1354 : i32 to index
          %swap3A_1401 = arith.constant 64 : index
          %swap3A_1402 = tpu.vector_load %arg10[%swap3A_1400, %swap3A_1401] {strides = array<i32>} : memref<128x128xf32, #tpu.memory_space<vmem>>, vector<1x16xf32>,
          %swap3A_1403 = vector.shape_cast %swap3A_1402 : vector<1x16xf32> to vector<16xf32>
          %swap3A_1404 = vector.shape_cast %mul3A_1399 : vector<16xf32> to vector<1x16xf32>
          tpu.vector_store %arg10[%swap3A_1400, %swap3A_1401], %swap3A_1404 {strides = array<i32>} : memref<128x128xf32, #tpu.memory_space<vmem>>, vector<1x16xf32>,
          %get3A_1405 = arith.index_cast %add3A_1354 : i32 to index
          %get3A_1406 = arith.constant 80 : index
          %get3A_1407 = tpu.vector_load %arg10[%get3A_1405, %get3A_1406] {strides = array<i32>} : memref<128x128xf32, #tpu.memory_space<vmem>>, vector<1x16xf32>,
          %get3A_1408 = vector.shape_cast %get3A_1407 : vector<1x16xf32> to vector<16xf32>
          %mul3A_1409 = arith.mulf %get3A_1408, %gather3A_1350 : vector<16xf32>
          %swap3A_1410 = arith.index_cast %add3A_1354 : i32 to index
          %swap3A_1411 = arith.constant 80 : index
          %swap3A_1412 = tpu.vector_load %arg10[%swap3A_1410, %swap3A_1411] {strides = array<i32>} : memref<128x128xf32, #tpu.memory_space<vmem>>, vector<1x16xf32>,
          %swap3A_1413 = vector.shape_cast %swap3A_1412 : vector<1x16xf32> to vector<16xf32>
          %swap3A_1414 = vector.shape_cast %mul3A_1409 : vector<16xf32> to vector<1x16xf32>
          tpu.vector_store %arg10[%swap3A_1410, %swap3A_1411], %swap3A_1414 {strides = array<i32>} : memref<128x128xf32, #tpu.memory_space<vmem>>, vector<1x16xf32>,
          %get3A_1415 = arith.index_cast %add3A_1354 : i32 to index
          %get3A_1416 = arith.constant 96 : index
          %get3A_1417 = tpu.vector_load %arg10[%get3A_1415, %get3A_1416] {strides = array<i32>} : memref<128x128xf32, #tpu.memory_space<vmem>>, vector<1x16xf32>,
          %get3A_1418 = vector.shape_cast %get3A_1417 : vector<1x16xf32> to vector<16xf32>
          %mul3A_1419 = arith.mulf %get3A_1418, %gather3A_1350 : vector<16xf32>
          %swap3A_1420 = arith.index_cast %add3A_1354 : i32 to index
          %swap3A_1421 = arith.constant 96 : index
          %swap3A_1422 = tpu.vector_load %arg10[%swap3A_1420, %swap3A_1421] {strides = array<i32>} : memref<128x128xf32, #tpu.memory_space<vmem>>, vector<1x16xf32>,
          %swap3A_1423 = vector.shape_cast %swap3A_1422 : vector<1x16xf32> to vector<16xf32>
          %swap3A_1424 = vector.shape_cast %mul3A_1419 : vector<16xf32> to vector<1x16xf32>
          tpu.vector_store %arg10[%swap3A_1420, %swap3A_1421], %swap3A_1424 {strides = array<i32>} : memref<128x128xf32, #tpu.memory_space<vmem>>, vector<1x16xf32>,
          %get3A_1425 = arith.index_cast %add3A_1354 : i32 to index
          %get3A_1426 = arith.constant 112 : index
          %get3A_1427 = tpu.vector_load %arg10[%get3A_1425, %get3A_1426] {strides = array<i32>} : memref<128x128xf32, #tpu.memory_space<vmem>>, vector<1x16xf32>,
          %get3A_1428 = vector.shape_cast %get3A_1427 : vector<1x16xf32> to vector<16xf32>
          %mul3A_1429 = arith.mulf %get3A_1428, %gather3A_1350 : vector<16xf32>
          %swap3A_1430 = arith.index_cast %add3A_1354 : i32 to index
          %swap3A_1431 = arith.constant 112 : index
          %swap3A_1432 = tpu.vector_load %arg10[%swap3A_1430, %swap3A_1431] {strides = array<i32>} : memref<128x128xf32, #tpu.memory_space<vmem>>, vector<1x16xf32>,
          %swap3A_1433 = vector.shape_cast %swap3A_1432 : vector<1x16xf32> to vector<16xf32>
          %swap3A_1434 = vector.shape_cast %mul3A_1429 : vector<16xf32> to vector<1x16xf32>
          tpu.vector_store %arg10[%swap3A_1430, %swap3A_1431], %swap3A_1434 {strides = array<i32>} : memref<128x128xf32, #tpu.memory_space<vmem>>, vector<1x16xf32>,
          %broadcast_in_dim3A_1435 = arith.constant 13 : i32
          %broadcast_in_dim3A_1436 = vector.broadcast %broadcast_in_dim3A_1435 : i32 to vector<16xi32>
          %lt3A_1437 = arith.constant 0 : i32
          %lt3A_1438 = vector.broadcast %lt3A_1437 : i32 to vector<16xi32>
          %lt3A_1439 = arith.cmpi slt, %broadcast_in_dim3A_1436, %lt3A_1438 : vector<16xi32>
          %add3A_1440 = arith.constant 16 : i32
          %add3A_1441 = vector.broadcast %add3A_1440 : i32 to vector<16xi32>
          %add3A_1442 = arith.addi %broadcast_in_dim3A_1436, %add3A_1441 : vector<16xi32>
          %select_n3A_1443 = arith.select %lt3A_1439, %add3A_1442, %broadcast_in_dim3A_1436 : vector<16xi1>, vector<16xi32>
          %broadcast_in_dim3A_1444 = vector.shape_cast %select_n3A_1443 : vector<16xi32> to vector<16x1xi32>
          %gather3A_1445 = vector.shape_cast %broadcast_in_dim3A_1444 : vector<16x1xi32> to vector<16xi32>
          %gather3A_1446 = tpu.dynamic_gather %get3A_191[%gather3A_1445] in [0] : vector<16xf32>, vector<16xi32> -> vector<16xf32>
          %mul3A_1447 = arith.constant 16 : i32
          %mul3A_1448 = arith.muli %scan3A_186, %mul3A_1447 : i32
          %add3A_1449 = arith.constant 13 : i32
          %add3A_1450 = arith.addi %mul3A_1448, %add3A_1449 : i32
          %get3A_1451 = arith.index_cast %add3A_1450 : i32 to index
          %get3A_1452 = arith.constant 0 : index
          %get3A_1453 = tpu.vector_load %arg10[%get3A_1451, %get3A_1452] {strides = array<i32>} : memref<128x128xf32, #tpu.memory_space<vmem>>, vector<1x16xf32>,
          %get3A_1454 = vector.shape_cast %get3A_1453 : vector<1x16xf32> to vector<16xf32>
          %mul3A_1455 = arith.mulf %get3A_1454, %gather3A_1446 : vector<16xf32>
          %swap3A_1456 = arith.index_cast %add3A_1450 : i32 to index
          %swap3A_1457 = arith.constant 0 : index
          %swap3A_1458 = tpu.vector_load %arg10[%swap3A_1456, %swap3A_1457] {strides = array<i32>} : memref<128x128xf32, #tpu.memory_space<vmem>>, vector<1x16xf32>,
          %swap3A_1459 = vector.shape_cast %swap3A_1458 : vector<1x16xf32> to vector<16xf32>
          %swap3A_1460 = vector.shape_cast %mul3A_1455 : vector<16xf32> to vector<1x16xf32>
          tpu.vector_store %arg10[%swap3A_1456, %swap3A_1457], %swap3A_1460 {strides = array<i32>} : memref<128x128xf32, #tpu.memory_space<vmem>>, vector<1x16xf32>,
          %get3A_1461 = arith.index_cast %add3A_1450 : i32 to index
          %get3A_1462 = arith.constant 16 : index
          %get3A_1463 = tpu.vector_load %arg10[%get3A_1461, %get3A_1462] {strides = array<i32>} : memref<128x128xf32, #tpu.memory_space<vmem>>, vector<1x16xf32>,
          %get3A_1464 = vector.shape_cast %get3A_1463 : vector<1x16xf32> to vector<16xf32>
          %mul3A_1465 = arith.mulf %get3A_1464, %gather3A_1446 : vector<16xf32>
          %swap3A_1466 = arith.index_cast %add3A_1450 : i32 to index
          %swap3A_1467 = arith.constant 16 : index
          %swap3A_1468 = tpu.vector_load %arg10[%swap3A_1466, %swap3A_1467] {strides = array<i32>} : memref<128x128xf32, #tpu.memory_space<vmem>>, vector<1x16xf32>,
          %swap3A_1469 = vector.shape_cast %swap3A_1468 : vector<1x16xf32> to vector<16xf32>
          %swap3A_1470 = vector.shape_cast %mul3A_1465 : vector<16xf32> to vector<1x16xf32>
          tpu.vector_store %arg10[%swap3A_1466, %swap3A_1467], %swap3A_1470 {strides = array<i32>} : memref<128x128xf32, #tpu.memory_space<vmem>>, vector<1x16xf32>,
          %get3A_1471 = arith.index_cast %add3A_1450 : i32 to index
          %get3A_1472 = arith.constant 32 : index
          %get3A_1473 = tpu.vector_load %arg10[%get3A_1471, %get3A_1472] {strides = array<i32>} : memref<128x128xf32, #tpu.memory_space<vmem>>, vector<1x16xf32>,
          %get3A_1474 = vector.shape_cast %get3A_1473 : vector<1x16xf32> to vector<16xf32>
          %mul3A_1475 = arith.mulf %get3A_1474, %gather3A_1446 : vector<16xf32>
          %swap3A_1476 = arith.index_cast %add3A_1450 : i32 to index
          %swap3A_1477 = arith.constant 32 : index
          %swap3A_1478 = tpu.vector_load %arg10[%swap3A_1476, %swap3A_1477] {strides = array<i32>} : memref<128x128xf32, #tpu.memory_space<vmem>>, vector<1x16xf32>,
          %swap3A_1479 = vector.shape_cast %swap3A_1478 : vector<1x16xf32> to vector<16xf32>
          %swap3A_1480 = vector.shape_cast %mul3A_1475 : vector<16xf32> to vector<1x16xf32>
          tpu.vector_store %arg10[%swap3A_1476, %swap3A_1477], %swap3A_1480 {strides = array<i32>} : memref<128x128xf32, #tpu.memory_space<vmem>>, vector<1x16xf32>,
          %get3A_1481 = arith.index_cast %add3A_1450 : i32 to index
          %get3A_1482 = arith.constant 48 : index
          %get3A_1483 = tpu.vector_load %arg10[%get3A_1481, %get3A_1482] {strides = array<i32>} : memref<128x128xf32, #tpu.memory_space<vmem>>, vector<1x16xf32>,
          %get3A_1484 = vector.shape_cast %get3A_1483 : vector<1x16xf32> to vector<16xf32>
          %mul3A_1485 = arith.mulf %get3A_1484, %gather3A_1446 : vector<16xf32>
          %swap3A_1486 = arith.index_cast %add3A_1450 : i32 to index
          %swap3A_1487 = arith.constant 48 : index
          %swap3A_1488 = tpu.vector_load %arg10[%swap3A_1486, %swap3A_1487] {strides = array<i32>} : memref<128x128xf32, #tpu.memory_space<vmem>>, vector<1x16xf32>,
          %swap3A_1489 = vector.shape_cast %swap3A_1488 : vector<1x16xf32> to vector<16xf32>
          %swap3A_1490 = vector.shape_cast %mul3A_1485 : vector<16xf32> to vector<1x16xf32>
          tpu.vector_store %arg10[%swap3A_1486, %swap3A_1487], %swap3A_1490 {strides = array<i32>} : memref<128x128xf32, #tpu.memory_space<vmem>>, vector<1x16xf32>,
          %get3A_1491 = arith.index_cast %add3A_1450 : i32 to index
          %get3A_1492 = arith.constant 64 : index
          %get3A_1493 = tpu.vector_load %arg10[%get3A_1491, %get3A_1492] {strides = array<i32>} : memref<128x128xf32, #tpu.memory_space<vmem>>, vector<1x16xf32>,
          %get3A_1494 = vector.shape_cast %get3A_1493 : vector<1x16xf32> to vector<16xf32>
          %mul3A_1495 = arith.mulf %get3A_1494, %gather3A_1446 : vector<16xf32>
          %swap3A_1496 = arith.index_cast %add3A_1450 : i32 to index
          %swap3A_1497 = arith.constant 64 : index
          %swap3A_1498 = tpu.vector_load %arg10[%swap3A_1496, %swap3A_1497] {strides = array<i32>} : memref<128x128xf32, #tpu.memory_space<vmem>>, vector<1x16xf32>,
          %swap3A_1499 = vector.shape_cast %swap3A_1498 : vector<1x16xf32> to vector<16xf32>
          %swap3A_1500 = vector.shape_cast %mul3A_1495 : vector<16xf32> to vector<1x16xf32>
          tpu.vector_store %arg10[%swap3A_1496, %swap3A_1497], %swap3A_1500 {strides = array<i32>} : memref<128x128xf32, #tpu.memory_space<vmem>>, vector<1x16xf32>,
          %get3A_1501 = arith.index_cast %add3A_1450 : i32 to index
          %get3A_1502 = arith.constant 80 : index
          %get3A_1503 = tpu.vector_load %arg10[%get3A_1501, %get3A_1502] {strides = array<i32>} : memref<128x128xf32, #tpu.memory_space<vmem>>, vector<1x16xf32>,
          %get3A_1504 = vector.shape_cast %get3A_1503 : vector<1x16xf32> to vector<16xf32>
          %mul3A_1505 = arith.mulf %get3A_1504, %gather3A_1446 : vector<16xf32>
          %swap3A_1506 = arith.index_cast %add3A_1450 : i32 to index
          %swap3A_1507 = arith.constant 80 : index
          %swap3A_1508 = tpu.vector_load %arg10[%swap3A_1506, %swap3A_1507] {strides = array<i32>} : memref<128x128xf32, #tpu.memory_space<vmem>>, vector<1x16xf32>,
          %swap3A_1509 = vector.shape_cast %swap3A_1508 : vector<1x16xf32> to vector<16xf32>
          %swap3A_1510 = vector.shape_cast %mul3A_1505 : vector<16xf32> to vector<1x16xf32>
          tpu.vector_store %arg10[%swap3A_1506, %swap3A_1507], %swap3A_1510 {strides = array<i32>} : memref<128x128xf32, #tpu.memory_space<vmem>>, vector<1x16xf32>,
          %get3A_1511 = arith.index_cast %add3A_1450 : i32 to index
          %get3A_1512 = arith.constant 96 : index
          %get3A_1513 = tpu.vector_load %arg10[%get3A_1511, %get3A_1512] {strides = array<i32>} : memref<128x128xf32, #tpu.memory_space<vmem>>, vector<1x16xf32>,
          %get3A_1514 = vector.shape_cast %get3A_1513 : vector<1x16xf32> to vector<16xf32>
          %mul3A_1515 = arith.mulf %get3A_1514, %gather3A_1446 : vector<16xf32>
          %swap3A_1516 = arith.index_cast %add3A_1450 : i32 to index
          %swap3A_1517 = arith.constant 96 : index
          %swap3A_1518 = tpu.vector_load %arg10[%swap3A_1516, %swap3A_1517] {strides = array<i32>} : memref<128x128xf32, #tpu.memory_space<vmem>>, vector<1x16xf32>,
          %swap3A_1519 = vector.shape_cast %swap3A_1518 : vector<1x16xf32> to vector<16xf32>
          %swap3A_1520 = vector.shape_cast %mul3A_1515 : vector<16xf32> to vector<1x16xf32>
          tpu.vector_store %arg10[%swap3A_1516, %swap3A_1517], %swap3A_1520 {strides = array<i32>} : memref<128x128xf32, #tpu.memory_space<vmem>>, vector<1x16xf32>,
          %get3A_1521 = arith.index_cast %add3A_1450 : i32 to index
          %get3A_1522 = arith.constant 112 : index
          %get3A_1523 = tpu.vector_load %arg10[%get3A_1521, %get3A_1522] {strides = array<i32>} : memref<128x128xf32, #tpu.memory_space<vmem>>, vector<1x16xf32>,
          %get3A_1524 = vector.shape_cast %get3A_1523 : vector<1x16xf32> to vector<16xf32>
          %mul3A_1525 = arith.mulf %get3A_1524, %gather3A_1446 : vector<16xf32>
          %swap3A_1526 = arith.index_cast %add3A_1450 : i32 to index
          %swap3A_1527 = arith.constant 112 : index
          %swap3A_1528 = tpu.vector_load %arg10[%swap3A_1526, %swap3A_1527] {strides = array<i32>} : memref<128x128xf32, #tpu.memory_space<vmem>>, vector<1x16xf32>,
          %swap3A_1529 = vector.shape_cast %swap3A_1528 : vector<1x16xf32> to vector<16xf32>
          %swap3A_1530 = vector.shape_cast %mul3A_1525 : vector<16xf32> to vector<1x16xf32>
          tpu.vector_store %arg10[%swap3A_1526, %swap3A_1527], %swap3A_1530 {strides = array<i32>} : memref<128x128xf32, #tpu.memory_space<vmem>>, vector<1x16xf32>,
          %broadcast_in_dim3A_1531 = arith.constant 14 : i32
          %broadcast_in_dim3A_1532 = vector.broadcast %broadcast_in_dim3A_1531 : i32 to vector<16xi32>
          %lt3A_1533 = arith.constant 0 : i32
          %lt3A_1534 = vector.broadcast %lt3A_1533 : i32 to vector<16xi32>
          %lt3A_1535 = arith.cmpi slt, %broadcast_in_dim3A_1532, %lt3A_1534 : vector<16xi32>
          %add3A_1536 = arith.constant 16 : i32
          %add3A_1537 = vector.broadcast %add3A_1536 : i32 to vector<16xi32>
          %add3A_1538 = arith.addi %broadcast_in_dim3A_1532, %add3A_1537 : vector<16xi32>
          %select_n3A_1539 = arith.select %lt3A_1535, %add3A_1538, %broadcast_in_dim3A_1532 : vector<16xi1>, vector<16xi32>
          %broadcast_in_dim3A_1540 = vector.shape_cast %select_n3A_1539 : vector<16xi32> to vector<16x1xi32>
          %gather3A_1541 = vector.shape_cast %broadcast_in_dim3A_1540 : vector<16x1xi32> to vector<16xi32>
          %gather3A_1542 = tpu.dynamic_gather %get3A_191[%gather3A_1541] in [0] : vector<16xf32>, vector<16xi32> -> vector<16xf32>
          %mul3A_1543 = arith.constant 16 : i32
          %mul3A_1544 = arith.muli %scan3A_186, %mul3A_1543 : i32
          %add3A_1545 = arith.constant 14 : i32
          %add3A_1546 = arith.addi %mul3A_1544, %add3A_1545 : i32
          %get3A_1547 = arith.index_cast %add3A_1546 : i32 to index
          %get3A_1548 = arith.constant 0 : index
          %get3A_1549 = tpu.vector_load %arg10[%get3A_1547, %get3A_1548] {strides = array<i32>} : memref<128x128xf32, #tpu.memory_space<vmem>>, vector<1x16xf32>,
          %get3A_1550 = vector.shape_cast %get3A_1549 : vector<1x16xf32> to vector<16xf32>
          %mul3A_1551 = arith.mulf %get3A_1550, %gather3A_1542 : vector<16xf32>
          %swap3A_1552 = arith.index_cast %add3A_1546 : i32 to index
          %swap3A_1553 = arith.constant 0 : index
          %swap3A_1554 = tpu.vector_load %arg10[%swap3A_1552, %swap3A_1553] {strides = array<i32>} : memref<128x128xf32, #tpu.memory_space<vmem>>, vector<1x16xf32>,
          %swap3A_1555 = vector.shape_cast %swap3A_1554 : vector<1x16xf32> to vector<16xf32>
          %swap3A_1556 = vector.shape_cast %mul3A_1551 : vector<16xf32> to vector<1x16xf32>
          tpu.vector_store %arg10[%swap3A_1552, %swap3A_1553], %swap3A_1556 {strides = array<i32>} : memref<128x128xf32, #tpu.memory_space<vmem>>, vector<1x16xf32>,
          %get3A_1557 = arith.index_cast %add3A_1546 : i32 to index
          %get3A_1558 = arith.constant 16 : index
          %get3A_1559 = tpu.vector_load %arg10[%get3A_1557, %get3A_1558] {strides = array<i32>} : memref<128x128xf32, #tpu.memory_space<vmem>>, vector<1x16xf32>,
          %get3A_1560 = vector.shape_cast %get3A_1559 : vector<1x16xf32> to vector<16xf32>
          %mul3A_1561 = arith.mulf %get3A_1560, %gather3A_1542 : vector<16xf32>
          %swap3A_1562 = arith.index_cast %add3A_1546 : i32 to index
          %swap3A_1563 = arith.constant 16 : index
          %swap3A_1564 = tpu.vector_load %arg10[%swap3A_1562, %swap3A_1563] {strides = array<i32>} : memref<128x128xf32, #tpu.memory_space<vmem>>, vector<1x16xf32>,
          %swap3A_1565 = vector.shape_cast %swap3A_1564 : vector<1x16xf32> to vector<16xf32>
          %swap3A_1566 = vector.shape_cast %mul3A_1561 : vector<16xf32> to vector<1x16xf32>
          tpu.vector_store %arg10[%swap3A_1562, %swap3A_1563], %swap3A_1566 {strides = array<i32>} : memref<128x128xf32, #tpu.memory_space<vmem>>, vector<1x16xf32>,
          %get3A_1567 = arith.index_cast %add3A_1546 : i32 to index
          %get3A_1568 = arith.constant 32 : index
          %get3A_1569 = tpu.vector_load %arg10[%get3A_1567, %get3A_1568] {strides = array<i32>} : memref<128x128xf32, #tpu.memory_space<vmem>>, vector<1x16xf32>,
          %get3A_1570 = vector.shape_cast %get3A_1569 : vector<1x16xf32> to vector<16xf32>
          %mul3A_1571 = arith.mulf %get3A_1570, %gather3A_1542 : vector<16xf32>
          %swap3A_1572 = arith.index_cast %add3A_1546 : i32 to index
          %swap3A_1573 = arith.constant 32 : index
          %swap3A_1574 = tpu.vector_load %arg10[%swap3A_1572, %swap3A_1573] {strides = array<i32>} : memref<128x128xf32, #tpu.memory_space<vmem>>, vector<1x16xf32>,
          %swap3A_1575 = vector.shape_cast %swap3A_1574 : vector<1x16xf32> to vector<16xf32>
          %swap3A_1576 = vector.shape_cast %mul3A_1571 : vector<16xf32> to vector<1x16xf32>
          tpu.vector_store %arg10[%swap3A_1572, %swap3A_1573], %swap3A_1576 {strides = array<i32>} : memref<128x128xf32, #tpu.memory_space<vmem>>, vector<1x16xf32>,
          %get3A_1577 = arith.index_cast %add3A_1546 : i32 to index
          %get3A_1578 = arith.constant 48 : index
          %get3A_1579 = tpu.vector_load %arg10[%get3A_1577, %get3A_1578] {strides = array<i32>} : memref<128x128xf32, #tpu.memory_space<vmem>>, vector<1x16xf32>,
          %get3A_1580 = vector.shape_cast %get3A_1579 : vector<1x16xf32> to vector<16xf32>
          %mul3A_1581 = arith.mulf %get3A_1580, %gather3A_1542 : vector<16xf32>
          %swap3A_1582 = arith.index_cast %add3A_1546 : i32 to index
          %swap3A_1583 = arith.constant 48 : index
          %swap3A_1584 = tpu.vector_load %arg10[%swap3A_1582, %swap3A_1583] {strides = array<i32>} : memref<128x128xf32, #tpu.memory_space<vmem>>, vector<1x16xf32>,
          %swap3A_1585 = vector.shape_cast %swap3A_1584 : vector<1x16xf32> to vector<16xf32>
          %swap3A_1586 = vector.shape_cast %mul3A_1581 : vector<16xf32> to vector<1x16xf32>
          tpu.vector_store %arg10[%swap3A_1582, %swap3A_1583], %swap3A_1586 {strides = array<i32>} : memref<128x128xf32, #tpu.memory_space<vmem>>, vector<1x16xf32>,
          %get3A_1587 = arith.index_cast %add3A_1546 : i32 to index
          %get3A_1588 = arith.constant 64 : index
          %get3A_1589 = tpu.vector_load %arg10[%get3A_1587, %get3A_1588] {strides = array<i32>} : memref<128x128xf32, #tpu.memory_space<vmem>>, vector<1x16xf32>,
          %get3A_1590 = vector.shape_cast %get3A_1589 : vector<1x16xf32> to vector<16xf32>
          %mul3A_1591 = arith.mulf %get3A_1590, %gather3A_1542 : vector<16xf32>
          %swap3A_1592 = arith.index_cast %add3A_1546 : i32 to index
          %swap3A_1593 = arith.constant 64 : index
          %swap3A_1594 = tpu.vector_load %arg10[%swap3A_1592, %swap3A_1593] {strides = array<i32>} : memref<128x128xf32, #tpu.memory_space<vmem>>, vector<1x16xf32>,
          %swap3A_1595 = vector.shape_cast %swap3A_1594 : vector<1x16xf32> to vector<16xf32>
          %swap3A_1596 = vector.shape_cast %mul3A_1591 : vector<16xf32> to vector<1x16xf32>
          tpu.vector_store %arg10[%swap3A_1592, %swap3A_1593], %swap3A_1596 {strides = array<i32>} : memref<128x128xf32, #tpu.memory_space<vmem>>, vector<1x16xf32>,
          %get3A_1597 = arith.index_cast %add3A_1546 : i32 to index
          %get3A_1598 = arith.constant 80 : index
          %get3A_1599 = tpu.vector_load %arg10[%get3A_1597, %get3A_1598] {strides = array<i32>} : memref<128x128xf32, #tpu.memory_space<vmem>>, vector<1x16xf32>,
          %get3A_1600 = vector.shape_cast %get3A_1599 : vector<1x16xf32> to vector<16xf32>
          %mul3A_1601 = arith.mulf %get3A_1600, %gather3A_1542 : vector<16xf32>
          %swap3A_1602 = arith.index_cast %add3A_1546 : i32 to index
          %swap3A_1603 = arith.constant 80 : index
          %swap3A_1604 = tpu.vector_load %arg10[%swap3A_1602, %swap3A_1603] {strides = array<i32>} : memref<128x128xf32, #tpu.memory_space<vmem>>, vector<1x16xf32>,
          %swap3A_1605 = vector.shape_cast %swap3A_1604 : vector<1x16xf32> to vector<16xf32>
          %swap3A_1606 = vector.shape_cast %mul3A_1601 : vector<16xf32> to vector<1x16xf32>
          tpu.vector_store %arg10[%swap3A_1602, %swap3A_1603], %swap3A_1606 {strides = array<i32>} : memref<128x128xf32, #tpu.memory_space<vmem>>, vector<1x16xf32>,
          %get3A_1607 = arith.index_cast %add3A_1546 : i32 to index
          %get3A_1608 = arith.constant 96 : index
          %get3A_1609 = tpu.vector_load %arg10[%get3A_1607, %get3A_1608] {strides = array<i32>} : memref<128x128xf32, #tpu.memory_space<vmem>>, vector<1x16xf32>,
          %get3A_1610 = vector.shape_cast %get3A_1609 : vector<1x16xf32> to vector<16xf32>
          %mul3A_1611 = arith.mulf %get3A_1610, %gather3A_1542 : vector<16xf32>
          %swap3A_1612 = arith.index_cast %add3A_1546 : i32 to index
          %swap3A_1613 = arith.constant 96 : index
          %swap3A_1614 = tpu.vector_load %arg10[%swap3A_1612, %swap3A_1613] {strides = array<i32>} : memref<128x128xf32, #tpu.memory_space<vmem>>, vector<1x16xf32>,
          %swap3A_1615 = vector.shape_cast %swap3A_1614 : vector<1x16xf32> to vector<16xf32>
          %swap3A_1616 = vector.shape_cast %mul3A_1611 : vector<16xf32> to vector<1x16xf32>
          tpu.vector_store %arg10[%swap3A_1612, %swap3A_1613], %swap3A_1616 {strides = array<i32>} : memref<128x128xf32, #tpu.memory_space<vmem>>, vector<1x16xf32>,
          %get3A_1617 = arith.index_cast %add3A_1546 : i32 to index
          %get3A_1618 = arith.constant 112 : index
          %get3A_1619 = tpu.vector_load %arg10[%get3A_1617, %get3A_1618] {strides = array<i32>} : memref<128x128xf32, #tpu.memory_space<vmem>>, vector<1x16xf32>,
          %get3A_1620 = vector.shape_cast %get3A_1619 : vector<1x16xf32> to vector<16xf32>
          %mul3A_1621 = arith.mulf %get3A_1620, %gather3A_1542 : vector<16xf32>
          %swap3A_1622 = arith.index_cast %add3A_1546 : i32 to index
          %swap3A_1623 = arith.constant 112 : index
          %swap3A_1624 = tpu.vector_load %arg10[%swap3A_1622, %swap3A_1623] {strides = array<i32>} : memref<128x128xf32, #tpu.memory_space<vmem>>, vector<1x16xf32>,
          %swap3A_1625 = vector.shape_cast %swap3A_1624 : vector<1x16xf32> to vector<16xf32>
          %swap3A_1626 = vector.shape_cast %mul3A_1621 : vector<16xf32> to vector<1x16xf32>
          tpu.vector_store %arg10[%swap3A_1622, %swap3A_1623], %swap3A_1626 {strides = array<i32>} : memref<128x128xf32, #tpu.memory_space<vmem>>, vector<1x16xf32>,
          %broadcast_in_dim3A_1627 = arith.constant 15 : i32
          %broadcast_in_dim3A_1628 = vector.broadcast %broadcast_in_dim3A_1627 : i32 to vector<16xi32>
          %lt3A_1629 = arith.constant 0 : i32
          %lt3A_1630 = vector.broadcast %lt3A_1629 : i32 to vector<16xi32>
          %lt3A_1631 = arith.cmpi slt, %broadcast_in_dim3A_1628, %lt3A_1630 : vector<16xi32>
          %add3A_1632 = arith.constant 16 : i32
          %add3A_1633 = vector.broadcast %add3A_1632 : i32 to vector<16xi32>
          %add3A_1634 = arith.addi %broadcast_in_dim3A_1628, %add3A_1633 : vector<16xi32>
          %select_n3A_1635 = arith.select %lt3A_1631, %add3A_1634, %broadcast_in_dim3A_1628 : vector<16xi1>, vector<16xi32>
          %broadcast_in_dim3A_1636 = vector.shape_cast %select_n3A_1635 : vector<16xi32> to vector<16x1xi32>
          %gather3A_1637 = vector.shape_cast %broadcast_in_dim3A_1636 : vector<16x1xi32> to vector<16xi32>
          %gather3A_1638 = tpu.dynamic_gather %get3A_191[%gather3A_1637] in [0] : vector<16xf32>, vector<16xi32> -> vector<16xf32>
          %mul3A_1639 = arith.constant 16 : i32
          %mul3A_1640 = arith.muli %scan3A_186, %mul3A_1639 : i32
          %add3A_1641 = arith.constant 15 : i32
          %add3A_1642 = arith.addi %mul3A_1640, %add3A_1641 : i32
          %get3A_1643 = arith.index_cast %add3A_1642 : i32 to index
          %get3A_1644 = arith.constant 0 : index
          %get3A_1645 = tpu.vector_load %arg10[%get3A_1643, %get3A_1644] {strides = array<i32>} : memref<128x128xf32, #tpu.memory_space<vmem>>, vector<1x16xf32>,
          %get3A_1646 = vector.shape_cast %get3A_1645 : vector<1x16xf32> to vector<16xf32>
          %mul3A_1647 = arith.mulf %get3A_1646, %gather3A_1638 : vector<16xf32>
          %swap3A_1648 = arith.index_cast %add3A_1642 : i32 to index
          %swap3A_1649 = arith.constant 0 : index
          %swap3A_1650 = tpu.vector_load %arg10[%swap3A_1648, %swap3A_1649] {strides = array<i32>} : memref<128x128xf32, #tpu.memory_space<vmem>>, vector<1x16xf32>,
          %swap3A_1651 = vector.shape_cast %swap3A_1650 : vector<1x16xf32> to vector<16xf32>
          %swap3A_1652 = vector.shape_cast %mul3A_1647 : vector<16xf32> to vector<1x16xf32>
          tpu.vector_store %arg10[%swap3A_1648, %swap3A_1649], %swap3A_1652 {strides = array<i32>} : memref<128x128xf32, #tpu.memory_space<vmem>>, vector<1x16xf32>,
          %get3A_1653 = arith.index_cast %add3A_1642 : i32 to index
          %get3A_1654 = arith.constant 16 : index
          %get3A_1655 = tpu.vector_load %arg10[%get3A_1653, %get3A_1654] {strides = array<i32>} : memref<128x128xf32, #tpu.memory_space<vmem>>, vector<1x16xf32>,
          %get3A_1656 = vector.shape_cast %get3A_1655 : vector<1x16xf32> to vector<16xf32>
          %mul3A_1657 = arith.mulf %get3A_1656, %gather3A_1638 : vector<16xf32>
          %swap3A_1658 = arith.index_cast %add3A_1642 : i32 to index
          %swap3A_1659 = arith.constant 16 : index
          %swap3A_1660 = tpu.vector_load %arg10[%swap3A_1658, %swap3A_1659] {strides = array<i32>} : memref<128x128xf32, #tpu.memory_space<vmem>>, vector<1x16xf32>,
          %swap3A_1661 = vector.shape_cast %swap3A_1660 : vector<1x16xf32> to vector<16xf32>
          %swap3A_1662 = vector.shape_cast %mul3A_1657 : vector<16xf32> to vector<1x16xf32>
          tpu.vector_store %arg10[%swap3A_1658, %swap3A_1659], %swap3A_1662 {strides = array<i32>} : memref<128x128xf32, #tpu.memory_space<vmem>>, vector<1x16xf32>,
          %get3A_1663 = arith.index_cast %add3A_1642 : i32 to index
          %get3A_1664 = arith.constant 32 : index
          %get3A_1665 = tpu.vector_load %arg10[%get3A_1663, %get3A_1664] {strides = array<i32>} : memref<128x128xf32, #tpu.memory_space<vmem>>, vector<1x16xf32>,
          %get3A_1666 = vector.shape_cast %get3A_1665 : vector<1x16xf32> to vector<16xf32>
          %mul3A_1667 = arith.mulf %get3A_1666, %gather3A_1638 : vector<16xf32>
          %swap3A_1668 = arith.index_cast %add3A_1642 : i32 to index
          %swap3A_1669 = arith.constant 32 : index
          %swap3A_1670 = tpu.vector_load %arg10[%swap3A_1668, %swap3A_1669] {strides = array<i32>} : memref<128x128xf32, #tpu.memory_space<vmem>>, vector<1x16xf32>,
          %swap3A_1671 = vector.shape_cast %swap3A_1670 : vector<1x16xf32> to vector<16xf32>
          %swap3A_1672 = vector.shape_cast %mul3A_1667 : vector<16xf32> to vector<1x16xf32>
          tpu.vector_store %arg10[%swap3A_1668, %swap3A_1669], %swap3A_1672 {strides = array<i32>} : memref<128x128xf32, #tpu.memory_space<vmem>>, vector<1x16xf32>,
          %get3A_1673 = arith.index_cast %add3A_1642 : i32 to index
          %get3A_1674 = arith.constant 48 : index
          %get3A_1675 = tpu.vector_load %arg10[%get3A_1673, %get3A_1674] {strides = array<i32>} : memref<128x128xf32, #tpu.memory_space<vmem>>, vector<1x16xf32>,
          %get3A_1676 = vector.shape_cast %get3A_1675 : vector<1x16xf32> to vector<16xf32>
          %mul3A_1677 = arith.mulf %get3A_1676, %gather3A_1638 : vector<16xf32>
          %swap3A_1678 = arith.index_cast %add3A_1642 : i32 to index
          %swap3A_1679 = arith.constant 48 : index
          %swap3A_1680 = tpu.vector_load %arg10[%swap3A_1678, %swap3A_1679] {strides = array<i32>} : memref<128x128xf32, #tpu.memory_space<vmem>>, vector<1x16xf32>,
          %swap3A_1681 = vector.shape_cast %swap3A_1680 : vector<1x16xf32> to vector<16xf32>
          %swap3A_1682 = vector.shape_cast %mul3A_1677 : vector<16xf32> to vector<1x16xf32>
          tpu.vector_store %arg10[%swap3A_1678, %swap3A_1679], %swap3A_1682 {strides = array<i32>} : memref<128x128xf32, #tpu.memory_space<vmem>>, vector<1x16xf32>,
          %get3A_1683 = arith.index_cast %add3A_1642 : i32 to index
          %get3A_1684 = arith.constant 64 : index
          %get3A_1685 = tpu.vector_load %arg10[%get3A_1683, %get3A_1684] {strides = array<i32>} : memref<128x128xf32, #tpu.memory_space<vmem>>, vector<1x16xf32>,
          %get3A_1686 = vector.shape_cast %get3A_1685 : vector<1x16xf32> to vector<16xf32>
          %mul3A_1687 = arith.mulf %get3A_1686, %gather3A_1638 : vector<16xf32>
          %swap3A_1688 = arith.index_cast %add3A_1642 : i32 to index
          %swap3A_1689 = arith.constant 64 : index
          %swap3A_1690 = tpu.vector_load %arg10[%swap3A_1688, %swap3A_1689] {strides = array<i32>} : memref<128x128xf32, #tpu.memory_space<vmem>>, vector<1x16xf32>,
          %swap3A_1691 = vector.shape_cast %swap3A_1690 : vector<1x16xf32> to vector<16xf32>
          %swap3A_1692 = vector.shape_cast %mul3A_1687 : vector<16xf32> to vector<1x16xf32>
          tpu.vector_store %arg10[%swap3A_1688, %swap3A_1689], %swap3A_1692 {strides = array<i32>} : memref<128x128xf32, #tpu.memory_space<vmem>>, vector<1x16xf32>,
          %get3A_1693 = arith.index_cast %add3A_1642 : i32 to index
          %get3A_1694 = arith.constant 80 : index
          %get3A_1695 = tpu.vector_load %arg10[%get3A_1693, %get3A_1694] {strides = array<i32>} : memref<128x128xf32, #tpu.memory_space<vmem>>, vector<1x16xf32>,
          %get3A_1696 = vector.shape_cast %get3A_1695 : vector<1x16xf32> to vector<16xf32>
          %mul3A_1697 = arith.mulf %get3A_1696, %gather3A_1638 : vector<16xf32>
          %swap3A_1698 = arith.index_cast %add3A_1642 : i32 to index
          %swap3A_1699 = arith.constant 80 : index
          %swap3A_1700 = tpu.vector_load %arg10[%swap3A_1698, %swap3A_1699] {strides = array<i32>} : memref<128x128xf32, #tpu.memory_space<vmem>>, vector<1x16xf32>,
          %swap3A_1701 = vector.shape_cast %swap3A_1700 : vector<1x16xf32> to vector<16xf32>
          %swap3A_1702 = vector.shape_cast %mul3A_1697 : vector<16xf32> to vector<1x16xf32>
          tpu.vector_store %arg10[%swap3A_1698, %swap3A_1699], %swap3A_1702 {strides = array<i32>} : memref<128x128xf32, #tpu.memory_space<vmem>>, vector<1x16xf32>,
          %get3A_1703 = arith.index_cast %add3A_1642 : i32 to index
          %get3A_1704 = arith.constant 96 : index
          %get3A_1705 = tpu.vector_load %arg10[%get3A_1703, %get3A_1704] {strides = array<i32>} : memref<128x128xf32, #tpu.memory_space<vmem>>, vector<1x16xf32>,
          %get3A_1706 = vector.shape_cast %get3A_1705 : vector<1x16xf32> to vector<16xf32>
          %mul3A_1707 = arith.mulf %get3A_1706, %gather3A_1638 : vector<16xf32>
          %swap3A_1708 = arith.index_cast %add3A_1642 : i32 to index
          %swap3A_1709 = arith.constant 96 : index
          %swap3A_1710 = tpu.vector_load %arg10[%swap3A_1708, %swap3A_1709] {strides = array<i32>} : memref<128x128xf32, #tpu.memory_space<vmem>>, vector<1x16xf32>,
          %swap3A_1711 = vector.shape_cast %swap3A_1710 : vector<1x16xf32> to vector<16xf32>
          %swap3A_1712 = vector.shape_cast %mul3A_1707 : vector<16xf32> to vector<1x16xf32>
          tpu.vector_store %arg10[%swap3A_1708, %swap3A_1709], %swap3A_1712 {strides = array<i32>} : memref<128x128xf32, #tpu.memory_space<vmem>>, vector<1x16xf32>,
          %get3A_1713 = arith.index_cast %add3A_1642 : i32 to index
          %get3A_1714 = arith.constant 112 : index
          %get3A_1715 = tpu.vector_load %arg10[%get3A_1713, %get3A_1714] {strides = array<i32>} : memref<128x128xf32, #tpu.memory_space<vmem>>, vector<1x16xf32>,
          %get3A_1716 = vector.shape_cast %get3A_1715 : vector<1x16xf32> to vector<16xf32>
          %mul3A_1717 = arith.mulf %get3A_1716, %gather3A_1638 : vector<16xf32>
          %swap3A_1718 = arith.index_cast %add3A_1642 : i32 to index
          %swap3A_1719 = arith.constant 112 : index
          %swap3A_1720 = tpu.vector_load %arg10[%swap3A_1718, %swap3A_1719] {strides = array<i32>} : memref<128x128xf32, #tpu.memory_space<vmem>>, vector<1x16xf32>,
          %swap3A_1721 = vector.shape_cast %swap3A_1720 : vector<1x16xf32> to vector<16xf32>
          %swap3A_1722 = vector.shape_cast %mul3A_1717 : vector<16xf32> to vector<1x16xf32>
          tpu.vector_store %arg10[%swap3A_1718, %swap3A_1719], %swap3A_1722 {strides = array<i32>} : memref<128x128xf32, #tpu.memory_space<vmem>>, vector<1x16xf32>,
        }
        %scan3A_133 = arith.constant 8 : i32
        %dma_start3A_134 = arith.constant 0 : i32
        %dma_start3A_135 = tpu.memref_slice %arg7[%add3A_110, %dma_start3A_134] : memref<16x128xi32, #tpu.memory_space<vmem>> -> memref<1x128xi32, #tpu.memory_space<vmem>>
        %dma_start3A_136 = tpu.memref_squeeze %dma_start3A_135 : memref<1x128xi32, #tpu.memory_space<vmem>> -> memref<128xi32, #tpu.memory_space<vmem>>
        %dma_start3A_137 = arith.constant 0 : i32
        %dma_start3A_138 = arith.constant 0 : i32
        %dma_start3A_139 = tpu.memref_slice %arg12[%dma_start3A_137, %dma_start3A_138] : memref<10000x128xf32, #tpu.memory_space<vmem_shared>> -> memref<10000x128xf32, #tpu.memory_space<vmem_shared>>
        tpu.enqueue_indirect_dma source(%arg10 : memref<128x128xf32, #tpu.memory_space<vmem>>) target(%dma_start3A_139 : memref<10000x128xf32, #tpu.memory_space<vmem_shared>>) offsets(%dma_start3A_136 : memref<128xi32, #tpu.memory_space<vmem>>) semaphore(%arg15 : memref<!tpu.dma_semaphore, #tpu.memory_space<semaphore_mem>>) {add = true}
        %mul3A_140 = arith.constant 2 : i32
        %mul3A_141 = arith.muli %scan3A_63, %mul3A_140 : i32
        %add3A_142 = arith.constant 1 : i32
        %add3A_143 = arith.addi %mul3A_141, %add3A_142 : i32
        %dma_wait3A_144 = arith.constant 0 : i32
        %dma_wait3A_145 = arith.constant 0 : i32
        %dma_wait3A_146 = tpu.memref_slice %arg11[%dma_wait3A_144, %dma_wait3A_145] : memref<128x128xf32, #tpu.memory_space<vmem>> -> memref<64x128xf32, #tpu.memory_space<vmem>>
        %dma_wait3A_147 = arith.constant 0 : i32
        %dma_wait3A_148 = tpu.memref_slice %arg8[%add3A_88, %dma_wait3A_147] : memref<16x128xi32, #tpu.memory_space<vmem>> -> memref<1x64xi32, #tpu.memory_space<vmem>>
        %dma_wait3A_149 = tpu.memref_squeeze %dma_wait3A_148 : memref<1x64xi32, #tpu.memory_space<vmem>> -> memref<64xi32, #tpu.memory_space<vmem>>
        %dma_wait3A_150 = arith.constant 0 : i32
        %dma_wait3A_151 = arith.constant 0 : i32
        %dma_wait3A_152 = tpu.memref_slice %arg2[%dma_wait3A_150, %dma_wait3A_151] : memref<10000x128xf32, #tpu.memory_space<hbm>> -> memref<10000x128xf32, #tpu.memory_space<hbm>>
        tpu.wait_indirect_dma semaphore(%arg14 : memref<!tpu.dma_semaphore, #tpu.memory_space<semaphore_mem>>) src(%dma_wait3A_152 : memref<10000x128xf32, #tpu.memory_space<hbm>>) dst(%dma_wait3A_146 : memref<64x128xf32, #tpu.memory_space<vmem>>)
        %dma_wait3A_153 = arith.constant 64 : i32
        %dma_wait3A_154 = arith.constant 0 : i32
        %dma_wait3A_155 = tpu.memref_slice %arg11[%dma_wait3A_153, %dma_wait3A_154] : memref<128x128xf32, #tpu.memory_space<vmem>> -> memref<64x128xf32, #tpu.memory_space<vmem>>
        %dma_wait3A_156 = arith.constant 64 : i32
        %dma_wait3A_157 = tpu.memref_slice %arg8[%add3A_88, %dma_wait3A_156] : memref<16x128xi32, #tpu.memory_space<vmem>> -> memref<1x64xi32, #tpu.memory_space<vmem>>
        %dma_wait3A_158 = tpu.memref_squeeze %dma_wait3A_157 : memref<1x64xi32, #tpu.memory_space<vmem>> -> memref<64xi32, #tpu.memory_space<vmem>>
        %dma_wait3A_159 = arith.constant 0 : i32
        %dma_wait3A_160 = arith.constant 0 : i32
        %dma_wait3A_161 = tpu.memref_slice %arg2[%dma_wait3A_159, %dma_wait3A_160] : memref<10000x128xf32, #tpu.memory_space<hbm>> -> memref<10000x128xf32, #tpu.memory_space<hbm>>
        tpu.wait_indirect_dma semaphore(%arg14 : memref<!tpu.dma_semaphore, #tpu.memory_space<semaphore_mem>>) src(%dma_wait3A_161 : memref<10000x128xf32, #tpu.memory_space<hbm>>) dst(%dma_wait3A_155 : memref<64x128xf32, #tpu.memory_space<vmem>>)
        %scan3A_162 = arith.constant 0 : i32
        %scan3A_163 = arith.constant 0 : i32
        %scan3A_164 = arith.constant 8 : i32
        %scan3A_165 = arith.addi %scan3A_163, %scan3A_164 : i32
        %scan3A_166 = arith.constant 1 : i32
        scf.for %scan3A_186 = %scan3A_163 to %scan3A_165 step %scan3A_166  : i32 {
          %mul3A_187 = arith.constant 16 : i32
          %mul3A_188 = arith.muli %scan3A_186, %mul3A_187 : i32
          %get3A = arith.index_cast %add3A_143 : i32 to index
          %get3A_189 = arith.index_cast %mul3A_188 : i32 to index
          %get3A_190 = tpu.vector_load %arg9[%get3A, %get3A_189] {strides = array<i32>} : memref<16x128xf32, #tpu.memory_space<vmem>>, vector<1x16xf32>,
          %get3A_191 = vector.shape_cast %get3A_190 : vector<1x16xf32> to vector<16xf32>
          %broadcast_in_dim3A = arith.constant 0 : i32
          %broadcast_in_dim3A_192 = vector.broadcast %broadcast_in_dim3A : i32 to vector<16xi32>
          %lt3A = arith.constant 0 : i32
          %lt3A_193 = vector.broadcast %lt3A : i32 to vector<16xi32>
          %lt3A_194 = arith.cmpi slt, %broadcast_in_dim3A_192, %lt3A_193 : vector<16xi32>
          %add3A_195 = arith.constant 16 : i32
          %add3A_196 = vector.broadcast %add3A_195 : i32 to vector<16xi32>
          %add3A_197 = arith.addi %broadcast_in_dim3A_192, %add3A_196 : vector<16xi32>
          %select_n3A = arith.select %lt3A_194, %add3A_197, %broadcast_in_dim3A_192 : vector<16xi1>, vector<16xi32>
          %broadcast_in_dim3A_198 = vector.shape_cast %select_n3A : vector<16xi32> to vector<16x1xi32>
          %gather3A = vector.shape_cast %broadcast_in_dim3A_198 : vector<16x1xi32> to vector<16xi32>
          %gather3A_199 = tpu.dynamic_gather %get3A_191[%gather3A] in [0] : vector<16xf32>, vector<16xi32> -> vector<16xf32>
          %mul3A_200 = arith.constant 16 : i32
          %mul3A_201 = arith.muli %scan3A_186, %mul3A_200 : i32
          %add3A_202 = arith.constant 0 : i32
          %add3A_203 = arith.addi %mul3A_201, %add3A_202 : i32
          %get3A_204 = arith.index_cast %add3A_203 : i32 to index
          %get3A_205 = arith.constant 0 : index
          %get3A_206 = tpu.vector_load %arg11[%get3A_204, %get3A_205] {strides = array<i32>} : memref<128x128xf32, #tpu.memory_space<vmem>>, vector<1x16xf32>,
          %get3A_207 = vector.shape_cast %get3A_206 : vector<1x16xf32> to vector<16xf32>
          %mul3A_208 = arith.mulf %get3A_207, %gather3A_199 : vector<16xf32>
          %swap3A = arith.index_cast %add3A_203 : i32 to index
          %swap3A_209 = arith.constant 0 : index
          %swap3A_210 = tpu.vector_load %arg11[%swap3A, %swap3A_209] {strides = array<i32>} : memref<128x128xf32, #tpu.memory_space<vmem>>, vector<1x16xf32>,
          %swap3A_211 = vector.shape_cast %swap3A_210 : vector<1x16xf32> to vector<16xf32>
          %swap3A_212 = vector.shape_cast %mul3A_208 : vector<16xf32> to vector<1x16xf32>
          tpu.vector_store %arg11[%swap3A, %swap3A_209], %swap3A_212 {strides = array<i32>} : memref<128x128xf32, #tpu.memory_space<vmem>>, vector<1x16xf32>,
          %get3A_213 = arith.index_cast %add3A_203 : i32 to index
          %get3A_214 = arith.constant 16 : index
          %get3A_215 = tpu.vector_load %arg11[%get3A_213, %get3A_214] {strides = array<i32>} : memref<128x128xf32, #tpu.memory_space<vmem>>, vector<1x16xf32>,
          %get3A_216 = vector.shape_cast %get3A_215 : vector<1x16xf32> to vector<16xf32>
          %mul3A_217 = arith.mulf %get3A_216, %gather3A_199 : vector<16xf32>
          %swap3A_218 = arith.index_cast %add3A_203 : i32 to index
          %swap3A_219 = arith.constant 16 : index
          %swap3A_220 = tpu.vector_load %arg11[%swap3A_218, %swap3A_219] {strides = array<i32>} : memref<128x128xf32, #tpu.memory_space<vmem>>, vector<1x16xf32>,
          %swap3A_221 = vector.shape_cast %swap3A_220 : vector<1x16xf32> to vector<16xf32>
          %swap3A_222 = vector.shape_cast %mul3A_217 : vector<16xf32> to vector<1x16xf32>
          tpu.vector_store %arg11[%swap3A_218, %swap3A_219], %swap3A_222 {strides = array<i32>} : memref<128x128xf32, #tpu.memory_space<vmem>>, vector<1x16xf32>,
          %get3A_223 = arith.index_cast %add3A_203 : i32 to index
          %get3A_224 = arith.constant 32 : index
          %get3A_225 = tpu.vector_load %arg11[%get3A_223, %get3A_224] {strides = array<i32>} : memref<128x128xf32, #tpu.memory_space<vmem>>, vector<1x16xf32>,
          %get3A_226 = vector.shape_cast %get3A_225 : vector<1x16xf32> to vector<16xf32>
          %mul3A_227 = arith.mulf %get3A_226, %gather3A_199 : vector<16xf32>
          %swap3A_228 = arith.index_cast %add3A_203 : i32 to index
          %swap3A_229 = arith.constant 32 : index
          %swap3A_230 = tpu.vector_load %arg11[%swap3A_228, %swap3A_229] {strides = array<i32>} : memref<128x128xf32, #tpu.memory_space<vmem>>, vector<1x16xf32>,
          %swap3A_231 = vector.shape_cast %swap3A_230 : vector<1x16xf32> to vector<16xf32>
          %swap3A_232 = vector.shape_cast %mul3A_227 : vector<16xf32> to vector<1x16xf32>
          tpu.vector_store %arg11[%swap3A_228, %swap3A_229], %swap3A_232 {strides = array<i32>} : memref<128x128xf32, #tpu.memory_space<vmem>>, vector<1x16xf32>,
          %get3A_233 = arith.index_cast %add3A_203 : i32 to index
          %get3A_234 = arith.constant 48 : index
          %get3A_235 = tpu.vector_load %arg11[%get3A_233, %get3A_234] {strides = array<i32>} : memref<128x128xf32, #tpu.memory_space<vmem>>, vector<1x16xf32>,
          %get3A_236 = vector.shape_cast %get3A_235 : vector<1x16xf32> to vector<16xf32>
          %mul3A_237 = arith.mulf %get3A_236, %gather3A_199 : vector<16xf32>
          %swap3A_238 = arith.index_cast %add3A_203 : i32 to index
          %swap3A_239 = arith.constant 48 : index
          %swap3A_240 = tpu.vector_load %arg11[%swap3A_238, %swap3A_239] {strides = array<i32>} : memref<128x128xf32, #tpu.memory_space<vmem>>, vector<1x16xf32>,
          %swap3A_241 = vector.shape_cast %swap3A_240 : vector<1x16xf32> to vector<16xf32>
          %swap3A_242 = vector.shape_cast %mul3A_237 : vector<16xf32> to vector<1x16xf32>
          tpu.vector_store %arg11[%swap3A_238, %swap3A_239], %swap3A_242 {strides = array<i32>} : memref<128x128xf32, #tpu.memory_space<vmem>>, vector<1x16xf32>,
          %get3A_243 = arith.index_cast %add3A_203 : i32 to index
          %get3A_244 = arith.constant 64 : index
          %get3A_245 = tpu.vector_load %arg11[%get3A_243, %get3A_244] {strides = array<i32>} : memref<128x128xf32, #tpu.memory_space<vmem>>, vector<1x16xf32>,
          %get3A_246 = vector.shape_cast %get3A_245 : vector<1x16xf32> to vector<16xf32>
          %mul3A_247 = arith.mulf %get3A_246, %gather3A_199 : vector<16xf32>
          %swap3A_248 = arith.index_cast %add3A_203 : i32 to index
          %swap3A_249 = arith.constant 64 : index
          %swap3A_250 = tpu.vector_load %arg11[%swap3A_248, %swap3A_249] {strides = array<i32>} : memref<128x128xf32, #tpu.memory_space<vmem>>, vector<1x16xf32>,
          %swap3A_251 = vector.shape_cast %swap3A_250 : vector<1x16xf32> to vector<16xf32>
          %swap3A_252 = vector.shape_cast %mul3A_247 : vector<16xf32> to vector<1x16xf32>
          tpu.vector_store %arg11[%swap3A_248, %swap3A_249], %swap3A_252 {strides = array<i32>} : memref<128x128xf32, #tpu.memory_space<vmem>>, vector<1x16xf32>,
          %get3A_253 = arith.index_cast %add3A_203 : i32 to index
          %get3A_254 = arith.constant 80 : index
          %get3A_255 = tpu.vector_load %arg11[%get3A_253, %get3A_254] {strides = array<i32>} : memref<128x128xf32, #tpu.memory_space<vmem>>, vector<1x16xf32>,
          %get3A_256 = vector.shape_cast %get3A_255 : vector<1x16xf32> to vector<16xf32>
          %mul3A_257 = arith.mulf %get3A_256, %gather3A_199 : vector<16xf32>
          %swap3A_258 = arith.index_cast %add3A_203 : i32 to index
          %swap3A_259 = arith.constant 80 : index
          %swap3A_260 = tpu.vector_load %arg11[%swap3A_258, %swap3A_259] {strides = array<i32>} : memref<128x128xf32, #tpu.memory_space<vmem>>, vector<1x16xf32>,
          %swap3A_261 = vector.shape_cast %swap3A_260 : vector<1x16xf32> to vector<16xf32>
          %swap3A_262 = vector.shape_cast %mul3A_257 : vector<16xf32> to vector<1x16xf32>
          tpu.vector_store %arg11[%swap3A_258, %swap3A_259], %swap3A_262 {strides = array<i32>} : memref<128x128xf32, #tpu.memory_space<vmem>>, vector<1x16xf32>,
          %get3A_263 = arith.index_cast %add3A_203 : i32 to index
          %get3A_264 = arith.constant 96 : index
          %get3A_265 = tpu.vector_load %arg11[%get3A_263, %get3A_264] {strides = array<i32>} : memref<128x128xf32, #tpu.memory_space<vmem>>, vector<1x16xf32>,
          %get3A_266 = vector.shape_cast %get3A_265 : vector<1x16xf32> to vector<16xf32>
          %mul3A_267 = arith.mulf %get3A_266, %gather3A_199 : vector<16xf32>
          %swap3A_268 = arith.index_cast %add3A_203 : i32 to index
          %swap3A_269 = arith.constant 96 : index
          %swap3A_270 = tpu.vector_load %arg11[%swap3A_268, %swap3A_269] {strides = array<i32>} : memref<128x128xf32, #tpu.memory_space<vmem>>, vector<1x16xf32>,
          %swap3A_271 = vector.shape_cast %swap3A_270 : vector<1x16xf32> to vector<16xf32>
          %swap3A_272 = vector.shape_cast %mul3A_267 : vector<16xf32> to vector<1x16xf32>
          tpu.vector_store %arg11[%swap3A_268, %swap3A_269], %swap3A_272 {strides = array<i32>} : memref<128x128xf32, #tpu.memory_space<vmem>>, vector<1x16xf32>,
          %get3A_273 = arith.index_cast %add3A_203 : i32 to index
          %get3A_274 = arith.constant 112 : index
          %get3A_275 = tpu.vector_load %arg11[%get3A_273, %get3A_274] {strides = array<i32>} : memref<128x128xf32, #tpu.memory_space<vmem>>, vector<1x16xf32>,
          %get3A_276 = vector.shape_cast %get3A_275 : vector<1x16xf32> to vector<16xf32>
          %mul3A_277 = arith.mulf %get3A_276, %gather3A_199 : vector<16xf32>
          %swap3A_278 = arith.index_cast %add3A_203 : i32 to index
          %swap3A_279 = arith.constant 112 : index
          %swap3A_280 = tpu.vector_load %arg11[%swap3A_278, %swap3A_279] {strides = array<i32>} : memref<128x128xf32, #tpu.memory_space<vmem>>, vector<1x16xf32>,
          %swap3A_281 = vector.shape_cast %swap3A_280 : vector<1x16xf32> to vector<16xf32>
          %swap3A_282 = vector.shape_cast %mul3A_277 : vector<16xf32> to vector<1x16xf32>
          tpu.vector_store %arg11[%swap3A_278, %swap3A_279], %swap3A_282 {strides = array<i32>} : memref<128x128xf32, #tpu.memory_space<vmem>>, vector<1x16xf32>,
          %broadcast_in_dim3A_283 = arith.constant 1 : i32
          %broadcast_in_dim3A_284 = vector.broadcast %broadcast_in_dim3A_283 : i32 to vector<16xi32>
          %lt3A_285 = arith.constant 0 : i32
          %lt3A_286 = vector.broadcast %lt3A_285 : i32 to vector<16xi32>
          %lt3A_287 = arith.cmpi slt, %broadcast_in_dim3A_284, %lt3A_286 : vector<16xi32>
          %add3A_288 = arith.constant 16 : i32
          %add3A_289 = vector.broadcast %add3A_288 : i32 to vector<16xi32>
          %add3A_290 = arith.addi %broadcast_in_dim3A_284, %add3A_289 : vector<16xi32>
          %select_n3A_291 = arith.select %lt3A_287, %add3A_290, %broadcast_in_dim3A_284 : vector<16xi1>, vector<16xi32>
          %broadcast_in_dim3A_292 = vector.shape_cast %select_n3A_291 : vector<16xi32> to vector<16x1xi32>
          %gather3A_293 = vector.shape_cast %broadcast_in_dim3A_292 : vector<16x1xi32> to vector<16xi32>
          %gather3A_294 = tpu.dynamic_gather %get3A_191[%gather3A_293] in [0] : vector<16xf32>, vector<16xi32> -> vector<16xf32>
          %mul3A_295 = arith.constant 16 : i32
          %mul3A_296 = arith.muli %scan3A_186, %mul3A_295 : i32
          %add3A_297 = arith.constant 1 : i32
          %add3A_298 = arith.addi %mul3A_296, %add3A_297 : i32
          %get3A_299 = arith.index_cast %add3A_298 : i32 to index
          %get3A_300 = arith.constant 0 : index
          %get3A_301 = tpu.vector_load %arg11[%get3A_299, %get3A_300] {strides = array<i32>} : memref<128x128xf32, #tpu.memory_space<vmem>>, vector<1x16xf32>,
          %get3A_302 = vector.shape_cast %get3A_301 : vector<1x16xf32> to vector<16xf32>
          %mul3A_303 = arith.mulf %get3A_302, %gather3A_294 : vector<16xf32>
          %swap3A_304 = arith.index_cast %add3A_298 : i32 to index
          %swap3A_305 = arith.constant 0 : index
          %swap3A_306 = tpu.vector_load %arg11[%swap3A_304, %swap3A_305] {strides = array<i32>} : memref<128x128xf32, #tpu.memory_space<vmem>>, vector<1x16xf32>,
          %swap3A_307 = vector.shape_cast %swap3A_306 : vector<1x16xf32> to vector<16xf32>
          %swap3A_308 = vector.shape_cast %mul3A_303 : vector<16xf32> to vector<1x16xf32>
          tpu.vector_store %arg11[%swap3A_304, %swap3A_305], %swap3A_308 {strides = array<i32>} : memref<128x128xf32, #tpu.memory_space<vmem>>, vector<1x16xf32>,
          %get3A_309 = arith.index_cast %add3A_298 : i32 to index
          %get3A_310 = arith.constant 16 : index
          %get3A_311 = tpu.vector_load %arg11[%get3A_309, %get3A_310] {strides = array<i32>} : memref<128x128xf32, #tpu.memory_space<vmem>>, vector<1x16xf32>,
          %get3A_312 = vector.shape_cast %get3A_311 : vector<1x16xf32> to vector<16xf32>
          %mul3A_313 = arith.mulf %get3A_312, %gather3A_294 : vector<16xf32>
          %swap3A_314 = arith.index_cast %add3A_298 : i32 to index
          %swap3A_315 = arith.constant 16 : index
          %swap3A_316 = tpu.vector_load %arg11[%swap3A_314, %swap3A_315] {strides = array<i32>} : memref<128x128xf32, #tpu.memory_space<vmem>>, vector<1x16xf32>,
          %swap3A_317 = vector.shape_cast %swap3A_316 : vector<1x16xf32> to vector<16xf32>
          %swap3A_318 = vector.shape_cast %mul3A_313 : vector<16xf32> to vector<1x16xf32>
          tpu.vector_store %arg11[%swap3A_314, %swap3A_315], %swap3A_318 {strides = array<i32>} : memref<128x128xf32, #tpu.memory_space<vmem>>, vector<1x16xf32>,
          %get3A_319 = arith.index_cast %add3A_298 : i32 to index
          %get3A_320 = arith.constant 32 : index
          %get3A_321 = tpu.vector_load %arg11[%get3A_319, %get3A_320] {strides = array<i32>} : memref<128x128xf32, #tpu.memory_space<vmem>>, vector<1x16xf32>,
          %get3A_322 = vector.shape_cast %get3A_321 : vector<1x16xf32> to vector<16xf32>
          %mul3A_323 = arith.mulf %get3A_322, %gather3A_294 : vector<16xf32>
          %swap3A_324 = arith.index_cast %add3A_298 : i32 to index
          %swap3A_325 = arith.constant 32 : index
          %swap3A_326 = tpu.vector_load %arg11[%swap3A_324, %swap3A_325] {strides = array<i32>} : memref<128x128xf32, #tpu.memory_space<vmem>>, vector<1x16xf32>,
          %swap3A_327 = vector.shape_cast %swap3A_326 : vector<1x16xf32> to vector<16xf32>
          %swap3A_328 = vector.shape_cast %mul3A_323 : vector<16xf32> to vector<1x16xf32>
          tpu.vector_store %arg11[%swap3A_324, %swap3A_325], %swap3A_328 {strides = array<i32>} : memref<128x128xf32, #tpu.memory_space<vmem>>, vector<1x16xf32>,
          %get3A_329 = arith.index_cast %add3A_298 : i32 to index
          %get3A_330 = arith.constant 48 : index
          %get3A_331 = tpu.vector_load %arg11[%get3A_329, %get3A_330] {strides = array<i32>} : memref<128x128xf32, #tpu.memory_space<vmem>>, vector<1x16xf32>,
          %get3A_332 = vector.shape_cast %get3A_331 : vector<1x16xf32> to vector<16xf32>
          %mul3A_333 = arith.mulf %get3A_332, %gather3A_294 : vector<16xf32>
          %swap3A_334 = arith.index_cast %add3A_298 : i32 to index
          %swap3A_335 = arith.constant 48 : index
          %swap3A_336 = tpu.vector_load %arg11[%swap3A_334, %swap3A_335] {strides = array<i32>} : memref<128x128xf32, #tpu.memory_space<vmem>>, vector<1x16xf32>,
          %swap3A_337 = vector.shape_cast %swap3A_336 : vector<1x16xf32> to vector<16xf32>
          %swap3A_338 = vector.shape_cast %mul3A_333 : vector<16xf32> to vector<1x16xf32>
          tpu.vector_store %arg11[%swap3A_334, %swap3A_335], %swap3A_338 {strides = array<i32>} : memref<128x128xf32, #tpu.memory_space<vmem>>, vector<1x16xf32>,
          %get3A_339 = arith.index_cast %add3A_298 : i32 to index
          %get3A_340 = arith.constant 64 : index
          %get3A_341 = tpu.vector_load %arg11[%get3A_339, %get3A_340] {strides = array<i32>} : memref<128x128xf32, #tpu.memory_space<vmem>>, vector<1x16xf32>,
          %get3A_342 = vector.shape_cast %get3A_341 : vector<1x16xf32> to vector<16xf32>
          %mul3A_343 = arith.mulf %get3A_342, %gather3A_294 : vector<16xf32>
          %swap3A_344 = arith.index_cast %add3A_298 : i32 to index
          %swap3A_345 = arith.constant 64 : index
          %swap3A_346 = tpu.vector_load %arg11[%swap3A_344, %swap3A_345] {strides = array<i32>} : memref<128x128xf32, #tpu.memory_space<vmem>>, vector<1x16xf32>,
          %swap3A_347 = vector.shape_cast %swap3A_346 : vector<1x16xf32> to vector<16xf32>
          %swap3A_348 = vector.shape_cast %mul3A_343 : vector<16xf32> to vector<1x16xf32>
          tpu.vector_store %arg11[%swap3A_344, %swap3A_345], %swap3A_348 {strides = array<i32>} : memref<128x128xf32, #tpu.memory_space<vmem>>, vector<1x16xf32>,
          %get3A_349 = arith.index_cast %add3A_298 : i32 to index
          %get3A_350 = arith.constant 80 : index
          %get3A_351 = tpu.vector_load %arg11[%get3A_349, %get3A_350] {strides = array<i32>} : memref<128x128xf32, #tpu.memory_space<vmem>>, vector<1x16xf32>,
          %get3A_352 = vector.shape_cast %get3A_351 : vector<1x16xf32> to vector<16xf32>
          %mul3A_353 = arith.mulf %get3A_352, %gather3A_294 : vector<16xf32>
          %swap3A_354 = arith.index_cast %add3A_298 : i32 to index
          %swap3A_355 = arith.constant 80 : index
          %swap3A_356 = tpu.vector_load %arg11[%swap3A_354, %swap3A_355] {strides = array<i32>} : memref<128x128xf32, #tpu.memory_space<vmem>>, vector<1x16xf32>,
          %swap3A_357 = vector.shape_cast %swap3A_356 : vector<1x16xf32> to vector<16xf32>
          %swap3A_358 = vector.shape_cast %mul3A_353 : vector<16xf32> to vector<1x16xf32>
          tpu.vector_store %arg11[%swap3A_354, %swap3A_355], %swap3A_358 {strides = array<i32>} : memref<128x128xf32, #tpu.memory_space<vmem>>, vector<1x16xf32>,
          %get3A_359 = arith.index_cast %add3A_298 : i32 to index
          %get3A_360 = arith.constant 96 : index
          %get3A_361 = tpu.vector_load %arg11[%get3A_359, %get3A_360] {strides = array<i32>} : memref<128x128xf32, #tpu.memory_space<vmem>>, vector<1x16xf32>,
          %get3A_362 = vector.shape_cast %get3A_361 : vector<1x16xf32> to vector<16xf32>
          %mul3A_363 = arith.mulf %get3A_362, %gather3A_294 : vector<16xf32>
          %swap3A_364 = arith.index_cast %add3A_298 : i32 to index
          %swap3A_365 = arith.constant 96 : index
          %swap3A_366 = tpu.vector_load %arg11[%swap3A_364, %swap3A_365] {strides = array<i32>} : memref<128x128xf32, #tpu.memory_space<vmem>>, vector<1x16xf32>,
          %swap3A_367 = vector.shape_cast %swap3A_366 : vector<1x16xf32> to vector<16xf32>
          %swap3A_368 = vector.shape_cast %mul3A_363 : vector<16xf32> to vector<1x16xf32>
          tpu.vector_store %arg11[%swap3A_364, %swap3A_365], %swap3A_368 {strides = array<i32>} : memref<128x128xf32, #tpu.memory_space<vmem>>, vector<1x16xf32>,
          %get3A_369 = arith.index_cast %add3A_298 : i32 to index
          %get3A_370 = arith.constant 112 : index
          %get3A_371 = tpu.vector_load %arg11[%get3A_369, %get3A_370] {strides = array<i32>} : memref<128x128xf32, #tpu.memory_space<vmem>>, vector<1x16xf32>,
          %get3A_372 = vector.shape_cast %get3A_371 : vector<1x16xf32> to vector<16xf32>
          %mul3A_373 = arith.mulf %get3A_372, %gather3A_294 : vector<16xf32>
          %swap3A_374 = arith.index_cast %add3A_298 : i32 to index
          %swap3A_375 = arith.constant 112 : index
          %swap3A_376 = tpu.vector_load %arg11[%swap3A_374, %swap3A_375] {strides = array<i32>} : memref<128x128xf32, #tpu.memory_space<vmem>>, vector<1x16xf32>,
          %swap3A_377 = vector.shape_cast %swap3A_376 : vector<1x16xf32> to vector<16xf32>
          %swap3A_378 = vector.shape_cast %mul3A_373 : vector<16xf32> to vector<1x16xf32>
          tpu.vector_store %arg11[%swap3A_374, %swap3A_375], %swap3A_378 {strides = array<i32>} : memref<128x128xf32, #tpu.memory_space<vmem>>, vector<1x16xf32>,
          %broadcast_in_dim3A_379 = arith.constant 2 : i32
          %broadcast_in_dim3A_380 = vector.broadcast %broadcast_in_dim3A_379 : i32 to vector<16xi32>
          %lt3A_381 = arith.constant 0 : i32
          %lt3A_382 = vector.broadcast %lt3A_381 : i32 to vector<16xi32>
          %lt3A_383 = arith.cmpi slt, %broadcast_in_dim3A_380, %lt3A_382 : vector<16xi32>
          %add3A_384 = arith.constant 16 : i32
          %add3A_385 = vector.broadcast %add3A_384 : i32 to vector<16xi32>
          %add3A_386 = arith.addi %broadcast_in_dim3A_380, %add3A_385 : vector<16xi32>
          %select_n3A_387 = arith.select %lt3A_383, %add3A_386, %broadcast_in_dim3A_380 : vector<16xi1>, vector<16xi32>
          %broadcast_in_dim3A_388 = vector.shape_cast %select_n3A_387 : vector<16xi32> to vector<16x1xi32>
          %gather3A_389 = vector.shape_cast %broadcast_in_dim3A_388 : vector<16x1xi32> to vector<16xi32>
          %gather3A_390 = tpu.dynamic_gather %get3A_191[%gather3A_389] in [0] : vector<16xf32>, vector<16xi32> -> vector<16xf32>
          %mul3A_391 = arith.constant 16 : i32
          %mul3A_392 = arith.muli %scan3A_186, %mul3A_391 : i32
          %add3A_393 = arith.constant 2 : i32
          %add3A_394 = arith.addi %mul3A_392, %add3A_393 : i32
          %get3A_395 = arith.index_cast %add3A_394 : i32 to index
          %get3A_396 = arith.constant 0 : index
          %get3A_397 = tpu.vector_load %arg11[%get3A_395, %get3A_396] {strides = array<i32>} : memref<128x128xf32, #tpu.memory_space<vmem>>, vector<1x16xf32>,
          %get3A_398 = vector.shape_cast %get3A_397 : vector<1x16xf32> to vector<16xf32>
          %mul3A_399 = arith.mulf %get3A_398, %gather3A_390 : vector<16xf32>
          %swap3A_400 = arith.index_cast %add3A_394 : i32 to index
          %swap3A_401 = arith.constant 0 : index
          %swap3A_402 = tpu.vector_load %arg11[%swap3A_400, %swap3A_401] {strides = array<i32>} : memref<128x128xf32, #tpu.memory_space<vmem>>, vector<1x16xf32>,
          %swap3A_403 = vector.shape_cast %swap3A_402 : vector<1x16xf32> to vector<16xf32>
          %swap3A_404 = vector.shape_cast %mul3A_399 : vector<16xf32> to vector<1x16xf32>
          tpu.vector_store %arg11[%swap3A_400, %swap3A_401], %swap3A_404 {strides = array<i32>} : memref<128x128xf32, #tpu.memory_space<vmem>>, vector<1x16xf32>,
          %get3A_405 = arith.index_cast %add3A_394 : i32 to index
          %get3A_406 = arith.constant 16 : index
          %get3A_407 = tpu.vector_load %arg11[%get3A_405, %get3A_406] {strides = array<i32>} : memref<128x128xf32, #tpu.memory_space<vmem>>, vector<1x16xf32>,
          %get3A_408 = vector.shape_cast %get3A_407 : vector<1x16xf32> to vector<16xf32>
          %mul3A_409 = arith.mulf %get3A_408, %gather3A_390 : vector<16xf32>
          %swap3A_410 = arith.index_cast %add3A_394 : i32 to index
          %swap3A_411 = arith.constant 16 : index
          %swap3A_412 = tpu.vector_load %arg11[%swap3A_410, %swap3A_411] {strides = array<i32>} : memref<128x128xf32, #tpu.memory_space<vmem>>, vector<1x16xf32>,
          %swap3A_413 = vector.shape_cast %swap3A_412 : vector<1x16xf32> to vector<16xf32>
          %swap3A_414 = vector.shape_cast %mul3A_409 : vector<16xf32> to vector<1x16xf32>
          tpu.vector_store %arg11[%swap3A_410, %swap3A_411], %swap3A_414 {strides = array<i32>} : memref<128x128xf32, #tpu.memory_space<vmem>>, vector<1x16xf32>,
          %get3A_415 = arith.index_cast %add3A_394 : i32 to index
          %get3A_416 = arith.constant 32 : index
          %get3A_417 = tpu.vector_load %arg11[%get3A_415, %get3A_416] {strides = array<i32>} : memref<128x128xf32, #tpu.memory_space<vmem>>, vector<1x16xf32>,
          %get3A_418 = vector.shape_cast %get3A_417 : vector<1x16xf32> to vector<16xf32>
          %mul3A_419 = arith.mulf %get3A_418, %gather3A_390 : vector<16xf32>
          %swap3A_420 = arith.index_cast %add3A_394 : i32 to index
          %swap3A_421 = arith.constant 32 : index
          %swap3A_422 = tpu.vector_load %arg11[%swap3A_420, %swap3A_421] {strides = array<i32>} : memref<128x128xf32, #tpu.memory_space<vmem>>, vector<1x16xf32>,
          %swap3A_423 = vector.shape_cast %swap3A_422 : vector<1x16xf32> to vector<16xf32>
          %swap3A_424 = vector.shape_cast %mul3A_419 : vector<16xf32> to vector<1x16xf32>
          tpu.vector_store %arg11[%swap3A_420, %swap3A_421], %swap3A_424 {strides = array<i32>} : memref<128x128xf32, #tpu.memory_space<vmem>>, vector<1x16xf32>,
          %get3A_425 = arith.index_cast %add3A_394 : i32 to index
          %get3A_426 = arith.constant 48 : index
          %get3A_427 = tpu.vector_load %arg11[%get3A_425, %get3A_426] {strides = array<i32>} : memref<128x128xf32, #tpu.memory_space<vmem>>, vector<1x16xf32>,
          %get3A_428 = vector.shape_cast %get3A_427 : vector<1x16xf32> to vector<16xf32>
          %mul3A_429 = arith.mulf %get3A_428, %gather3A_390 : vector<16xf32>
          %swap3A_430 = arith.index_cast %add3A_394 : i32 to index
          %swap3A_431 = arith.constant 48 : index
          %swap3A_432 = tpu.vector_load %arg11[%swap3A_430, %swap3A_431] {strides = array<i32>} : memref<128x128xf32, #tpu.memory_space<vmem>>, vector<1x16xf32>,
          %swap3A_433 = vector.shape_cast %swap3A_432 : vector<1x16xf32> to vector<16xf32>
          %swap3A_434 = vector.shape_cast %mul3A_429 : vector<16xf32> to vector<1x16xf32>
          tpu.vector_store %arg11[%swap3A_430, %swap3A_431], %swap3A_434 {strides = array<i32>} : memref<128x128xf32, #tpu.memory_space<vmem>>, vector<1x16xf32>,
          %get3A_435 = arith.index_cast %add3A_394 : i32 to index
          %get3A_436 = arith.constant 64 : index
          %get3A_437 = tpu.vector_load %arg11[%get3A_435, %get3A_436] {strides = array<i32>} : memref<128x128xf32, #tpu.memory_space<vmem>>, vector<1x16xf32>,
          %get3A_438 = vector.shape_cast %get3A_437 : vector<1x16xf32> to vector<16xf32>
          %mul3A_439 = arith.mulf %get3A_438, %gather3A_390 : vector<16xf32>
          %swap3A_440 = arith.index_cast %add3A_394 : i32 to index
          %swap3A_441 = arith.constant 64 : index
          %swap3A_442 = tpu.vector_load %arg11[%swap3A_440, %swap3A_441] {strides = array<i32>} : memref<128x128xf32, #tpu.memory_space<vmem>>, vector<1x16xf32>,
          %swap3A_443 = vector.shape_cast %swap3A_442 : vector<1x16xf32> to vector<16xf32>
          %swap3A_444 = vector.shape_cast %mul3A_439 : vector<16xf32> to vector<1x16xf32>
          tpu.vector_store %arg11[%swap3A_440, %swap3A_441], %swap3A_444 {strides = array<i32>} : memref<128x128xf32, #tpu.memory_space<vmem>>, vector<1x16xf32>,
          %get3A_445 = arith.index_cast %add3A_394 : i32 to index
          %get3A_446 = arith.constant 80 : index
          %get3A_447 = tpu.vector_load %arg11[%get3A_445, %get3A_446] {strides = array<i32>} : memref<128x128xf32, #tpu.memory_space<vmem>>, vector<1x16xf32>,
          %get3A_448 = vector.shape_cast %get3A_447 : vector<1x16xf32> to vector<16xf32>
          %mul3A_449 = arith.mulf %get3A_448, %gather3A_390 : vector<16xf32>
          %swap3A_450 = arith.index_cast %add3A_394 : i32 to index
          %swap3A_451 = arith.constant 80 : index
          %swap3A_452 = tpu.vector_load %arg11[%swap3A_450, %swap3A_451] {strides = array<i32>} : memref<128x128xf32, #tpu.memory_space<vmem>>, vector<1x16xf32>,
          %swap3A_453 = vector.shape_cast %swap3A_452 : vector<1x16xf32> to vector<16xf32>
          %swap3A_454 = vector.shape_cast %mul3A_449 : vector<16xf32> to vector<1x16xf32>
          tpu.vector_store %arg11[%swap3A_450, %swap3A_451], %swap3A_454 {strides = array<i32>} : memref<128x128xf32, #tpu.memory_space<vmem>>, vector<1x16xf32>,
          %get3A_455 = arith.index_cast %add3A_394 : i32 to index
          %get3A_456 = arith.constant 96 : index
          %get3A_457 = tpu.vector_load %arg11[%get3A_455, %get3A_456] {strides = array<i32>} : memref<128x128xf32, #tpu.memory_space<vmem>>, vector<1x16xf32>,
          %get3A_458 = vector.shape_cast %get3A_457 : vector<1x16xf32> to vector<16xf32>
          %mul3A_459 = arith.mulf %get3A_458, %gather3A_390 : vector<16xf32>
          %swap3A_460 = arith.index_cast %add3A_394 : i32 to index
          %swap3A_461 = arith.constant 96 : index
          %swap3A_462 = tpu.vector_load %arg11[%swap3A_460, %swap3A_461] {strides = array<i32>} : memref<128x128xf32, #tpu.memory_space<vmem>>, vector<1x16xf32>,
          %swap3A_463 = vector.shape_cast %swap3A_462 : vector<1x16xf32> to vector<16xf32>
          %swap3A_464 = vector.shape_cast %mul3A_459 : vector<16xf32> to vector<1x16xf32>
          tpu.vector_store %arg11[%swap3A_460, %swap3A_461], %swap3A_464 {strides = array<i32>} : memref<128x128xf32, #tpu.memory_space<vmem>>, vector<1x16xf32>,
          %get3A_465 = arith.index_cast %add3A_394 : i32 to index
          %get3A_466 = arith.constant 112 : index
          %get3A_467 = tpu.vector_load %arg11[%get3A_465, %get3A_466] {strides = array<i32>} : memref<128x128xf32, #tpu.memory_space<vmem>>, vector<1x16xf32>,
          %get3A_468 = vector.shape_cast %get3A_467 : vector<1x16xf32> to vector<16xf32>
          %mul3A_469 = arith.mulf %get3A_468, %gather3A_390 : vector<16xf32>
          %swap3A_470 = arith.index_cast %add3A_394 : i32 to index
          %swap3A_471 = arith.constant 112 : index
          %swap3A_472 = tpu.vector_load %arg11[%swap3A_470, %swap3A_471] {strides = array<i32>} : memref<128x128xf32, #tpu.memory_space<vmem>>, vector<1x16xf32>,
          %swap3A_473 = vector.shape_cast %swap3A_472 : vector<1x16xf32> to vector<16xf32>
          %swap3A_474 = vector.shape_cast %mul3A_469 : vector<16xf32> to vector<1x16xf32>
          tpu.vector_store %arg11[%swap3A_470, %swap3A_471], %swap3A_474 {strides = array<i32>} : memref<128x128xf32, #tpu.memory_space<vmem>>, vector<1x16xf32>,
          %broadcast_in_dim3A_475 = arith.constant 3 : i32
          %broadcast_in_dim3A_476 = vector.broadcast %broadcast_in_dim3A_475 : i32 to vector<16xi32>
          %lt3A_477 = arith.constant 0 : i32
          %lt3A_478 = vector.broadcast %lt3A_477 : i32 to vector<16xi32>
          %lt3A_479 = arith.cmpi slt, %broadcast_in_dim3A_476, %lt3A_478 : vector<16xi32>
          %add3A_480 = arith.constant 16 : i32
          %add3A_481 = vector.broadcast %add3A_480 : i32 to vector<16xi32>
          %add3A_482 = arith.addi %broadcast_in_dim3A_476, %add3A_481 : vector<16xi32>
          %select_n3A_483 = arith.select %lt3A_479, %add3A_482, %broadcast_in_dim3A_476 : vector<16xi1>, vector<16xi32>
          %broadcast_in_dim3A_484 = vector.shape_cast %select_n3A_483 : vector<16xi32> to vector<16x1xi32>
          %gather3A_485 = vector.shape_cast %broadcast_in_dim3A_484 : vector<16x1xi32> to vector<16xi32>
          %gather3A_486 = tpu.dynamic_gather %get3A_191[%gather3A_485] in [0] : vector<16xf32>, vector<16xi32> -> vector<16xf32>
          %mul3A_487 = arith.constant 16 : i32
          %mul3A_488 = arith.muli %scan3A_186, %mul3A_487 : i32
          %add3A_489 = arith.constant 3 : i32
          %add3A_490 = arith.addi %mul3A_488, %add3A_489 : i32
          %get3A_491 = arith.index_cast %add3A_490 : i32 to index
          %get3A_492 = arith.constant 0 : index
          %get3A_493 = tpu.vector_load %arg11[%get3A_491, %get3A_492] {strides = array<i32>} : memref<128x128xf32, #tpu.memory_space<vmem>>, vector<1x16xf32>,
          %get3A_494 = vector.shape_cast %get3A_493 : vector<1x16xf32> to vector<16xf32>
          %mul3A_495 = arith.mulf %get3A_494, %gather3A_486 : vector<16xf32>
          %swap3A_496 = arith.index_cast %add3A_490 : i32 to index
          %swap3A_497 = arith.constant 0 : index
          %swap3A_498 = tpu.vector_load %arg11[%swap3A_496, %swap3A_497] {strides = array<i32>} : memref<128x128xf32, #tpu.memory_space<vmem>>, vector<1x16xf32>,
          %swap3A_499 = vector.shape_cast %swap3A_498 : vector<1x16xf32> to vector<16xf32>
          %swap3A_500 = vector.shape_cast %mul3A_495 : vector<16xf32> to vector<1x16xf32>
          tpu.vector_store %arg11[%swap3A_496, %swap3A_497], %swap3A_500 {strides = array<i32>} : memref<128x128xf32, #tpu.memory_space<vmem>>, vector<1x16xf32>,
          %get3A_501 = arith.index_cast %add3A_490 : i32 to index
          %get3A_502 = arith.constant 16 : index
          %get3A_503 = tpu.vector_load %arg11[%get3A_501, %get3A_502] {strides = array<i32>} : memref<128x128xf32, #tpu.memory_space<vmem>>, vector<1x16xf32>,
          %get3A_504 = vector.shape_cast %get3A_503 : vector<1x16xf32> to vector<16xf32>
          %mul3A_505 = arith.mulf %get3A_504, %gather3A_486 : vector<16xf32>
          %swap3A_506 = arith.index_cast %add3A_490 : i32 to index
          %swap3A_507 = arith.constant 16 : index
          %swap3A_508 = tpu.vector_load %arg11[%swap3A_506, %swap3A_507] {strides = array<i32>} : memref<128x128xf32, #tpu.memory_space<vmem>>, vector<1x16xf32>,
          %swap3A_509 = vector.shape_cast %swap3A_508 : vector<1x16xf32> to vector<16xf32>
          %swap3A_510 = vector.shape_cast %mul3A_505 : vector<16xf32> to vector<1x16xf32>
          tpu.vector_store %arg11[%swap3A_506, %swap3A_507], %swap3A_510 {strides = array<i32>} : memref<128x128xf32, #tpu.memory_space<vmem>>, vector<1x16xf32>,
          %get3A_511 = arith.index_cast %add3A_490 : i32 to index
          %get3A_512 = arith.constant 32 : index
          %get3A_513 = tpu.vector_load %arg11[%get3A_511, %get3A_512] {strides = array<i32>} : memref<128x128xf32, #tpu.memory_space<vmem>>, vector<1x16xf32>,
          %get3A_514 = vector.shape_cast %get3A_513 : vector<1x16xf32> to vector<16xf32>
          %mul3A_515 = arith.mulf %get3A_514, %gather3A_486 : vector<16xf32>
          %swap3A_516 = arith.index_cast %add3A_490 : i32 to index
          %swap3A_517 = arith.constant 32 : index
          %swap3A_518 = tpu.vector_load %arg11[%swap3A_516, %swap3A_517] {strides = array<i32>} : memref<128x128xf32, #tpu.memory_space<vmem>>, vector<1x16xf32>,
          %swap3A_519 = vector.shape_cast %swap3A_518 : vector<1x16xf32> to vector<16xf32>
          %swap3A_520 = vector.shape_cast %mul3A_515 : vector<16xf32> to vector<1x16xf32>
          tpu.vector_store %arg11[%swap3A_516, %swap3A_517], %swap3A_520 {strides = array<i32>} : memref<128x128xf32, #tpu.memory_space<vmem>>, vector<1x16xf32>,
          %get3A_521 = arith.index_cast %add3A_490 : i32 to index
          %get3A_522 = arith.constant 48 : index
          %get3A_523 = tpu.vector_load %arg11[%get3A_521, %get3A_522] {strides = array<i32>} : memref<128x128xf32, #tpu.memory_space<vmem>>, vector<1x16xf32>,
          %get3A_524 = vector.shape_cast %get3A_523 : vector<1x16xf32> to vector<16xf32>
          %mul3A_525 = arith.mulf %get3A_524, %gather3A_486 : vector<16xf32>
          %swap3A_526 = arith.index_cast %add3A_490 : i32 to index
          %swap3A_527 = arith.constant 48 : index
          %swap3A_528 = tpu.vector_load %arg11[%swap3A_526, %swap3A_527] {strides = array<i32>} : memref<128x128xf32, #tpu.memory_space<vmem>>, vector<1x16xf32>,
          %swap3A_529 = vector.shape_cast %swap3A_528 : vector<1x16xf32> to vector<16xf32>
          %swap3A_530 = vector.shape_cast %mul3A_525 : vector<16xf32> to vector<1x16xf32>
          tpu.vector_store %arg11[%swap3A_526, %swap3A_527], %swap3A_530 {strides = array<i32>} : memref<128x128xf32, #tpu.memory_space<vmem>>, vector<1x16xf32>,
          %get3A_531 = arith.index_cast %add3A_490 : i32 to index
          %get3A_532 = arith.constant 64 : index
          %get3A_533 = tpu.vector_load %arg11[%get3A_531, %get3A_532] {strides = array<i32>} : memref<128x128xf32, #tpu.memory_space<vmem>>, vector<1x16xf32>,
          %get3A_534 = vector.shape_cast %get3A_533 : vector<1x16xf32> to vector<16xf32>
          %mul3A_535 = arith.mulf %get3A_534, %gather3A_486 : vector<16xf32>
          %swap3A_536 = arith.index_cast %add3A_490 : i32 to index
          %swap3A_537 = arith.constant 64 : index
          %swap3A_538 = tpu.vector_load %arg11[%swap3A_536, %swap3A_537] {strides = array<i32>} : memref<128x128xf32, #tpu.memory_space<vmem>>, vector<1x16xf32>,
          %swap3A_539 = vector.shape_cast %swap3A_538 : vector<1x16xf32> to vector<16xf32>
          %swap3A_540 = vector.shape_cast %mul3A_535 : vector<16xf32> to vector<1x16xf32>
          tpu.vector_store %arg11[%swap3A_536, %swap3A_537], %swap3A_540 {strides = array<i32>} : memref<128x128xf32, #tpu.memory_space<vmem>>, vector<1x16xf32>,
          %get3A_541 = arith.index_cast %add3A_490 : i32 to index
          %get3A_542 = arith.constant 80 : index
          %get3A_543 = tpu.vector_load %arg11[%get3A_541, %get3A_542] {strides = array<i32>} : memref<128x128xf32, #tpu.memory_space<vmem>>, vector<1x16xf32>,
          %get3A_544 = vector.shape_cast %get3A_543 : vector<1x16xf32> to vector<16xf32>
          %mul3A_545 = arith.mulf %get3A_544, %gather3A_486 : vector<16xf32>
          %swap3A_546 = arith.index_cast %add3A_490 : i32 to index
          %swap3A_547 = arith.constant 80 : index
          %swap3A_548 = tpu.vector_load %arg11[%swap3A_546, %swap3A_547] {strides = array<i32>} : memref<128x128xf32, #tpu.memory_space<vmem>>, vector<1x16xf32>,
          %swap3A_549 = vector.shape_cast %swap3A_548 : vector<1x16xf32> to vector<16xf32>
          %swap3A_550 = vector.shape_cast %mul3A_545 : vector<16xf32> to vector<1x16xf32>
          tpu.vector_store %arg11[%swap3A_546, %swap3A_547], %swap3A_550 {strides = array<i32>} : memref<128x128xf32, #tpu.memory_space<vmem>>, vector<1x16xf32>,
          %get3A_551 = arith.index_cast %add3A_490 : i32 to index
          %get3A_552 = arith.constant 96 : index
          %get3A_553 = tpu.vector_load %arg11[%get3A_551, %get3A_552] {strides = array<i32>} : memref<128x128xf32, #tpu.memory_space<vmem>>, vector<1x16xf32>,
          %get3A_554 = vector.shape_cast %get3A_553 : vector<1x16xf32> to vector<16xf32>
          %mul3A_555 = arith.mulf %get3A_554, %gather3A_486 : vector<16xf32>
          %swap3A_556 = arith.index_cast %add3A_490 : i32 to index
          %swap3A_557 = arith.constant 96 : index
          %swap3A_558 = tpu.vector_load %arg11[%swap3A_556, %swap3A_557] {strides = array<i32>} : memref<128x128xf32, #tpu.memory_space<vmem>>, vector<1x16xf32>,
          %swap3A_559 = vector.shape_cast %swap3A_558 : vector<1x16xf32> to vector<16xf32>
          %swap3A_560 = vector.shape_cast %mul3A_555 : vector<16xf32> to vector<1x16xf32>
          tpu.vector_store %arg11[%swap3A_556, %swap3A_557], %swap3A_560 {strides = array<i32>} : memref<128x128xf32, #tpu.memory_space<vmem>>, vector<1x16xf32>,
          %get3A_561 = arith.index_cast %add3A_490 : i32 to index
          %get3A_562 = arith.constant 112 : index
          %get3A_563 = tpu.vector_load %arg11[%get3A_561, %get3A_562] {strides = array<i32>} : memref<128x128xf32, #tpu.memory_space<vmem>>, vector<1x16xf32>,
          %get3A_564 = vector.shape_cast %get3A_563 : vector<1x16xf32> to vector<16xf32>
          %mul3A_565 = arith.mulf %get3A_564, %gather3A_486 : vector<16xf32>
          %swap3A_566 = arith.index_cast %add3A_490 : i32 to index
          %swap3A_567 = arith.constant 112 : index
          %swap3A_568 = tpu.vector_load %arg11[%swap3A_566, %swap3A_567] {strides = array<i32>} : memref<128x128xf32, #tpu.memory_space<vmem>>, vector<1x16xf32>,
          %swap3A_569 = vector.shape_cast %swap3A_568 : vector<1x16xf32> to vector<16xf32>
          %swap3A_570 = vector.shape_cast %mul3A_565 : vector<16xf32> to vector<1x16xf32>
          tpu.vector_store %arg11[%swap3A_566, %swap3A_567], %swap3A_570 {strides = array<i32>} : memref<128x128xf32, #tpu.memory_space<vmem>>, vector<1x16xf32>,
          %broadcast_in_dim3A_571 = arith.constant 4 : i32
          %broadcast_in_dim3A_572 = vector.broadcast %broadcast_in_dim3A_571 : i32 to vector<16xi32>
          %lt3A_573 = arith.constant 0 : i32
          %lt3A_574 = vector.broadcast %lt3A_573 : i32 to vector<16xi32>
          %lt3A_575 = arith.cmpi slt, %broadcast_in_dim3A_572, %lt3A_574 : vector<16xi32>
          %add3A_576 = arith.constant 16 : i32
          %add3A_577 = vector.broadcast %add3A_576 : i32 to vector<16xi32>
          %add3A_578 = arith.addi %broadcast_in_dim3A_572, %add3A_577 : vector<16xi32>
          %select_n3A_579 = arith.select %lt3A_575, %add3A_578, %broadcast_in_dim3A_572 : vector<16xi1>, vector<16xi32>
          %broadcast_in_dim3A_580 = vector.shape_cast %select_n3A_579 : vector<16xi32> to vector<16x1xi32>
          %gather3A_581 = vector.shape_cast %broadcast_in_dim3A_580 : vector<16x1xi32> to vector<16xi32>
          %gather3A_582 = tpu.dynamic_gather %get3A_191[%gather3A_581] in [0] : vector<16xf32>, vector<16xi32> -> vector<16xf32>
          %mul3A_583 = arith.constant 16 : i32
          %mul3A_584 = arith.muli %scan3A_186, %mul3A_583 : i32
          %add3A_585 = arith.constant 4 : i32
          %add3A_586 = arith.addi %mul3A_584, %add3A_585 : i32
          %get3A_587 = arith.index_cast %add3A_586 : i32 to index
          %get3A_588 = arith.constant 0 : index
          %get3A_589 = tpu.vector_load %arg11[%get3A_587, %get3A_588] {strides = array<i32>} : memref<128x128xf32, #tpu.memory_space<vmem>>, vector<1x16xf32>,
          %get3A_590 = vector.shape_cast %get3A_589 : vector<1x16xf32> to vector<16xf32>
          %mul3A_591 = arith.mulf %get3A_590, %gather3A_582 : vector<16xf32>
          %swap3A_592 = arith.index_cast %add3A_586 : i32 to index
          %swap3A_593 = arith.constant 0 : index
          %swap3A_594 = tpu.vector_load %arg11[%swap3A_592, %swap3A_593] {strides = array<i32>} : memref<128x128xf32, #tpu.memory_space<vmem>>, vector<1x16xf32>,
          %swap3A_595 = vector.shape_cast %swap3A_594 : vector<1x16xf32> to vector<16xf32>
          %swap3A_596 = vector.shape_cast %mul3A_591 : vector<16xf32> to vector<1x16xf32>
          tpu.vector_store %arg11[%swap3A_592, %swap3A_593], %swap3A_596 {strides = array<i32>} : memref<128x128xf32, #tpu.memory_space<vmem>>, vector<1x16xf32>,
          %get3A_597 = arith.index_cast %add3A_586 : i32 to index
          %get3A_598 = arith.constant 16 : index
          %get3A_599 = tpu.vector_load %arg11[%get3A_597, %get3A_598] {strides = array<i32>} : memref<128x128xf32, #tpu.memory_space<vmem>>, vector<1x16xf32>,
          %get3A_600 = vector.shape_cast %get3A_599 : vector<1x16xf32> to vector<16xf32>
          %mul3A_601 = arith.mulf %get3A_600, %gather3A_582 : vector<16xf32>
          %swap3A_602 = arith.index_cast %add3A_586 : i32 to index
          %swap3A_603 = arith.constant 16 : index
          %swap3A_604 = tpu.vector_load %arg11[%swap3A_602, %swap3A_603] {strides = array<i32>} : memref<128x128xf32, #tpu.memory_space<vmem>>, vector<1x16xf32>,
          %swap3A_605 = vector.shape_cast %swap3A_604 : vector<1x16xf32> to vector<16xf32>
          %swap3A_606 = vector.shape_cast %mul3A_601 : vector<16xf32> to vector<1x16xf32>
          tpu.vector_store %arg11[%swap3A_602, %swap3A_603], %swap3A_606 {strides = array<i32>} : memref<128x128xf32, #tpu.memory_space<vmem>>, vector<1x16xf32>,
          %get3A_607 = arith.index_cast %add3A_586 : i32 to index
          %get3A_608 = arith.constant 32 : index
          %get3A_609 = tpu.vector_load %arg11[%get3A_607, %get3A_608] {strides = array<i32>} : memref<128x128xf32, #tpu.memory_space<vmem>>, vector<1x16xf32>,
          %get3A_610 = vector.shape_cast %get3A_609 : vector<1x16xf32> to vector<16xf32>
          %mul3A_611 = arith.mulf %get3A_610, %gather3A_582 : vector<16xf32>
          %swap3A_612 = arith.index_cast %add3A_586 : i32 to index
          %swap3A_613 = arith.constant 32 : index
          %swap3A_614 = tpu.vector_load %arg11[%swap3A_612, %swap3A_613] {strides = array<i32>} : memref<128x128xf32, #tpu.memory_space<vmem>>, vector<1x16xf32>,
          %swap3A_615 = vector.shape_cast %swap3A_614 : vector<1x16xf32> to vector<16xf32>
          %swap3A_616 = vector.shape_cast %mul3A_611 : vector<16xf32> to vector<1x16xf32>
          tpu.vector_store %arg11[%swap3A_612, %swap3A_613], %swap3A_616 {strides = array<i32>} : memref<128x128xf32, #tpu.memory_space<vmem>>, vector<1x16xf32>,
          %get3A_617 = arith.index_cast %add3A_586 : i32 to index
          %get3A_618 = arith.constant 48 : index
          %get3A_619 = tpu.vector_load %arg11[%get3A_617, %get3A_618] {strides = array<i32>} : memref<128x128xf32, #tpu.memory_space<vmem>>, vector<1x16xf32>,
          %get3A_620 = vector.shape_cast %get3A_619 : vector<1x16xf32> to vector<16xf32>
          %mul3A_621 = arith.mulf %get3A_620, %gather3A_582 : vector<16xf32>
          %swap3A_622 = arith.index_cast %add3A_586 : i32 to index
          %swap3A_623 = arith.constant 48 : index
          %swap3A_624 = tpu.vector_load %arg11[%swap3A_622, %swap3A_623] {strides = array<i32>} : memref<128x128xf32, #tpu.memory_space<vmem>>, vector<1x16xf32>,
          %swap3A_625 = vector.shape_cast %swap3A_624 : vector<1x16xf32> to vector<16xf32>
          %swap3A_626 = vector.shape_cast %mul3A_621 : vector<16xf32> to vector<1x16xf32>
          tpu.vector_store %arg11[%swap3A_622, %swap3A_623], %swap3A_626 {strides = array<i32>} : memref<128x128xf32, #tpu.memory_space<vmem>>, vector<1x16xf32>,
          %get3A_627 = arith.index_cast %add3A_586 : i32 to index
          %get3A_628 = arith.constant 64 : index
          %get3A_629 = tpu.vector_load %arg11[%get3A_627, %get3A_628] {strides = array<i32>} : memref<128x128xf32, #tpu.memory_space<vmem>>, vector<1x16xf32>,
          %get3A_630 = vector.shape_cast %get3A_629 : vector<1x16xf32> to vector<16xf32>
          %mul3A_631 = arith.mulf %get3A_630, %gather3A_582 : vector<16xf32>
          %swap3A_632 = arith.index_cast %add3A_586 : i32 to index
          %swap3A_633 = arith.constant 64 : index
          %swap3A_634 = tpu.vector_load %arg11[%swap3A_632, %swap3A_633] {strides = array<i32>} : memref<128x128xf32, #tpu.memory_space<vmem>>, vector<1x16xf32>,
          %swap3A_635 = vector.shape_cast %swap3A_634 : vector<1x16xf32> to vector<16xf32>
          %swap3A_636 = vector.shape_cast %mul3A_631 : vector<16xf32> to vector<1x16xf32>
          tpu.vector_store %arg11[%swap3A_632, %swap3A_633], %swap3A_636 {strides = array<i32>} : memref<128x128xf32, #tpu.memory_space<vmem>>, vector<1x16xf32>,
          %get3A_637 = arith.index_cast %add3A_586 : i32 to index
          %get3A_638 = arith.constant 80 : index
          %get3A_639 = tpu.vector_load %arg11[%get3A_637, %get3A_638] {strides = array<i32>} : memref<128x128xf32, #tpu.memory_space<vmem>>, vector<1x16xf32>,
          %get3A_640 = vector.shape_cast %get3A_639 : vector<1x16xf32> to vector<16xf32>
          %mul3A_641 = arith.mulf %get3A_640, %gather3A_582 : vector<16xf32>
          %swap3A_642 = arith.index_cast %add3A_586 : i32 to index
          %swap3A_643 = arith.constant 80 : index
          %swap3A_644 = tpu.vector_load %arg11[%swap3A_642, %swap3A_643] {strides = array<i32>} : memref<128x128xf32, #tpu.memory_space<vmem>>, vector<1x16xf32>,
          %swap3A_645 = vector.shape_cast %swap3A_644 : vector<1x16xf32> to vector<16xf32>
          %swap3A_646 = vector.shape_cast %mul3A_641 : vector<16xf32> to vector<1x16xf32>
          tpu.vector_store %arg11[%swap3A_642, %swap3A_643], %swap3A_646 {strides = array<i32>} : memref<128x128xf32, #tpu.memory_space<vmem>>, vector<1x16xf32>,
          %get3A_647 = arith.index_cast %add3A_586 : i32 to index
          %get3A_648 = arith.constant 96 : index
          %get3A_649 = tpu.vector_load %arg11[%get3A_647, %get3A_648] {strides = array<i32>} : memref<128x128xf32, #tpu.memory_space<vmem>>, vector<1x16xf32>,
          %get3A_650 = vector.shape_cast %get3A_649 : vector<1x16xf32> to vector<16xf32>
          %mul3A_651 = arith.mulf %get3A_650, %gather3A_582 : vector<16xf32>
          %swap3A_652 = arith.index_cast %add3A_586 : i32 to index
          %swap3A_653 = arith.constant 96 : index
          %swap3A_654 = tpu.vector_load %arg11[%swap3A_652, %swap3A_653] {strides = array<i32>} : memref<128x128xf32, #tpu.memory_space<vmem>>, vector<1x16xf32>,
          %swap3A_655 = vector.shape_cast %swap3A_654 : vector<1x16xf32> to vector<16xf32>
          %swap3A_656 = vector.shape_cast %mul3A_651 : vector<16xf32> to vector<1x16xf32>
          tpu.vector_store %arg11[%swap3A_652, %swap3A_653], %swap3A_656 {strides = array<i32>} : memref<128x128xf32, #tpu.memory_space<vmem>>, vector<1x16xf32>,
          %get3A_657 = arith.index_cast %add3A_586 : i32 to index
          %get3A_658 = arith.constant 112 : index
          %get3A_659 = tpu.vector_load %arg11[%get3A_657, %get3A_658] {strides = array<i32>} : memref<128x128xf32, #tpu.memory_space<vmem>>, vector<1x16xf32>,
          %get3A_660 = vector.shape_cast %get3A_659 : vector<1x16xf32> to vector<16xf32>
          %mul3A_661 = arith.mulf %get3A_660, %gather3A_582 : vector<16xf32>
          %swap3A_662 = arith.index_cast %add3A_586 : i32 to index
          %swap3A_663 = arith.constant 112 : index
          %swap3A_664 = tpu.vector_load %arg11[%swap3A_662, %swap3A_663] {strides = array<i32>} : memref<128x128xf32, #tpu.memory_space<vmem>>, vector<1x16xf32>,
          %swap3A_665 = vector.shape_cast %swap3A_664 : vector<1x16xf32> to vector<16xf32>
          %swap3A_666 = vector.shape_cast %mul3A_661 : vector<16xf32> to vector<1x16xf32>
          tpu.vector_store %arg11[%swap3A_662, %swap3A_663], %swap3A_666 {strides = array<i32>} : memref<128x128xf32, #tpu.memory_space<vmem>>, vector<1x16xf32>,
          %broadcast_in_dim3A_667 = arith.constant 5 : i32
          %broadcast_in_dim3A_668 = vector.broadcast %broadcast_in_dim3A_667 : i32 to vector<16xi32>
          %lt3A_669 = arith.constant 0 : i32
          %lt3A_670 = vector.broadcast %lt3A_669 : i32 to vector<16xi32>
          %lt3A_671 = arith.cmpi slt, %broadcast_in_dim3A_668, %lt3A_670 : vector<16xi32>
          %add3A_672 = arith.constant 16 : i32
          %add3A_673 = vector.broadcast %add3A_672 : i32 to vector<16xi32>
          %add3A_674 = arith.addi %broadcast_in_dim3A_668, %add3A_673 : vector<16xi32>
          %select_n3A_675 = arith.select %lt3A_671, %add3A_674, %broadcast_in_dim3A_668 : vector<16xi1>, vector<16xi32>
          %broadcast_in_dim3A_676 = vector.shape_cast %select_n3A_675 : vector<16xi32> to vector<16x1xi32>
          %gather3A_677 = vector.shape_cast %broadcast_in_dim3A_676 : vector<16x1xi32> to vector<16xi32>
          %gather3A_678 = tpu.dynamic_gather %get3A_191[%gather3A_677] in [0] : vector<16xf32>, vector<16xi32> -> vector<16xf32>
          %mul3A_679 = arith.constant 16 : i32
          %mul3A_680 = arith.muli %scan3A_186, %mul3A_679 : i32
          %add3A_681 = arith.constant 5 : i32
          %add3A_682 = arith.addi %mul3A_680, %add3A_681 : i32
          %get3A_683 = arith.index_cast %add3A_682 : i32 to index
          %get3A_684 = arith.constant 0 : index
          %get3A_685 = tpu.vector_load %arg11[%get3A_683, %get3A_684] {strides = array<i32>} : memref<128x128xf32, #tpu.memory_space<vmem>>, vector<1x16xf32>,
          %get3A_686 = vector.shape_cast %get3A_685 : vector<1x16xf32> to vector<16xf32>
          %mul3A_687 = arith.mulf %get3A_686, %gather3A_678 : vector<16xf32>
          %swap3A_688 = arith.index_cast %add3A_682 : i32 to index
          %swap3A_689 = arith.constant 0 : index
          %swap3A_690 = tpu.vector_load %arg11[%swap3A_688, %swap3A_689] {strides = array<i32>} : memref<128x128xf32, #tpu.memory_space<vmem>>, vector<1x16xf32>,
          %swap3A_691 = vector.shape_cast %swap3A_690 : vector<1x16xf32> to vector<16xf32>
          %swap3A_692 = vector.shape_cast %mul3A_687 : vector<16xf32> to vector<1x16xf32>
          tpu.vector_store %arg11[%swap3A_688, %swap3A_689], %swap3A_692 {strides = array<i32>} : memref<128x128xf32, #tpu.memory_space<vmem>>, vector<1x16xf32>,
          %get3A_693 = arith.index_cast %add3A_682 : i32 to index
          %get3A_694 = arith.constant 16 : index
          %get3A_695 = tpu.vector_load %arg11[%get3A_693, %get3A_694] {strides = array<i32>} : memref<128x128xf32, #tpu.memory_space<vmem>>, vector<1x16xf32>,
          %get3A_696 = vector.shape_cast %get3A_695 : vector<1x16xf32> to vector<16xf32>
          %mul3A_697 = arith.mulf %get3A_696, %gather3A_678 : vector<16xf32>
          %swap3A_698 = arith.index_cast %add3A_682 : i32 to index
          %swap3A_699 = arith.constant 16 : index
          %swap3A_700 = tpu.vector_load %arg11[%swap3A_698, %swap3A_699] {strides = array<i32>} : memref<128x128xf32, #tpu.memory_space<vmem>>, vector<1x16xf32>,
          %swap3A_701 = vector.shape_cast %swap3A_700 : vector<1x16xf32> to vector<16xf32>
          %swap3A_702 = vector.shape_cast %mul3A_697 : vector<16xf32> to vector<1x16xf32>
          tpu.vector_store %arg11[%swap3A_698, %swap3A_699], %swap3A_702 {strides = array<i32>} : memref<128x128xf32, #tpu.memory_space<vmem>>, vector<1x16xf32>,
          %get3A_703 = arith.index_cast %add3A_682 : i32 to index
          %get3A_704 = arith.constant 32 : index
          %get3A_705 = tpu.vector_load %arg11[%get3A_703, %get3A_704] {strides = array<i32>} : memref<128x128xf32, #tpu.memory_space<vmem>>, vector<1x16xf32>,
          %get3A_706 = vector.shape_cast %get3A_705 : vector<1x16xf32> to vector<16xf32>
          %mul3A_707 = arith.mulf %get3A_706, %gather3A_678 : vector<16xf32>
          %swap3A_708 = arith.index_cast %add3A_682 : i32 to index
          %swap3A_709 = arith.constant 32 : index
          %swap3A_710 = tpu.vector_load %arg11[%swap3A_708, %swap3A_709] {strides = array<i32>} : memref<128x128xf32, #tpu.memory_space<vmem>>, vector<1x16xf32>,
          %swap3A_711 = vector.shape_cast %swap3A_710 : vector<1x16xf32> to vector<16xf32>
          %swap3A_712 = vector.shape_cast %mul3A_707 : vector<16xf32> to vector<1x16xf32>
          tpu.vector_store %arg11[%swap3A_708, %swap3A_709], %swap3A_712 {strides = array<i32>} : memref<128x128xf32, #tpu.memory_space<vmem>>, vector<1x16xf32>,
          %get3A_713 = arith.index_cast %add3A_682 : i32 to index
          %get3A_714 = arith.constant 48 : index
          %get3A_715 = tpu.vector_load %arg11[%get3A_713, %get3A_714] {strides = array<i32>} : memref<128x128xf32, #tpu.memory_space<vmem>>, vector<1x16xf32>,
          %get3A_716 = vector.shape_cast %get3A_715 : vector<1x16xf32> to vector<16xf32>
          %mul3A_717 = arith.mulf %get3A_716, %gather3A_678 : vector<16xf32>
          %swap3A_718 = arith.index_cast %add3A_682 : i32 to index
          %swap3A_719 = arith.constant 48 : index
          %swap3A_720 = tpu.vector_load %arg11[%swap3A_718, %swap3A_719] {strides = array<i32>} : memref<128x128xf32, #tpu.memory_space<vmem>>, vector<1x16xf32>,
          %swap3A_721 = vector.shape_cast %swap3A_720 : vector<1x16xf32> to vector<16xf32>
          %swap3A_722 = vector.shape_cast %mul3A_717 : vector<16xf32> to vector<1x16xf32>
          tpu.vector_store %arg11[%swap3A_718, %swap3A_719], %swap3A_722 {strides = array<i32>} : memref<128x128xf32, #tpu.memory_space<vmem>>, vector<1x16xf32>,
          %get3A_723 = arith.index_cast %add3A_682 : i32 to index
          %get3A_724 = arith.constant 64 : index
          %get3A_725 = tpu.vector_load %arg11[%get3A_723, %get3A_724] {strides = array<i32>} : memref<128x128xf32, #tpu.memory_space<vmem>>, vector<1x16xf32>,
          %get3A_726 = vector.shape_cast %get3A_725 : vector<1x16xf32> to vector<16xf32>
          %mul3A_727 = arith.mulf %get3A_726, %gather3A_678 : vector<16xf32>
          %swap3A_728 = arith.index_cast %add3A_682 : i32 to index
          %swap3A_729 = arith.constant 64 : index
          %swap3A_730 = tpu.vector_load %arg11[%swap3A_728, %swap3A_729] {strides = array<i32>} : memref<128x128xf32, #tpu.memory_space<vmem>>, vector<1x16xf32>,
          %swap3A_731 = vector.shape_cast %swap3A_730 : vector<1x16xf32> to vector<16xf32>
          %swap3A_732 = vector.shape_cast %mul3A_727 : vector<16xf32> to vector<1x16xf32>
          tpu.vector_store %arg11[%swap3A_728, %swap3A_729], %swap3A_732 {strides = array<i32>} : memref<128x128xf32, #tpu.memory_space<vmem>>, vector<1x16xf32>,
          %get3A_733 = arith.index_cast %add3A_682 : i32 to index
          %get3A_734 = arith.constant 80 : index
          %get3A_735 = tpu.vector_load %arg11[%get3A_733, %get3A_734] {strides = array<i32>} : memref<128x128xf32, #tpu.memory_space<vmem>>, vector<1x16xf32>,
          %get3A_736 = vector.shape_cast %get3A_735 : vector<1x16xf32> to vector<16xf32>
          %mul3A_737 = arith.mulf %get3A_736, %gather3A_678 : vector<16xf32>
          %swap3A_738 = arith.index_cast %add3A_682 : i32 to index
          %swap3A_739 = arith.constant 80 : index
          %swap3A_740 = tpu.vector_load %arg11[%swap3A_738, %swap3A_739] {strides = array<i32>} : memref<128x128xf32, #tpu.memory_space<vmem>>, vector<1x16xf32>,
          %swap3A_741 = vector.shape_cast %swap3A_740 : vector<1x16xf32> to vector<16xf32>
          %swap3A_742 = vector.shape_cast %mul3A_737 : vector<16xf32> to vector<1x16xf32>
          tpu.vector_store %arg11[%swap3A_738, %swap3A_739], %swap3A_742 {strides = array<i32>} : memref<128x128xf32, #tpu.memory_space<vmem>>, vector<1x16xf32>,
          %get3A_743 = arith.index_cast %add3A_682 : i32 to index
          %get3A_744 = arith.constant 96 : index
          %get3A_745 = tpu.vector_load %arg11[%get3A_743, %get3A_744] {strides = array<i32>} : memref<128x128xf32, #tpu.memory_space<vmem>>, vector<1x16xf32>,
          %get3A_746 = vector.shape_cast %get3A_745 : vector<1x16xf32> to vector<16xf32>
          %mul3A_747 = arith.mulf %get3A_746, %gather3A_678 : vector<16xf32>
          %swap3A_748 = arith.index_cast %add3A_682 : i32 to index
          %swap3A_749 = arith.constant 96 : index
          %swap3A_750 = tpu.vector_load %arg11[%swap3A_748, %swap3A_749] {strides = array<i32>} : memref<128x128xf32, #tpu.memory_space<vmem>>, vector<1x16xf32>,
          %swap3A_751 = vector.shape_cast %swap3A_750 : vector<1x16xf32> to vector<16xf32>
          %swap3A_752 = vector.shape_cast %mul3A_747 : vector<16xf32> to vector<1x16xf32>
          tpu.vector_store %arg11[%swap3A_748, %swap3A_749], %swap3A_752 {strides = array<i32>} : memref<128x128xf32, #tpu.memory_space<vmem>>, vector<1x16xf32>,
          %get3A_753 = arith.index_cast %add3A_682 : i32 to index
          %get3A_754 = arith.constant 112 : index
          %get3A_755 = tpu.vector_load %arg11[%get3A_753, %get3A_754] {strides = array<i32>} : memref<128x128xf32, #tpu.memory_space<vmem>>, vector<1x16xf32>,
          %get3A_756 = vector.shape_cast %get3A_755 : vector<1x16xf32> to vector<16xf32>
          %mul3A_757 = arith.mulf %get3A_756, %gather3A_678 : vector<16xf32>
          %swap3A_758 = arith.index_cast %add3A_682 : i32 to index
          %swap3A_759 = arith.constant 112 : index
          %swap3A_760 = tpu.vector_load %arg11[%swap3A_758, %swap3A_759] {strides = array<i32>} : memref<128x128xf32, #tpu.memory_space<vmem>>, vector<1x16xf32>,
          %swap3A_761 = vector.shape_cast %swap3A_760 : vector<1x16xf32> to vector<16xf32>
          %swap3A_762 = vector.shape_cast %mul3A_757 : vector<16xf32> to vector<1x16xf32>
          tpu.vector_store %arg11[%swap3A_758, %swap3A_759], %swap3A_762 {strides = array<i32>} : memref<128x128xf32, #tpu.memory_space<vmem>>, vector<1x16xf32>,
          %broadcast_in_dim3A_763 = arith.constant 6 : i32
          %broadcast_in_dim3A_764 = vector.broadcast %broadcast_in_dim3A_763 : i32 to vector<16xi32>
          %lt3A_765 = arith.constant 0 : i32
          %lt3A_766 = vector.broadcast %lt3A_765 : i32 to vector<16xi32>
          %lt3A_767 = arith.cmpi slt, %broadcast_in_dim3A_764, %lt3A_766 : vector<16xi32>
          %add3A_768 = arith.constant 16 : i32
          %add3A_769 = vector.broadcast %add3A_768 : i32 to vector<16xi32>
          %add3A_770 = arith.addi %broadcast_in_dim3A_764, %add3A_769 : vector<16xi32>
          %select_n3A_771 = arith.select %lt3A_767, %add3A_770, %broadcast_in_dim3A_764 : vector<16xi1>, vector<16xi32>
          %broadcast_in_dim3A_772 = vector.shape_cast %select_n3A_771 : vector<16xi32> to vector<16x1xi32>
          %gather3A_773 = vector.shape_cast %broadcast_in_dim3A_772 : vector<16x1xi32> to vector<16xi32>
          %gather3A_774 = tpu.dynamic_gather %get3A_191[%gather3A_773] in [0] : vector<16xf32>, vector<16xi32> -> vector<16xf32>
          %mul3A_775 = arith.constant 16 : i32
          %mul3A_776 = arith.muli %scan3A_186, %mul3A_775 : i32
          %add3A_777 = arith.constant 6 : i32
          %add3A_778 = arith.addi %mul3A_776, %add3A_777 : i32
          %get3A_779 = arith.index_cast %add3A_778 : i32 to index
          %get3A_780 = arith.constant 0 : index
          %get3A_781 = tpu.vector_load %arg11[%get3A_779, %get3A_780] {strides = array<i32>} : memref<128x128xf32, #tpu.memory_space<vmem>>, vector<1x16xf32>,
          %get3A_782 = vector.shape_cast %get3A_781 : vector<1x16xf32> to vector<16xf32>
          %mul3A_783 = arith.mulf %get3A_782, %gather3A_774 : vector<16xf32>
          %swap3A_784 = arith.index_cast %add3A_778 : i32 to index
          %swap3A_785 = arith.constant 0 : index
          %swap3A_786 = tpu.vector_load %arg11[%swap3A_784, %swap3A_785] {strides = array<i32>} : memref<128x128xf32, #tpu.memory_space<vmem>>, vector<1x16xf32>,
          %swap3A_787 = vector.shape_cast %swap3A_786 : vector<1x16xf32> to vector<16xf32>
          %swap3A_788 = vector.shape_cast %mul3A_783 : vector<16xf32> to vector<1x16xf32>
          tpu.vector_store %arg11[%swap3A_784, %swap3A_785], %swap3A_788 {strides = array<i32>} : memref<128x128xf32, #tpu.memory_space<vmem>>, vector<1x16xf32>,
          %get3A_789 = arith.index_cast %add3A_778 : i32 to index
          %get3A_790 = arith.constant 16 : index
          %get3A_791 = tpu.vector_load %arg11[%get3A_789, %get3A_790] {strides = array<i32>} : memref<128x128xf32, #tpu.memory_space<vmem>>, vector<1x16xf32>,
          %get3A_792 = vector.shape_cast %get3A_791 : vector<1x16xf32> to vector<16xf32>
          %mul3A_793 = arith.mulf %get3A_792, %gather3A_774 : vector<16xf32>
          %swap3A_794 = arith.index_cast %add3A_778 : i32 to index
          %swap3A_795 = arith.constant 16 : index
          %swap3A_796 = tpu.vector_load %arg11[%swap3A_794, %swap3A_795] {strides = array<i32>} : memref<128x128xf32, #tpu.memory_space<vmem>>, vector<1x16xf32>,
          %swap3A_797 = vector.shape_cast %swap3A_796 : vector<1x16xf32> to vector<16xf32>
          %swap3A_798 = vector.shape_cast %mul3A_793 : vector<16xf32> to vector<1x16xf32>
          tpu.vector_store %arg11[%swap3A_794, %swap3A_795], %swap3A_798 {strides = array<i32>} : memref<128x128xf32, #tpu.memory_space<vmem>>, vector<1x16xf32>,
          %get3A_799 = arith.index_cast %add3A_778 : i32 to index
          %get3A_800 = arith.constant 32 : index
          %get3A_801 = tpu.vector_load %arg11[%get3A_799, %get3A_800] {strides = array<i32>} : memref<128x128xf32, #tpu.memory_space<vmem>>, vector<1x16xf32>,
          %get3A_802 = vector.shape_cast %get3A_801 : vector<1x16xf32> to vector<16xf32>
          %mul3A_803 = arith.mulf %get3A_802, %gather3A_774 : vector<16xf32>
          %swap3A_804 = arith.index_cast %add3A_778 : i32 to index
          %swap3A_805 = arith.constant 32 : index
          %swap3A_806 = tpu.vector_load %arg11[%swap3A_804, %swap3A_805] {strides = array<i32>} : memref<128x128xf32, #tpu.memory_space<vmem>>, vector<1x16xf32>,
          %swap3A_807 = vector.shape_cast %swap3A_806 : vector<1x16xf32> to vector<16xf32>
          %swap3A_808 = vector.shape_cast %mul3A_803 : vector<16xf32> to vector<1x16xf32>
          tpu.vector_store %arg11[%swap3A_804, %swap3A_805], %swap3A_808 {strides = array<i32>} : memref<128x128xf32, #tpu.memory_space<vmem>>, vector<1x16xf32>,
          %get3A_809 = arith.index_cast %add3A_778 : i32 to index
          %get3A_810 = arith.constant 48 : index
          %get3A_811 = tpu.vector_load %arg11[%get3A_809, %get3A_810] {strides = array<i32>} : memref<128x128xf32, #tpu.memory_space<vmem>>, vector<1x16xf32>,
          %get3A_812 = vector.shape_cast %get3A_811 : vector<1x16xf32> to vector<16xf32>
          %mul3A_813 = arith.mulf %get3A_812, %gather3A_774 : vector<16xf32>
          %swap3A_814 = arith.index_cast %add3A_778 : i32 to index
          %swap3A_815 = arith.constant 48 : index
          %swap3A_816 = tpu.vector_load %arg11[%swap3A_814, %swap3A_815] {strides = array<i32>} : memref<128x128xf32, #tpu.memory_space<vmem>>, vector<1x16xf32>,
          %swap3A_817 = vector.shape_cast %swap3A_816 : vector<1x16xf32> to vector<16xf32>
          %swap3A_818 = vector.shape_cast %mul3A_813 : vector<16xf32> to vector<1x16xf32>
          tpu.vector_store %arg11[%swap3A_814, %swap3A_815], %swap3A_818 {strides = array<i32>} : memref<128x128xf32, #tpu.memory_space<vmem>>, vector<1x16xf32>,
          %get3A_819 = arith.index_cast %add3A_778 : i32 to index
          %get3A_820 = arith.constant 64 : index
          %get3A_821 = tpu.vector_load %arg11[%get3A_819, %get3A_820] {strides = array<i32>} : memref<128x128xf32, #tpu.memory_space<vmem>>, vector<1x16xf32>,
          %get3A_822 = vector.shape_cast %get3A_821 : vector<1x16xf32> to vector<16xf32>
          %mul3A_823 = arith.mulf %get3A_822, %gather3A_774 : vector<16xf32>
          %swap3A_824 = arith.index_cast %add3A_778 : i32 to index
          %swap3A_825 = arith.constant 64 : index
          %swap3A_826 = tpu.vector_load %arg11[%swap3A_824, %swap3A_825] {strides = array<i32>} : memref<128x128xf32, #tpu.memory_space<vmem>>, vector<1x16xf32>,
          %swap3A_827 = vector.shape_cast %swap3A_826 : vector<1x16xf32> to vector<16xf32>
          %swap3A_828 = vector.shape_cast %mul3A_823 : vector<16xf32> to vector<1x16xf32>
          tpu.vector_store %arg11[%swap3A_824, %swap3A_825], %swap3A_828 {strides = array<i32>} : memref<128x128xf32, #tpu.memory_space<vmem>>, vector<1x16xf32>,
          %get3A_829 = arith.index_cast %add3A_778 : i32 to index
          %get3A_830 = arith.constant 80 : index
          %get3A_831 = tpu.vector_load %arg11[%get3A_829, %get3A_830] {strides = array<i32>} : memref<128x128xf32, #tpu.memory_space<vmem>>, vector<1x16xf32>,
          %get3A_832 = vector.shape_cast %get3A_831 : vector<1x16xf32> to vector<16xf32>
          %mul3A_833 = arith.mulf %get3A_832, %gather3A_774 : vector<16xf32>
          %swap3A_834 = arith.index_cast %add3A_778 : i32 to index
          %swap3A_835 = arith.constant 80 : index
          %swap3A_836 = tpu.vector_load %arg11[%swap3A_834, %swap3A_835] {strides = array<i32>} : memref<128x128xf32, #tpu.memory_space<vmem>>, vector<1x16xf32>,
          %swap3A_837 = vector.shape_cast %swap3A_836 : vector<1x16xf32> to vector<16xf32>
          %swap3A_838 = vector.shape_cast %mul3A_833 : vector<16xf32> to vector<1x16xf32>
          tpu.vector_store %arg11[%swap3A_834, %swap3A_835], %swap3A_838 {strides = array<i32>} : memref<128x128xf32, #tpu.memory_space<vmem>>, vector<1x16xf32>,
          %get3A_839 = arith.index_cast %add3A_778 : i32 to index
          %get3A_840 = arith.constant 96 : index
          %get3A_841 = tpu.vector_load %arg11[%get3A_839, %get3A_840] {strides = array<i32>} : memref<128x128xf32, #tpu.memory_space<vmem>>, vector<1x16xf32>,
          %get3A_842 = vector.shape_cast %get3A_841 : vector<1x16xf32> to vector<16xf32>
          %mul3A_843 = arith.mulf %get3A_842, %gather3A_774 : vector<16xf32>
          %swap3A_844 = arith.index_cast %add3A_778 : i32 to index
          %swap3A_845 = arith.constant 96 : index
          %swap3A_846 = tpu.vector_load %arg11[%swap3A_844, %swap3A_845] {strides = array<i32>} : memref<128x128xf32, #tpu.memory_space<vmem>>, vector<1x16xf32>,
          %swap3A_847 = vector.shape_cast %swap3A_846 : vector<1x16xf32> to vector<16xf32>
          %swap3A_848 = vector.shape_cast %mul3A_843 : vector<16xf32> to vector<1x16xf32>
          tpu.vector_store %arg11[%swap3A_844, %swap3A_845], %swap3A_848 {strides = array<i32>} : memref<128x128xf32, #tpu.memory_space<vmem>>, vector<1x16xf32>,
          %get3A_849 = arith.index_cast %add3A_778 : i32 to index
          %get3A_850 = arith.constant 112 : index
          %get3A_851 = tpu.vector_load %arg11[%get3A_849, %get3A_850] {strides = array<i32>} : memref<128x128xf32, #tpu.memory_space<vmem>>, vector<1x16xf32>,
          %get3A_852 = vector.shape_cast %get3A_851 : vector<1x16xf32> to vector<16xf32>
          %mul3A_853 = arith.mulf %get3A_852, %gather3A_774 : vector<16xf32>
          %swap3A_854 = arith.index_cast %add3A_778 : i32 to index
          %swap3A_855 = arith.constant 112 : index
          %swap3A_856 = tpu.vector_load %arg11[%swap3A_854, %swap3A_855] {strides = array<i32>} : memref<128x128xf32, #tpu.memory_space<vmem>>, vector<1x16xf32>,
          %swap3A_857 = vector.shape_cast %swap3A_856 : vector<1x16xf32> to vector<16xf32>
          %swap3A_858 = vector.shape_cast %mul3A_853 : vector<16xf32> to vector<1x16xf32>
          tpu.vector_store %arg11[%swap3A_854, %swap3A_855], %swap3A_858 {strides = array<i32>} : memref<128x128xf32, #tpu.memory_space<vmem>>, vector<1x16xf32>,
          %broadcast_in_dim3A_859 = arith.constant 7 : i32
          %broadcast_in_dim3A_860 = vector.broadcast %broadcast_in_dim3A_859 : i32 to vector<16xi32>
          %lt3A_861 = arith.constant 0 : i32
          %lt3A_862 = vector.broadcast %lt3A_861 : i32 to vector<16xi32>
          %lt3A_863 = arith.cmpi slt, %broadcast_in_dim3A_860, %lt3A_862 : vector<16xi32>
          %add3A_864 = arith.constant 16 : i32
          %add3A_865 = vector.broadcast %add3A_864 : i32 to vector<16xi32>
          %add3A_866 = arith.addi %broadcast_in_dim3A_860, %add3A_865 : vector<16xi32>
          %select_n3A_867 = arith.select %lt3A_863, %add3A_866, %broadcast_in_dim3A_860 : vector<16xi1>, vector<16xi32>
          %broadcast_in_dim3A_868 = vector.shape_cast %select_n3A_867 : vector<16xi32> to vector<16x1xi32>
          %gather3A_869 = vector.shape_cast %broadcast_in_dim3A_868 : vector<16x1xi32> to vector<16xi32>
          %gather3A_870 = tpu.dynamic_gather %get3A_191[%gather3A_869] in [0] : vector<16xf32>, vector<16xi32> -> vector<16xf32>
          %mul3A_871 = arith.constant 16 : i32
          %mul3A_872 = arith.muli %scan3A_186, %mul3A_871 : i32
          %add3A_873 = arith.constant 7 : i32
          %add3A_874 = arith.addi %mul3A_872, %add3A_873 : i32
          %get3A_875 = arith.index_cast %add3A_874 : i32 to index
          %get3A_876 = arith.constant 0 : index
          %get3A_877 = tpu.vector_load %arg11[%get3A_875, %get3A_876] {strides = array<i32>} : memref<128x128xf32, #tpu.memory_space<vmem>>, vector<1x16xf32>,
          %get3A_878 = vector.shape_cast %get3A_877 : vector<1x16xf32> to vector<16xf32>
          %mul3A_879 = arith.mulf %get3A_878, %gather3A_870 : vector<16xf32>
          %swap3A_880 = arith.index_cast %add3A_874 : i32 to index
          %swap3A_881 = arith.constant 0 : index
          %swap3A_882 = tpu.vector_load %arg11[%swap3A_880, %swap3A_881] {strides = array<i32>} : memref<128x128xf32, #tpu.memory_space<vmem>>, vector<1x16xf32>,
          %swap3A_883 = vector.shape_cast %swap3A_882 : vector<1x16xf32> to vector<16xf32>
          %swap3A_884 = vector.shape_cast %mul3A_879 : vector<16xf32> to vector<1x16xf32>
          tpu.vector_store %arg11[%swap3A_880, %swap3A_881], %swap3A_884 {strides = array<i32>} : memref<128x128xf32, #tpu.memory_space<vmem>>, vector<1x16xf32>,
          %get3A_885 = arith.index_cast %add3A_874 : i32 to index
          %get3A_886 = arith.constant 16 : index
          %get3A_887 = tpu.vector_load %arg11[%get3A_885, %get3A_886] {strides = array<i32>} : memref<128x128xf32, #tpu.memory_space<vmem>>, vector<1x16xf32>,
          %get3A_888 = vector.shape_cast %get3A_887 : vector<1x16xf32> to vector<16xf32>
          %mul3A_889 = arith.mulf %get3A_888, %gather3A_870 : vector<16xf32>
          %swap3A_890 = arith.index_cast %add3A_874 : i32 to index
          %swap3A_891 = arith.constant 16 : index
          %swap3A_892 = tpu.vector_load %arg11[%swap3A_890, %swap3A_891] {strides = array<i32>} : memref<128x128xf32, #tpu.memory_space<vmem>>, vector<1x16xf32>,
          %swap3A_893 = vector.shape_cast %swap3A_892 : vector<1x16xf32> to vector<16xf32>
          %swap3A_894 = vector.shape_cast %mul3A_889 : vector<16xf32> to vector<1x16xf32>
          tpu.vector_store %arg11[%swap3A_890, %swap3A_891], %swap3A_894 {strides = array<i32>} : memref<128x128xf32, #tpu.memory_space<vmem>>, vector<1x16xf32>,
          %get3A_895 = arith.index_cast %add3A_874 : i32 to index
          %get3A_896 = arith.constant 32 : index
          %get3A_897 = tpu.vector_load %arg11[%get3A_895, %get3A_896] {strides = array<i32>} : memref<128x128xf32, #tpu.memory_space<vmem>>, vector<1x16xf32>,
          %get3A_898 = vector.shape_cast %get3A_897 : vector<1x16xf32> to vector<16xf32>
          %mul3A_899 = arith.mulf %get3A_898, %gather3A_870 : vector<16xf32>
          %swap3A_900 = arith.index_cast %add3A_874 : i32 to index
          %swap3A_901 = arith.constant 32 : index
          %swap3A_902 = tpu.vector_load %arg11[%swap3A_900, %swap3A_901] {strides = array<i32>} : memref<128x128xf32, #tpu.memory_space<vmem>>, vector<1x16xf32>,
          %swap3A_903 = vector.shape_cast %swap3A_902 : vector<1x16xf32> to vector<16xf32>
          %swap3A_904 = vector.shape_cast %mul3A_899 : vector<16xf32> to vector<1x16xf32>
          tpu.vector_store %arg11[%swap3A_900, %swap3A_901], %swap3A_904 {strides = array<i32>} : memref<128x128xf32, #tpu.memory_space<vmem>>, vector<1x16xf32>,
          %get3A_905 = arith.index_cast %add3A_874 : i32 to index
          %get3A_906 = arith.constant 48 : index
          %get3A_907 = tpu.vector_load %arg11[%get3A_905, %get3A_906] {strides = array<i32>} : memref<128x128xf32, #tpu.memory_space<vmem>>, vector<1x16xf32>,
          %get3A_908 = vector.shape_cast %get3A_907 : vector<1x16xf32> to vector<16xf32>
          %mul3A_909 = arith.mulf %get3A_908, %gather3A_870 : vector<16xf32>
          %swap3A_910 = arith.index_cast %add3A_874 : i32 to index
          %swap3A_911 = arith.constant 48 : index
          %swap3A_912 = tpu.vector_load %arg11[%swap3A_910, %swap3A_911] {strides = array<i32>} : memref<128x128xf32, #tpu.memory_space<vmem>>, vector<1x16xf32>,
          %swap3A_913 = vector.shape_cast %swap3A_912 : vector<1x16xf32> to vector<16xf32>
          %swap3A_914 = vector.shape_cast %mul3A_909 : vector<16xf32> to vector<1x16xf32>
          tpu.vector_store %arg11[%swap3A_910, %swap3A_911], %swap3A_914 {strides = array<i32>} : memref<128x128xf32, #tpu.memory_space<vmem>>, vector<1x16xf32>,
          %get3A_915 = arith.index_cast %add3A_874 : i32 to index
          %get3A_916 = arith.constant 64 : index
          %get3A_917 = tpu.vector_load %arg11[%get3A_915, %get3A_916] {strides = array<i32>} : memref<128x128xf32, #tpu.memory_space<vmem>>, vector<1x16xf32>,
          %get3A_918 = vector.shape_cast %get3A_917 : vector<1x16xf32> to vector<16xf32>
          %mul3A_919 = arith.mulf %get3A_918, %gather3A_870 : vector<16xf32>
          %swap3A_920 = arith.index_cast %add3A_874 : i32 to index
          %swap3A_921 = arith.constant 64 : index
          %swap3A_922 = tpu.vector_load %arg11[%swap3A_920, %swap3A_921] {strides = array<i32>} : memref<128x128xf32, #tpu.memory_space<vmem>>, vector<1x16xf32>,
          %swap3A_923 = vector.shape_cast %swap3A_922 : vector<1x16xf32> to vector<16xf32>
          %swap3A_924 = vector.shape_cast %mul3A_919 : vector<16xf32> to vector<1x16xf32>
          tpu.vector_store %arg11[%swap3A_920, %swap3A_921], %swap3A_924 {strides = array<i32>} : memref<128x128xf32, #tpu.memory_space<vmem>>, vector<1x16xf32>,
          %get3A_925 = arith.index_cast %add3A_874 : i32 to index
          %get3A_926 = arith.constant 80 : index
          %get3A_927 = tpu.vector_load %arg11[%get3A_925, %get3A_926] {strides = array<i32>} : memref<128x128xf32, #tpu.memory_space<vmem>>, vector<1x16xf32>,
          %get3A_928 = vector.shape_cast %get3A_927 : vector<1x16xf32> to vector<16xf32>
          %mul3A_929 = arith.mulf %get3A_928, %gather3A_870 : vector<16xf32>
          %swap3A_930 = arith.index_cast %add3A_874 : i32 to index
          %swap3A_931 = arith.constant 80 : index
          %swap3A_932 = tpu.vector_load %arg11[%swap3A_930, %swap3A_931] {strides = array<i32>} : memref<128x128xf32, #tpu.memory_space<vmem>>, vector<1x16xf32>,
          %swap3A_933 = vector.shape_cast %swap3A_932 : vector<1x16xf32> to vector<16xf32>
          %swap3A_934 = vector.shape_cast %mul3A_929 : vector<16xf32> to vector<1x16xf32>
          tpu.vector_store %arg11[%swap3A_930, %swap3A_931], %swap3A_934 {strides = array<i32>} : memref<128x128xf32, #tpu.memory_space<vmem>>, vector<1x16xf32>,
          %get3A_935 = arith.index_cast %add3A_874 : i32 to index
          %get3A_936 = arith.constant 96 : index
          %get3A_937 = tpu.vector_load %arg11[%get3A_935, %get3A_936] {strides = array<i32>} : memref<128x128xf32, #tpu.memory_space<vmem>>, vector<1x16xf32>,
          %get3A_938 = vector.shape_cast %get3A_937 : vector<1x16xf32> to vector<16xf32>
          %mul3A_939 = arith.mulf %get3A_938, %gather3A_870 : vector<16xf32>
          %swap3A_940 = arith.index_cast %add3A_874 : i32 to index
          %swap3A_941 = arith.constant 96 : index
          %swap3A_942 = tpu.vector_load %arg11[%swap3A_940, %swap3A_941] {strides = array<i32>} : memref<128x128xf32, #tpu.memory_space<vmem>>, vector<1x16xf32>,
          %swap3A_943 = vector.shape_cast %swap3A_942 : vector<1x16xf32> to vector<16xf32>
          %swap3A_944 = vector.shape_cast %mul3A_939 : vector<16xf32> to vector<1x16xf32>
          tpu.vector_store %arg11[%swap3A_940, %swap3A_941], %swap3A_944 {strides = array<i32>} : memref<128x128xf32, #tpu.memory_space<vmem>>, vector<1x16xf32>,
          %get3A_945 = arith.index_cast %add3A_874 : i32 to index
          %get3A_946 = arith.constant 112 : index
          %get3A_947 = tpu.vector_load %arg11[%get3A_945, %get3A_946] {strides = array<i32>} : memref<128x128xf32, #tpu.memory_space<vmem>>, vector<1x16xf32>,
          %get3A_948 = vector.shape_cast %get3A_947 : vector<1x16xf32> to vector<16xf32>
          %mul3A_949 = arith.mulf %get3A_948, %gather3A_870 : vector<16xf32>
          %swap3A_950 = arith.index_cast %add3A_874 : i32 to index
          %swap3A_951 = arith.constant 112 : index
          %swap3A_952 = tpu.vector_load %arg11[%swap3A_950, %swap3A_951] {strides = array<i32>} : memref<128x128xf32, #tpu.memory_space<vmem>>, vector<1x16xf32>,
          %swap3A_953 = vector.shape_cast %swap3A_952 : vector<1x16xf32> to vector<16xf32>
          %swap3A_954 = vector.shape_cast %mul3A_949 : vector<16xf32> to vector<1x16xf32>
          tpu.vector_store %arg11[%swap3A_950, %swap3A_951], %swap3A_954 {strides = array<i32>} : memref<128x128xf32, #tpu.memory_space<vmem>>, vector<1x16xf32>,
          %broadcast_in_dim3A_955 = arith.constant 8 : i32
          %broadcast_in_dim3A_956 = vector.broadcast %broadcast_in_dim3A_955 : i32 to vector<16xi32>
          %lt3A_957 = arith.constant 0 : i32
          %lt3A_958 = vector.broadcast %lt3A_957 : i32 to vector<16xi32>
          %lt3A_959 = arith.cmpi slt, %broadcast_in_dim3A_956, %lt3A_958 : vector<16xi32>
          %add3A_960 = arith.constant 16 : i32
          %add3A_961 = vector.broadcast %add3A_960 : i32 to vector<16xi32>
          %add3A_962 = arith.addi %broadcast_in_dim3A_956, %add3A_961 : vector<16xi32>
          %select_n3A_963 = arith.select %lt3A_959, %add3A_962, %broadcast_in_dim3A_956 : vector<16xi1>, vector<16xi32>
          %broadcast_in_dim3A_964 = vector.shape_cast %select_n3A_963 : vector<16xi32> to vector<16x1xi32>
          %gather3A_965 = vector.shape_cast %broadcast_in_dim3A_964 : vector<16x1xi32> to vector<16xi32>
          %gather3A_966 = tpu.dynamic_gather %get3A_191[%gather3A_965] in [0] : vector<16xf32>, vector<16xi32> -> vector<16xf32>
          %mul3A_967 = arith.constant 16 : i32
          %mul3A_968 = arith.muli %scan3A_186, %mul3A_967 : i32
          %add3A_969 = arith.constant 8 : i32
          %add3A_970 = arith.addi %mul3A_968, %add3A_969 : i32
          %get3A_971 = arith.index_cast %add3A_970 : i32 to index
          %get3A_972 = arith.constant 0 : index
          %get3A_973 = tpu.vector_load %arg11[%get3A_971, %get3A_972] {strides = array<i32>} : memref<128x128xf32, #tpu.memory_space<vmem>>, vector<1x16xf32>,
          %get3A_974 = vector.shape_cast %get3A_973 : vector<1x16xf32> to vector<16xf32>
          %mul3A_975 = arith.mulf %get3A_974, %gather3A_966 : vector<16xf32>
          %swap3A_976 = arith.index_cast %add3A_970 : i32 to index
          %swap3A_977 = arith.constant 0 : index
          %swap3A_978 = tpu.vector_load %arg11[%swap3A_976, %swap3A_977] {strides = array<i32>} : memref<128x128xf32, #tpu.memory_space<vmem>>, vector<1x16xf32>,
          %swap3A_979 = vector.shape_cast %swap3A_978 : vector<1x16xf32> to vector<16xf32>
          %swap3A_980 = vector.shape_cast %mul3A_975 : vector<16xf32> to vector<1x16xf32>
          tpu.vector_store %arg11[%swap3A_976, %swap3A_977], %swap3A_980 {strides = array<i32>} : memref<128x128xf32, #tpu.memory_space<vmem>>, vector<1x16xf32>,
          %get3A_981 = arith.index_cast %add3A_970 : i32 to index
          %get3A_982 = arith.constant 16 : index
          %get3A_983 = tpu.vector_load %arg11[%get3A_981, %get3A_982] {strides = array<i32>} : memref<128x128xf32, #tpu.memory_space<vmem>>, vector<1x16xf32>,
          %get3A_984 = vector.shape_cast %get3A_983 : vector<1x16xf32> to vector<16xf32>
          %mul3A_985 = arith.mulf %get3A_984, %gather3A_966 : vector<16xf32>
          %swap3A_986 = arith.index_cast %add3A_970 : i32 to index
          %swap3A_987 = arith.constant 16 : index
          %swap3A_988 = tpu.vector_load %arg11[%swap3A_986, %swap3A_987] {strides = array<i32>} : memref<128x128xf32, #tpu.memory_space<vmem>>, vector<1x16xf32>,
          %swap3A_989 = vector.shape_cast %swap3A_988 : vector<1x16xf32> to vector<16xf32>
          %swap3A_990 = vector.shape_cast %mul3A_985 : vector<16xf32> to vector<1x16xf32>
          tpu.vector_store %arg11[%swap3A_986, %swap3A_987], %swap3A_990 {strides = array<i32>} : memref<128x128xf32, #tpu.memory_space<vmem>>, vector<1x16xf32>,
          %get3A_991 = arith.index_cast %add3A_970 : i32 to index
          %get3A_992 = arith.constant 32 : index
          %get3A_993 = tpu.vector_load %arg11[%get3A_991, %get3A_992] {strides = array<i32>} : memref<128x128xf32, #tpu.memory_space<vmem>>, vector<1x16xf32>,
          %get3A_994 = vector.shape_cast %get3A_993 : vector<1x16xf32> to vector<16xf32>
          %mul3A_995 = arith.mulf %get3A_994, %gather3A_966 : vector<16xf32>
          %swap3A_996 = arith.index_cast %add3A_970 : i32 to index
          %swap3A_997 = arith.constant 32 : index
          %swap3A_998 = tpu.vector_load %arg11[%swap3A_996, %swap3A_997] {strides = array<i32>} : memref<128x128xf32, #tpu.memory_space<vmem>>, vector<1x16xf32>,
          %swap3A_999 = vector.shape_cast %swap3A_998 : vector<1x16xf32> to vector<16xf32>
          %swap3A_1000 = vector.shape_cast %mul3A_995 : vector<16xf32> to vector<1x16xf32>
          tpu.vector_store %arg11[%swap3A_996, %swap3A_997], %swap3A_1000 {strides = array<i32>} : memref<128x128xf32, #tpu.memory_space<vmem>>, vector<1x16xf32>,
          %get3A_1001 = arith.index_cast %add3A_970 : i32 to index
          %get3A_1002 = arith.constant 48 : index
          %get3A_1003 = tpu.vector_load %arg11[%get3A_1001, %get3A_1002] {strides = array<i32>} : memref<128x128xf32, #tpu.memory_space<vmem>>, vector<1x16xf32>,
          %get3A_1004 = vector.shape_cast %get3A_1003 : vector<1x16xf32> to vector<16xf32>
          %mul3A_1005 = arith.mulf %get3A_1004, %gather3A_966 : vector<16xf32>
          %swap3A_1006 = arith.index_cast %add3A_970 : i32 to index
          %swap3A_1007 = arith.constant 48 : index
          %swap3A_1008 = tpu.vector_load %arg11[%swap3A_1006, %swap3A_1007] {strides = array<i32>} : memref<128x128xf32, #tpu.memory_space<vmem>>, vector<1x16xf32>,
          %swap3A_1009 = vector.shape_cast %swap3A_1008 : vector<1x16xf32> to vector<16xf32>
          %swap3A_1010 = vector.shape_cast %mul3A_1005 : vector<16xf32> to vector<1x16xf32>
          tpu.vector_store %arg11[%swap3A_1006, %swap3A_1007], %swap3A_1010 {strides = array<i32>} : memref<128x128xf32, #tpu.memory_space<vmem>>, vector<1x16xf32>,
          %get3A_1011 = arith.index_cast %add3A_970 : i32 to index
          %get3A_1012 = arith.constant 64 : index
          %get3A_1013 = tpu.vector_load %arg11[%get3A_1011, %get3A_1012] {strides = array<i32>} : memref<128x128xf32, #tpu.memory_space<vmem>>, vector<1x16xf32>,
          %get3A_1014 = vector.shape_cast %get3A_1013 : vector<1x16xf32> to vector<16xf32>
          %mul3A_1015 = arith.mulf %get3A_1014, %gather3A_966 : vector<16xf32>
          %swap3A_1016 = arith.index_cast %add3A_970 : i32 to index
          %swap3A_1017 = arith.constant 64 : index
          %swap3A_1018 = tpu.vector_load %arg11[%swap3A_1016, %swap3A_1017] {strides = array<i32>} : memref<128x128xf32, #tpu.memory_space<vmem>>, vector<1x16xf32>,
          %swap3A_1019 = vector.shape_cast %swap3A_1018 : vector<1x16xf32> to vector<16xf32>
          %swap3A_1020 = vector.shape_cast %mul3A_1015 : vector<16xf32> to vector<1x16xf32>
          tpu.vector_store %arg11[%swap3A_1016, %swap3A_1017], %swap3A_1020 {strides = array<i32>} : memref<128x128xf32, #tpu.memory_space<vmem>>, vector<1x16xf32>,
          %get3A_1021 = arith.index_cast %add3A_970 : i32 to index
          %get3A_1022 = arith.constant 80 : index
          %get3A_1023 = tpu.vector_load %arg11[%get3A_1021, %get3A_1022] {strides = array<i32>} : memref<128x128xf32, #tpu.memory_space<vmem>>, vector<1x16xf32>,
          %get3A_1024 = vector.shape_cast %get3A_1023 : vector<1x16xf32> to vector<16xf32>
          %mul3A_1025 = arith.mulf %get3A_1024, %gather3A_966 : vector<16xf32>
          %swap3A_1026 = arith.index_cast %add3A_970 : i32 to index
          %swap3A_1027 = arith.constant 80 : index
          %swap3A_1028 = tpu.vector_load %arg11[%swap3A_1026, %swap3A_1027] {strides = array<i32>} : memref<128x128xf32, #tpu.memory_space<vmem>>, vector<1x16xf32>,
          %swap3A_1029 = vector.shape_cast %swap3A_1028 : vector<1x16xf32> to vector<16xf32>
          %swap3A_1030 = vector.shape_cast %mul3A_1025 : vector<16xf32> to vector<1x16xf32>
          tpu.vector_store %arg11[%swap3A_1026, %swap3A_1027], %swap3A_1030 {strides = array<i32>} : memref<128x128xf32, #tpu.memory_space<vmem>>, vector<1x16xf32>,
          %get3A_1031 = arith.index_cast %add3A_970 : i32 to index
          %get3A_1032 = arith.constant 96 : index
          %get3A_1033 = tpu.vector_load %arg11[%get3A_1031, %get3A_1032] {strides = array<i32>} : memref<128x128xf32, #tpu.memory_space<vmem>>, vector<1x16xf32>,
          %get3A_1034 = vector.shape_cast %get3A_1033 : vector<1x16xf32> to vector<16xf32>
          %mul3A_1035 = arith.mulf %get3A_1034, %gather3A_966 : vector<16xf32>
          %swap3A_1036 = arith.index_cast %add3A_970 : i32 to index
          %swap3A_1037 = arith.constant 96 : index
          %swap3A_1038 = tpu.vector_load %arg11[%swap3A_1036, %swap3A_1037] {strides = array<i32>} : memref<128x128xf32, #tpu.memory_space<vmem>>, vector<1x16xf32>,
          %swap3A_1039 = vector.shape_cast %swap3A_1038 : vector<1x16xf32> to vector<16xf32>
          %swap3A_1040 = vector.shape_cast %mul3A_1035 : vector<16xf32> to vector<1x16xf32>
          tpu.vector_store %arg11[%swap3A_1036, %swap3A_1037], %swap3A_1040 {strides = array<i32>} : memref<128x128xf32, #tpu.memory_space<vmem>>, vector<1x16xf32>,
          %get3A_1041 = arith.index_cast %add3A_970 : i32 to index
          %get3A_1042 = arith.constant 112 : index
          %get3A_1043 = tpu.vector_load %arg11[%get3A_1041, %get3A_1042] {strides = array<i32>} : memref<128x128xf32, #tpu.memory_space<vmem>>, vector<1x16xf32>,
          %get3A_1044 = vector.shape_cast %get3A_1043 : vector<1x16xf32> to vector<16xf32>
          %mul3A_1045 = arith.mulf %get3A_1044, %gather3A_966 : vector<16xf32>
          %swap3A_1046 = arith.index_cast %add3A_970 : i32 to index
          %swap3A_1047 = arith.constant 112 : index
          %swap3A_1048 = tpu.vector_load %arg11[%swap3A_1046, %swap3A_1047] {strides = array<i32>} : memref<128x128xf32, #tpu.memory_space<vmem>>, vector<1x16xf32>,
          %swap3A_1049 = vector.shape_cast %swap3A_1048 : vector<1x16xf32> to vector<16xf32>
          %swap3A_1050 = vector.shape_cast %mul3A_1045 : vector<16xf32> to vector<1x16xf32>
          tpu.vector_store %arg11[%swap3A_1046, %swap3A_1047], %swap3A_1050 {strides = array<i32>} : memref<128x128xf32, #tpu.memory_space<vmem>>, vector<1x16xf32>,
          %broadcast_in_dim3A_1051 = arith.constant 9 : i32
          %broadcast_in_dim3A_1052 = vector.broadcast %broadcast_in_dim3A_1051 : i32 to vector<16xi32>
          %lt3A_1053 = arith.constant 0 : i32
          %lt3A_1054 = vector.broadcast %lt3A_1053 : i32 to vector<16xi32>
          %lt3A_1055 = arith.cmpi slt, %broadcast_in_dim3A_1052, %lt3A_1054 : vector<16xi32>
          %add3A_1056 = arith.constant 16 : i32
          %add3A_1057 = vector.broadcast %add3A_1056 : i32 to vector<16xi32>
          %add3A_1058 = arith.addi %broadcast_in_dim3A_1052, %add3A_1057 : vector<16xi32>
          %select_n3A_1059 = arith.select %lt3A_1055, %add3A_1058, %broadcast_in_dim3A_1052 : vector<16xi1>, vector<16xi32>
          %broadcast_in_dim3A_1060 = vector.shape_cast %select_n3A_1059 : vector<16xi32> to vector<16x1xi32>
          %gather3A_1061 = vector.shape_cast %broadcast_in_dim3A_1060 : vector<16x1xi32> to vector<16xi32>
          %gather3A_1062 = tpu.dynamic_gather %get3A_191[%gather3A_1061] in [0] : vector<16xf32>, vector<16xi32> -> vector<16xf32>
          %mul3A_1063 = arith.constant 16 : i32
          %mul3A_1064 = arith.muli %scan3A_186, %mul3A_1063 : i32
          %add3A_1065 = arith.constant 9 : i32
          %add3A_1066 = arith.addi %mul3A_1064, %add3A_1065 : i32
          %get3A_1067 = arith.index_cast %add3A_1066 : i32 to index
          %get3A_1068 = arith.constant 0 : index
          %get3A_1069 = tpu.vector_load %arg11[%get3A_1067, %get3A_1068] {strides = array<i32>} : memref<128x128xf32, #tpu.memory_space<vmem>>, vector<1x16xf32>,
          %get3A_1070 = vector.shape_cast %get3A_1069 : vector<1x16xf32> to vector<16xf32>
          %mul3A_1071 = arith.mulf %get3A_1070, %gather3A_1062 : vector<16xf32>
          %swap3A_1072 = arith.index_cast %add3A_1066 : i32 to index
          %swap3A_1073 = arith.constant 0 : index
          %swap3A_1074 = tpu.vector_load %arg11[%swap3A_1072, %swap3A_1073] {strides = array<i32>} : memref<128x128xf32, #tpu.memory_space<vmem>>, vector<1x16xf32>,
          %swap3A_1075 = vector.shape_cast %swap3A_1074 : vector<1x16xf32> to vector<16xf32>
          %swap3A_1076 = vector.shape_cast %mul3A_1071 : vector<16xf32> to vector<1x16xf32>
          tpu.vector_store %arg11[%swap3A_1072, %swap3A_1073], %swap3A_1076 {strides = array<i32>} : memref<128x128xf32, #tpu.memory_space<vmem>>, vector<1x16xf32>,
          %get3A_1077 = arith.index_cast %add3A_1066 : i32 to index
          %get3A_1078 = arith.constant 16 : index
          %get3A_1079 = tpu.vector_load %arg11[%get3A_1077, %get3A_1078] {strides = array<i32>} : memref<128x128xf32, #tpu.memory_space<vmem>>, vector<1x16xf32>,
          %get3A_1080 = vector.shape_cast %get3A_1079 : vector<1x16xf32> to vector<16xf32>
          %mul3A_1081 = arith.mulf %get3A_1080, %gather3A_1062 : vector<16xf32>
          %swap3A_1082 = arith.index_cast %add3A_1066 : i32 to index
          %swap3A_1083 = arith.constant 16 : index
          %swap3A_1084 = tpu.vector_load %arg11[%swap3A_1082, %swap3A_1083] {strides = array<i32>} : memref<128x128xf32, #tpu.memory_space<vmem>>, vector<1x16xf32>,
          %swap3A_1085 = vector.shape_cast %swap3A_1084 : vector<1x16xf32> to vector<16xf32>
          %swap3A_1086 = vector.shape_cast %mul3A_1081 : vector<16xf32> to vector<1x16xf32>
          tpu.vector_store %arg11[%swap3A_1082, %swap3A_1083], %swap3A_1086 {strides = array<i32>} : memref<128x128xf32, #tpu.memory_space<vmem>>, vector<1x16xf32>,
          %get3A_1087 = arith.index_cast %add3A_1066 : i32 to index
          %get3A_1088 = arith.constant 32 : index
          %get3A_1089 = tpu.vector_load %arg11[%get3A_1087, %get3A_1088] {strides = array<i32>} : memref<128x128xf32, #tpu.memory_space<vmem>>, vector<1x16xf32>,
          %get3A_1090 = vector.shape_cast %get3A_1089 : vector<1x16xf32> to vector<16xf32>
          %mul3A_1091 = arith.mulf %get3A_1090, %gather3A_1062 : vector<16xf32>
          %swap3A_1092 = arith.index_cast %add3A_1066 : i32 to index
          %swap3A_1093 = arith.constant 32 : index
          %swap3A_1094 = tpu.vector_load %arg11[%swap3A_1092, %swap3A_1093] {strides = array<i32>} : memref<128x128xf32, #tpu.memory_space<vmem>>, vector<1x16xf32>,
          %swap3A_1095 = vector.shape_cast %swap3A_1094 : vector<1x16xf32> to vector<16xf32>
          %swap3A_1096 = vector.shape_cast %mul3A_1091 : vector<16xf32> to vector<1x16xf32>
          tpu.vector_store %arg11[%swap3A_1092, %swap3A_1093], %swap3A_1096 {strides = array<i32>} : memref<128x128xf32, #tpu.memory_space<vmem>>, vector<1x16xf32>,
          %get3A_1097 = arith.index_cast %add3A_1066 : i32 to index
          %get3A_1098 = arith.constant 48 : index
          %get3A_1099 = tpu.vector_load %arg11[%get3A_1097, %get3A_1098] {strides = array<i32>} : memref<128x128xf32, #tpu.memory_space<vmem>>, vector<1x16xf32>,
          %get3A_1100 = vector.shape_cast %get3A_1099 : vector<1x16xf32> to vector<16xf32>
          %mul3A_1101 = arith.mulf %get3A_1100, %gather3A_1062 : vector<16xf32>
          %swap3A_1102 = arith.index_cast %add3A_1066 : i32 to index
          %swap3A_1103 = arith.constant 48 : index
          %swap3A_1104 = tpu.vector_load %arg11[%swap3A_1102, %swap3A_1103] {strides = array<i32>} : memref<128x128xf32, #tpu.memory_space<vmem>>, vector<1x16xf32>,
          %swap3A_1105 = vector.shape_cast %swap3A_1104 : vector<1x16xf32> to vector<16xf32>
          %swap3A_1106 = vector.shape_cast %mul3A_1101 : vector<16xf32> to vector<1x16xf32>
          tpu.vector_store %arg11[%swap3A_1102, %swap3A_1103], %swap3A_1106 {strides = array<i32>} : memref<128x128xf32, #tpu.memory_space<vmem>>, vector<1x16xf32>,
          %get3A_1107 = arith.index_cast %add3A_1066 : i32 to index
          %get3A_1108 = arith.constant 64 : index
          %get3A_1109 = tpu.vector_load %arg11[%get3A_1107, %get3A_1108] {strides = array<i32>} : memref<128x128xf32, #tpu.memory_space<vmem>>, vector<1x16xf32>,
          %get3A_1110 = vector.shape_cast %get3A_1109 : vector<1x16xf32> to vector<16xf32>
          %mul3A_1111 = arith.mulf %get3A_1110, %gather3A_1062 : vector<16xf32>
          %swap3A_1112 = arith.index_cast %add3A_1066 : i32 to index
          %swap3A_1113 = arith.constant 64 : index
          %swap3A_1114 = tpu.vector_load %arg11[%swap3A_1112, %swap3A_1113] {strides = array<i32>} : memref<128x128xf32, #tpu.memory_space<vmem>>, vector<1x16xf32>,
          %swap3A_1115 = vector.shape_cast %swap3A_1114 : vector<1x16xf32> to vector<16xf32>
          %swap3A_1116 = vector.shape_cast %mul3A_1111 : vector<16xf32> to vector<1x16xf32>
          tpu.vector_store %arg11[%swap3A_1112, %swap3A_1113], %swap3A_1116 {strides = array<i32>} : memref<128x128xf32, #tpu.memory_space<vmem>>, vector<1x16xf32>,
          %get3A_1117 = arith.index_cast %add3A_1066 : i32 to index
          %get3A_1118 = arith.constant 80 : index
          %get3A_1119 = tpu.vector_load %arg11[%get3A_1117, %get3A_1118] {strides = array<i32>} : memref<128x128xf32, #tpu.memory_space<vmem>>, vector<1x16xf32>,
          %get3A_1120 = vector.shape_cast %get3A_1119 : vector<1x16xf32> to vector<16xf32>
          %mul3A_1121 = arith.mulf %get3A_1120, %gather3A_1062 : vector<16xf32>
          %swap3A_1122 = arith.index_cast %add3A_1066 : i32 to index
          %swap3A_1123 = arith.constant 80 : index
          %swap3A_1124 = tpu.vector_load %arg11[%swap3A_1122, %swap3A_1123] {strides = array<i32>} : memref<128x128xf32, #tpu.memory_space<vmem>>, vector<1x16xf32>,
          %swap3A_1125 = vector.shape_cast %swap3A_1124 : vector<1x16xf32> to vector<16xf32>
          %swap3A_1126 = vector.shape_cast %mul3A_1121 : vector<16xf32> to vector<1x16xf32>
          tpu.vector_store %arg11[%swap3A_1122, %swap3A_1123], %swap3A_1126 {strides = array<i32>} : memref<128x128xf32, #tpu.memory_space<vmem>>, vector<1x16xf32>,
          %get3A_1127 = arith.index_cast %add3A_1066 : i32 to index
          %get3A_1128 = arith.constant 96 : index
          %get3A_1129 = tpu.vector_load %arg11[%get3A_1127, %get3A_1128] {strides = array<i32>} : memref<128x128xf32, #tpu.memory_space<vmem>>, vector<1x16xf32>,
          %get3A_1130 = vector.shape_cast %get3A_1129 : vector<1x16xf32> to vector<16xf32>
          %mul3A_1131 = arith.mulf %get3A_1130, %gather3A_1062 : vector<16xf32>
          %swap3A_1132 = arith.index_cast %add3A_1066 : i32 to index
          %swap3A_1133 = arith.constant 96 : index
          %swap3A_1134 = tpu.vector_load %arg11[%swap3A_1132, %swap3A_1133] {strides = array<i32>} : memref<128x128xf32, #tpu.memory_space<vmem>>, vector<1x16xf32>,
          %swap3A_1135 = vector.shape_cast %swap3A_1134 : vector<1x16xf32> to vector<16xf32>
          %swap3A_1136 = vector.shape_cast %mul3A_1131 : vector<16xf32> to vector<1x16xf32>
          tpu.vector_store %arg11[%swap3A_1132, %swap3A_1133], %swap3A_1136 {strides = array<i32>} : memref<128x128xf32, #tpu.memory_space<vmem>>, vector<1x16xf32>,
          %get3A_1137 = arith.index_cast %add3A_1066 : i32 to index
          %get3A_1138 = arith.constant 112 : index
          %get3A_1139 = tpu.vector_load %arg11[%get3A_1137, %get3A_1138] {strides = array<i32>} : memref<128x128xf32, #tpu.memory_space<vmem>>, vector<1x16xf32>,
          %get3A_1140 = vector.shape_cast %get3A_1139 : vector<1x16xf32> to vector<16xf32>
          %mul3A_1141 = arith.mulf %get3A_1140, %gather3A_1062 : vector<16xf32>
          %swap3A_1142 = arith.index_cast %add3A_1066 : i32 to index
          %swap3A_1143 = arith.constant 112 : index
          %swap3A_1144 = tpu.vector_load %arg11[%swap3A_1142, %swap3A_1143] {strides = array<i32>} : memref<128x128xf32, #tpu.memory_space<vmem>>, vector<1x16xf32>,
          %swap3A_1145 = vector.shape_cast %swap3A_1144 : vector<1x16xf32> to vector<16xf32>
          %swap3A_1146 = vector.shape_cast %mul3A_1141 : vector<16xf32> to vector<1x16xf32>
          tpu.vector_store %arg11[%swap3A_1142, %swap3A_1143], %swap3A_1146 {strides = array<i32>} : memref<128x128xf32, #tpu.memory_space<vmem>>, vector<1x16xf32>,
          %broadcast_in_dim3A_1147 = arith.constant 10 : i32
          %broadcast_in_dim3A_1148 = vector.broadcast %broadcast_in_dim3A_1147 : i32 to vector<16xi32>
          %lt3A_1149 = arith.constant 0 : i32
          %lt3A_1150 = vector.broadcast %lt3A_1149 : i32 to vector<16xi32>
          %lt3A_1151 = arith.cmpi slt, %broadcast_in_dim3A_1148, %lt3A_1150 : vector<16xi32>
          %add3A_1152 = arith.constant 16 : i32
          %add3A_1153 = vector.broadcast %add3A_1152 : i32 to vector<16xi32>
          %add3A_1154 = arith.addi %broadcast_in_dim3A_1148, %add3A_1153 : vector<16xi32>
          %select_n3A_1155 = arith.select %lt3A_1151, %add3A_1154, %broadcast_in_dim3A_1148 : vector<16xi1>, vector<16xi32>
          %broadcast_in_dim3A_1156 = vector.shape_cast %select_n3A_1155 : vector<16xi32> to vector<16x1xi32>
          %gather3A_1157 = vector.shape_cast %broadcast_in_dim3A_1156 : vector<16x1xi32> to vector<16xi32>
          %gather3A_1158 = tpu.dynamic_gather %get3A_191[%gather3A_1157] in [0] : vector<16xf32>, vector<16xi32> -> vector<16xf32>
          %mul3A_1159 = arith.constant 16 : i32
          %mul3A_1160 = arith.muli %scan3A_186, %mul3A_1159 : i32
          %add3A_1161 = arith.constant 10 : i32
          %add3A_1162 = arith.addi %mul3A_1160, %add3A_1161 : i32
          %get3A_1163 = arith.index_cast %add3A_1162 : i32 to index
          %get3A_1164 = arith.constant 0 : index
          %get3A_1165 = tpu.vector_load %arg11[%get3A_1163, %get3A_1164] {strides = array<i32>} : memref<128x128xf32, #tpu.memory_space<vmem>>, vector<1x16xf32>,
          %get3A_1166 = vector.shape_cast %get3A_1165 : vector<1x16xf32> to vector<16xf32>
          %mul3A_1167 = arith.mulf %get3A_1166, %gather3A_1158 : vector<16xf32>
          %swap3A_1168 = arith.index_cast %add3A_1162 : i32 to index
          %swap3A_1169 = arith.constant 0 : index
          %swap3A_1170 = tpu.vector_load %arg11[%swap3A_1168, %swap3A_1169] {strides = array<i32>} : memref<128x128xf32, #tpu.memory_space<vmem>>, vector<1x16xf32>,
          %swap3A_1171 = vector.shape_cast %swap3A_1170 : vector<1x16xf32> to vector<16xf32>
          %swap3A_1172 = vector.shape_cast %mul3A_1167 : vector<16xf32> to vector<1x16xf32>
          tpu.vector_store %arg11[%swap3A_1168, %swap3A_1169], %swap3A_1172 {strides = array<i32>} : memref<128x128xf32, #tpu.memory_space<vmem>>, vector<1x16xf32>,
          %get3A_1173 = arith.index_cast %add3A_1162 : i32 to index
          %get3A_1174 = arith.constant 16 : index
          %get3A_1175 = tpu.vector_load %arg11[%get3A_1173, %get3A_1174] {strides = array<i32>} : memref<128x128xf32, #tpu.memory_space<vmem>>, vector<1x16xf32>,
          %get3A_1176 = vector.shape_cast %get3A_1175 : vector<1x16xf32> to vector<16xf32>
          %mul3A_1177 = arith.mulf %get3A_1176, %gather3A_1158 : vector<16xf32>
          %swap3A_1178 = arith.index_cast %add3A_1162 : i32 to index
          %swap3A_1179 = arith.constant 16 : index
          %swap3A_1180 = tpu.vector_load %arg11[%swap3A_1178, %swap3A_1179] {strides = array<i32>} : memref<128x128xf32, #tpu.memory_space<vmem>>, vector<1x16xf32>,
          %swap3A_1181 = vector.shape_cast %swap3A_1180 : vector<1x16xf32> to vector<16xf32>
          %swap3A_1182 = vector.shape_cast %mul3A_1177 : vector<16xf32> to vector<1x16xf32>
          tpu.vector_store %arg11[%swap3A_1178, %swap3A_1179], %swap3A_1182 {strides = array<i32>} : memref<128x128xf32, #tpu.memory_space<vmem>>, vector<1x16xf32>,
          %get3A_1183 = arith.index_cast %add3A_1162 : i32 to index
          %get3A_1184 = arith.constant 32 : index
          %get3A_1185 = tpu.vector_load %arg11[%get3A_1183, %get3A_1184] {strides = array<i32>} : memref<128x128xf32, #tpu.memory_space<vmem>>, vector<1x16xf32>,
          %get3A_1186 = vector.shape_cast %get3A_1185 : vector<1x16xf32> to vector<16xf32>
          %mul3A_1187 = arith.mulf %get3A_1186, %gather3A_1158 : vector<16xf32>
          %swap3A_1188 = arith.index_cast %add3A_1162 : i32 to index
          %swap3A_1189 = arith.constant 32 : index
          %swap3A_1190 = tpu.vector_load %arg11[%swap3A_1188, %swap3A_1189] {strides = array<i32>} : memref<128x128xf32, #tpu.memory_space<vmem>>, vector<1x16xf32>,
          %swap3A_1191 = vector.shape_cast %swap3A_1190 : vector<1x16xf32> to vector<16xf32>
          %swap3A_1192 = vector.shape_cast %mul3A_1187 : vector<16xf32> to vector<1x16xf32>
          tpu.vector_store %arg11[%swap3A_1188, %swap3A_1189], %swap3A_1192 {strides = array<i32>} : memref<128x128xf32, #tpu.memory_space<vmem>>, vector<1x16xf32>,
          %get3A_1193 = arith.index_cast %add3A_1162 : i32 to index
          %get3A_1194 = arith.constant 48 : index
          %get3A_1195 = tpu.vector_load %arg11[%get3A_1193, %get3A_1194] {strides = array<i32>} : memref<128x128xf32, #tpu.memory_space<vmem>>, vector<1x16xf32>,
          %get3A_1196 = vector.shape_cast %get3A_1195 : vector<1x16xf32> to vector<16xf32>
          %mul3A_1197 = arith.mulf %get3A_1196, %gather3A_1158 : vector<16xf32>
          %swap3A_1198 = arith.index_cast %add3A_1162 : i32 to index
          %swap3A_1199 = arith.constant 48 : index
          %swap3A_1200 = tpu.vector_load %arg11[%swap3A_1198, %swap3A_1199] {strides = array<i32>} : memref<128x128xf32, #tpu.memory_space<vmem>>, vector<1x16xf32>,
          %swap3A_1201 = vector.shape_cast %swap3A_1200 : vector<1x16xf32> to vector<16xf32>
          %swap3A_1202 = vector.shape_cast %mul3A_1197 : vector<16xf32> to vector<1x16xf32>
          tpu.vector_store %arg11[%swap3A_1198, %swap3A_1199], %swap3A_1202 {strides = array<i32>} : memref<128x128xf32, #tpu.memory_space<vmem>>, vector<1x16xf32>,
          %get3A_1203 = arith.index_cast %add3A_1162 : i32 to index
          %get3A_1204 = arith.constant 64 : index
          %get3A_1205 = tpu.vector_load %arg11[%get3A_1203, %get3A_1204] {strides = array<i32>} : memref<128x128xf32, #tpu.memory_space<vmem>>, vector<1x16xf32>,
          %get3A_1206 = vector.shape_cast %get3A_1205 : vector<1x16xf32> to vector<16xf32>
          %mul3A_1207 = arith.mulf %get3A_1206, %gather3A_1158 : vector<16xf32>
          %swap3A_1208 = arith.index_cast %add3A_1162 : i32 to index
          %swap3A_1209 = arith.constant 64 : index
          %swap3A_1210 = tpu.vector_load %arg11[%swap3A_1208, %swap3A_1209] {strides = array<i32>} : memref<128x128xf32, #tpu.memory_space<vmem>>, vector<1x16xf32>,
          %swap3A_1211 = vector.shape_cast %swap3A_1210 : vector<1x16xf32> to vector<16xf32>
          %swap3A_1212 = vector.shape_cast %mul3A_1207 : vector<16xf32> to vector<1x16xf32>
          tpu.vector_store %arg11[%swap3A_1208, %swap3A_1209], %swap3A_1212 {strides = array<i32>} : memref<128x128xf32, #tpu.memory_space<vmem>>, vector<1x16xf32>,
          %get3A_1213 = arith.index_cast %add3A_1162 : i32 to index
          %get3A_1214 = arith.constant 80 : index
          %get3A_1215 = tpu.vector_load %arg11[%get3A_1213, %get3A_1214] {strides = array<i32>} : memref<128x128xf32, #tpu.memory_space<vmem>>, vector<1x16xf32>,
          %get3A_1216 = vector.shape_cast %get3A_1215 : vector<1x16xf32> to vector<16xf32>
          %mul3A_1217 = arith.mulf %get3A_1216, %gather3A_1158 : vector<16xf32>
          %swap3A_1218 = arith.index_cast %add3A_1162 : i32 to index
          %swap3A_1219 = arith.constant 80 : index
          %swap3A_1220 = tpu.vector_load %arg11[%swap3A_1218, %swap3A_1219] {strides = array<i32>} : memref<128x128xf32, #tpu.memory_space<vmem>>, vector<1x16xf32>,
          %swap3A_1221 = vector.shape_cast %swap3A_1220 : vector<1x16xf32> to vector<16xf32>
          %swap3A_1222 = vector.shape_cast %mul3A_1217 : vector<16xf32> to vector<1x16xf32>
          tpu.vector_store %arg11[%swap3A_1218, %swap3A_1219], %swap3A_1222 {strides = array<i32>} : memref<128x128xf32, #tpu.memory_space<vmem>>, vector<1x16xf32>,
          %get3A_1223 = arith.index_cast %add3A_1162 : i32 to index
          %get3A_1224 = arith.constant 96 : index
          %get3A_1225 = tpu.vector_load %arg11[%get3A_1223, %get3A_1224] {strides = array<i32>} : memref<128x128xf32, #tpu.memory_space<vmem>>, vector<1x16xf32>,
          %get3A_1226 = vector.shape_cast %get3A_1225 : vector<1x16xf32> to vector<16xf32>
          %mul3A_1227 = arith.mulf %get3A_1226, %gather3A_1158 : vector<16xf32>
          %swap3A_1228 = arith.index_cast %add3A_1162 : i32 to index
          %swap3A_1229 = arith.constant 96 : index
          %swap3A_1230 = tpu.vector_load %arg11[%swap3A_1228, %swap3A_1229] {strides = array<i32>} : memref<128x128xf32, #tpu.memory_space<vmem>>, vector<1x16xf32>,
          %swap3A_1231 = vector.shape_cast %swap3A_1230 : vector<1x16xf32> to vector<16xf32>
          %swap3A_1232 = vector.shape_cast %mul3A_1227 : vector<16xf32> to vector<1x16xf32>
          tpu.vector_store %arg11[%swap3A_1228, %swap3A_1229], %swap3A_1232 {strides = array<i32>} : memref<128x128xf32, #tpu.memory_space<vmem>>, vector<1x16xf32>,
          %get3A_1233 = arith.index_cast %add3A_1162 : i32 to index
          %get3A_1234 = arith.constant 112 : index
          %get3A_1235 = tpu.vector_load %arg11[%get3A_1233, %get3A_1234] {strides = array<i32>} : memref<128x128xf32, #tpu.memory_space<vmem>>, vector<1x16xf32>,
          %get3A_1236 = vector.shape_cast %get3A_1235 : vector<1x16xf32> to vector<16xf32>
          %mul3A_1237 = arith.mulf %get3A_1236, %gather3A_1158 : vector<16xf32>
          %swap3A_1238 = arith.index_cast %add3A_1162 : i32 to index
          %swap3A_1239 = arith.constant 112 : index
          %swap3A_1240 = tpu.vector_load %arg11[%swap3A_1238, %swap3A_1239] {strides = array<i32>} : memref<128x128xf32, #tpu.memory_space<vmem>>, vector<1x16xf32>,
          %swap3A_1241 = vector.shape_cast %swap3A_1240 : vector<1x16xf32> to vector<16xf32>
          %swap3A_1242 = vector.shape_cast %mul3A_1237 : vector<16xf32> to vector<1x16xf32>
          tpu.vector_store %arg11[%swap3A_1238, %swap3A_1239], %swap3A_1242 {strides = array<i32>} : memref<128x128xf32, #tpu.memory_space<vmem>>, vector<1x16xf32>,
          %broadcast_in_dim3A_1243 = arith.constant 11 : i32
          %broadcast_in_dim3A_1244 = vector.broadcast %broadcast_in_dim3A_1243 : i32 to vector<16xi32>
          %lt3A_1245 = arith.constant 0 : i32
          %lt3A_1246 = vector.broadcast %lt3A_1245 : i32 to vector<16xi32>
          %lt3A_1247 = arith.cmpi slt, %broadcast_in_dim3A_1244, %lt3A_1246 : vector<16xi32>
          %add3A_1248 = arith.constant 16 : i32
          %add3A_1249 = vector.broadcast %add3A_1248 : i32 to vector<16xi32>
          %add3A_1250 = arith.addi %broadcast_in_dim3A_1244, %add3A_1249 : vector<16xi32>
          %select_n3A_1251 = arith.select %lt3A_1247, %add3A_1250, %broadcast_in_dim3A_1244 : vector<16xi1>, vector<16xi32>
          %broadcast_in_dim3A_1252 = vector.shape_cast %select_n3A_1251 : vector<16xi32> to vector<16x1xi32>
          %gather3A_1253 = vector.shape_cast %broadcast_in_dim3A_1252 : vector<16x1xi32> to vector<16xi32>
          %gather3A_1254 = tpu.dynamic_gather %get3A_191[%gather3A_1253] in [0] : vector<16xf32>, vector<16xi32> -> vector<16xf32>
          %mul3A_1255 = arith.constant 16 : i32
          %mul3A_1256 = arith.muli %scan3A_186, %mul3A_1255 : i32
          %add3A_1257 = arith.constant 11 : i32
          %add3A_1258 = arith.addi %mul3A_1256, %add3A_1257 : i32
          %get3A_1259 = arith.index_cast %add3A_1258 : i32 to index
          %get3A_1260 = arith.constant 0 : index
          %get3A_1261 = tpu.vector_load %arg11[%get3A_1259, %get3A_1260] {strides = array<i32>} : memref<128x128xf32, #tpu.memory_space<vmem>>, vector<1x16xf32>,
          %get3A_1262 = vector.shape_cast %get3A_1261 : vector<1x16xf32> to vector<16xf32>
          %mul3A_1263 = arith.mulf %get3A_1262, %gather3A_1254 : vector<16xf32>
          %swap3A_1264 = arith.index_cast %add3A_1258 : i32 to index
          %swap3A_1265 = arith.constant 0 : index
          %swap3A_1266 = tpu.vector_load %arg11[%swap3A_1264, %swap3A_1265] {strides = array<i32>} : memref<128x128xf32, #tpu.memory_space<vmem>>, vector<1x16xf32>,
          %swap3A_1267 = vector.shape_cast %swap3A_1266 : vector<1x16xf32> to vector<16xf32>
          %swap3A_1268 = vector.shape_cast %mul3A_1263 : vector<16xf32> to vector<1x16xf32>
          tpu.vector_store %arg11[%swap3A_1264, %swap3A_1265], %swap3A_1268 {strides = array<i32>} : memref<128x128xf32, #tpu.memory_space<vmem>>, vector<1x16xf32>,
          %get3A_1269 = arith.index_cast %add3A_1258 : i32 to index
          %get3A_1270 = arith.constant 16 : index
          %get3A_1271 = tpu.vector_load %arg11[%get3A_1269, %get3A_1270] {strides = array<i32>} : memref<128x128xf32, #tpu.memory_space<vmem>>, vector<1x16xf32>,
          %get3A_1272 = vector.shape_cast %get3A_1271 : vector<1x16xf32> to vector<16xf32>
          %mul3A_1273 = arith.mulf %get3A_1272, %gather3A_1254 : vector<16xf32>
          %swap3A_1274 = arith.index_cast %add3A_1258 : i32 to index
          %swap3A_1275 = arith.constant 16 : index
          %swap3A_1276 = tpu.vector_load %arg11[%swap3A_1274, %swap3A_1275] {strides = array<i32>} : memref<128x128xf32, #tpu.memory_space<vmem>>, vector<1x16xf32>,
          %swap3A_1277 = vector.shape_cast %swap3A_1276 : vector<1x16xf32> to vector<16xf32>
          %swap3A_1278 = vector.shape_cast %mul3A_1273 : vector<16xf32> to vector<1x16xf32>
          tpu.vector_store %arg11[%swap3A_1274, %swap3A_1275], %swap3A_1278 {strides = array<i32>} : memref<128x128xf32, #tpu.memory_space<vmem>>, vector<1x16xf32>,
          %get3A_1279 = arith.index_cast %add3A_1258 : i32 to index
          %get3A_1280 = arith.constant 32 : index
          %get3A_1281 = tpu.vector_load %arg11[%get3A_1279, %get3A_1280] {strides = array<i32>} : memref<128x128xf32, #tpu.memory_space<vmem>>, vector<1x16xf32>,
          %get3A_1282 = vector.shape_cast %get3A_1281 : vector<1x16xf32> to vector<16xf32>
          %mul3A_1283 = arith.mulf %get3A_1282, %gather3A_1254 : vector<16xf32>
          %swap3A_1284 = arith.index_cast %add3A_1258 : i32 to index
          %swap3A_1285 = arith.constant 32 : index
          %swap3A_1286 = tpu.vector_load %arg11[%swap3A_1284, %swap3A_1285] {strides = array<i32>} : memref<128x128xf32, #tpu.memory_space<vmem>>, vector<1x16xf32>,
          %swap3A_1287 = vector.shape_cast %swap3A_1286 : vector<1x16xf32> to vector<16xf32>
          %swap3A_1288 = vector.shape_cast %mul3A_1283 : vector<16xf32> to vector<1x16xf32>
          tpu.vector_store %arg11[%swap3A_1284, %swap3A_1285], %swap3A_1288 {strides = array<i32>} : memref<128x128xf32, #tpu.memory_space<vmem>>, vector<1x16xf32>,
          %get3A_1289 = arith.index_cast %add3A_1258 : i32 to index
          %get3A_1290 = arith.constant 48 : index
          %get3A_1291 = tpu.vector_load %arg11[%get3A_1289, %get3A_1290] {strides = array<i32>} : memref<128x128xf32, #tpu.memory_space<vmem>>, vector<1x16xf32>,
          %get3A_1292 = vector.shape_cast %get3A_1291 : vector<1x16xf32> to vector<16xf32>
          %mul3A_1293 = arith.mulf %get3A_1292, %gather3A_1254 : vector<16xf32>
          %swap3A_1294 = arith.index_cast %add3A_1258 : i32 to index
          %swap3A_1295 = arith.constant 48 : index
          %swap3A_1296 = tpu.vector_load %arg11[%swap3A_1294, %swap3A_1295] {strides = array<i32>} : memref<128x128xf32, #tpu.memory_space<vmem>>, vector<1x16xf32>,
          %swap3A_1297 = vector.shape_cast %swap3A_1296 : vector<1x16xf32> to vector<16xf32>
          %swap3A_1298 = vector.shape_cast %mul3A_1293 : vector<16xf32> to vector<1x16xf32>
          tpu.vector_store %arg11[%swap3A_1294, %swap3A_1295], %swap3A_1298 {strides = array<i32>} : memref<128x128xf32, #tpu.memory_space<vmem>>, vector<1x16xf32>,
          %get3A_1299 = arith.index_cast %add3A_1258 : i32 to index
          %get3A_1300 = arith.constant 64 : index
          %get3A_1301 = tpu.vector_load %arg11[%get3A_1299, %get3A_1300] {strides = array<i32>} : memref<128x128xf32, #tpu.memory_space<vmem>>, vector<1x16xf32>,
          %get3A_1302 = vector.shape_cast %get3A_1301 : vector<1x16xf32> to vector<16xf32>
          %mul3A_1303 = arith.mulf %get3A_1302, %gather3A_1254 : vector<16xf32>
          %swap3A_1304 = arith.index_cast %add3A_1258 : i32 to index
          %swap3A_1305 = arith.constant 64 : index
          %swap3A_1306 = tpu.vector_load %arg11[%swap3A_1304, %swap3A_1305] {strides = array<i32>} : memref<128x128xf32, #tpu.memory_space<vmem>>, vector<1x16xf32>,
          %swap3A_1307 = vector.shape_cast %swap3A_1306 : vector<1x16xf32> to vector<16xf32>
          %swap3A_1308 = vector.shape_cast %mul3A_1303 : vector<16xf32> to vector<1x16xf32>
          tpu.vector_store %arg11[%swap3A_1304, %swap3A_1305], %swap3A_1308 {strides = array<i32>} : memref<128x128xf32, #tpu.memory_space<vmem>>, vector<1x16xf32>,
          %get3A_1309 = arith.index_cast %add3A_1258 : i32 to index
          %get3A_1310 = arith.constant 80 : index
          %get3A_1311 = tpu.vector_load %arg11[%get3A_1309, %get3A_1310] {strides = array<i32>} : memref<128x128xf32, #tpu.memory_space<vmem>>, vector<1x16xf32>,
          %get3A_1312 = vector.shape_cast %get3A_1311 : vector<1x16xf32> to vector<16xf32>
          %mul3A_1313 = arith.mulf %get3A_1312, %gather3A_1254 : vector<16xf32>
          %swap3A_1314 = arith.index_cast %add3A_1258 : i32 to index
          %swap3A_1315 = arith.constant 80 : index
          %swap3A_1316 = tpu.vector_load %arg11[%swap3A_1314, %swap3A_1315] {strides = array<i32>} : memref<128x128xf32, #tpu.memory_space<vmem>>, vector<1x16xf32>,
          %swap3A_1317 = vector.shape_cast %swap3A_1316 : vector<1x16xf32> to vector<16xf32>
          %swap3A_1318 = vector.shape_cast %mul3A_1313 : vector<16xf32> to vector<1x16xf32>
          tpu.vector_store %arg11[%swap3A_1314, %swap3A_1315], %swap3A_1318 {strides = array<i32>} : memref<128x128xf32, #tpu.memory_space<vmem>>, vector<1x16xf32>,
          %get3A_1319 = arith.index_cast %add3A_1258 : i32 to index
          %get3A_1320 = arith.constant 96 : index
          %get3A_1321 = tpu.vector_load %arg11[%get3A_1319, %get3A_1320] {strides = array<i32>} : memref<128x128xf32, #tpu.memory_space<vmem>>, vector<1x16xf32>,
          %get3A_1322 = vector.shape_cast %get3A_1321 : vector<1x16xf32> to vector<16xf32>
          %mul3A_1323 = arith.mulf %get3A_1322, %gather3A_1254 : vector<16xf32>
          %swap3A_1324 = arith.index_cast %add3A_1258 : i32 to index
          %swap3A_1325 = arith.constant 96 : index
          %swap3A_1326 = tpu.vector_load %arg11[%swap3A_1324, %swap3A_1325] {strides = array<i32>} : memref<128x128xf32, #tpu.memory_space<vmem>>, vector<1x16xf32>,
          %swap3A_1327 = vector.shape_cast %swap3A_1326 : vector<1x16xf32> to vector<16xf32>
          %swap3A_1328 = vector.shape_cast %mul3A_1323 : vector<16xf32> to vector<1x16xf32>
          tpu.vector_store %arg11[%swap3A_1324, %swap3A_1325], %swap3A_1328 {strides = array<i32>} : memref<128x128xf32, #tpu.memory_space<vmem>>, vector<1x16xf32>,
          %get3A_1329 = arith.index_cast %add3A_1258 : i32 to index
          %get3A_1330 = arith.constant 112 : index
          %get3A_1331 = tpu.vector_load %arg11[%get3A_1329, %get3A_1330] {strides = array<i32>} : memref<128x128xf32, #tpu.memory_space<vmem>>, vector<1x16xf32>,
          %get3A_1332 = vector.shape_cast %get3A_1331 : vector<1x16xf32> to vector<16xf32>
          %mul3A_1333 = arith.mulf %get3A_1332, %gather3A_1254 : vector<16xf32>
          %swap3A_1334 = arith.index_cast %add3A_1258 : i32 to index
          %swap3A_1335 = arith.constant 112 : index
          %swap3A_1336 = tpu.vector_load %arg11[%swap3A_1334, %swap3A_1335] {strides = array<i32>} : memref<128x128xf32, #tpu.memory_space<vmem>>, vector<1x16xf32>,
          %swap3A_1337 = vector.shape_cast %swap3A_1336 : vector<1x16xf32> to vector<16xf32>
          %swap3A_1338 = vector.shape_cast %mul3A_1333 : vector<16xf32> to vector<1x16xf32>
          tpu.vector_store %arg11[%swap3A_1334, %swap3A_1335], %swap3A_1338 {strides = array<i32>} : memref<128x128xf32, #tpu.memory_space<vmem>>, vector<1x16xf32>,
          %broadcast_in_dim3A_1339 = arith.constant 12 : i32
          %broadcast_in_dim3A_1340 = vector.broadcast %broadcast_in_dim3A_1339 : i32 to vector<16xi32>
          %lt3A_1341 = arith.constant 0 : i32
          %lt3A_1342 = vector.broadcast %lt3A_1341 : i32 to vector<16xi32>
          %lt3A_1343 = arith.cmpi slt, %broadcast_in_dim3A_1340, %lt3A_1342 : vector<16xi32>
          %add3A_1344 = arith.constant 16 : i32
          %add3A_1345 = vector.broadcast %add3A_1344 : i32 to vector<16xi32>
          %add3A_1346 = arith.addi %broadcast_in_dim3A_1340, %add3A_1345 : vector<16xi32>
          %select_n3A_1347 = arith.select %lt3A_1343, %add3A_1346, %broadcast_in_dim3A_1340 : vector<16xi1>, vector<16xi32>
          %broadcast_in_dim3A_1348 = vector.shape_cast %select_n3A_1347 : vector<16xi32> to vector<16x1xi32>
          %gather3A_1349 = vector.shape_cast %broadcast_in_dim3A_1348 : vector<16x1xi32> to vector<16xi32>
          %gather3A_1350 = tpu.dynamic_gather %get3A_191[%gather3A_1349] in [0] : vector<16xf32>, vector<16xi32> -> vector<16xf32>
          %mul3A_1351 = arith.constant 16 : i32
          %mul3A_1352 = arith.muli %scan3A_186, %mul3A_1351 : i32
          %add3A_1353 = arith.constant 12 : i32
          %add3A_1354 = arith.addi %mul3A_1352, %add3A_1353 : i32
          %get3A_1355 = arith.index_cast %add3A_1354 : i32 to index
          %get3A_1356 = arith.constant 0 : index
          %get3A_1357 = tpu.vector_load %arg11[%get3A_1355, %get3A_1356] {strides = array<i32>} : memref<128x128xf32, #tpu.memory_space<vmem>>, vector<1x16xf32>,
          %get3A_1358 = vector.shape_cast %get3A_1357 : vector<1x16xf32> to vector<16xf32>
          %mul3A_1359 = arith.mulf %get3A_1358, %gather3A_1350 : vector<16xf32>
          %swap3A_1360 = arith.index_cast %add3A_1354 : i32 to index
          %swap3A_1361 = arith.constant 0 : index
          %swap3A_1362 = tpu.vector_load %arg11[%swap3A_1360, %swap3A_1361] {strides = array<i32>} : memref<128x128xf32, #tpu.memory_space<vmem>>, vector<1x16xf32>,
          %swap3A_1363 = vector.shape_cast %swap3A_1362 : vector<1x16xf32> to vector<16xf32>
          %swap3A_1364 = vector.shape_cast %mul3A_1359 : vector<16xf32> to vector<1x16xf32>
          tpu.vector_store %arg11[%swap3A_1360, %swap3A_1361], %swap3A_1364 {strides = array<i32>} : memref<128x128xf32, #tpu.memory_space<vmem>>, vector<1x16xf32>,
          %get3A_1365 = arith.index_cast %add3A_1354 : i32 to index
          %get3A_1366 = arith.constant 16 : index
          %get3A_1367 = tpu.vector_load %arg11[%get3A_1365, %get3A_1366] {strides = array<i32>} : memref<128x128xf32, #tpu.memory_space<vmem>>, vector<1x16xf32>,
          %get3A_1368 = vector.shape_cast %get3A_1367 : vector<1x16xf32> to vector<16xf32>
          %mul3A_1369 = arith.mulf %get3A_1368, %gather3A_1350 : vector<16xf32>
          %swap3A_1370 = arith.index_cast %add3A_1354 : i32 to index
          %swap3A_1371 = arith.constant 16 : index
          %swap3A_1372 = tpu.vector_load %arg11[%swap3A_1370, %swap3A_1371] {strides = array<i32>} : memref<128x128xf32, #tpu.memory_space<vmem>>, vector<1x16xf32>,
          %swap3A_1373 = vector.shape_cast %swap3A_1372 : vector<1x16xf32> to vector<16xf32>
          %swap3A_1374 = vector.shape_cast %mul3A_1369 : vector<16xf32> to vector<1x16xf32>
          tpu.vector_store %arg11[%swap3A_1370, %swap3A_1371], %swap3A_1374 {strides = array<i32>} : memref<128x128xf32, #tpu.memory_space<vmem>>, vector<1x16xf32>,
          %get3A_1375 = arith.index_cast %add3A_1354 : i32 to index
          %get3A_1376 = arith.constant 32 : index
          %get3A_1377 = tpu.vector_load %arg11[%get3A_1375, %get3A_1376] {strides = array<i32>} : memref<128x128xf32, #tpu.memory_space<vmem>>, vector<1x16xf32>,
          %get3A_1378 = vector.shape_cast %get3A_1377 : vector<1x16xf32> to vector<16xf32>
          %mul3A_1379 = arith.mulf %get3A_1378, %gather3A_1350 : vector<16xf32>
          %swap3A_1380 = arith.index_cast %add3A_1354 : i32 to index
          %swap3A_1381 = arith.constant 32 : index
          %swap3A_1382 = tpu.vector_load %arg11[%swap3A_1380, %swap3A_1381] {strides = array<i32>} : memref<128x128xf32, #tpu.memory_space<vmem>>, vector<1x16xf32>,
          %swap3A_1383 = vector.shape_cast %swap3A_1382 : vector<1x16xf32> to vector<16xf32>
          %swap3A_1384 = vector.shape_cast %mul3A_1379 : vector<16xf32> to vector<1x16xf32>
          tpu.vector_store %arg11[%swap3A_1380, %swap3A_1381], %swap3A_1384 {strides = array<i32>} : memref<128x128xf32, #tpu.memory_space<vmem>>, vector<1x16xf32>,
          %get3A_1385 = arith.index_cast %add3A_1354 : i32 to index
          %get3A_1386 = arith.constant 48 : index
          %get3A_1387 = tpu.vector_load %arg11[%get3A_1385, %get3A_1386] {strides = array<i32>} : memref<128x128xf32, #tpu.memory_space<vmem>>, vector<1x16xf32>,
          %get3A_1388 = vector.shape_cast %get3A_1387 : vector<1x16xf32> to vector<16xf32>
          %mul3A_1389 = arith.mulf %get3A_1388, %gather3A_1350 : vector<16xf32>
          %swap3A_1390 = arith.index_cast %add3A_1354 : i32 to index
          %swap3A_1391 = arith.constant 48 : index
          %swap3A_1392 = tpu.vector_load %arg11[%swap3A_1390, %swap3A_1391] {strides = array<i32>} : memref<128x128xf32, #tpu.memory_space<vmem>>, vector<1x16xf32>,
          %swap3A_1393 = vector.shape_cast %swap3A_1392 : vector<1x16xf32> to vector<16xf32>
          %swap3A_1394 = vector.shape_cast %mul3A_1389 : vector<16xf32> to vector<1x16xf32>
          tpu.vector_store %arg11[%swap3A_1390, %swap3A_1391], %swap3A_1394 {strides = array<i32>} : memref<128x128xf32, #tpu.memory_space<vmem>>, vector<1x16xf32>,
          %get3A_1395 = arith.index_cast %add3A_1354 : i32 to index
          %get3A_1396 = arith.constant 64 : index
          %get3A_1397 = tpu.vector_load %arg11[%get3A_1395, %get3A_1396] {strides = array<i32>} : memref<128x128xf32, #tpu.memory_space<vmem>>, vector<1x16xf32>,
          %get3A_1398 = vector.shape_cast %get3A_1397 : vector<1x16xf32> to vector<16xf32>
          %mul3A_1399 = arith.mulf %get3A_1398, %gather3A_1350 : vector<16xf32>
          %swap3A_1400 = arith.index_cast %add3A_1354 : i32 to index
          %swap3A_1401 = arith.constant 64 : index
          %swap3A_1402 = tpu.vector_load %arg11[%swap3A_1400, %swap3A_1401] {strides = array<i32>} : memref<128x128xf32, #tpu.memory_space<vmem>>, vector<1x16xf32>,
          %swap3A_1403 = vector.shape_cast %swap3A_1402 : vector<1x16xf32> to vector<16xf32>
          %swap3A_1404 = vector.shape_cast %mul3A_1399 : vector<16xf32> to vector<1x16xf32>
          tpu.vector_store %arg11[%swap3A_1400, %swap3A_1401], %swap3A_1404 {strides = array<i32>} : memref<128x128xf32, #tpu.memory_space<vmem>>, vector<1x16xf32>,
          %get3A_1405 = arith.index_cast %add3A_1354 : i32 to index
          %get3A_1406 = arith.constant 80 : index
          %get3A_1407 = tpu.vector_load %arg11[%get3A_1405, %get3A_1406] {strides = array<i32>} : memref<128x128xf32, #tpu.memory_space<vmem>>, vector<1x16xf32>,
          %get3A_1408 = vector.shape_cast %get3A_1407 : vector<1x16xf32> to vector<16xf32>
          %mul3A_1409 = arith.mulf %get3A_1408, %gather3A_1350 : vector<16xf32>
          %swap3A_1410 = arith.index_cast %add3A_1354 : i32 to index
          %swap3A_1411 = arith.constant 80 : index
          %swap3A_1412 = tpu.vector_load %arg11[%swap3A_1410, %swap3A_1411] {strides = array<i32>} : memref<128x128xf32, #tpu.memory_space<vmem>>, vector<1x16xf32>,
          %swap3A_1413 = vector.shape_cast %swap3A_1412 : vector<1x16xf32> to vector<16xf32>
          %swap3A_1414 = vector.shape_cast %mul3A_1409 : vector<16xf32> to vector<1x16xf32>
          tpu.vector_store %arg11[%swap3A_1410, %swap3A_1411], %swap3A_1414 {strides = array<i32>} : memref<128x128xf32, #tpu.memory_space<vmem>>, vector<1x16xf32>,
          %get3A_1415 = arith.index_cast %add3A_1354 : i32 to index
          %get3A_1416 = arith.constant 96 : index
          %get3A_1417 = tpu.vector_load %arg11[%get3A_1415, %get3A_1416] {strides = array<i32>} : memref<128x128xf32, #tpu.memory_space<vmem>>, vector<1x16xf32>,
          %get3A_1418 = vector.shape_cast %get3A_1417 : vector<1x16xf32> to vector<16xf32>
          %mul3A_1419 = arith.mulf %get3A_1418, %gather3A_1350 : vector<16xf32>
          %swap3A_1420 = arith.index_cast %add3A_1354 : i32 to index
          %swap3A_1421 = arith.constant 96 : index
          %swap3A_1422 = tpu.vector_load %arg11[%swap3A_1420, %swap3A_1421] {strides = array<i32>} : memref<128x128xf32, #tpu.memory_space<vmem>>, vector<1x16xf32>,
          %swap3A_1423 = vector.shape_cast %swap3A_1422 : vector<1x16xf32> to vector<16xf32>
          %swap3A_1424 = vector.shape_cast %mul3A_1419 : vector<16xf32> to vector<1x16xf32>
          tpu.vector_store %arg11[%swap3A_1420, %swap3A_1421], %swap3A_1424 {strides = array<i32>} : memref<128x128xf32, #tpu.memory_space<vmem>>, vector<1x16xf32>,
          %get3A_1425 = arith.index_cast %add3A_1354 : i32 to index
          %get3A_1426 = arith.constant 112 : index
          %get3A_1427 = tpu.vector_load %arg11[%get3A_1425, %get3A_1426] {strides = array<i32>} : memref<128x128xf32, #tpu.memory_space<vmem>>, vector<1x16xf32>,
          %get3A_1428 = vector.shape_cast %get3A_1427 : vector<1x16xf32> to vector<16xf32>
          %mul3A_1429 = arith.mulf %get3A_1428, %gather3A_1350 : vector<16xf32>
          %swap3A_1430 = arith.index_cast %add3A_1354 : i32 to index
          %swap3A_1431 = arith.constant 112 : index
          %swap3A_1432 = tpu.vector_load %arg11[%swap3A_1430, %swap3A_1431] {strides = array<i32>} : memref<128x128xf32, #tpu.memory_space<vmem>>, vector<1x16xf32>,
          %swap3A_1433 = vector.shape_cast %swap3A_1432 : vector<1x16xf32> to vector<16xf32>
          %swap3A_1434 = vector.shape_cast %mul3A_1429 : vector<16xf32> to vector<1x16xf32>
          tpu.vector_store %arg11[%swap3A_1430, %swap3A_1431], %swap3A_1434 {strides = array<i32>} : memref<128x128xf32, #tpu.memory_space<vmem>>, vector<1x16xf32>,
          %broadcast_in_dim3A_1435 = arith.constant 13 : i32
          %broadcast_in_dim3A_1436 = vector.broadcast %broadcast_in_dim3A_1435 : i32 to vector<16xi32>
          %lt3A_1437 = arith.constant 0 : i32
          %lt3A_1438 = vector.broadcast %lt3A_1437 : i32 to vector<16xi32>
          %lt3A_1439 = arith.cmpi slt, %broadcast_in_dim3A_1436, %lt3A_1438 : vector<16xi32>
          %add3A_1440 = arith.constant 16 : i32
          %add3A_1441 = vector.broadcast %add3A_1440 : i32 to vector<16xi32>
          %add3A_1442 = arith.addi %broadcast_in_dim3A_1436, %add3A_1441 : vector<16xi32>
          %select_n3A_1443 = arith.select %lt3A_1439, %add3A_1442, %broadcast_in_dim3A_1436 : vector<16xi1>, vector<16xi32>
          %broadcast_in_dim3A_1444 = vector.shape_cast %select_n3A_1443 : vector<16xi32> to vector<16x1xi32>
          %gather3A_1445 = vector.shape_cast %broadcast_in_dim3A_1444 : vector<16x1xi32> to vector<16xi32>
          %gather3A_1446 = tpu.dynamic_gather %get3A_191[%gather3A_1445] in [0] : vector<16xf32>, vector<16xi32> -> vector<16xf32>
          %mul3A_1447 = arith.constant 16 : i32
          %mul3A_1448 = arith.muli %scan3A_186, %mul3A_1447 : i32
          %add3A_1449 = arith.constant 13 : i32
          %add3A_1450 = arith.addi %mul3A_1448, %add3A_1449 : i32
          %get3A_1451 = arith.index_cast %add3A_1450 : i32 to index
          %get3A_1452 = arith.constant 0 : index
          %get3A_1453 = tpu.vector_load %arg11[%get3A_1451, %get3A_1452] {strides = array<i32>} : memref<128x128xf32, #tpu.memory_space<vmem>>, vector<1x16xf32>,
          %get3A_1454 = vector.shape_cast %get3A_1453 : vector<1x16xf32> to vector<16xf32>
          %mul3A_1455 = arith.mulf %get3A_1454, %gather3A_1446 : vector<16xf32>
          %swap3A_1456 = arith.index_cast %add3A_1450 : i32 to index
          %swap3A_1457 = arith.constant 0 : index
          %swap3A_1458 = tpu.vector_load %arg11[%swap3A_1456, %swap3A_1457] {strides = array<i32>} : memref<128x128xf32, #tpu.memory_space<vmem>>, vector<1x16xf32>,
          %swap3A_1459 = vector.shape_cast %swap3A_1458 : vector<1x16xf32> to vector<16xf32>
          %swap3A_1460 = vector.shape_cast %mul3A_1455 : vector<16xf32> to vector<1x16xf32>
          tpu.vector_store %arg11[%swap3A_1456, %swap3A_1457], %swap3A_1460 {strides = array<i32>} : memref<128x128xf32, #tpu.memory_space<vmem>>, vector<1x16xf32>,
          %get3A_1461 = arith.index_cast %add3A_1450 : i32 to index
          %get3A_1462 = arith.constant 16 : index
          %get3A_1463 = tpu.vector_load %arg11[%get3A_1461, %get3A_1462] {strides = array<i32>} : memref<128x128xf32, #tpu.memory_space<vmem>>, vector<1x16xf32>,
          %get3A_1464 = vector.shape_cast %get3A_1463 : vector<1x16xf32> to vector<16xf32>
          %mul3A_1465 = arith.mulf %get3A_1464, %gather3A_1446 : vector<16xf32>
          %swap3A_1466 = arith.index_cast %add3A_1450 : i32 to index
          %swap3A_1467 = arith.constant 16 : index
          %swap3A_1468 = tpu.vector_load %arg11[%swap3A_1466, %swap3A_1467] {strides = array<i32>} : memref<128x128xf32, #tpu.memory_space<vmem>>, vector<1x16xf32>,
          %swap3A_1469 = vector.shape_cast %swap3A_1468 : vector<1x16xf32> to vector<16xf32>
          %swap3A_1470 = vector.shape_cast %mul3A_1465 : vector<16xf32> to vector<1x16xf32>
          tpu.vector_store %arg11[%swap3A_1466, %swap3A_1467], %swap3A_1470 {strides = array<i32>} : memref<128x128xf32, #tpu.memory_space<vmem>>, vector<1x16xf32>,
          %get3A_1471 = arith.index_cast %add3A_1450 : i32 to index
          %get3A_1472 = arith.constant 32 : index
          %get3A_1473 = tpu.vector_load %arg11[%get3A_1471, %get3A_1472] {strides = array<i32>} : memref<128x128xf32, #tpu.memory_space<vmem>>, vector<1x16xf32>,
          %get3A_1474 = vector.shape_cast %get3A_1473 : vector<1x16xf32> to vector<16xf32>
          %mul3A_1475 = arith.mulf %get3A_1474, %gather3A_1446 : vector<16xf32>
          %swap3A_1476 = arith.index_cast %add3A_1450 : i32 to index
          %swap3A_1477 = arith.constant 32 : index
          %swap3A_1478 = tpu.vector_load %arg11[%swap3A_1476, %swap3A_1477] {strides = array<i32>} : memref<128x128xf32, #tpu.memory_space<vmem>>, vector<1x16xf32>,
          %swap3A_1479 = vector.shape_cast %swap3A_1478 : vector<1x16xf32> to vector<16xf32>
          %swap3A_1480 = vector.shape_cast %mul3A_1475 : vector<16xf32> to vector<1x16xf32>
          tpu.vector_store %arg11[%swap3A_1476, %swap3A_1477], %swap3A_1480 {strides = array<i32>} : memref<128x128xf32, #tpu.memory_space<vmem>>, vector<1x16xf32>,
          %get3A_1481 = arith.index_cast %add3A_1450 : i32 to index
          %get3A_1482 = arith.constant 48 : index
          %get3A_1483 = tpu.vector_load %arg11[%get3A_1481, %get3A_1482] {strides = array<i32>} : memref<128x128xf32, #tpu.memory_space<vmem>>, vector<1x16xf32>,
          %get3A_1484 = vector.shape_cast %get3A_1483 : vector<1x16xf32> to vector<16xf32>
          %mul3A_1485 = arith.mulf %get3A_1484, %gather3A_1446 : vector<16xf32>
          %swap3A_1486 = arith.index_cast %add3A_1450 : i32 to index
          %swap3A_1487 = arith.constant 48 : index
          %swap3A_1488 = tpu.vector_load %arg11[%swap3A_1486, %swap3A_1487] {strides = array<i32>} : memref<128x128xf32, #tpu.memory_space<vmem>>, vector<1x16xf32>,
          %swap3A_1489 = vector.shape_cast %swap3A_1488 : vector<1x16xf32> to vector<16xf32>
          %swap3A_1490 = vector.shape_cast %mul3A_1485 : vector<16xf32> to vector<1x16xf32>
          tpu.vector_store %arg11[%swap3A_1486, %swap3A_1487], %swap3A_1490 {strides = array<i32>} : memref<128x128xf32, #tpu.memory_space<vmem>>, vector<1x16xf32>,
          %get3A_1491 = arith.index_cast %add3A_1450 : i32 to index
          %get3A_1492 = arith.constant 64 : index
          %get3A_1493 = tpu.vector_load %arg11[%get3A_1491, %get3A_1492] {strides = array<i32>} : memref<128x128xf32, #tpu.memory_space<vmem>>, vector<1x16xf32>,
          %get3A_1494 = vector.shape_cast %get3A_1493 : vector<1x16xf32> to vector<16xf32>
          %mul3A_1495 = arith.mulf %get3A_1494, %gather3A_1446 : vector<16xf32>
          %swap3A_1496 = arith.index_cast %add3A_1450 : i32 to index
          %swap3A_1497 = arith.constant 64 : index
          %swap3A_1498 = tpu.vector_load %arg11[%swap3A_1496, %swap3A_1497] {strides = array<i32>} : memref<128x128xf32, #tpu.memory_space<vmem>>, vector<1x16xf32>,
          %swap3A_1499 = vector.shape_cast %swap3A_1498 : vector<1x16xf32> to vector<16xf32>
          %swap3A_1500 = vector.shape_cast %mul3A_1495 : vector<16xf32> to vector<1x16xf32>
          tpu.vector_store %arg11[%swap3A_1496, %swap3A_1497], %swap3A_1500 {strides = array<i32>} : memref<128x128xf32, #tpu.memory_space<vmem>>, vector<1x16xf32>,
          %get3A_1501 = arith.index_cast %add3A_1450 : i32 to index
          %get3A_1502 = arith.constant 80 : index
          %get3A_1503 = tpu.vector_load %arg11[%get3A_1501, %get3A_1502] {strides = array<i32>} : memref<128x128xf32, #tpu.memory_space<vmem>>, vector<1x16xf32>,
          %get3A_1504 = vector.shape_cast %get3A_1503 : vector<1x16xf32> to vector<16xf32>
          %mul3A_1505 = arith.mulf %get3A_1504, %gather3A_1446 : vector<16xf32>
          %swap3A_1506 = arith.index_cast %add3A_1450 : i32 to index
          %swap3A_1507 = arith.constant 80 : index
          %swap3A_1508 = tpu.vector_load %arg11[%swap3A_1506, %swap3A_1507] {strides = array<i32>} : memref<128x128xf32, #tpu.memory_space<vmem>>, vector<1x16xf32>,
          %swap3A_1509 = vector.shape_cast %swap3A_1508 : vector<1x16xf32> to vector<16xf32>
          %swap3A_1510 = vector.shape_cast %mul3A_1505 : vector<16xf32> to vector<1x16xf32>
          tpu.vector_store %arg11[%swap3A_1506, %swap3A_1507], %swap3A_1510 {strides = array<i32>} : memref<128x128xf32, #tpu.memory_space<vmem>>, vector<1x16xf32>,
          %get3A_1511 = arith.index_cast %add3A_1450 : i32 to index
          %get3A_1512 = arith.constant 96 : index
          %get3A_1513 = tpu.vector_load %arg11[%get3A_1511, %get3A_1512] {strides = array<i32>} : memref<128x128xf32, #tpu.memory_space<vmem>>, vector<1x16xf32>,
          %get3A_1514 = vector.shape_cast %get3A_1513 : vector<1x16xf32> to vector<16xf32>
          %mul3A_1515 = arith.mulf %get3A_1514, %gather3A_1446 : vector<16xf32>
          %swap3A_1516 = arith.index_cast %add3A_1450 : i32 to index
          %swap3A_1517 = arith.constant 96 : index
          %swap3A_1518 = tpu.vector_load %arg11[%swap3A_1516, %swap3A_1517] {strides = array<i32>} : memref<128x128xf32, #tpu.memory_space<vmem>>, vector<1x16xf32>,
          %swap3A_1519 = vector.shape_cast %swap3A_1518 : vector<1x16xf32> to vector<16xf32>
          %swap3A_1520 = vector.shape_cast %mul3A_1515 : vector<16xf32> to vector<1x16xf32>
          tpu.vector_store %arg11[%swap3A_1516, %swap3A_1517], %swap3A_1520 {strides = array<i32>} : memref<128x128xf32, #tpu.memory_space<vmem>>, vector<1x16xf32>,
          %get3A_1521 = arith.index_cast %add3A_1450 : i32 to index
          %get3A_1522 = arith.constant 112 : index
          %get3A_1523 = tpu.vector_load %arg11[%get3A_1521, %get3A_1522] {strides = array<i32>} : memref<128x128xf32, #tpu.memory_space<vmem>>, vector<1x16xf32>,
          %get3A_1524 = vector.shape_cast %get3A_1523 : vector<1x16xf32> to vector<16xf32>
          %mul3A_1525 = arith.mulf %get3A_1524, %gather3A_1446 : vector<16xf32>
          %swap3A_1526 = arith.index_cast %add3A_1450 : i32 to index
          %swap3A_1527 = arith.constant 112 : index
          %swap3A_1528 = tpu.vector_load %arg11[%swap3A_1526, %swap3A_1527] {strides = array<i32>} : memref<128x128xf32, #tpu.memory_space<vmem>>, vector<1x16xf32>,
          %swap3A_1529 = vector.shape_cast %swap3A_1528 : vector<1x16xf32> to vector<16xf32>
          %swap3A_1530 = vector.shape_cast %mul3A_1525 : vector<16xf32> to vector<1x16xf32>
          tpu.vector_store %arg11[%swap3A_1526, %swap3A_1527], %swap3A_1530 {strides = array<i32>} : memref<128x128xf32, #tpu.memory_space<vmem>>, vector<1x16xf32>,
          %broadcast_in_dim3A_1531 = arith.constant 14 : i32
          %broadcast_in_dim3A_1532 = vector.broadcast %broadcast_in_dim3A_1531 : i32 to vector<16xi32>
          %lt3A_1533 = arith.constant 0 : i32
          %lt3A_1534 = vector.broadcast %lt3A_1533 : i32 to vector<16xi32>
          %lt3A_1535 = arith.cmpi slt, %broadcast_in_dim3A_1532, %lt3A_1534 : vector<16xi32>
          %add3A_1536 = arith.constant 16 : i32
          %add3A_1537 = vector.broadcast %add3A_1536 : i32 to vector<16xi32>
          %add3A_1538 = arith.addi %broadcast_in_dim3A_1532, %add3A_1537 : vector<16xi32>
          %select_n3A_1539 = arith.select %lt3A_1535, %add3A_1538, %broadcast_in_dim3A_1532 : vector<16xi1>, vector<16xi32>
          %broadcast_in_dim3A_1540 = vector.shape_cast %select_n3A_1539 : vector<16xi32> to vector<16x1xi32>
          %gather3A_1541 = vector.shape_cast %broadcast_in_dim3A_1540 : vector<16x1xi32> to vector<16xi32>
          %gather3A_1542 = tpu.dynamic_gather %get3A_191[%gather3A_1541] in [0] : vector<16xf32>, vector<16xi32> -> vector<16xf32>
          %mul3A_1543 = arith.constant 16 : i32
          %mul3A_1544 = arith.muli %scan3A_186, %mul3A_1543 : i32
          %add3A_1545 = arith.constant 14 : i32
          %add3A_1546 = arith.addi %mul3A_1544, %add3A_1545 : i32
          %get3A_1547 = arith.index_cast %add3A_1546 : i32 to index
          %get3A_1548 = arith.constant 0 : index
          %get3A_1549 = tpu.vector_load %arg11[%get3A_1547, %get3A_1548] {strides = array<i32>} : memref<128x128xf32, #tpu.memory_space<vmem>>, vector<1x16xf32>,
          %get3A_1550 = vector.shape_cast %get3A_1549 : vector<1x16xf32> to vector<16xf32>
          %mul3A_1551 = arith.mulf %get3A_1550, %gather3A_1542 : vector<16xf32>
          %swap3A_1552 = arith.index_cast %add3A_1546 : i32 to index
          %swap3A_1553 = arith.constant 0 : index
          %swap3A_1554 = tpu.vector_load %arg11[%swap3A_1552, %swap3A_1553] {strides = array<i32>} : memref<128x128xf32, #tpu.memory_space<vmem>>, vector<1x16xf32>,
          %swap3A_1555 = vector.shape_cast %swap3A_1554 : vector<1x16xf32> to vector<16xf32>
          %swap3A_1556 = vector.shape_cast %mul3A_1551 : vector<16xf32> to vector<1x16xf32>
          tpu.vector_store %arg11[%swap3A_1552, %swap3A_1553], %swap3A_1556 {strides = array<i32>} : memref<128x128xf32, #tpu.memory_space<vmem>>, vector<1x16xf32>,
          %get3A_1557 = arith.index_cast %add3A_1546 : i32 to index
          %get3A_1558 = arith.constant 16 : index
          %get3A_1559 = tpu.vector_load %arg11[%get3A_1557, %get3A_1558] {strides = array<i32>} : memref<128x128xf32, #tpu.memory_space<vmem>>, vector<1x16xf32>,
          %get3A_1560 = vector.shape_cast %get3A_1559 : vector<1x16xf32> to vector<16xf32>
          %mul3A_1561 = arith.mulf %get3A_1560, %gather3A_1542 : vector<16xf32>
          %swap3A_1562 = arith.index_cast %add3A_1546 : i32 to index
          %swap3A_1563 = arith.constant 16 : index
          %swap3A_1564 = tpu.vector_load %arg11[%swap3A_1562, %swap3A_1563] {strides = array<i32>} : memref<128x128xf32, #tpu.memory_space<vmem>>, vector<1x16xf32>,
          %swap3A_1565 = vector.shape_cast %swap3A_1564 : vector<1x16xf32> to vector<16xf32>
          %swap3A_1566 = vector.shape_cast %mul3A_1561 : vector<16xf32> to vector<1x16xf32>
          tpu.vector_store %arg11[%swap3A_1562, %swap3A_1563], %swap3A_1566 {strides = array<i32>} : memref<128x128xf32, #tpu.memory_space<vmem>>, vector<1x16xf32>,
          %get3A_1567 = arith.index_cast %add3A_1546 : i32 to index
          %get3A_1568 = arith.constant 32 : index
          %get3A_1569 = tpu.vector_load %arg11[%get3A_1567, %get3A_1568] {strides = array<i32>} : memref<128x128xf32, #tpu.memory_space<vmem>>, vector<1x16xf32>,
          %get3A_1570 = vector.shape_cast %get3A_1569 : vector<1x16xf32> to vector<16xf32>
          %mul3A_1571 = arith.mulf %get3A_1570, %gather3A_1542 : vector<16xf32>
          %swap3A_1572 = arith.index_cast %add3A_1546 : i32 to index
          %swap3A_1573 = arith.constant 32 : index
          %swap3A_1574 = tpu.vector_load %arg11[%swap3A_1572, %swap3A_1573] {strides = array<i32>} : memref<128x128xf32, #tpu.memory_space<vmem>>, vector<1x16xf32>,
          %swap3A_1575 = vector.shape_cast %swap3A_1574 : vector<1x16xf32> to vector<16xf32>
          %swap3A_1576 = vector.shape_cast %mul3A_1571 : vector<16xf32> to vector<1x16xf32>
          tpu.vector_store %arg11[%swap3A_1572, %swap3A_1573], %swap3A_1576 {strides = array<i32>} : memref<128x128xf32, #tpu.memory_space<vmem>>, vector<1x16xf32>,
          %get3A_1577 = arith.index_cast %add3A_1546 : i32 to index
          %get3A_1578 = arith.constant 48 : index
          %get3A_1579 = tpu.vector_load %arg11[%get3A_1577, %get3A_1578] {strides = array<i32>} : memref<128x128xf32, #tpu.memory_space<vmem>>, vector<1x16xf32>,
          %get3A_1580 = vector.shape_cast %get3A_1579 : vector<1x16xf32> to vector<16xf32>
          %mul3A_1581 = arith.mulf %get3A_1580, %gather3A_1542 : vector<16xf32>
          %swap3A_1582 = arith.index_cast %add3A_1546 : i32 to index
          %swap3A_1583 = arith.constant 48 : index
          %swap3A_1584 = tpu.vector_load %arg11[%swap3A_1582, %swap3A_1583] {strides = array<i32>} : memref<128x128xf32, #tpu.memory_space<vmem>>, vector<1x16xf32>,
          %swap3A_1585 = vector.shape_cast %swap3A_1584 : vector<1x16xf32> to vector<16xf32>
          %swap3A_1586 = vector.shape_cast %mul3A_1581 : vector<16xf32> to vector<1x16xf32>
          tpu.vector_store %arg11[%swap3A_1582, %swap3A_1583], %swap3A_1586 {strides = array<i32>} : memref<128x128xf32, #tpu.memory_space<vmem>>, vector<1x16xf32>,
          %get3A_1587 = arith.index_cast %add3A_1546 : i32 to index
          %get3A_1588 = arith.constant 64 : index
          %get3A_1589 = tpu.vector_load %arg11[%get3A_1587, %get3A_1588] {strides = array<i32>} : memref<128x128xf32, #tpu.memory_space<vmem>>, vector<1x16xf32>,
          %get3A_1590 = vector.shape_cast %get3A_1589 : vector<1x16xf32> to vector<16xf32>
          %mul3A_1591 = arith.mulf %get3A_1590, %gather3A_1542 : vector<16xf32>
          %swap3A_1592 = arith.index_cast %add3A_1546 : i32 to index
          %swap3A_1593 = arith.constant 64 : index
          %swap3A_1594 = tpu.vector_load %arg11[%swap3A_1592, %swap3A_1593] {strides = array<i32>} : memref<128x128xf32, #tpu.memory_space<vmem>>, vector<1x16xf32>,
          %swap3A_1595 = vector.shape_cast %swap3A_1594 : vector<1x16xf32> to vector<16xf32>
          %swap3A_1596 = vector.shape_cast %mul3A_1591 : vector<16xf32> to vector<1x16xf32>
          tpu.vector_store %arg11[%swap3A_1592, %swap3A_1593], %swap3A_1596 {strides = array<i32>} : memref<128x128xf32, #tpu.memory_space<vmem>>, vector<1x16xf32>,
          %get3A_1597 = arith.index_cast %add3A_1546 : i32 to index
          %get3A_1598 = arith.constant 80 : index
          %get3A_1599 = tpu.vector_load %arg11[%get3A_1597, %get3A_1598] {strides = array<i32>} : memref<128x128xf32, #tpu.memory_space<vmem>>, vector<1x16xf32>,
          %get3A_1600 = vector.shape_cast %get3A_1599 : vector<1x16xf32> to vector<16xf32>
          %mul3A_1601 = arith.mulf %get3A_1600, %gather3A_1542 : vector<16xf32>
          %swap3A_1602 = arith.index_cast %add3A_1546 : i32 to index
          %swap3A_1603 = arith.constant 80 : index
          %swap3A_1604 = tpu.vector_load %arg11[%swap3A_1602, %swap3A_1603] {strides = array<i32>} : memref<128x128xf32, #tpu.memory_space<vmem>>, vector<1x16xf32>,
          %swap3A_1605 = vector.shape_cast %swap3A_1604 : vector<1x16xf32> to vector<16xf32>
          %swap3A_1606 = vector.shape_cast %mul3A_1601 : vector<16xf32> to vector<1x16xf32>
          tpu.vector_store %arg11[%swap3A_1602, %swap3A_1603], %swap3A_1606 {strides = array<i32>} : memref<128x128xf32, #tpu.memory_space<vmem>>, vector<1x16xf32>,
          %get3A_1607 = arith.index_cast %add3A_1546 : i32 to index
          %get3A_1608 = arith.constant 96 : index
          %get3A_1609 = tpu.vector_load %arg11[%get3A_1607, %get3A_1608] {strides = array<i32>} : memref<128x128xf32, #tpu.memory_space<vmem>>, vector<1x16xf32>,
          %get3A_1610 = vector.shape_cast %get3A_1609 : vector<1x16xf32> to vector<16xf32>
          %mul3A_1611 = arith.mulf %get3A_1610, %gather3A_1542 : vector<16xf32>
          %swap3A_1612 = arith.index_cast %add3A_1546 : i32 to index
          %swap3A_1613 = arith.constant 96 : index
          %swap3A_1614 = tpu.vector_load %arg11[%swap3A_1612, %swap3A_1613] {strides = array<i32>} : memref<128x128xf32, #tpu.memory_space<vmem>>, vector<1x16xf32>,
          %swap3A_1615 = vector.shape_cast %swap3A_1614 : vector<1x16xf32> to vector<16xf32>
          %swap3A_1616 = vector.shape_cast %mul3A_1611 : vector<16xf32> to vector<1x16xf32>
          tpu.vector_store %arg11[%swap3A_1612, %swap3A_1613], %swap3A_1616 {strides = array<i32>} : memref<128x128xf32, #tpu.memory_space<vmem>>, vector<1x16xf32>,
          %get3A_1617 = arith.index_cast %add3A_1546 : i32 to index
          %get3A_1618 = arith.constant 112 : index
          %get3A_1619 = tpu.vector_load %arg11[%get3A_1617, %get3A_1618] {strides = array<i32>} : memref<128x128xf32, #tpu.memory_space<vmem>>, vector<1x16xf32>,
          %get3A_1620 = vector.shape_cast %get3A_1619 : vector<1x16xf32> to vector<16xf32>
          %mul3A_1621 = arith.mulf %get3A_1620, %gather3A_1542 : vector<16xf32>
          %swap3A_1622 = arith.index_cast %add3A_1546 : i32 to index
          %swap3A_1623 = arith.constant 112 : index
          %swap3A_1624 = tpu.vector_load %arg11[%swap3A_1622, %swap3A_1623] {strides = array<i32>} : memref<128x128xf32, #tpu.memory_space<vmem>>, vector<1x16xf32>,
          %swap3A_1625 = vector.shape_cast %swap3A_1624 : vector<1x16xf32> to vector<16xf32>
          %swap3A_1626 = vector.shape_cast %mul3A_1621 : vector<16xf32> to vector<1x16xf32>
          tpu.vector_store %arg11[%swap3A_1622, %swap3A_1623], %swap3A_1626 {strides = array<i32>} : memref<128x128xf32, #tpu.memory_space<vmem>>, vector<1x16xf32>,
          %broadcast_in_dim3A_1627 = arith.constant 15 : i32
          %broadcast_in_dim3A_1628 = vector.broadcast %broadcast_in_dim3A_1627 : i32 to vector<16xi32>
          %lt3A_1629 = arith.constant 0 : i32
          %lt3A_1630 = vector.broadcast %lt3A_1629 : i32 to vector<16xi32>
          %lt3A_1631 = arith.cmpi slt, %broadcast_in_dim3A_1628, %lt3A_1630 : vector<16xi32>
          %add3A_1632 = arith.constant 16 : i32
          %add3A_1633 = vector.broadcast %add3A_1632 : i32 to vector<16xi32>
          %add3A_1634 = arith.addi %broadcast_in_dim3A_1628, %add3A_1633 : vector<16xi32>
          %select_n3A_1635 = arith.select %lt3A_1631, %add3A_1634, %broadcast_in_dim3A_1628 : vector<16xi1>, vector<16xi32>
          %broadcast_in_dim3A_1636 = vector.shape_cast %select_n3A_1635 : vector<16xi32> to vector<16x1xi32>
          %gather3A_1637 = vector.shape_cast %broadcast_in_dim3A_1636 : vector<16x1xi32> to vector<16xi32>
          %gather3A_1638 = tpu.dynamic_gather %get3A_191[%gather3A_1637] in [0] : vector<16xf32>, vector<16xi32> -> vector<16xf32>
          %mul3A_1639 = arith.constant 16 : i32
          %mul3A_1640 = arith.muli %scan3A_186, %mul3A_1639 : i32
          %add3A_1641 = arith.constant 15 : i32
          %add3A_1642 = arith.addi %mul3A_1640, %add3A_1641 : i32
          %get3A_1643 = arith.index_cast %add3A_1642 : i32 to index
          %get3A_1644 = arith.constant 0 : index
          %get3A_1645 = tpu.vector_load %arg11[%get3A_1643, %get3A_1644] {strides = array<i32>} : memref<128x128xf32, #tpu.memory_space<vmem>>, vector<1x16xf32>,
          %get3A_1646 = vector.shape_cast %get3A_1645 : vector<1x16xf32> to vector<16xf32>
          %mul3A_1647 = arith.mulf %get3A_1646, %gather3A_1638 : vector<16xf32>
          %swap3A_1648 = arith.index_cast %add3A_1642 : i32 to index
          %swap3A_1649 = arith.constant 0 : index
          %swap3A_1650 = tpu.vector_load %arg11[%swap3A_1648, %swap3A_1649] {strides = array<i32>} : memref<128x128xf32, #tpu.memory_space<vmem>>, vector<1x16xf32>,
          %swap3A_1651 = vector.shape_cast %swap3A_1650 : vector<1x16xf32> to vector<16xf32>
          %swap3A_1652 = vector.shape_cast %mul3A_1647 : vector<16xf32> to vector<1x16xf32>
          tpu.vector_store %arg11[%swap3A_1648, %swap3A_1649], %swap3A_1652 {strides = array<i32>} : memref<128x128xf32, #tpu.memory_space<vmem>>, vector<1x16xf32>,
          %get3A_1653 = arith.index_cast %add3A_1642 : i32 to index
          %get3A_1654 = arith.constant 16 : index
          %get3A_1655 = tpu.vector_load %arg11[%get3A_1653, %get3A_1654] {strides = array<i32>} : memref<128x128xf32, #tpu.memory_space<vmem>>, vector<1x16xf32>,
          %get3A_1656 = vector.shape_cast %get3A_1655 : vector<1x16xf32> to vector<16xf32>
          %mul3A_1657 = arith.mulf %get3A_1656, %gather3A_1638 : vector<16xf32>
          %swap3A_1658 = arith.index_cast %add3A_1642 : i32 to index
          %swap3A_1659 = arith.constant 16 : index
          %swap3A_1660 = tpu.vector_load %arg11[%swap3A_1658, %swap3A_1659] {strides = array<i32>} : memref<128x128xf32, #tpu.memory_space<vmem>>, vector<1x16xf32>,
          %swap3A_1661 = vector.shape_cast %swap3A_1660 : vector<1x16xf32> to vector<16xf32>
          %swap3A_1662 = vector.shape_cast %mul3A_1657 : vector<16xf32> to vector<1x16xf32>
          tpu.vector_store %arg11[%swap3A_1658, %swap3A_1659], %swap3A_1662 {strides = array<i32>} : memref<128x128xf32, #tpu.memory_space<vmem>>, vector<1x16xf32>,
          %get3A_1663 = arith.index_cast %add3A_1642 : i32 to index
          %get3A_1664 = arith.constant 32 : index
          %get3A_1665 = tpu.vector_load %arg11[%get3A_1663, %get3A_1664] {strides = array<i32>} : memref<128x128xf32, #tpu.memory_space<vmem>>, vector<1x16xf32>,
          %get3A_1666 = vector.shape_cast %get3A_1665 : vector<1x16xf32> to vector<16xf32>
          %mul3A_1667 = arith.mulf %get3A_1666, %gather3A_1638 : vector<16xf32>
          %swap3A_1668 = arith.index_cast %add3A_1642 : i32 to index
          %swap3A_1669 = arith.constant 32 : index
          %swap3A_1670 = tpu.vector_load %arg11[%swap3A_1668, %swap3A_1669] {strides = array<i32>} : memref<128x128xf32, #tpu.memory_space<vmem>>, vector<1x16xf32>,
          %swap3A_1671 = vector.shape_cast %swap3A_1670 : vector<1x16xf32> to vector<16xf32>
          %swap3A_1672 = vector.shape_cast %mul3A_1667 : vector<16xf32> to vector<1x16xf32>
          tpu.vector_store %arg11[%swap3A_1668, %swap3A_1669], %swap3A_1672 {strides = array<i32>} : memref<128x128xf32, #tpu.memory_space<vmem>>, vector<1x16xf32>,
          %get3A_1673 = arith.index_cast %add3A_1642 : i32 to index
          %get3A_1674 = arith.constant 48 : index
          %get3A_1675 = tpu.vector_load %arg11[%get3A_1673, %get3A_1674] {strides = array<i32>} : memref<128x128xf32, #tpu.memory_space<vmem>>, vector<1x16xf32>,
          %get3A_1676 = vector.shape_cast %get3A_1675 : vector<1x16xf32> to vector<16xf32>
          %mul3A_1677 = arith.mulf %get3A_1676, %gather3A_1638 : vector<16xf32>
          %swap3A_1678 = arith.index_cast %add3A_1642 : i32 to index
          %swap3A_1679 = arith.constant 48 : index
          %swap3A_1680 = tpu.vector_load %arg11[%swap3A_1678, %swap3A_1679] {strides = array<i32>} : memref<128x128xf32, #tpu.memory_space<vmem>>, vector<1x16xf32>,
          %swap3A_1681 = vector.shape_cast %swap3A_1680 : vector<1x16xf32> to vector<16xf32>
          %swap3A_1682 = vector.shape_cast %mul3A_1677 : vector<16xf32> to vector<1x16xf32>
          tpu.vector_store %arg11[%swap3A_1678, %swap3A_1679], %swap3A_1682 {strides = array<i32>} : memref<128x128xf32, #tpu.memory_space<vmem>>, vector<1x16xf32>,
          %get3A_1683 = arith.index_cast %add3A_1642 : i32 to index
          %get3A_1684 = arith.constant 64 : index
          %get3A_1685 = tpu.vector_load %arg11[%get3A_1683, %get3A_1684] {strides = array<i32>} : memref<128x128xf32, #tpu.memory_space<vmem>>, vector<1x16xf32>,
          %get3A_1686 = vector.shape_cast %get3A_1685 : vector<1x16xf32> to vector<16xf32>
          %mul3A_1687 = arith.mulf %get3A_1686, %gather3A_1638 : vector<16xf32>
          %swap3A_1688 = arith.index_cast %add3A_1642 : i32 to index
          %swap3A_1689 = arith.constant 64 : index
          %swap3A_1690 = tpu.vector_load %arg11[%swap3A_1688, %swap3A_1689] {strides = array<i32>} : memref<128x128xf32, #tpu.memory_space<vmem>>, vector<1x16xf32>,
          %swap3A_1691 = vector.shape_cast %swap3A_1690 : vector<1x16xf32> to vector<16xf32>
          %swap3A_1692 = vector.shape_cast %mul3A_1687 : vector<16xf32> to vector<1x16xf32>
          tpu.vector_store %arg11[%swap3A_1688, %swap3A_1689], %swap3A_1692 {strides = array<i32>} : memref<128x128xf32, #tpu.memory_space<vmem>>, vector<1x16xf32>,
          %get3A_1693 = arith.index_cast %add3A_1642 : i32 to index
          %get3A_1694 = arith.constant 80 : index
          %get3A_1695 = tpu.vector_load %arg11[%get3A_1693, %get3A_1694] {strides = array<i32>} : memref<128x128xf32, #tpu.memory_space<vmem>>, vector<1x16xf32>,
          %get3A_1696 = vector.shape_cast %get3A_1695 : vector<1x16xf32> to vector<16xf32>
          %mul3A_1697 = arith.mulf %get3A_1696, %gather3A_1638 : vector<16xf32>
          %swap3A_1698 = arith.index_cast %add3A_1642 : i32 to index
          %swap3A_1699 = arith.constant 80 : index
          %swap3A_1700 = tpu.vector_load %arg11[%swap3A_1698, %swap3A_1699] {strides = array<i32>} : memref<128x128xf32, #tpu.memory_space<vmem>>, vector<1x16xf32>,
          %swap3A_1701 = vector.shape_cast %swap3A_1700 : vector<1x16xf32> to vector<16xf32>
          %swap3A_1702 = vector.shape_cast %mul3A_1697 : vector<16xf32> to vector<1x16xf32>
          tpu.vector_store %arg11[%swap3A_1698, %swap3A_1699], %swap3A_1702 {strides = array<i32>} : memref<128x128xf32, #tpu.memory_space<vmem>>, vector<1x16xf32>,
          %get3A_1703 = arith.index_cast %add3A_1642 : i32 to index
          %get3A_1704 = arith.constant 96 : index
          %get3A_1705 = tpu.vector_load %arg11[%get3A_1703, %get3A_1704] {strides = array<i32>} : memref<128x128xf32, #tpu.memory_space<vmem>>, vector<1x16xf32>,
          %get3A_1706 = vector.shape_cast %get3A_1705 : vector<1x16xf32> to vector<16xf32>
          %mul3A_1707 = arith.mulf %get3A_1706, %gather3A_1638 : vector<16xf32>
          %swap3A_1708 = arith.index_cast %add3A_1642 : i32 to index
          %swap3A_1709 = arith.constant 96 : index
          %swap3A_1710 = tpu.vector_load %arg11[%swap3A_1708, %swap3A_1709] {strides = array<i32>} : memref<128x128xf32, #tpu.memory_space<vmem>>, vector<1x16xf32>,
          %swap3A_1711 = vector.shape_cast %swap3A_1710 : vector<1x16xf32> to vector<16xf32>
          %swap3A_1712 = vector.shape_cast %mul3A_1707 : vector<16xf32> to vector<1x16xf32>
          tpu.vector_store %arg11[%swap3A_1708, %swap3A_1709], %swap3A_1712 {strides = array<i32>} : memref<128x128xf32, #tpu.memory_space<vmem>>, vector<1x16xf32>,
          %get3A_1713 = arith.index_cast %add3A_1642 : i32 to index
          %get3A_1714 = arith.constant 112 : index
          %get3A_1715 = tpu.vector_load %arg11[%get3A_1713, %get3A_1714] {strides = array<i32>} : memref<128x128xf32, #tpu.memory_space<vmem>>, vector<1x16xf32>,
          %get3A_1716 = vector.shape_cast %get3A_1715 : vector<1x16xf32> to vector<16xf32>
          %mul3A_1717 = arith.mulf %get3A_1716, %gather3A_1638 : vector<16xf32>
          %swap3A_1718 = arith.index_cast %add3A_1642 : i32 to index
          %swap3A_1719 = arith.constant 112 : index
          %swap3A_1720 = tpu.vector_load %arg11[%swap3A_1718, %swap3A_1719] {strides = array<i32>} : memref<128x128xf32, #tpu.memory_space<vmem>>, vector<1x16xf32>,
          %swap3A_1721 = vector.shape_cast %swap3A_1720 : vector<1x16xf32> to vector<16xf32>
          %swap3A_1722 = vector.shape_cast %mul3A_1717 : vector<16xf32> to vector<1x16xf32>
          tpu.vector_store %arg11[%swap3A_1718, %swap3A_1719], %swap3A_1722 {strides = array<i32>} : memref<128x128xf32, #tpu.memory_space<vmem>>, vector<1x16xf32>,
        }
        %scan3A_167 = arith.constant 8 : i32
        %dma_start3A_168 = arith.constant 0 : i32
        %dma_start3A_169 = tpu.memref_slice %arg7[%add3A_143, %dma_start3A_168] : memref<16x128xi32, #tpu.memory_space<vmem>> -> memref<1x128xi32, #tpu.memory_space<vmem>>
        %dma_start3A_170 = tpu.memref_squeeze %dma_start3A_169 : memref<1x128xi32, #tpu.memory_space<vmem>> -> memref<128xi32, #tpu.memory_space<vmem>>
        %dma_start3A_171 = arith.constant 0 : i32
        %dma_start3A_172 = arith.constant 0 : i32
        %dma_start3A_173 = tpu.memref_slice %arg12[%dma_start3A_171, %dma_start3A_172] : memref<10000x128xf32, #tpu.memory_space<vmem_shared>> -> memref<10000x128xf32, #tpu.memory_space<vmem_shared>>
        tpu.enqueue_indirect_dma source(%arg11 : memref<128x128xf32, #tpu.memory_space<vmem>>) target(%dma_start3A_173 : memref<10000x128xf32, #tpu.memory_space<vmem_shared>>) offsets(%dma_start3A_170 : memref<128xi32, #tpu.memory_space<vmem>>) semaphore(%arg16 : memref<!tpu.dma_semaphore, #tpu.memory_space<semaphore_mem>>) {add = true}
        %dma_wait3A_174 = arith.constant 0 : i32
        %dma_wait3A_175 = tpu.memref_slice %arg7[%add3A_110, %dma_wait3A_174] : memref<16x128xi32, #tpu.memory_space<vmem>> -> memref<1x128xi32, #tpu.memory_space<vmem>>
        %dma_wait3A_176 = tpu.memref_squeeze %dma_wait3A_175 : memref<1x128xi32, #tpu.memory_space<vmem>> -> memref<128xi32, #tpu.memory_space<vmem>>
        %dma_wait3A_177 = arith.constant 0 : i32
        %dma_wait3A_178 = arith.constant 0 : i32
        %dma_wait3A_179 = tpu.memref_slice %arg12[%dma_wait3A_177, %dma_wait3A_178] : memref<10000x128xf32, #tpu.memory_space<vmem_shared>> -> memref<10000x128xf32, #tpu.memory_space<vmem_shared>>
        tpu.wait_indirect_dma semaphore(%arg15 : memref<!tpu.dma_semaphore, #tpu.memory_space<semaphore_mem>>) src(%arg10 : memref<128x128xf32, #tpu.memory_space<vmem>>) dst(%dma_wait3A_179 : memref<10000x128xf32, #tpu.memory_space<vmem_shared>>)
        %dma_wait3A_180 = arith.constant 0 : i32
        %dma_wait3A_181 = tpu.memref_slice %arg7[%add3A_143, %dma_wait3A_180] : memref<16x128xi32, #tpu.memory_space<vmem>> -> memref<1x128xi32, #tpu.memory_space<vmem>>
        %dma_wait3A_182 = tpu.memref_squeeze %dma_wait3A_181 : memref<1x128xi32, #tpu.memory_space<vmem>> -> memref<128xi32, #tpu.memory_space<vmem>>
        %dma_wait3A_183 = arith.constant 0 : i32
        %dma_wait3A_184 = arith.constant 0 : i32
        %dma_wait3A_185 = tpu.memref_slice %arg12[%dma_wait3A_183, %dma_wait3A_184] : memref<10000x128xf32, #tpu.memory_space<vmem_shared>> -> memref<10000x128xf32, #tpu.memory_space<vmem_shared>>
        tpu.wait_indirect_dma semaphore(%arg16 : memref<!tpu.dma_semaphore, #tpu.memory_space<semaphore_mem>>) src(%arg11 : memref<128x128xf32, #tpu.memory_space<vmem>>) dst(%dma_wait3A_185 : memref<10000x128xf32, #tpu.memory_space<vmem_shared>>)
      }
      %scan3A_62 = arith.constant 8 : i32
    }
    %scan3A_45 = arith.constant 5 : i32
    %barrier3A_46 = arith.constant 0 : index
    tpu.barrier barrier_id(%barrier3A_46)
    %mul3A_47 = arith.constant 624 : i32
    %mul3A_48 = arith.muli %arg1, %mul3A_47 : i32
    %mul3A_49 = arith.constant 624 : i32
    %mul3A_50 = arith.muli %arg1, %mul3A_49 : i32
    "tpu.region"() ({
      %run_scoped3A = tpu.sem_alloc : memref<!tpu.dma_semaphore, #tpu.memory_space<semaphore_mem>>
      %dma_start3A = arith.constant 0 : i32
      %dma_start3A_56 = tpu.memref_slice %arg6[%arg0, %mul3A_50, %dma_start3A] : memref<2x10000x128xf32, #tpu.memory_space<hbm>> -> memref<1x624x128xf32, #tpu.memory_space<hbm>>
      %dma_start3A_57 = tpu.memref_squeeze %dma_start3A_56 : memref<1x624x128xf32, #tpu.memory_space<hbm>> -> memref<624x128xf32, #tpu.memory_space<hbm>>
      %dma_start3A_58 = arith.constant 0 : i32
      %dma_start3A_59 = tpu.memref_slice %arg12[%mul3A_48, %dma_start3A_58] : memref<10000x128xf32, #tpu.memory_space<vmem_shared>> -> memref<624x128xf32, #tpu.memory_space<vmem_shared>>
      tpu.enqueue_dma source(%dma_start3A_59 : memref<624x128xf32, #tpu.memory_space<vmem_shared>>) target(%dma_start3A_57 : memref<624x128xf32, #tpu.memory_space<hbm>>) target_semaphore(%run_scoped3A : memref<!tpu.dma_semaphore, #tpu.memory_space<semaphore_mem>>)
      %dma_wait3A = arith.constant 0 : i32
      %dma_wait3A_60 = tpu.memref_slice %arg6[%arg0, %mul3A_50, %dma_wait3A] : memref<2x10000x128xf32, #tpu.memory_space<hbm>> -> memref<1x624x128xf32, #tpu.memory_space<hbm>>
      %dma_wait3A_61 = tpu.memref_squeeze %dma_wait3A_60 : memref<1x624x128xf32, #tpu.memory_space<hbm>> -> memref<624x128xf32, #tpu.memory_space<hbm>>
      %dma_wait3A_62 = arith.constant 0 : i32
      %dma_wait3A_63 = tpu.memref_slice %arg12[%mul3A_48, %dma_wait3A_62] : memref<10000x128xf32, #tpu.memory_space<vmem_shared>> -> memref<624x128xf32, #tpu.memory_space<vmem_shared>>
      tpu.wait_dma2 semaphore(%run_scoped3A : memref<!tpu.dma_semaphore, #tpu.memory_space<semaphore_mem>>) src(%dma_wait3A_63 : memref<624x128xf32, #tpu.memory_space<vmem_shared>>) dst(%dma_wait3A_61 : memref<624x128xf32, #tpu.memory_space<hbm>>)
      tpu.yield
    }) : () -> ()
    %eq3A_51 = arith.constant 0 : i32
    %eq3A_52 = arith.cmpi eq, %arg1, %eq3A_51 : i32
    %convert_element_type3A_53 = arith.extui %eq3A_52 : i1 to i32
    %cond3A_54 = arith.constant 0 : i32
    %cond3A_55 = arith.cmpi ne, %convert_element_type3A_53, %cond3A_54 : i32
    scf.if %cond3A_55 {
      "tpu.region"() ({
        %run_scoped3A = tpu.sem_alloc : memref<!tpu.dma_semaphore, #tpu.memory_space<semaphore_mem>>
        %dma_start3A = arith.constant 9984 : i32
        %dma_start3A_56 = arith.constant 0 : i32
        %dma_start3A_57 = tpu.memref_slice %arg6[%arg0, %dma_start3A, %dma_start3A_56] : memref<2x10000x128xf32, #tpu.memory_space<hbm>> -> memref<1x16x128xf32, #tpu.memory_space<hbm>>
        %dma_start3A_58 = tpu.memref_squeeze %dma_start3A_57 : memref<1x16x128xf32, #tpu.memory_space<hbm>> -> memref<16x128xf32, #tpu.memory_space<hbm>>
        %dma_start3A_59 = arith.constant 9984 : i32
        %dma_start3A_60 = arith.constant 0 : i32
        %dma_start3A_61 = tpu.memref_slice %arg12[%dma_start3A_59, %dma_start3A_60] : memref<10000x128xf32, #tpu.memory_space<vmem_shared>> -> memref<16x128xf32, #tpu.memory_space<vmem_shared>>
        tpu.enqueue_dma source(%dma_start3A_61 : memref<16x128xf32, #tpu.memory_space<vmem_shared>>) target(%dma_start3A_58 : memref<16x128xf32, #tpu.memory_space<hbm>>) target_semaphore(%run_scoped3A : memref<!tpu.dma_semaphore, #tpu.memory_space<semaphore_mem>>)
        %dma_wait3A = arith.constant 9984 : i32
        %dma_wait3A_62 = arith.constant 0 : i32
        %dma_wait3A_63 = tpu.memref_slice %arg6[%arg0, %dma_wait3A, %dma_wait3A_62] : memref<2x10000x128xf32, #tpu.memory_space<hbm>> -> memref<1x16x128xf32, #tpu.memory_space<hbm>>
        %dma_wait3A_64 = tpu.memref_squeeze %dma_wait3A_63 : memref<1x16x128xf32, #tpu.memory_space<hbm>> -> memref<16x128xf32, #tpu.memory_space<hbm>>
        %dma_wait3A_65 = arith.constant 9984 : i32
        %dma_wait3A_66 = arith.constant 0 : i32
        %dma_wait3A_67 = tpu.memref_slice %arg12[%dma_wait3A_65, %dma_wait3A_66] : memref<10000x128xf32, #tpu.memory_space<vmem_shared>> -> memref<16x128xf32, #tpu.memory_space<vmem_shared>>
        tpu.wait_dma2 semaphore(%run_scoped3A : memref<!tpu.dma_semaphore, #tpu.memory_space<semaphore_mem>>) src(%dma_wait3A_67 : memref<16x128xf32, #tpu.memory_space<vmem_shared>>) dst(%dma_wait3A_64 : memref<16x128xf32, #tpu.memory_space<hbm>>)
        tpu.yield
      }) : () -> ()
    } else {
    }
    return
  }
}

module attributes {stable_mosaic.version = 14 : i64} {
  func.func @_combine_body(%arg0: i32, %arg1: memref<2x2000x128xf32, #tpu.memory_space<vmem>>, %arg2: memref<2000x128xf32, #tpu.memory_space<vmem>>) attributes {dimension_semantics = [#tpu.dimension_semantics<arbitrary>], iteration_bounds = array<i64: 5>, scalar_prefetch = 0 : i64, scratch_operands = 0 : i64, tpu.core_type = #tpu.core_type<tc>, window_params = [{transform_indices = @transform_0, window_bounds = array<i64: 2, 2000, 128>}, {transform_indices = @transform_1, window_bounds = array<i64: 2000, 128>}]} {
    %get3A = arith.constant 0 : index
    %get3A_0 = arith.constant 0 : index
    %get3A_1 = arith.constant 0 : index
    %get3A_2 = vector.load %arg1[%get3A, %get3A_0, %get3A_1] : memref<2x2000x128xf32, #tpu.memory_space<vmem>>, vector<1x2000x128xf32>
    %get3A_3 = vector.shape_cast %get3A_2 : vector<1x2000x128xf32> to vector<2000x128xf32>
    %get3A_4 = arith.constant 1 : index
    %get3A_5 = arith.constant 0 : index
    %get3A_6 = arith.constant 0 : index
    %get3A_7 = vector.load %arg1[%get3A_4, %get3A_5, %get3A_6] : memref<2x2000x128xf32, #tpu.memory_space<vmem>>, vector<1x2000x128xf32>
    %get3A_8 = vector.shape_cast %get3A_7 : vector<1x2000x128xf32> to vector<2000x128xf32>
    %add3A = arith.addf %get3A_3, %get3A_8 : vector<2000x128xf32>
    %swap3A = arith.constant 0 : index
    %swap3A_9 = arith.constant 0 : index
    %swap3A_10 = vector.load %arg2[%swap3A, %swap3A_9] : memref<2000x128xf32, #tpu.memory_space<vmem>>, vector<2000x128xf32>
    tpu.vector_store %arg2[%swap3A, %swap3A_9], %add3A {strides = array<i32>} : memref<2000x128xf32, #tpu.memory_space<vmem>>, vector<2000x128xf32>,
    return
  }
  func.func @transform_0(%arg0: i32) -> (i32, i32, i32) {
    %c0_i32 = arith.constant 0 : i32
    %c0_i32_0 = arith.constant 0 : i32
    %c0_i32_1 = arith.constant 0 : i32
    return %c0_i32, %arg0, %c0_i32_0 : i32, i32, i32
  }
  func.func @transform_1(%arg0: i32) -> (i32, i32) {
    %c0_i32 = arith.constant 0 : i32
    %c0_i32_0 = arith.constant 0 : i32
    return %arg0, %c0_i32 : i32, i32
  }
}

</mosaic_0001>

<sc_bundles>
// kernel: kernel.4.cloned.1.call-start
scs
__scs_entry_jumppad:
0x0: {  	(pc) =	sbr.rel $0x88, $3  }
0x1: {  	(tag) =	ssettag $0x0;
	lr =	simm.s32 $0x1  }
0x2: {  	[smem:$0x3F9E] =	sst lr;
	_ =	strace $0xD0000000  }
0x3: {  	_ = 	snop  }
0x4: {  	_ = 	snop  }
0x5: {  	_ = 	snop  }
0x6: {  	_ = 	snop  }
0x7: {  	_ = 	snop  }
__scs_overlays_trampoline_lowered:
0x8: {  	[smem:$0x3FAD] =	sst s0  }
0x9: {  	[smem:$0x3FAE] =	sst s1  }
0xa: {  	[smem:$0x3FAF] =	sst s2  }
0xb: {  	[smem:$0x3FB0] =	sst s3  }
0xc: {  	[smem:$0x3FB1] =	sst s4  }
0xd: {  	[smem:$0x3FB2] =	sst s5  }
0xe: {  	[smem:$0x3FB3] =	sst s6  }
0xf: {  	[smem:$0x3FB4] =	sst s7  }
0x10: {  	[smem:$0x3FB5] =	sst s8  }
0x11: {  	[smem:$0x3FB6] =	sst s9;
	s0 =	simm.s32 @!p0 $0x0  }
0x12: {  	s1 =	sld [smem:$0x3F9C];
	s0 =	simm.s32 @p0 $0x1  }
0x13: {  	[smem:$0x3FB7] =	sst s0;
	s0 =	simm.s32 @!p1 $0x0  }
0x14: {  	s2 =	sld [smem:$0x3F9B];
	s0 =	simm.s32 @p1 $0x1  }
0x15: {  	[smem:$0x3FB8] =	sst s0;
	s0 =	simm.s32 @!p2 $0x0  }
0x16: {  	s3 =	sld [smem:$0x3FDB];
	s0 =	simm.s32 @p2 $0x1  }
0x17: {  	s4 =	simm.s32 $0x1BF5;
	[smem:$0x3FBA] =	sst s0  }
0x18: {  	s0 =	sld [smem:$0x3F9D];
	_ =	swait.ge [sflag:s4], $0x0  }
0x19: {  	s7 =	sld [smem:$0x3F9E]  }
0x1a: {  	s8 =	sadd.s32 $0xFFFFE003, lr  }
0x1b: {  	s9 =	sadd.s32 $0xFFFFFEF7, lr;
	s5 =	simm.s32 $0xFFFFFFFF;
	p2 =	slt.u32 s8, $0xFFFFF086  }
0x1c: {  	p1 =	slt.u32 s9, $0xF7A;
	s5 =	simm.s32 @!p2 $0x0  }
0x1d: {  	s5 =	simm.s32 @p1 $0x1;
	p0 =	seq.s32 s7, s2  }
0x1e: {  	s7 =	smul.u32 @!p0 $0xF7A, s2;
	p2 =	seq.s32 @!p0 s5, $0x0  }
0x1f: {  	s9 =	smul.u32 $0xF7A, s1;
	s8 =	simm.s32 @!p0 $0x1BF5;
	p2 =	por !p2, p0  }
0x20: {  	[sflag:s8] =	ssyncset.s32 @!p0 $0xFFFFF086;
	s6 =	sadd.s32 @!p0 s3, s7;
	s7 =	simm.s32 @!p0 $0x108  }
0x21: {  	s3 =	sadd.s32 s3, s9;
	s6 =	sadd.s32 @!p0 $0x88, s6;
	s7 =	simm.s32 @p2 $0x1082  }
0x22: {  	[simem:s7], [sflag:s8] =	dma.local @!p0 [hbm:s6], $0xF7A  }
0x23: {  	s9 =	sor.u32 $0xD0000000, s2;
	s6 =	simm.s32 $0x108;
	_ =	swait.ge @!p0 [sflag:s8], $0x0  }
0x24: {  	s3 =	sadd.s32 $0x88, s3;
	s6 =	simm.s32 @!p1 $0x1082;
	[sflag:s4] =	ssyncset.s32 $0xFFFFF086  }
0x25: {  	[simem:s6], [sflag:s4] =	dma.local [hbm:s3], $0xF7A  }
0x26: {  	[smem:$0x3F9E] =	sst s1;
	(tag) =	ssettag s2;
	_ =	strace s9  }
0x27: {  	s1 =	sld [smem:$0x3FAE]  }
0x28: {  	s2 =	sld [smem:$0x3FAF]  }
0x29: {  	s4 =	sld [smem:$0x3FB1]  }
0x2a: {  	p0 =	seq.s32 s5, $0x0;
	s5 =	sld [smem:$0x3FB2]  }
0x2b: {  	s6 =	sld [smem:$0x3FB3]  }
0x2c: {  	s7 =	sld [smem:$0x3FB4]  }
0x2d: {  	s3 =	simm.s32 $0x108;
	s8 =	sld [smem:$0x3FB5]  }
0x2e: {  	s3 =	simm.s32 @!p0 $0x1082;
	s9 =	sld [smem:$0x3FB6]  }
0x2f: {  	lr =	sadd.s32 s0, s3;
	s0 =	sld [smem:$0x3FAD]  }
0x30: {  	s3 =	sld [smem:$0x3FB0]  }
0x31: {  	[smem:$0x3FB9] =	sst s10  }
0x32: {  	s10 =	sld [smem:$0x3FB7];
	_ =	sdelay $0x3  }
0x33: {  	p0 =	seq.s32 s10, $0x1;
	s10 =	sld [smem:$0x3FB9];
	_ =	sdelay $0x3  }
0x34: {  	[smem:$0x3FB9] =	sst s10  }
0x35: {  	s10 =	sld [smem:$0x3FB8];
	_ =	sdelay $0x3  }
0x36: {  	p1 =	seq.s32 s10, $0x1;
	s10 =	sld [smem:$0x3FB9];
	_ =	sdelay $0x3  }
0x37: {  	[smem:$0x3FB9] =	sst s10  }
0x38: {  	s10 =	sld [smem:$0x3FBA]  }
0x39: {  	_ = 	snop;
	(pc) =	sbr.ind lr, $3  }
0x3a: {  	_ = 	snop  }
0x3b: {  	_ = 	snop  }
0x3c: {  	p2 =	seq.s32 s10, $0x1;
	s10 =	sld [smem:$0x3FB9]  }
0x3d: {  	_ =	shalt  }
0x3e: {  	_ =	shalt  }
0x3f: {  	_ =	shalt  }
0x40: {  	_ =	shalt  }
0x41: {  	_ =	shalt  }
0x42: {  	_ =	shalt  }
0x43: {  	_ =	shalt  }
0x44: {  	_ =	shalt  }
0x45: {  	_ =	shalt  }
0x46: {  	_ =	shalt  }
0x47: {  	_ =	shalt  }
0x48: {  	_ =	shalt  }
0x49: {  	_ =	shalt  }
0x4a: {  	_ =	shalt  }
0x4b: {  	_ =	shalt  }
0x4c: {  	_ =	shalt  }
0x4d: {  	_ =	shalt  }
0x4e: {  	_ =	shalt  }
0x4f: {  	_ =	shalt  }
0x50: {  	_ =	shalt  }
0x51: {  	_ =	shalt  }
0x52: {  	_ =	shalt  }
0x53: {  	_ =	shalt  }
0x54: {  	_ =	shalt  }
0x55: {  	_ =	shalt  }
0x56: {  	_ =	shalt  }
0x57: {  	_ =	shalt  }
0x58: {  	_ =	shalt  }
0x59: {  	_ =	shalt  }
0x5a: {  	_ =	shalt  }
0x5b: {  	_ =	shalt  }
0x5c: {  	_ =	shalt  }
0x5d: {  	_ =	shalt  }
0x5e: {  	_ =	shalt  }
0x5f: {  	_ =	shalt  }
0x60: {  	_ =	shalt  }
0x61: {  	_ =	shalt  }
0x62: {  	_ =	shalt  }
0x63: {  	_ =	shalt  }
0x64: {  	_ =	shalt  }
0x65: {  	_ =	shalt  }
0x66: {  	_ =	shalt  }
0x67: {  	_ =	shalt  }
0x68: {  	_ =	shalt  }
0x69: {  	_ =	shalt  }
0x6a: {  	_ =	shalt  }
0x6b: {  	_ =	shalt  }
0x6c: {  	_ =	shalt  }
0x6d: {  	_ =	shalt  }
0x6e: {  	_ =	shalt  }
0x6f: {  	_ =	shalt  }
0x70: {  	_ =	shalt  }
0x71: {  	_ =	shalt  }
0x72: {  	_ =	shalt  }
0x73: {  	_ =	shalt  }
0x74: {  	_ =	shalt  }
0x75: {  	_ =	shalt  }
0x76: {  	_ =	shalt  }
0x77: {  	_ =	shalt  }
0x78: {  	_ =	shalt  }
0x79: {  	_ =	shalt  }
0x7a: {  	_ =	shalt  }
0x7b: {  	_ =	shalt  }
0x7c: {  	_ =	shalt  }
0x7d: {  	_ =	shalt  }
0x7e: {  	_ =	shalt  }
0x7f: {  	_ =	shalt  }
0x80: {  	_ =	shalt  }
0x81: {  	_ =	shalt  }
0x82: {  	_ =	shalt  }
0x83: {  	_ =	shalt  }
0x84: {  	_ =	shalt  }
0x85: {  	_ =	shalt  }
0x86: {  	_ =	shalt  }
0x87: {  	_ =	shalt  }
.Lfunc_end0:
.L_simem_size_0:
called_computation_lowered:
.L_overlay_start_0:
0x88: {  	s2 =	sld [smem:$0x3FD9]  }
0x89: {  	s3 =	sld [smem:$0x3FFE];
	_ =	sdelay $0x1  }
0x8a: {  	s1 =	srdreg.scid  }
0x8b: {  	s0 =	sand.u32 $0x1, s1  }
0x8c: {  	s17 =	sshll.u32 s0, $0xA;
	s2 =	sadd.s32 s3, s2  }
0x8d: {  	s2 =	sadd.s32 s2, s17  }
0x8e: {  	[smem:$0x3FC5] =	sst s2  }
0x8f: {  	_ = 	snop  }
0x90: {  	s2 =	sld [smem:$0x3FC9]  }
0x91: {  	s18 =	sld [smem:$0x3FD0];
	(tm) =	ssettm $0x1  }
0x92: {  	s4 =	sld [smem:$0x3FFB];
	_ =	sdelay $0x3  }
0x93: {  	_ =	strace s4  }
0x94: {  	s4 =	sld [smem:$0x3FFC];
	_ =	sdelay $0x3  }
0x95: {  	_ =	strace s4  }
0x96: {  	s4 =	sld [smem:$0x3FFD];
	_ =	sdelay $0x3  }
0x97: {  	_ =	strace s4  }
0x98: {  	_ =	strace $0x8FFFFFFF  }
0x99: {  	s19 =	sld [smem:$0x3FDB];
	_ =	sdelay $0x1  }
0x9a: {  	s5 =	simm.s32 $_scs_section_size  }
0x9b: {  	s6 =	simm.s32 $_size__tile_overlayer_lowered;
	s7 =	simm.s32 $_tile_overlayer_lowered  }
0x9c: {  	s22 =	simm.s32 $0x1BFF;
	s21 =	sshll.u32 s7, $0x1;
	s4 =	sadd.s32 s5, s19  }
0x9d: {  	s8 =	simm.s32 $0x0;
	s20 =	sshll.u32 s6, $0x1;
	s6 =	sadd.s32 s21, s4  }
0x9e: {  	[timem:s8], [sflag:s22] =	dma.local [hbm:s6], s20  }
0x9f: {  	_ =	swait.ge [sflag:s22], s20  }
0xa0: {  	s5 =	ssub.s32 $0x0, s20;
	[sflag:s22] =	ssyncset.done $0x0  }
0xa1: {  	[sflag:s22] =	ssyncadd.s32 s5;
	_ =	sdelay $0x1  }
0xa2: {  	s23 =	simm.s32 $0x1B8B  }
0xa3: {  	_ =	swait.ge [sflag:s23], $0x1  }
0xa4: {  	[sflag:s23] =	ssyncset.done $0x0  }
0xa5: {  	s25 =	simm.s32 $0x1B8E;
	s24 =	sld [smem:$0x3FFE];
	[sflag:s23] =	ssyncadd.s32 $0xFFFFFFFF  }
0xa6: {  	s26 =	simm.s32 $execute0_lowered;
	[smem:$0x3FD2] =	sst s25  }
0xa7: {  	s6 =	sshll.u32 s26, $0x1;
	_ =	strace $0x80000046;
	[dreg:$0x1] =	wrdreg $0xFFFFFFFF  }
0xa8: {  	s28 =	simm.s32 $_size_execute0_lowered;
	s4 =	sadd.s32 s4, s6;
	[dreg:$0x0] =	wrdreg $0x0  }
0xa9: {  	s6 =	sshll.u32 s28, $0x1;
	[dreg:$0x2] =	wrdreg s4  }
0xaa: {  	[dreg:$0x3] =	wrdreg s6  }
0xab: {  	[dreg:$0x4] =	wrdreg $0xC0  }
0xac: {  	_ =	task [dreg:s8], $0x5FFFF  }
0xad: {  	[dreg:$0x1] =	wrdreg $0xFFFFFFFF  }
0xae: {  	[dreg:$0x0] =	wrdreg $0x60  }
0xaf: {  	[dreg:$0x2] =	wrdreg s2  }
0xb0: {  	[dreg:$0x3] =	wrdreg s24  }
0xb1: {  	[dreg:$0x4] =	wrdreg s18  }
0xb2: {  	[dreg:$0x5] =	wrdreg $0x98000  }
0xb3: {  	[dreg:$0x6] =	wrdreg $0x9  }
0xb4: {  	_ =	task.clear_ibuf [dreg:s8], $0x7FFFF;
	_ =	strace $0x90000046  }
0xb5: {  	s29 =	simm.s32 $0x9;
	_ =	strace $0x80000048  }
0xb6: {  	_ =	swait.ge [sflag:s29], $0x1  }
0xb7: {  	[sflag:s29] =	ssyncadd.s32 $0xFFFFFFFF  }
0xb8: {  	_ =	strace $0x90000048  }
0xb9: {  	_ =	sfence  }
0xba: {  	s30 =	sld [smem:$0x0];
	_ =	sdelay $0x2  }
0xbb: {  	s31 =	sshll.u32 s1, $0xD;
	s1 =	sshrl.u32 s1, $0x2  }
0xbc: {  	s3 =	sand.u32 $0x4000, s31;
	s1 =	sadd.s32 s1, s30  }
0xbd: {  	s0 =	sor.u32 s3, s0;
	s1 =	sshll.u32 s1, $0x11  }
0xbe: {  	s0 =	sor.u32 s1, s0  }
0xbf: {  	s0 =	sadd.s32 $0x8F2B, s0  }
0xc0: {  	[sflag:s0] =	ssyncadd.remote.s32 $0x1  }
0xc1: {  	_ =	sfence.sel $0xFFFF  }
0xc2: {  	[dreg:$0x0] =	wrdreg $0xFFFFFFFF;
	(pc) =	sbr.abs _section_cstart, $3  }
0xc3: {  	[dreg:$0x1] =	wrdreg $0xFFFFFFFF  }
0xc4: {  	_ =	task.clear_ibuf [dreg:s8], $0x2FFFF;
	_ =	strace $0x9FFFFFFF  }
0xc5: {  	(tm) =	ssettm $0x7FFFFFFF  }
tec
execute0_lowered:
.L_overlay_start_1:
0x0: {  	(tag) =	ssettag $0x1  }
0x1: {  	s1 =	rddreg [dreg:$0x0]  }
0x2: {  	s0 =	rddreg [dreg:$0x1]  }
0x3: {  	s2 =	rddreg [dreg:$0x2]  }
0x4: {  	s3 =	rddreg [dreg:$0x3]  }
0x5: {  	s4 =	simm.s32 $0x0;
	s5 =	srdreg.scid;
	s12 =	stileid.u32  }
0x6: {  	s28 =	simm.s32 $0x5800;
	s29 =	simm.s32 $0x7800;
	s30 =	simm.s32 $0x1  }
0x7: {  	s31 =	simm.s32 $0x80;
	[smem:$0x7FF] =	sst s4;
	s8 =	smul.u32 $0x4E000, s12  }
0x8: {  	s5 =	sand.u32 $0x1, s5;
	s6 =	sadd.s32 $0xA200, s0;
	s7 =	sadd.s32 $0x200, s0  }
0x9: {  	s0 =	sadd.s32 $0x14200, s0;
	s20 =	sshll.u32 s12, $0x1;
	s8 =	sshrl.u32 s8, $0x2  }
0xa: {  	s23 =	smul.u32 $0x13800, s12;
	s16 =	sadd.s32 $0x138000, s3;
	s8 =	sadd.s32 s8, s3  }
0xb: {  	p0 =	sne.s32 s12, $0x0;
	_ =	strace $0x80000047;
	s11 =	sadd.s32 $0x2700, s8  }
0xc: {  	s9 =	ssub.s32 $0x2, s5;
	s21 =	sadd.s32 $0x4E00, s8;
	[dreg:$0x5] =	wrdreg s11  }
0xd: {  	s10 =	sshrl.u32 s9, $0x1;
	s22 =	sadd.s32 $0x7500, s8;
	[dreg:$0x6] =	wrdreg s21  }
0xe: {  	s9 =	ssub.s32 s9, s10;
	s13 =	sadd.s32 $0x9C00, s8;
	[dreg:$0x7] =	wrdreg s22  }
0xf: {  	s10 =	sor.u32 s5, s20;
	s24 =	sadd.s32 $0xC300, s8;
	[dreg:$0x8] =	wrdreg s13  }
0x10: {  	s5 =	smul.u32 $0x138800, s5;
	s25 =	sadd.s32 $0xEA00, s8;
	[dreg:$0x9] =	wrdreg s24  }
0x11: {  	s26 =	sadd.s32 $0x11100, s8;
	s17 =	smul.u32 $0x2800, s10;
	[dreg:$0xa] =	wrdreg s25  }
0x12: {  	v0 =	vimm.f32 $0.0e+00;
	v1 =	vimm.s32 $0x0;
	s20 =	smax.u32 s9, $0x1;
	s9 =	simm.s32 $0x4;
	[dreg:$0xb] =	wrdreg s26  }
0x13: {  	v2 =	vimm.s32 $0x1;
	v3 =	vimm.s32 $0x2;
	v4 =	vimm.s32 $0x3;
	s11 =	sadd.s32 s23, s5;
	s5 =	sshrl.u32 s5, $0x3;
	s21 =	simm.s32 $0x1800  }
0x14: {  	v5 =	vimm.s32 $0x4;
	v6 =	vimm.s32 $0x5;
	v7 =	vimm.s32 $0x6;
	s22 =	simm.s32 $0x5;
	s23 =	simm.s32 $0x800;
	s24 =	simm.s32 $0x1000  }
0x15: {  	v8 =	vimm.s32 $0x7;
	v9 =	vimm.s32 $0x8;
	v10 =	vimm.s32 $0x9;
	s25 =	simm.s32 $0x40;
	s11 =	sshrl.u32 s11, $0x3;
	s5 =	sadd.s32 s0, s5  }
0x16: {  	v11 =	vimm.s32 $0xA;
	v12 =	vimm.s32 $0xB;
	v13 =	vimm.s32 $0xC;
	s26 =	simm.s32 $0x3800;
	s0 =	sadd.s32 s0, s11;
	s19 =	sadd.s32 $0x27000, s5  }
0x17: {  	v14 =	vimm.s32 $0xD;
	v15 =	vimm.s32 $0xE;
	v16 =	vimm.s32 $0xF;
	s5 =	simm.s32 $0x3;
	[dreg:$0xc] =	wrdreg s0;
	s0 =	simm.s32 $0x2  }
.LBB2_1:
0x18: {  	s10 =	simm.s32 $0x0;
	s11 =	simm.s32 $0x200  }
.LBB2_2:
0x19: {  	p1 =	sne.s32 s11, $0xFE00;
	[tilespmem:s10+$0x1870] =	vst v0  }
0x1a: {  	[tilespmem:s10+$0x1800] =	vst v0  }
0x1b: {  	[tilespmem:s10+$0x1810] =	vst v0  }
.Ltmp0:
0x1c: {  	[tilespmem:s10+$0x1820] =	vst v0;
	(pc) =	sbr.rel @p1 .LBB2_2-.Ltmp0, $4  }
0x1d: {  	[tilespmem:s10+$0x1830] =	vst v0  }
0x1e: {  	[tilespmem:s10+$0x1840] =	vst v0  }
0x1f: {  	[tilespmem:s10+$0x1850] =	vst v0  }
0x20: {  	[tilespmem:s10+$0x1860] =	vst v0;
	s10 =	sshra.s32 s11, $0x2;
	s11 =	sadd.s32 $0x200, s11  }
0x21: {  	[tilespmem:s10+$0x1870] =	vst v0  }
0x22: {  	[tilespmem:s10+$0x1800] =	vst v0  }
0x23: {  	[tilespmem:s10+$0x1810] =	vst v0  }
0x24: {  	[tilespmem:s10+$0x1820] =	vst v0  }
0x25: {  	[tilespmem:s10+$0x1830] =	vst v0  }
0x26: {  	[tilespmem:s10+$0x1840] =	vst v0  }
0x27: {  	[tilespmem:s10+$0x1850] =	vst v0  }
0x28: {  	[tilespmem:s10+$0x1860] =	vst v0  }
0x29: {  	[spmem:s8] =	stream.linear.scatter [tilespmem:s21], [sflag:$0x5], $0x2700, $0x38;
	[tilespmem:$0x1D080] =	vst v63  }
0x2a: {  	_ =	swait.ge [sflag:s22], $0x2700  }
0x2b: {  	[sflag:s22] =	ssyncset.done $0x0  }
0x2c: {  	s18 =	rddreg [dreg:$0x5];
	[sflag:s22] =	ssyncadd.s32 $0xFFFFD900  }
0x2d: {  	[spmem:s18] =	stream.linear.scatter [tilespmem:s21], [sflag:$0x5], $0x2700, $0x38;
	[tilespmem:$0x1D080] =	vst v63  }
0x2e: {  	_ =	swait.ge [sflag:s22], $0x2700  }
0x2f: {  	[sflag:s22] =	ssyncset.done $0x0  }
0x30: {  	s11 =	rddreg [dreg:$0x6];
	[sflag:s22] =	ssyncadd.s32 $0xFFFFD900  }
0x31: {  	[spmem:s11] =	stream.linear.scatter [tilespmem:s21], [sflag:$0x5], $0x2700, $0x38;
	[tilespmem:$0x1D080] =	vst v63  }
0x32: {  	_ =	swait.ge [sflag:s22], $0x2700  }
0x33: {  	[sflag:s22] =	ssyncset.done $0x0  }
0x34: {  	s12 =	rddreg [dreg:$0x7];
	[sflag:s22] =	ssyncadd.s32 $0xFFFFD900  }
0x35: {  	[spmem:s12] =	stream.linear.scatter [tilespmem:s21], [sflag:$0x5], $0x2700, $0x38;
	[tilespmem:$0x1D080] =	vst v63  }
0x36: {  	_ =	swait.ge [sflag:s22], $0x2700  }
0x37: {  	[sflag:s22] =	ssyncset.done $0x0  }
0x38: {  	s13 =	rddreg [dreg:$0x8];
	[sflag:s22] =	ssyncadd.s32 $0xFFFFD900  }
0x39: {  	[spmem:s13] =	stream.linear.scatter [tilespmem:s21], [sflag:$0x5], $0x2700, $0x38;
	[tilespmem:$0x1D080] =	vst v63  }
0x3a: {  	_ =	swait.ge [sflag:s22], $0x2700  }
0x3b: {  	[sflag:s22] =	ssyncset.done $0x0  }
0x3c: {  	s14 =	rddreg [dreg:$0x9];
	[sflag:s22] =	ssyncadd.s32 $0xFFFFD900  }
0x3d: {  	[spmem:s14] =	stream.linear.scatter [tilespmem:s21], [sflag:$0x5], $0x2700, $0x38;
	[tilespmem:$0x1D080] =	vst v63  }
0x3e: {  	_ =	swait.ge [sflag:s22], $0x2700  }
0x3f: {  	[sflag:s22] =	ssyncset.done $0x0  }
0x40: {  	s15 =	rddreg [dreg:$0xa];
	[sflag:s22] =	ssyncadd.s32 $0xFFFFD900  }
0x41: {  	[spmem:s15] =	stream.linear.scatter [tilespmem:s21], [sflag:$0x5], $0x2700, $0x38;
	[tilespmem:$0x1D080] =	vst v63  }
0x42: {  	_ =	swait.ge [sflag:s22], $0x2700  }
0x43: {  	[sflag:s22] =	ssyncset.done $0x0  }
0x44: {  	s18 =	rddreg [dreg:$0xb];
	[sflag:s22] =	ssyncadd.s32 $0xFFFFD900  }
0x45: {  	[spmem:s18] =	stream.linear.scatter [tilespmem:s21], [sflag:$0x5], $0x2700, $0x38;
	[tilespmem:$0x1D080] =	vst v63  }
0x46: {  	_ =	swait.ge [sflag:s22], $0x2700  }
0x47: {  	[sflag:s22] =	ssyncset.done $0x0  }
0x48: {  	s10 =	simm.s32 @!p0 $0x1800;
	[sflag:s22] =	ssyncadd.s32 $0xFFFFD900  }
0x49: {  	[spmem:s16] =	stream.linear.scatter @!p0 [tilespmem:s10], [sflag:$0x5], $0x800, $0x38;
	[tilespmem:$0x1D080] =	vst v63  }
0x4a: {  	s10 =	simm.s32 @!p0 $0x5  }
0x4b: {  	_ =	swait.ge @!p0 [sflag:s10], $0x800  }
0x4c: {  	[sflag:s10] =	ssyncset.done @!p0 $0x0  }
0x4d: {  	[sflag:s10] =	ssyncadd.s32 @!p0 $0xFFFFF800  }
0x4e: {  	s11 =	simm.s32 $0x0;
	s10 =	simm.s32 $0x0;
	[bflag:$0x0] =	sbarrier.arrive $0xFFFF  }
.LBB2_4:
0x4f: {  	s12 =	sshll.u32 s11, $0xB  }
0x50: {  	s12 =	sadd.s32 s17, s12  }
0x51: {  	s12 =	sshrl.u32 s12, $0x3  }
0x52: {  	s13 =	sadd.s32 s6, s12  }
0x53: {  	[tilespmem:s10], [sflag:$0x5] =	stream.linear.gather [hbm4b:s13+s10], $0x800, $0x38;
	[tilespmem:$0x1D080] =	vst v63  }
0x54: {  	_ =	swait.ge [sflag:s22], $0x800  }
0x55: {  	[sflag:s22] =	ssyncset.done $0x0  }
0x56: {  	s18 =	sadd.s32 s2, s12;
	[sflag:s22] =	ssyncadd.s32 $0xFFFFF800  }
0x57: {  	[tilespmem:s23], [sflag:$0x5] =	stream.linear.gather [hbm4b:s18+s10], $0x800, $0x38;
	[tilespmem:$0x1D080] =	vst v63  }
0x58: {  	_ =	swait.ge [sflag:s22], $0x800  }
0x59: {  	[sflag:s22] =	ssyncset.done $0x0  }
0x5a: {  	s12 =	sadd.s32 s7, s12;
	[sflag:s22] =	ssyncadd.s32 $0xFFFFF800  }
0x5b: {  	[tilespmem:s24], [sflag:$0x5] =	stream.linear.gather [hbm4b:s12+s10], $0x800, $0x38;
	[tilespmem:$0x1D080] =	vst v63  }
0x5c: {  	_ =	swait.ge [sflag:s22], $0x800  }
0x5d: {  	[sflag:s22] =	ssyncset.done $0x0  }
0x5e: {  	s12 =	simm.s32 $0x0;
	[sflag:s22] =	ssyncadd.s32 $0xFFFFF800  }
.LBB2_5:
0x5f: {  	s13 =	sshll.u32 s12, $0x8  }
0x60: {  	s14 =	sadd.s32 $0x800, s13  }
0x61: {  	[tilespmem:s21], [sflag:$0x1] =	stream.indirect.gather [hbm4b:s1+s25], $0x80, s14, s25, $0xb8;
	[tilespmem:$0x1D080] =	vst v63  }
0x62: {  	s15 =	sadd.s32 $0x840, s13  }
0x63: {  	[tilespmem:s26], [sflag:$0x1] =	stream.indirect.gather [hbm4b:s1+s25], $0x80, s15, s25, $0xb8;
	[tilespmem:$0x1D080] =	vst v63  }
0x64: {  	s18 =	sadd.s32 $0x880, s13  }
0x65: {  	[tilespmem:s28], [sflag:$0x2] =	stream.indirect.gather [hbm4b:s1+s25], $0x80, s18, s25, $0xb8;
	[tilespmem:$0x1D080] =	vst v63  }
0x66: {  	s15 =	sadd.s32 $0x8C0, s13  }
0x67: {  	[tilespmem:s29], [sflag:$0x2] =	stream.indirect.gather [hbm4b:s1+s25], $0x80, s15, s25, $0xb8;
	[tilespmem:$0x1D080] =	vst v63  }
0x68: {  	s18 =	sshll.u32 s12, $0xA;
	_ =	swait.ge [sflag:s30], $0x2000  }
0x69: {  	s14 =	sshrl.u32 s18, $0x2;
	[sflag:s30] =	ssyncset.done $0x0  }
0x6a: {  	s18 =	sadd.s32 $0x1000, s14;
	[sflag:s30] =	ssyncadd.s32 $0xFFFFE000  }
0x6b: {  	v17 =	vmov s18;
	_ =	swait.ge [sflag:s30], $0x2000  }
0x6c: {  	[sflag:s30] =	ssyncset.done $0x0  }
0x6d: {  	s13 =	sor.u32 $0x80, s13;
	s15 =	simm.s32 $0x0;
	[sflag:s30] =	ssyncadd.s32 $0xFFFFE000  }
.LBB2_6:
0x6e: {  	s18 =	sshll.u32 s15, $0x4  }
0x6f: {  	s18 =	sand.u32 $0x3FFFFFF0, s18  }
0x70: {  	v18 =	vld.idx.msk [tilespmem:v17+s18+$0x0 ss:$0x1], $0xffff;
	s18 =	sshll.u32 s15, $0xB  }
0x71: {  	s18 =	sand.u32 $0x3FFFF800, s18  }
0x72: {  	v19 =	vld [tilespmem:s18+$0x1800]  }
0x73: {  	v20 =	vld [tilespmem:s18+$0x1810]  }
0x74: {  	v21 =	vld [tilespmem:s18+$0x1820]  }
0x75: {  	v23 =	vld [tilespmem:s18+$0x1830];
	v22 =	vperm.xlane v18, v1  }
0x76: {  	v24 =	vld [tilespmem:s18+$0x1840]  }
0x77: {  	v25 =	vld [tilespmem:s18+$0x1850];
	v19 =	vmul.f32 v19, v22  }
0x78: {  	v26 =	vld [tilespmem:s18+$0x1860];
	v20 =	vmul.f32 v20, v22  }
0x79: {  	v43 =	vld [tilespmem:s18+$0x1870];
	[tilespmem:s18+$0x1800] =	vst v19;
	v19 =	vmul.f32 v21, v22  }
0x7a: {  	v45 =	vld [tilespmem:s18+$0x1880];
	v44 =	vmul.f32 v23, v22;
	[tilespmem:s18+$0x1810] =	vst v20  }
0x7b: {  	v46 =	vld [tilespmem:s18+$0x1890];
	[tilespmem:s18+$0x1820] =	vst v19;
	v19 =	vmul.f32 v24, v22  }
0x7c: {  	v48 =	vld [tilespmem:s18+$0x18A0];
	v47 =	vmul.f32 v25, v22;
	[tilespmem:s18+$0x1830] =	vst v44  }
0x7d: {  	v27 =	vld [tilespmem:s18+$0x18B0];
	v49 =	vperm.xlane v18, v2;
	[tilespmem:s18+$0x1840] =	vst v19;
	v19 =	vmul.f32 v26, v22  }
0x7e: {  	v51 =	vld [tilespmem:s18+$0x18C0];
	v50 =	vmul.f32 v43, v22;
	[tilespmem:s18+$0x1850] =	vst v47  }
0x7f: {  	v52 =	vld [tilespmem:s18+$0x18D0];
	[tilespmem:s18+$0x1860] =	vst v19;
	v19 =	vmul.f32 v45, v49  }
0x80: {  	v54 =	vld [tilespmem:s18+$0x18E0];
	v53 =	vmul.f32 v46, v49;
	[tilespmem:s18+$0x1870] =	vst v50  }
0x81: {  	v55 =	vld [tilespmem:s18+$0x18F0];
	[tilespmem:s18+$0x1880] =	vst v19;
	v19 =	vmul.f32 v48, v49  }
0x82: {  	v57 =	vld [tilespmem:s18+$0x1900];
	v56 =	vmul.f32 v27, v49;
	[tilespmem:s18+$0x1890] =	vst v53  }
0x83: {  	v58 =	vld [tilespmem:s18+$0x1910];
	[tilespmem:s18+$0x18A0] =	vst v19;
	v19 =	vmul.f32 v51, v49  }
0x84: {  	v60 =	vld [tilespmem:s18+$0x1920];
	v59 =	vmul.f32 v52, v49;
	[tilespmem:s18+$0x18B0] =	vst v56  }
0x85: {  	v62 =	vld [tilespmem:s18+$0x1930];
	v61 =	vperm.xlane v18, v3;
	[tilespmem:s18+$0x18C0] =	vst v19;
	v19 =	vmul.f32 v54, v49  }
0x86: {  	v28 =	vld [tilespmem:s18+$0x1940];
	v63 =	vmul.f32 v55, v49;
	[tilespmem:s18+$0x18D0] =	vst v59  }
0x87: {  	v29 =	vld [tilespmem:s18+$0x1950];
	[tilespmem:s18+$0x18E0] =	vst v19;
	v19 =	vmul.f32 v57, v61  }
0x88: {  	v31 =	vld [tilespmem:s18+$0x1960];
	v30 =	vmul.f32 v58, v61;
	[tilespmem:s18+$0x18F0] =	vst v63  }
0x89: {  	v32 =	vld [tilespmem:s18+$0x1970];
	[tilespmem:s18+$0x1900] =	vst v19;
	v19 =	vmul.f32 v60, v61  }
0x8a: {  	v34 =	vld [tilespmem:s18+$0x1980];
	v33 =	vmul.f32 v62, v61;
	[tilespmem:s18+$0x1910] =	vst v30  }
0x8b: {  	v35 =	vld [tilespmem:s18+$0x1990];
	[tilespmem:s18+$0x1920] =	vst v19;
	v19 =	vmul.f32 v28, v61  }
0x8c: {  	v37 =	vld [tilespmem:s18+$0x19A0];
	v36 =	vmul.f32 v29, v61;
	[tilespmem:s18+$0x1930] =	vst v33  }
0x8d: {  	v39 =	vld [tilespmem:s18+$0x19B0];
	v38 =	vperm.xlane v18, v4;
	[tilespmem:s18+$0x1940] =	vst v19;
	v19 =	vmul.f32 v31, v61  }
0x8e: {  	v41 =	vld [tilespmem:s18+$0x19C0];
	v40 =	vmul.f32 v32, v61;
	[tilespmem:s18+$0x1950] =	vst v36  }
0x8f: {  	v45 =	vld [tilespmem:s18+$0x19F0];
	[tilespmem:s18+$0x1960] =	vst v19;
	v19 =	vmul.f32 v34, v38  }
0x90: {  	v43 =	vmul.f32 v35, v38;
	[tilespmem:s18+$0x1970] =	vst v40;
	v44 =	vld [tilespmem:s18+$0x19E0]  }
0x91: {  	v42 =	vld [tilespmem:s18+$0x19D0];
	[tilespmem:s18+$0x1980] =	vst v19;
	v19 =	vmul.f32 v37, v38  }
0x92: {  	v46 =	vmul.f32 v39, v38;
	[tilespmem:s18+$0x1990] =	vst v43;
	v47 =	vld [tilespmem:s18+$0x1A00]  }
0x93: {  	v52 =	vld [tilespmem:s18+$0x1A30];
	[tilespmem:s18+$0x19A0] =	vst v19;
	v19 =	vmul.f32 v41, v38  }
0x94: {  	[tilespmem:s18+$0x19B0] =	vst v46;
	v50 =	vld [tilespmem:s18+$0x1A20];
	v53 =	vmul.f32 v45, v38  }
0x95: {  	v55 =	vld [tilespmem:s18+$0x1A50];
	v51 =	vperm.xlane v18, v5;
	[tilespmem:s18+$0x19C0] =	vst v19;
	v19 =	vmul.f32 v44, v38  }
0x96: {  	v49 =	vmul.f32 v42, v38;
	v54 =	vld [tilespmem:s18+$0x1A40];
	[tilespmem:s18+$0x19F0] =	vst v53  }
0x97: {  	v58 =	vld [tilespmem:s18+$0x1A70];
	[tilespmem:s18+$0x19E0] =	vst v19;
	v19 =	vmul.f32 v47, v51  }
0x98: {  	v59 =	vmul.f32 v52, v51;
	[tilespmem:s18+$0x19D0] =	vst v49;
	v57 =	vld [tilespmem:s18+$0x1A60]  }
0x99: {  	v48 =	vld [tilespmem:s18+$0x1A10];
	[tilespmem:s18+$0x1A00] =	vst v19;
	v19 =	vmul.f32 v50, v51  }
0x9a: {  	v62 =	vmul.f32 v55, v51;
	[tilespmem:s18+$0x1A30] =	vst v59;
	v60 =	vld [tilespmem:s18+$0x1A80]  }
0x9b: {  	v40 =	vld [tilespmem:s18+$0x1B10];
	[tilespmem:s18+$0x1A20] =	vst v19;
	v19 =	vmul.f32 v54, v51  }
0x9c: {  	v63 =	vld [tilespmem:s18+$0x1AA0];
	v32 =	vmul.f32 v58, v51;
	[tilespmem:s18+$0x1A50] =	vst v62  }
0x9d: {  	v30 =	vperm.xlane v18, v6;
	v61 =	vld [tilespmem:s18+$0x1A90];
	[tilespmem:s18+$0x1A40] =	vst v19;
	v19 =	vmul.f32 v57, v51  }
0x9e: {  	v33 =	vld [tilespmem:s18+$0x1AC0];
	v43 =	vperm.xlane v18, v7;
	v56 =	vmul.f32 v48, v51;
	[tilespmem:s18+$0x1A70] =	vst v32  }
0x9f: {  	v53 =	vld [tilespmem:s18+$0x1B90];
	[tilespmem:s18+$0x1A60] =	vst v19;
	v19 =	vmul.f32 v60, v30  }
0xa0: {  	v36 =	vld [tilespmem:s18+$0x1AE0];
	v48 =	vmul.f32 v40, v43;
	[tilespmem:s18+$0x1A10] =	vst v56  }
0xa1: {  	v31 =	vld [tilespmem:s18+$0x1AB0];
	[tilespmem:s18+$0x1A80] =	vst v19;
	v19 =	vmul.f32 v63, v30  }
0xa2: {  	v39 =	vld [tilespmem:s18+$0x1B00];
	[tilespmem:s18+$0x1B10] =	vst v48;
	v56 =	vperm.xlane v18, v8;
	v35 =	vmul.f32 v61, v30  }
0xa3: {  	v34 =	vld [tilespmem:s18+$0x1AD0];
	[tilespmem:s18+$0x1AA0] =	vst v19;
	v19 =	vmul.f32 v33, v30  }
0xa4: {  	v42 =	vld [tilespmem:s18+$0x1B20];
	v61 =	vmul.f32 v53, v56;
	[tilespmem:s18+$0x1A90] =	vst v35  }
0xa5: {  	v37 =	vld [tilespmem:s18+$0x1AF0];
	[tilespmem:s18+$0x1AC0] =	vst v19;
	v19 =	vmul.f32 v36, v30  }
0xa6: {  	v46 =	vld [tilespmem:s18+$0x1B40];
	[tilespmem:s18+$0x1B90] =	vst v61;
	v38 =	vmul.f32 v31, v30  }
0xa7: {  	v47 =	vld [tilespmem:s18+$0x1B50];
	[tilespmem:s18+$0x1AE0] =	vst v19;
	v19 =	vmul.f32 v39, v43  }
0xa8: {  	v49 =	vld [tilespmem:s18+$0x1B60];
	v41 =	vmul.f32 v34, v30;
	[tilespmem:s18+$0x1AB0] =	vst v38  }
0xa9: {  	v38 =	vld [tilespmem:s18+$0x1C50];
	[tilespmem:s18+$0x1B00] =	vst v19;
	v19 =	vmul.f32 v42, v43  }
0xaa: {  	v52 =	vld [tilespmem:s18+$0x1B80];
	[tilespmem:s18+$0x1AD0] =	vst v41;
	v45 =	vmul.f32 v37, v30  }
0xab: {  	v44 =	vld [tilespmem:s18+$0x1B30];
	[tilespmem:s18+$0x1B20] =	vst v19;
	v19 =	vmul.f32 v46, v43  }
0xac: {  	v55 =	vld [tilespmem:s18+$0x1BA0];
	v34 =	vperm.xlane v18, v9;
	[tilespmem:s18+$0x1AF0] =	vst v45;
	v54 =	vmul.f32 v47, v43  }
0xad: {  	v50 =	vld [tilespmem:s18+$0x1B70];
	[tilespmem:s18+$0x1B40] =	vst v19;
	v19 =	vmul.f32 v49, v43  }
0xae: {  	v59 =	vld [tilespmem:s18+$0x1BC0];
	v45 =	vmul.f32 v38, v34;
	[tilespmem:s18+$0x1B50] =	vst v54  }
0xaf: {  	v57 =	vld [tilespmem:s18+$0x1BB0];
	[tilespmem:s18+$0x1B60] =	vst v19;
	v19 =	vmul.f32 v52, v56  }
0xb0: {  	v62 =	vld [tilespmem:s18+$0x1BE0];
	v51 =	vmul.f32 v44, v43;
	[tilespmem:s18+$0x1C50] =	vst v45  }
0xb1: {  	v60 =	vld [tilespmem:s18+$0x1BD0];
	[tilespmem:s18+$0x1B80] =	vst v19;
	v19 =	vmul.f32 v55, v56  }
0xb2: {  	v58 =	vmul.f32 v50, v43;
	[tilespmem:s18+$0x1B30] =	vst v51;
	v30 =	vld [tilespmem:s18+$0x1C00]  }
0xb3: {  	v51 =	vld [tilespmem:s18+$0x1CD0];
	[tilespmem:s18+$0x1BA0] =	vst v19;
	v19 =	vmul.f32 v59, v56  }
0xb4: {  	[tilespmem:s18+$0x1B70] =	vst v58;
	v29 =	vmul.f32 v57, v56;
	v33 =	vld [tilespmem:s18+$0x1C20]  }
0xb5: {  	v63 =	vld [tilespmem:s18+$0x1BF0];
	[tilespmem:s18+$0x1BC0] =	vst v19;
	v19 =	vmul.f32 v62, v56  }
0xb6: {  	v37 =	vld [tilespmem:s18+$0x1C40];
	v47 =	vperm.xlane v18, v10;
	[tilespmem:s18+$0x1BB0] =	vst v29;
	v32 =	vmul.f32 v60, v56  }
0xb7: {  	v61 =	vld [tilespmem:s18+$0x1D30];
	[tilespmem:s18+$0x1BE0] =	vst v19;
	v19 =	vmul.f32 v30, v34  }
0xb8: {  	v40 =	vld [tilespmem:s18+$0x1C60];
	v58 =	vmul.f32 v51, v47;
	[tilespmem:s18+$0x1BD0] =	vst v32  }
0xb9: {  	v31 =	vld [tilespmem:s18+$0x1C10];
	[tilespmem:s18+$0x1C00] =	vst v19;
	v19 =	vmul.f32 v33, v34  }
0xba: {  	v60 =	vperm.xlane v18, v11;
	v36 =	vmul.f32 v63, v56;
	[tilespmem:s18+$0x1CD0] =	vst v58;
	v43 =	vld [tilespmem:s18+$0x1C80]  }
0xbb: {  	v57 =	vld [tilespmem:s18+$0x1D10];
	[tilespmem:s18+$0x1C20] =	vst v19;
	v19 =	vmul.f32 v37, v34  }
0xbc: {  	v32 =	vmul.f32 v61, v60;
	[tilespmem:s18+$0x1BF0] =	vst v36;
	v46 =	vld [tilespmem:s18+$0x1CA0]  }
0xbd: {  	v35 =	vld [tilespmem:s18+$0x1C30];
	[tilespmem:s18+$0x1C40] =	vst v19;
	v19 =	vmul.f32 v40, v34  }
0xbe: {  	v50 =	vld [tilespmem:s18+$0x1CC0];
	v39 =	vmul.f32 v31, v34;
	[tilespmem:s18+$0x1D30] =	vst v32  }
0xbf: {  	v28 =	vld [tilespmem:s18+$0x1D50];
	[tilespmem:s18+$0x1C60] =	vst v19;
	v19 =	vmul.f32 v43, v47  }
0xc0: {  	v53 =	vld [tilespmem:s18+$0x1CE0];
	v29 =	vmul.f32 v57, v60;
	[tilespmem:s18+$0x1C10] =	vst v39  }
0xc1: {  	v31 =	vld [tilespmem:s18+$0x1D70];
	[tilespmem:s18+$0x1C80] =	vst v19;
	v19 =	vmul.f32 v46, v47  }
0xc2: {  	v42 =	vmul.f32 v35, v34;
	[tilespmem:s18+$0x1D10] =	vst v29;
	v56 =	vld [tilespmem:s18+$0x1D00]  }
0xc3: {  	v41 =	vld [tilespmem:s18+$0x1C70];
	[tilespmem:s18+$0x1CA0] =	vst v19;
	v19 =	vmul.f32 v50, v47  }
0xc4: {  	v35 =	vmul.f32 v28, v60;
	[tilespmem:s18+$0x1C30] =	vst v42;
	v59 =	vld [tilespmem:s18+$0x1D20]  }
0xc5: {  	v44 =	vld [tilespmem:s18+$0x1C90];
	[tilespmem:s18+$0x1CC0] =	vst v19;
	v19 =	vmul.f32 v53, v47  }
0xc6: {  	v63 =	vld [tilespmem:s18+$0x1D40];
	[tilespmem:s18+$0x1D50] =	vst v35;
	v39 =	vmul.f32 v31, v60  }
0xc7: {  	v48 =	vld [tilespmem:s18+$0x1CB0];
	[tilespmem:s18+$0x1CE0] =	vst v19;
	v19 =	vmul.f32 v56, v60  }
0xc8: {  	v49 =	vmul.f32 v41, v34;
	[tilespmem:s18+$0x1D70] =	vst v39;
	v30 =	vld [tilespmem:s18+$0x1D60]  }
0xc9: {  	v54 =	vld [tilespmem:s18+$0x1CF0];
	[tilespmem:s18+$0x1D00] =	vst v19;
	v19 =	vmul.f32 v59, v60  }
0xca: {  	[tilespmem:s18+$0x1C70] =	vst v49;
	v52 =	vmul.f32 v44, v47;
	v33 =	vld [tilespmem:s18+$0x1D80]  }
0xcb: {  	v38 =	vld [tilespmem:s18+$0x1DB0];
	[tilespmem:s18+$0x1D20] =	vst v19;
	v19 =	vmul.f32 v63, v60  }
0xcc: {  	v36 =	vld [tilespmem:s18+$0x1DA0];
	[tilespmem:s18+$0x1C90] =	vst v52;
	v55 =	vmul.f32 v48, v47  }
0xcd: {  	v41 =	vld [tilespmem:s18+$0x1DD0];
	v37 =	vperm.xlane v18, v12;
	[tilespmem:s18+$0x1D40] =	vst v19;
	v19 =	vmul.f32 v30, v60  }
0xce: {  	[tilespmem:s18+$0x1CB0] =	vst v55;
	v62 =	vmul.f32 v54, v47;
	v40 =	vld [tilespmem:s18+$0x1DC0]  }
0xcf: {  	v44 =	vld [tilespmem:s18+$0x1DF0];
	[tilespmem:s18+$0x1D60] =	vst v19;
	v19 =	vmul.f32 v33, v37  }
0xd0: {  	[tilespmem:s18+$0x1CF0] =	vst v62;
	v45 =	vmul.f32 v38, v37;
	v43 =	vld [tilespmem:s18+$0x1DE0]  }
0xd1: {  	v34 =	vld [tilespmem:s18+$0x1D90];
	[tilespmem:s18+$0x1D80] =	vst v19;
	v19 =	vmul.f32 v36, v37  }
0xd2: {  	v48 =	vmul.f32 v41, v37;
	[tilespmem:s18+$0x1DB0] =	vst v45;
	v46 =	vld [tilespmem:s18+$0x1E00]  }
0xd3: {  	v51 =	vld [tilespmem:s18+$0x1E30];
	[tilespmem:s18+$0x1DA0] =	vst v19;
	v19 =	vmul.f32 v40, v37  }
0xd4: {  	v49 =	vld [tilespmem:s18+$0x1E20];
	v52 =	vmul.f32 v44, v37;
	[tilespmem:s18+$0x1DD0] =	vst v48  }
0xd5: {  	v54 =	vld [tilespmem:s18+$0x1E50];
	v50 =	vperm.xlane v18, v13;
	[tilespmem:s18+$0x1DC0] =	vst v19;
	v19 =	vmul.f32 v43, v37  }
0xd6: {  	[tilespmem:s18+$0x1DF0] =	vst v52;
	v42 =	vmul.f32 v34, v37;
	v53 =	vld [tilespmem:s18+$0x1E40]  }
0xd7: {  	v57 =	vld [tilespmem:s18+$0x1E70];
	[tilespmem:s18+$0x1DE0] =	vst v19;
	v19 =	vmul.f32 v46, v50  }
0xd8: {  	[tilespmem:s18+$0x1D90] =	vst v42;
	v58 =	vmul.f32 v51, v50;
	v56 =	vld [tilespmem:s18+$0x1E60]  }
0xd9: {  	v47 =	vld [tilespmem:s18+$0x1E10];
	[tilespmem:s18+$0x1E00] =	vst v19;
	v19 =	vmul.f32 v49, v50  }
0xda: {  	v61 =	vmul.f32 v54, v50;
	[tilespmem:s18+$0x1E30] =	vst v58;
	v59 =	vld [tilespmem:s18+$0x1E80]  }
0xdb: {  	v39 =	vld [tilespmem:s18+$0x1F10];
	[tilespmem:s18+$0x1E20] =	vst v19;
	v19 =	vmul.f32 v53, v50  }
0xdc: {  	v62 =	vld [tilespmem:s18+$0x1EA0];
	v31 =	vmul.f32 v57, v50;
	[tilespmem:s18+$0x1E50] =	vst v61  }
0xdd: {  	v63 =	vperm.xlane v18, v14;
	v60 =	vld [tilespmem:s18+$0x1E90];
	[tilespmem:s18+$0x1E40] =	vst v19;
	v19 =	vmul.f32 v56, v50  }
0xde: {  	v32 =	vld [tilespmem:s18+$0x1EC0];
	v42 =	vperm.xlane v18, v15;
	[tilespmem:s18+$0x1E70] =	vst v31;
	v55 =	vmul.f32 v47, v50  }
0xdf: {  	v33 =	vld [tilespmem:s18+$0x1ED0];
	[tilespmem:s18+$0x1E60] =	vst v19;
	v19 =	vmul.f32 v59, v63  }
0xe0: {  	v35 =	vld [tilespmem:s18+$0x1EE0];
	v47 =	vmul.f32 v39, v42;
	[tilespmem:s18+$0x1E10] =	vst v55  }
0xe1: {  	v30 =	vld [tilespmem:s18+$0x1EB0];
	[tilespmem:s18+$0x1E80] =	vst v19;
	v19 =	vmul.f32 v62, v63  }
0xe2: {  	v38 =	vld [tilespmem:s18+$0x1F00];
	[tilespmem:s18+$0x1F10] =	vst v47;
	v34 =	vmul.f32 v60, v63  }
0xe3: {  	v36 =	vld [tilespmem:s18+$0x1EF0];
	[tilespmem:s18+$0x1EA0] =	vst v19;
	v19 =	vmul.f32 v32, v63  }
0xe4: {  	v41 =	vld [tilespmem:s18+$0x1F20];
	[tilespmem:s18+$0x1E90] =	vst v34;
	v40 =	vmul.f32 v33, v63  }
0xe5: {  	v46 =	vld [tilespmem:s18+$0x1F50];
	[tilespmem:s18+$0x1EC0] =	vst v19;
	v19 =	vmul.f32 v35, v63  }
0xe6: {  	v45 =	vld [tilespmem:s18+$0x1F40];
	v37 =	vmul.f32 v30, v63;
	[tilespmem:s18+$0x1ED0] =	vst v40  }
0xe7: {  	v43 =	vld [tilespmem:s18+$0x1F30];
	[tilespmem:s18+$0x1EE0] =	vst v19;
	v19 =	vmul.f32 v38, v42  }
0xe8: {  	v48 =	vld [tilespmem:s18+$0x1F60];
	v44 =	vmul.f32 v36, v63;
	[tilespmem:s18+$0x1EB0] =	vst v37  }
0xe9: {  	v49 =	vld [tilespmem:s18+$0x1F70];
	[tilespmem:s18+$0x1F00] =	vst v19;
	v19 =	vmul.f32 v41, v42  }
0xea: {  	v51 =	vld [tilespmem:s18+$0x1F80];
	[tilespmem:s18+$0x1EF0] =	vst v44;
	v53 =	vmul.f32 v46, v42  }
0xeb: {  	v52 =	vld [tilespmem:s18+$0x1F90];
	[tilespmem:s18+$0x1F20] =	vst v19;
	v19 =	vmul.f32 v45, v42  }
0xec: {  	v54 =	vld [tilespmem:s18+$0x1FA0];
	v50 =	vmul.f32 v43, v42;
	[tilespmem:s18+$0x1F50] =	vst v53  }
0xed: {  	v18 =	vperm.xlane v18, v16;
	v55 =	vld [tilespmem:s18+$0x1FB0];
	[tilespmem:s18+$0x1F40] =	vst v19;
	v19 =	vmul.f32 v48, v42  }
0xee: {  	v57 =	vld [tilespmem:s18+$0x1FC0];
	v56 =	vmul.f32 v49, v42;
	[tilespmem:s18+$0x1F30] =	vst v50  }
0xef: {  	v58 =	vld [tilespmem:s18+$0x1FD0];
	[tilespmem:s18+$0x1F60] =	vst v19;
	v19 =	vmul.f32 v51, v18  }
0xf0: {  	v60 =	vld [tilespmem:s18+$0x1FE0];
	v59 =	vmul.f32 v52, v18;
	[tilespmem:s18+$0x1F70] =	vst v56  }
0xf1: {  	v61 =	vld [tilespmem:s18+$0x1FF0];
	[tilespmem:s18+$0x1F80] =	vst v19;
	v19 =	vmul.f32 v54, v18  }
0xf2: {  	[tilespmem:s18+$0x1F90] =	vst v59;
	v62 =	vmul.f32 v55, v18  }
0xf3: {  	p1 =	sne.s32 s15, $0x7;
	[tilespmem:s18+$0x1FA0] =	vst v19;
	v19 =	vmul.f32 v57, v18  }
.Ltmp1:
0xf4: {  	[tilespmem:s18+$0x1FB0] =	vst v62;
	v63 =	vmul.f32 v58, v18;
	(pc) =	sbr.rel @p1 .LBB2_6-.Ltmp1, $4  }
0xf5: {  	[tilespmem:s18+$0x1FC0] =	vst v19;
	v19 =	vmul.f32 v60, v18  }
0xf6: {  	[tilespmem:s18+$0x1FD0] =	vst v63;
	v18 =	vmul.f32 v61, v18  }
0xf7: {  	[tilespmem:s18+$0x1FE0] =	vst v19  }
0xf8: {  	s15 =	sadd.s32 $0x1, s15;
	[tilespmem:s18+$0x1FF0] =	vst v18  }
0xf9: {  	[spmem:s3] =	stream.indirect.scatter.add.f32 [tilespmem:s21], [sflag:$0x3], $0x80, s14, s31, $0xb8;
	[tilespmem:$0x1D080] =	vst v63  }
0xfa: {  	_ =	swait.ge [sflag:s0], $0x2000  }
0xfb: {  	[sflag:s0] =	ssyncset.done $0x0  }
0xfc: {  	s15 =	sadd.s32 $0x1000, s13;
	[sflag:s0] =	ssyncadd.s32 $0xFFFFE000  }
0xfd: {  	v17 =	vmov s15;
	_ =	swait.ge [sflag:s0], $0x2000  }
0xfe: {  	[sflag:s0] =	ssyncset.done $0x0  }
0xff: {  	s14 =	simm.s32 $0x0;
	[sflag:s0] =	ssyncadd.s32 $0xFFFFE000  }
.LBB2_8:
0x100: {  	s15 =	sshll.u32 s14, $0x4  }
0x101: {  	s15 =	sand.u32 $0x3FFFFFF0, s15  }
0x102: {  	s18 =	sshll.u32 s14, $0xB;
	v18 =	vld.idx.msk [tilespmem:v17+s15+$0x0 ss:$0x1], $0xffff  }
0x103: {  	s15 =	sand.u32 $0x3FFFF800, s18  }
0x104: {  	v19 =	vld [tilespmem:s15+$0x5800]  }
0x105: {  	v20 =	vld [tilespmem:s15+$0x5810]  }
0x106: {  	v21 =	vld [tilespmem:s15+$0x5820]  }
0x107: {  	v23 =	vld [tilespmem:s15+$0x5830];
	v22 =	vperm.xlane v18, v1  }
0x108: {  	v24 =	vld [tilespmem:s15+$0x5840]  }
0x109: {  	v25 =	vld [tilespmem:s15+$0x5850];
	v19 =	vmul.f32 v19, v22  }
0x10a: {  	v26 =	vld [tilespmem:s15+$0x5860];
	v20 =	vmul.f32 v20, v22  }
0x10b: {  	v43 =	vld [tilespmem:s15+$0x5870];
	[tilespmem:s15+$0x5800] =	vst v19;
	v19 =	vmul.f32 v21, v22  }
0x10c: {  	v45 =	vld [tilespmem:s15+$0x5880];
	v44 =	vmul.f32 v23, v22;
	[tilespmem:s15+$0x5810] =	vst v20  }
0x10d: {  	v46 =	vld [tilespmem:s15+$0x5890];
	[tilespmem:s15+$0x5820] =	vst v19;
	v19 =	vmul.f32 v24, v22  }
0x10e: {  	v48 =	vld [tilespmem:s15+$0x58A0];
	v47 =	vmul.f32 v25, v22;
	[tilespmem:s15+$0x5830] =	vst v44  }
0x10f: {  	v27 =	vld [tilespmem:s15+$0x58B0];
	v49 =	vperm.xlane v18, v2;
	[tilespmem:s15+$0x5840] =	vst v19;
	v19 =	vmul.f32 v26, v22  }
0x110: {  	v51 =	vld [tilespmem:s15+$0x58C0];
	v50 =	vmul.f32 v43, v22;
	[tilespmem:s15+$0x5850] =	vst v47  }
0x111: {  	v52 =	vld [tilespmem:s15+$0x58D0];
	[tilespmem:s15+$0x5860] =	vst v19;
	v19 =	vmul.f32 v45, v49  }
0x112: {  	v54 =	vld [tilespmem:s15+$0x58E0];
	v53 =	vmul.f32 v46, v49;
	[tilespmem:s15+$0x5870] =	vst v50  }
0x113: {  	v55 =	vld [tilespmem:s15+$0x58F0];
	[tilespmem:s15+$0x5880] =	vst v19;
	v19 =	vmul.f32 v48, v49  }
0x114: {  	v57 =	vld [tilespmem:s15+$0x5900];
	v56 =	vmul.f32 v27, v49;
	[tilespmem:s15+$0x5890] =	vst v53  }
0x115: {  	v58 =	vld [tilespmem:s15+$0x5910];
	[tilespmem:s15+$0x58A0] =	vst v19;
	v19 =	vmul.f32 v51, v49  }
0x116: {  	v60 =	vld [tilespmem:s15+$0x5920];
	v59 =	vmul.f32 v52, v49;
	[tilespmem:s15+$0x58B0] =	vst v56  }
0x117: {  	v62 =	vld [tilespmem:s15+$0x5930];
	v61 =	vperm.xlane v18, v3;
	[tilespmem:s15+$0x58C0] =	vst v19;
	v19 =	vmul.f32 v54, v49  }
0x118: {  	v28 =	vld [tilespmem:s15+$0x5940];
	v63 =	vmul.f32 v55, v49;
	[tilespmem:s15+$0x58D0] =	vst v59  }
0x119: {  	v29 =	vld [tilespmem:s15+$0x5950];
	[tilespmem:s15+$0x58E0] =	vst v19;
	v19 =	vmul.f32 v57, v61  }
0x11a: {  	v31 =	vld [tilespmem:s15+$0x5960];
	v30 =	vmul.f32 v58, v61;
	[tilespmem:s15+$0x58F0] =	vst v63  }
0x11b: {  	v32 =	vld [tilespmem:s15+$0x5970];
	[tilespmem:s15+$0x5900] =	vst v19;
	v19 =	vmul.f32 v60, v61  }
0x11c: {  	v34 =	vld [tilespmem:s15+$0x5980];
	v33 =	vmul.f32 v62, v61;
	[tilespmem:s15+$0x5910] =	vst v30  }
0x11d: {  	v35 =	vld [tilespmem:s15+$0x5990];
	[tilespmem:s15+$0x5920] =	vst v19;
	v19 =	vmul.f32 v28, v61  }
0x11e: {  	v37 =	vld [tilespmem:s15+$0x59A0];
	v36 =	vmul.f32 v29, v61;
	[tilespmem:s15+$0x5930] =	vst v33  }
0x11f: {  	v39 =	vld [tilespmem:s15+$0x59B0];
	v38 =	vperm.xlane v18, v4;
	[tilespmem:s15+$0x5940] =	vst v19;
	v19 =	vmul.f32 v31, v61  }
0x120: {  	v41 =	vld [tilespmem:s15+$0x59C0];
	v40 =	vmul.f32 v32, v61;
	[tilespmem:s15+$0x5950] =	vst v36  }
0x121: {  	v45 =	vld [tilespmem:s15+$0x59F0];
	[tilespmem:s15+$0x5960] =	vst v19;
	v19 =	vmul.f32 v34, v38  }
0x122: {  	v43 =	vmul.f32 v35, v38;
	[tilespmem:s15+$0x5970] =	vst v40;
	v44 =	vld [tilespmem:s15+$0x59E0]  }
0x123: {  	v42 =	vld [tilespmem:s15+$0x59D0];
	[tilespmem:s15+$0x5980] =	vst v19;
	v19 =	vmul.f32 v37, v38  }
0x124: {  	v46 =	vmul.f32 v39, v38;
	[tilespmem:s15+$0x5990] =	vst v43;
	v47 =	vld [tilespmem:s15+$0x5A00]  }
0x125: {  	v52 =	vld [tilespmem:s15+$0x5A30];
	[tilespmem:s15+$0x59A0] =	vst v19;
	v19 =	vmul.f32 v41, v38  }
0x126: {  	[tilespmem:s15+$0x59B0] =	vst v46;
	v50 =	vld [tilespmem:s15+$0x5A20];
	v53 =	vmul.f32 v45, v38  }
0x127: {  	v55 =	vld [tilespmem:s15+$0x5A50];
	v51 =	vperm.xlane v18, v5;
	[tilespmem:s15+$0x59C0] =	vst v19;
	v19 =	vmul.f32 v44, v38  }
0x128: {  	v49 =	vmul.f32 v42, v38;
	v54 =	vld [tilespmem:s15+$0x5A40];
	[tilespmem:s15+$0x59F0] =	vst v53  }
0x129: {  	v58 =	vld [tilespmem:s15+$0x5A70];
	[tilespmem:s15+$0x59E0] =	vst v19;
	v19 =	vmul.f32 v47, v51  }
0x12a: {  	v59 =	vmul.f32 v52, v51;
	[tilespmem:s15+$0x59D0] =	vst v49;
	v57 =	vld [tilespmem:s15+$0x5A60]  }
0x12b: {  	v48 =	vld [tilespmem:s15+$0x5A10];
	[tilespmem:s15+$0x5A00] =	vst v19;
	v19 =	vmul.f32 v50, v51  }
0x12c: {  	v62 =	vmul.f32 v55, v51;
	[tilespmem:s15+$0x5A30] =	vst v59;
	v60 =	vld [tilespmem:s15+$0x5A80]  }
0x12d: {  	v40 =	vld [tilespmem:s15+$0x5B10];
	[tilespmem:s15+$0x5A20] =	vst v19;
	v19 =	vmul.f32 v54, v51  }
0x12e: {  	v63 =	vld [tilespmem:s15+$0x5AA0];
	v32 =	vmul.f32 v58, v51;
	[tilespmem:s15+$0x5A50] =	vst v62  }
0x12f: {  	v30 =	vperm.xlane v18, v6;
	v61 =	vld [tilespmem:s15+$0x5A90];
	[tilespmem:s15+$0x5A40] =	vst v19;
	v19 =	vmul.f32 v57, v51  }
0x130: {  	v33 =	vld [tilespmem:s15+$0x5AC0];
	v43 =	vperm.xlane v18, v7;
	v56 =	vmul.f32 v48, v51;
	[tilespmem:s15+$0x5A70] =	vst v32  }
0x131: {  	v53 =	vld [tilespmem:s15+$0x5B90];
	[tilespmem:s15+$0x5A60] =	vst v19;
	v19 =	vmul.f32 v60, v30  }
0x132: {  	v36 =	vld [tilespmem:s15+$0x5AE0];
	v48 =	vmul.f32 v40, v43;
	[tilespmem:s15+$0x5A10] =	vst v56  }
0x133: {  	v31 =	vld [tilespmem:s15+$0x5AB0];
	[tilespmem:s15+$0x5A80] =	vst v19;
	v19 =	vmul.f32 v63, v30  }
0x134: {  	v39 =	vld [tilespmem:s15+$0x5B00];
	[tilespmem:s15+$0x5B10] =	vst v48;
	v56 =	vperm.xlane v18, v8;
	v35 =	vmul.f32 v61, v30  }
0x135: {  	v34 =	vld [tilespmem:s15+$0x5AD0];
	[tilespmem:s15+$0x5AA0] =	vst v19;
	v19 =	vmul.f32 v33, v30  }
0x136: {  	v42 =	vld [tilespmem:s15+$0x5B20];
	v61 =	vmul.f32 v53, v56;
	[tilespmem:s15+$0x5A90] =	vst v35  }
0x137: {  	v37 =	vld [tilespmem:s15+$0x5AF0];
	[tilespmem:s15+$0x5AC0] =	vst v19;
	v19 =	vmul.f32 v36, v30  }
0x138: {  	v46 =	vld [tilespmem:s15+$0x5B40];
	[tilespmem:s15+$0x5B90] =	vst v61;
	v38 =	vmul.f32 v31, v30  }
0x139: {  	v47 =	vld [tilespmem:s15+$0x5B50];
	[tilespmem:s15+$0x5AE0] =	vst v19;
	v19 =	vmul.f32 v39, v43  }
0x13a: {  	v49 =	vld [tilespmem:s15+$0x5B60];
	v41 =	vmul.f32 v34, v30;
	[tilespmem:s15+$0x5AB0] =	vst v38  }
0x13b: {  	v38 =	vld [tilespmem:s15+$0x5C50];
	[tilespmem:s15+$0x5B00] =	vst v19;
	v19 =	vmul.f32 v42, v43  }
0x13c: {  	v52 =	vld [tilespmem:s15+$0x5B80];
	[tilespmem:s15+$0x5AD0] =	vst v41;
	v45 =	vmul.f32 v37, v30  }
0x13d: {  	v44 =	vld [tilespmem:s15+$0x5B30];
	[tilespmem:s15+$0x5B20] =	vst v19;
	v19 =	vmul.f32 v46, v43  }
0x13e: {  	v55 =	vld [tilespmem:s15+$0x5BA0];
	v34 =	vperm.xlane v18, v9;
	[tilespmem:s15+$0x5AF0] =	vst v45;
	v54 =	vmul.f32 v47, v43  }
0x13f: {  	v50 =	vld [tilespmem:s15+$0x5B70];
	[tilespmem:s15+$0x5B40] =	vst v19;
	v19 =	vmul.f32 v49, v43  }
0x140: {  	v59 =	vld [tilespmem:s15+$0x5BC0];
	v45 =	vmul.f32 v38, v34;
	[tilespmem:s15+$0x5B50] =	vst v54  }
0x141: {  	v57 =	vld [tilespmem:s15+$0x5BB0];
	[tilespmem:s15+$0x5B60] =	vst v19;
	v19 =	vmul.f32 v52, v56  }
0x142: {  	v62 =	vld [tilespmem:s15+$0x5BE0];
	v51 =	vmul.f32 v44, v43;
	[tilespmem:s15+$0x5C50] =	vst v45  }
0x143: {  	v60 =	vld [tilespmem:s15+$0x5BD0];
	[tilespmem:s15+$0x5B80] =	vst v19;
	v19 =	vmul.f32 v55, v56  }
0x144: {  	v58 =	vmul.f32 v50, v43;
	[tilespmem:s15+$0x5B30] =	vst v51;
	v30 =	vld [tilespmem:s15+$0x5C00]  }
0x145: {  	v51 =	vld [tilespmem:s15+$0x5CD0];
	[tilespmem:s15+$0x5BA0] =	vst v19;
	v19 =	vmul.f32 v59, v56  }
0x146: {  	[tilespmem:s15+$0x5B70] =	vst v58;
	v29 =	vmul.f32 v57, v56;
	v33 =	vld [tilespmem:s15+$0x5C20]  }
0x147: {  	v63 =	vld [tilespmem:s15+$0x5BF0];
	[tilespmem:s15+$0x5BC0] =	vst v19;
	v19 =	vmul.f32 v62, v56  }
0x148: {  	v37 =	vld [tilespmem:s15+$0x5C40];
	v47 =	vperm.xlane v18, v10;
	[tilespmem:s15+$0x5BB0] =	vst v29;
	v32 =	vmul.f32 v60, v56  }
0x149: {  	v61 =	vld [tilespmem:s15+$0x5D30];
	[tilespmem:s15+$0x5BE0] =	vst v19;
	v19 =	vmul.f32 v30, v34  }
0x14a: {  	v40 =	vld [tilespmem:s15+$0x5C60];
	v58 =	vmul.f32 v51, v47;
	[tilespmem:s15+$0x5BD0] =	vst v32  }
0x14b: {  	v31 =	vld [tilespmem:s15+$0x5C10];
	[tilespmem:s15+$0x5C00] =	vst v19;
	v19 =	vmul.f32 v33, v34  }
0x14c: {  	v60 =	vperm.xlane v18, v11;
	v36 =	vmul.f32 v63, v56;
	[tilespmem:s15+$0x5CD0] =	vst v58;
	v43 =	vld [tilespmem:s15+$0x5C80]  }
0x14d: {  	v57 =	vld [tilespmem:s15+$0x5D10];
	[tilespmem:s15+$0x5C20] =	vst v19;
	v19 =	vmul.f32 v37, v34  }
0x14e: {  	v32 =	vmul.f32 v61, v60;
	[tilespmem:s15+$0x5BF0] =	vst v36;
	v46 =	vld [tilespmem:s15+$0x5CA0]  }
0x14f: {  	v35 =	vld [tilespmem:s15+$0x5C30];
	[tilespmem:s15+$0x5C40] =	vst v19;
	v19 =	vmul.f32 v40, v34  }
0x150: {  	v50 =	vld [tilespmem:s15+$0x5CC0];
	v39 =	vmul.f32 v31, v34;
	[tilespmem:s15+$0x5D30] =	vst v32  }
0x151: {  	v28 =	vld [tilespmem:s15+$0x5D50];
	[tilespmem:s15+$0x5C60] =	vst v19;
	v19 =	vmul.f32 v43, v47  }
0x152: {  	v53 =	vld [tilespmem:s15+$0x5CE0];
	v29 =	vmul.f32 v57, v60;
	[tilespmem:s15+$0x5C10] =	vst v39  }
0x153: {  	v31 =	vld [tilespmem:s15+$0x5D70];
	[tilespmem:s15+$0x5C80] =	vst v19;
	v19 =	vmul.f32 v46, v47  }
0x154: {  	v42 =	vmul.f32 v35, v34;
	[tilespmem:s15+$0x5D10] =	vst v29;
	v56 =	vld [tilespmem:s15+$0x5D00]  }
0x155: {  	v41 =	vld [tilespmem:s15+$0x5C70];
	[tilespmem:s15+$0x5CA0] =	vst v19;
	v19 =	vmul.f32 v50, v47  }
0x156: {  	v35 =	vmul.f32 v28, v60;
	[tilespmem:s15+$0x5C30] =	vst v42;
	v59 =	vld [tilespmem:s15+$0x5D20]  }
0x157: {  	v44 =	vld [tilespmem:s15+$0x5C90];
	[tilespmem:s15+$0x5CC0] =	vst v19;
	v19 =	vmul.f32 v53, v47  }
0x158: {  	v63 =	vld [tilespmem:s15+$0x5D40];
	[tilespmem:s15+$0x5D50] =	vst v35;
	v39 =	vmul.f32 v31, v60  }
0x159: {  	v48 =	vld [tilespmem:s15+$0x5CB0];
	[tilespmem:s15+$0x5CE0] =	vst v19;
	v19 =	vmul.f32 v56, v60  }
0x15a: {  	v49 =	vmul.f32 v41, v34;
	[tilespmem:s15+$0x5D70] =	vst v39;
	v30 =	vld [tilespmem:s15+$0x5D60]  }
0x15b: {  	v54 =	vld [tilespmem:s15+$0x5CF0];
	[tilespmem:s15+$0x5D00] =	vst v19;
	v19 =	vmul.f32 v59, v60  }
0x15c: {  	[tilespmem:s15+$0x5C70] =	vst v49;
	v52 =	vmul.f32 v44, v47;
	v33 =	vld [tilespmem:s15+$0x5D80]  }
0x15d: {  	v38 =	vld [tilespmem:s15+$0x5DB0];
	[tilespmem:s15+$0x5D20] =	vst v19;
	v19 =	vmul.f32 v63, v60  }
0x15e: {  	v36 =	vld [tilespmem:s15+$0x5DA0];
	[tilespmem:s15+$0x5C90] =	vst v52;
	v55 =	vmul.f32 v48, v47  }
0x15f: {  	v41 =	vld [tilespmem:s15+$0x5DD0];
	v37 =	vperm.xlane v18, v12;
	[tilespmem:s15+$0x5D40] =	vst v19;
	v19 =	vmul.f32 v30, v60  }
0x160: {  	[tilespmem:s15+$0x5CB0] =	vst v55;
	v62 =	vmul.f32 v54, v47;
	v40 =	vld [tilespmem:s15+$0x5DC0]  }
0x161: {  	v44 =	vld [tilespmem:s15+$0x5DF0];
	[tilespmem:s15+$0x5D60] =	vst v19;
	v19 =	vmul.f32 v33, v37  }
0x162: {  	[tilespmem:s15+$0x5CF0] =	vst v62;
	v45 =	vmul.f32 v38, v37;
	v43 =	vld [tilespmem:s15+$0x5DE0]  }
0x163: {  	v34 =	vld [tilespmem:s15+$0x5D90];
	[tilespmem:s15+$0x5D80] =	vst v19;
	v19 =	vmul.f32 v36, v37  }
0x164: {  	v48 =	vmul.f32 v41, v37;
	[tilespmem:s15+$0x5DB0] =	vst v45;
	v46 =	vld [tilespmem:s15+$0x5E00]  }
0x165: {  	v51 =	vld [tilespmem:s15+$0x5E30];
	[tilespmem:s15+$0x5DA0] =	vst v19;
	v19 =	vmul.f32 v40, v37  }
0x166: {  	v49 =	vld [tilespmem:s15+$0x5E20];
	v52 =	vmul.f32 v44, v37;
	[tilespmem:s15+$0x5DD0] =	vst v48  }
0x167: {  	v54 =	vld [tilespmem:s15+$0x5E50];
	v50 =	vperm.xlane v18, v13;
	[tilespmem:s15+$0x5DC0] =	vst v19;
	v19 =	vmul.f32 v43, v37  }
0x168: {  	[tilespmem:s15+$0x5DF0] =	vst v52;
	v42 =	vmul.f32 v34, v37;
	v53 =	vld [tilespmem:s15+$0x5E40]  }
0x169: {  	v57 =	vld [tilespmem:s15+$0x5E70];
	[tilespmem:s15+$0x5DE0] =	vst v19;
	v19 =	vmul.f32 v46, v50  }
0x16a: {  	[tilespmem:s15+$0x5D90] =	vst v42;
	v58 =	vmul.f32 v51, v50;
	v56 =	vld [tilespmem:s15+$0x5E60]  }
0x16b: {  	v47 =	vld [tilespmem:s15+$0x5E10];
	[tilespmem:s15+$0x5E00] =	vst v19;
	v19 =	vmul.f32 v49, v50  }
0x16c: {  	v61 =	vmul.f32 v54, v50;
	[tilespmem:s15+$0x5E30] =	vst v58;
	v59 =	vld [tilespmem:s15+$0x5E80]  }
0x16d: {  	v39 =	vld [tilespmem:s15+$0x5F10];
	[tilespmem:s15+$0x5E20] =	vst v19;
	v19 =	vmul.f32 v53, v50  }
0x16e: {  	v62 =	vld [tilespmem:s15+$0x5EA0];
	v31 =	vmul.f32 v57, v50;
	[tilespmem:s15+$0x5E50] =	vst v61  }
0x16f: {  	v63 =	vperm.xlane v18, v14;
	v60 =	vld [tilespmem:s15+$0x5E90];
	[tilespmem:s15+$0x5E40] =	vst v19;
	v19 =	vmul.f32 v56, v50  }
0x170: {  	v32 =	vld [tilespmem:s15+$0x5EC0];
	v42 =	vperm.xlane v18, v15;
	[tilespmem:s15+$0x5E70] =	vst v31;
	v55 =	vmul.f32 v47, v50  }
0x171: {  	v33 =	vld [tilespmem:s15+$0x5ED0];
	[tilespmem:s15+$0x5E60] =	vst v19;
	v19 =	vmul.f32 v59, v63  }
0x172: {  	v35 =	vld [tilespmem:s15+$0x5EE0];
	v47 =	vmul.f32 v39, v42;
	[tilespmem:s15+$0x5E10] =	vst v55  }
0x173: {  	v30 =	vld [tilespmem:s15+$0x5EB0];
	[tilespmem:s15+$0x5E80] =	vst v19;
	v19 =	vmul.f32 v62, v63  }
0x174: {  	v38 =	vld [tilespmem:s15+$0x5F00];
	[tilespmem:s15+$0x5F10] =	vst v47;
	v34 =	vmul.f32 v60, v63  }
0x175: {  	v36 =	vld [tilespmem:s15+$0x5EF0];
	[tilespmem:s15+$0x5EA0] =	vst v19;
	v19 =	vmul.f32 v32, v63  }
0x176: {  	v41 =	vld [tilespmem:s15+$0x5F20];
	[tilespmem:s15+$0x5E90] =	vst v34;
	v40 =	vmul.f32 v33, v63  }
0x177: {  	v46 =	vld [tilespmem:s15+$0x5F50];
	[tilespmem:s15+$0x5EC0] =	vst v19;
	v19 =	vmul.f32 v35, v63  }
0x178: {  	v45 =	vld [tilespmem:s15+$0x5F40];
	v37 =	vmul.f32 v30, v63;
	[tilespmem:s15+$0x5ED0] =	vst v40  }
0x179: {  	v43 =	vld [tilespmem:s15+$0x5F30];
	[tilespmem:s15+$0x5EE0] =	vst v19;
	v19 =	vmul.f32 v38, v42  }
0x17a: {  	v48 =	vld [tilespmem:s15+$0x5F60];
	v44 =	vmul.f32 v36, v63;
	[tilespmem:s15+$0x5EB0] =	vst v37  }
0x17b: {  	v49 =	vld [tilespmem:s15+$0x5F70];
	[tilespmem:s15+$0x5F00] =	vst v19;
	v19 =	vmul.f32 v41, v42  }
0x17c: {  	v51 =	vld [tilespmem:s15+$0x5F80];
	[tilespmem:s15+$0x5EF0] =	vst v44;
	v53 =	vmul.f32 v46, v42  }
0x17d: {  	v52 =	vld [tilespmem:s15+$0x5F90];
	[tilespmem:s15+$0x5F20] =	vst v19;
	v19 =	vmul.f32 v45, v42  }
0x17e: {  	v54 =	vld [tilespmem:s15+$0x5FA0];
	v50 =	vmul.f32 v43, v42;
	[tilespmem:s15+$0x5F50] =	vst v53  }
0x17f: {  	v18 =	vperm.xlane v18, v16;
	v55 =	vld [tilespmem:s15+$0x5FB0];
	[tilespmem:s15+$0x5F40] =	vst v19;
	v19 =	vmul.f32 v48, v42  }
0x180: {  	v57 =	vld [tilespmem:s15+$0x5FC0];
	v56 =	vmul.f32 v49, v42;
	[tilespmem:s15+$0x5F30] =	vst v50  }
0x181: {  	v58 =	vld [tilespmem:s15+$0x5FD0];
	[tilespmem:s15+$0x5F60] =	vst v19;
	v19 =	vmul.f32 v51, v18  }
0x182: {  	v60 =	vld [tilespmem:s15+$0x5FE0];
	v59 =	vmul.f32 v52, v18;
	[tilespmem:s15+$0x5F70] =	vst v56  }
0x183: {  	v61 =	vld [tilespmem:s15+$0x5FF0];
	[tilespmem:s15+$0x5F80] =	vst v19;
	v19 =	vmul.f32 v54, v18  }
0x184: {  	[tilespmem:s15+$0x5F90] =	vst v59;
	v62 =	vmul.f32 v55, v18  }
0x185: {  	p1 =	sne.s32 s14, $0x7;
	[tilespmem:s15+$0x5FA0] =	vst v19;
	v19 =	vmul.f32 v57, v18  }
.Ltmp2:
0x186: {  	[tilespmem:s15+$0x5FB0] =	vst v62;
	v63 =	vmul.f32 v58, v18;
	(pc) =	sbr.rel @p1 .LBB2_8-.Ltmp2, $4  }
0x187: {  	[tilespmem:s15+$0x5FC0] =	vst v19;
	v19 =	vmul.f32 v60, v18  }
0x188: {  	[tilespmem:s15+$0x5FD0] =	vst v63;
	v18 =	vmul.f32 v61, v18  }
0x189: {  	[tilespmem:s15+$0x5FE0] =	vst v19  }
0x18a: {  	s14 =	sadd.s32 $0x1, s14;
	[tilespmem:s15+$0x5FF0] =	vst v18  }
0x18b: {  	[spmem:s3] =	stream.indirect.scatter.add.f32 [tilespmem:s28], [sflag:$0x4], $0x80, s13, s31, $0xb8;
	[tilespmem:$0x1D080] =	vst v63  }
0x18c: {  	s12 =	sadd.s32 $0x1, s12  }
0x18d: {  	_ =	swait.ge [sflag:s5], $0x4000;
	p1 =	sne.s32 s12, $0x8  }
.Ltmp3:
0x18e: {  	[sflag:s5] =	ssyncset.done $0x0;
	(pc) =	sbr.rel @p1 .LBB2_5-.Ltmp3, $4  }
0x18f: {  	[sflag:s5] =	ssyncadd.s32 $0xFFFFC000  }
0x190: {  	_ =	swait.ge [sflag:s9], $0x4000  }
0x191: {  	[sflag:s9] =	ssyncset.done $0x0  }
0x192: {  	[sflag:s9] =	ssyncadd.s32 $0xFFFFC000  }
0x193: {  	s11 =	sadd.s32 $0x1, s11  }
0x194: {  	p1 =	sne.s32 s11, $0x5  }
.Ltmp4:
0x195: {  	_ = 	snop;
	(pc) =	sbr.rel @p1 .LBB2_4-.Ltmp4, $1  }
0x196: {  	_ =	sdelay $0x3  }
0x197: {  	s10 =	stileid.u32  }
0x198: {  	[bflag:$0x0] =	sbarrier.arrive $0xFFFF;
	s10 =	sshll.u32 s10, $0x6  }
0x199: {  	s11 =	sshrl.u32 s8, $0x3;
	s12 =	rddreg [dreg:$0xc];
	s10 =	sor.u32 $0x1C05, s10  }
0x19a: {  	[hbm:s12], [sflag:s10] =	dma.local [spmem:s11], $0x2700  }
0x19b: {  	_ =	swait.ge [sflag:s22], $0x2700  }
0x19c: {  	s4 =	sadd.s32 $0x1, s4;
	[sflag:s22] =	ssyncset.done $0x0  }
0x19d: {  	p1 =	sne.s32 s4, s20;
	s11 =	sshrl.u32 @!p0 s16, $0x3;
	[sflag:s22] =	ssyncadd.s32 $0xFFFFD900  }
0x19e: {  	[hbm:s19], [sflag:s10] =	dma.local @!p0 [spmem:s11], $0x100  }
.Ltmp5:
0x19f: {  	_ = 	snop;
	(pc) =	sbr.rel @p1 .LBB2_1-.Ltmp5, $4  }
0x1a0: {  	s10 =	simm.s32 @!p0 $0x5  }
0x1a1: {  	_ =	swait.ge @!p0 [sflag:s10], $0x100  }
0x1a2: {  	[sflag:s10] =	ssyncset.done @!p0 $0x0  }
0x1a3: {  	[sflag:s10] =	ssyncadd.s32 @!p0 $0xFFFFFF00  }
0x1a4: {  	_ =	sfence.sel $0x180000  }
0x1a5: {  	[bflag:$0x0] =	sbarrier.arrive $0xFFFF  }
0x1a6: {  	_ =	strace $0x90000047  }
0x1a7: {  	[bflag:$0x2] =	sbarrier.arrive $0xFFFF  }
0x1a8: {  	s0 =	rddreg [dreg:$0x4]  }
0x1a9: {  	s0 =	sadd.s32 @!p0 $0x100000, s0  }
0x1aa: {  	[sflag:s0] =	ssyncadd.tile.s32 @!p0 $0x1;
	_ =	shalt  }
.Lfunc_end2:
_tile_overlayer_lowered:
.L_overlay_start_2:
0x1ab: {  	(tag) =	ssettag $0x2  }
0x1ac: {  	s0 =	rddreg [dreg:$0x0];
	s2 =	stileid.u32  }
0x1ad: {  	s1 =	rddreg [dreg:$0x1];
	p0 =	sne.s32 s2, $0x0  }
0x1ae: {  	s3 =	rddreg [dreg:$0x2];
	[bflag:$0x3] =	sbarrier.arrive $0xFFFF;
	s2 =	simm.s32 @!p0 $0x1C05  }
0x1af: {  	[timem:s3], [sflag:s2] =	dma.local @!p0 [hbm:s0], s1  }
0x1b0: {  	s0 =	simm.s32 @!p0 $0x5  }
0x1b1: {  	_ =	swait.ge @!p0 [sflag:s0], s1  }
0x1b2: {  	s1 =	ssub.s32 @!p0 $0x0, s1;
	[sflag:s0] =	ssyncset.done @!p0 $0x0  }
0x1b3: {  	[sflag:s0] =	ssyncadd.s32 @!p0 s1  }
0x1b4: {  	[bflag:$0x3] =	sbarrier.arrive $0xFFFF  }
0x1b5: {  	_ =	shalt  }

</sc_bundles>
